<compile_context>
chip_gen: v7x
topology: tpu7x:2x2x1
jax: 0.10.2.dev20260603
libtpu: 0.0.44.dev20260713+nightly
codegen_flags: <defaults>
</compile_context>

<pallas_src>
import functools

import jax
import jax.numpy as jnp
from jax import lax
from jax.experimental import pallas as pl
from jax.experimental.pallas import tpu as pltpu
from jax.experimental.pallas import tpu_sc as plsc

_NH = 6
_NC = 2
_NS = 16
_CHUNK = 128
_CPB = 256
_CPW = 128


def _pack_bf16(y):
    S, W = y.shape
    h = W // 2
    lo = y[:, :h].astype(jnp.bfloat16).astype(jnp.float32)
    hi = y[:, h:].astype(jnp.bfloat16).astype(jnp.float32)
    lo_b = jax.lax.bitcast_convert_type(lo, jnp.uint32)
    hi_b = jax.lax.bitcast_convert_type(hi, jnp.uint32)
    w = (hi_b & jnp.uint32(0xFFFF0000)) | (lo_b >> 16)
    return jax.lax.bitcast_convert_type(w, jnp.float32)


def _unpack_bf16(p):
    b = jax.lax.bitcast_convert_type(p, jnp.uint32)
    hi = jax.lax.bitcast_convert_type(b & jnp.uint32(0xFFFF0000), jnp.float32)
    lo = jax.lax.bitcast_convert_type(b << 16, jnp.float32)
    return jnp.concatenate([lo, hi], axis=1)


def _permute_build(N, C, to_scattered):
    nw = _NC * _NS
    rpw = N // nw
    nchunks = rpw // _CHUNK
    mesh = plsc.VectorSubcoreMesh(core_axis_name="c", subcore_axis_name="s")

    @functools.partial(
        pl.kernel,
        out_type=jax.ShapeDtypeStruct((N, C), jnp.float32),
        mesh=mesh,
        scratch_types=[
            pltpu.VMEM((_CHUNK,), jnp.int32),
            pltpu.VMEM((_CHUNK,), jnp.int32),
            pltpu.VMEM((_CHUNK, C), jnp.float32),
            pltpu.VMEM((_CHUNK, C), jnp.float32),
            pltpu.SemaphoreType.DMA,
            pltpu.SemaphoreType.DMA,
            pltpu.SemaphoreType.DMA,
            pltpu.SemaphoreType.DMA,
        ],
    )
    def permute(src_hbm, idx_hbm, dst_hbm, i0, i1, r0, r1, sg0, sg1,
                sw0, sw1):
        wid = lax.axis_index("s") * _NC + lax.axis_index("c")
        base = wid * rpw
        idxs, rows, sgs, sws = (i0, i1), (r0, r1), (sg0, sg1), (sw0, sw1)
        gd = [None, None]
        wd = [None, None]

        def fire_store(ci):
            p = ci % 2
            gd[p].wait()
            if to_scattered:
                wd[p] = pltpu.async_copy(rows[p], dst_hbm.at[idxs[p]], sws[p])
            else:
                off = base + ci * _CHUNK
                wd[p] = pltpu.async_copy(rows[p],
                                         dst_hbm.at[pl.ds(off, _CHUNK)],
                                         sws[p])

        for ci in range(nchunks):
            p = ci % 2
            off = base + ci * _CHUNK
            if wd[p] is not None:
                wd[p].wait()
            pltpu.sync_copy(idx_hbm.at[pl.ds(off, _CHUNK)], idxs[p])
            if to_scattered:
                gd[p] = pltpu.async_copy(src_hbm.at[pl.ds(off, _CHUNK)],
                                         rows[p], sgs[p])
            else:
                gd[p] = pltpu.async_copy(src_hbm.at[idxs[p]], rows[p], sgs[p])
            if ci >= 1:
                fire_store(ci - 1)
        fire_store(nchunks - 1)
        wd[0].wait()
        wd[1].wait()

    return permute


def _proj_body(x_ref, wq_ref, bq_ref, out_ref):
    Sb, C = x_ref.shape
    y = jnp.dot(x_ref[...].astype(jnp.bfloat16),
                wq_ref[...].astype(jnp.bfloat16),
                preferred_element_type=jnp.float32) + bq_ref[...]
    yb = jnp.concatenate([y, jnp.zeros((Sb, _CPB - C), jnp.float32)], axis=1)
    out_ref[...] = _pack_bf16(yb)


def _attn_body(nr, S, q_ref, k_ref, v_ref, out_ref):
    hd = 32
    scale = hd ** -0.5
    q = _unpack_bf16(q_ref[...])
    k = _unpack_bf16(k_ref[...])
    v = _unpack_bf16(v_ref[...])
    blocks = []
    for r in range(nr):
        rs = slice(r * S, (r + 1) * S)
        outs = []
        for h in range(_NH):
            sl = slice(h * hd, (h + 1) * hd)
            q_h = (q[rs, sl] * scale).astype(jnp.bfloat16)
            k_h = k[rs, sl].astype(jnp.bfloat16)
            v_h = v[rs, sl].astype(jnp.bfloat16)
            a = jax.lax.dot_general(q_h, k_h, (((1,), (1,)), ((), ())),
                                    preferred_element_type=jnp.float32)
            e = jnp.exp(a)
            inv = 1.0 / jnp.sum(e, axis=-1, keepdims=True)
            o_h = jnp.dot(e.astype(jnp.bfloat16), v_h,
                          preferred_element_type=jnp.float32)
            outs.append(o_h * inv)
        outs.append(jnp.zeros((S, _CPB - _NH * hd), jnp.float32))
        blocks.append(_pack_bf16(jnp.concatenate(outs, axis=-1)))
    out_ref[...] = jnp.concatenate(blocks, axis=0)


def _outproj_body(o_ref, wp_ref, bp_ref, out_ref):
    C = wp_ref.shape[0]
    o = _unpack_bf16(o_ref[...])[:, :C].astype(jnp.bfloat16)
    out_ref[...] = jnp.dot(o, wp_ref[...].astype(jnp.bfloat16),
                           preferred_element_type=jnp.float32) + bp_ref[...]


@jax.jit
def kernel(xq, xk, xv, Voronoi, Wq, bq, Wp, bp):
    B, N, C = xq.shape
    cnt = Voronoi.shape[1]
    S = N // cnt
    SB = 4096

    bq_r = bq.reshape(1, C)
    bp_r = bp.reshape(1, C)

    gather = _permute_build(N, _CPW, to_scattered=False)
    scatter = _permute_build(N, _CPW, to_scattered=True)

    wfull = lambda shape: pl.BlockSpec(shape, lambda i: (0,) * len(shape))

    proj_call = pl.pallas_call(
        _proj_body,
        grid=(N // SB,),
        in_specs=[pl.BlockSpec((SB, C), lambda i: (i, 0)),
                  wfull((C, C)), wfull((1, C))],
        out_specs=pl.BlockSpec((SB, _CPW), lambda i: (i, 0)),
        out_shape=jax.ShapeDtypeStruct((N, _CPW), jnp.float32),
    )

    NR = 2
    attn_call = pl.pallas_call(
        functools.partial(_attn_body, NR, S),
        grid=(cnt // NR,),
        in_specs=[pl.BlockSpec((NR * S, _CPW), lambda r: (r, 0))] * 3,
        out_specs=pl.BlockSpec((NR * S, _CPW), lambda r: (r, 0)),
        out_shape=jax.ShapeDtypeStruct((N, _CPW), jnp.float32),
    )

    outproj_call = pl.pallas_call(
        _outproj_body,
        grid=(N // SB,),
        in_specs=[pl.BlockSpec((SB, _CPW), lambda i: (i, 0)),
                  wfull((C, C)), wfull((1, C))],
        out_specs=pl.BlockSpec((SB, C), lambda i: (i, 0)),
        out_shape=jax.ShapeDtypeStruct((N, C), jnp.float32),
    )

    outs = []
    for b in range(B):
        order = jnp.argsort(Voronoi[b].reshape(N)).astype(jnp.int32)
        gathered = []
        for x in (xq[b], xk[b], xv[b]):
            p = proj_call(x, Wq, bq_r)
            gathered.append(gather(p, order))
        og = attn_call(*gathered)
        oc = scatter(og, order)
        outs.append(outproj_call(oc, Wp, bp_r))
    return jnp.stack(outs, axis=0)

# --- scband reference (transcript-rebuilt; emitter-appended) ---
"""Pipeline reference for scband-dgm-50714973831590 (READ-ONLY COPY).

The authoritative reference and input builder live on the scoring server;
editing this copy changes nothing except your own understanding.
"""

import jax, jax.numpy as jnp
import numpy as np

NUM_HEADS = 6


def _make_voronoi(B):
    # Deterministic stand-in for the skimage/numba Voronoi labeling: a 16x16 grid
    # of regions over the hardcoded 256x256 image -> 256 regions of 256 tokens each
    # (every region size 256 <= 1500, so the 'copy v through' branch never triggers,
    # and every pixel carries a label >= 1 so all positions are overwritten).
    ii = jnp.arange(256) // 16
    lab = (ii[:, None] * 16 + ii[None, :] + 1).astype(jnp.int32)
    return jnp.broadcast_to(lab, (B, 256, 256))


def setup_inputs(seed: int = 0):
    key = jax.random.key(seed)
    ks = jax.random.split(key, 8)
    B, N, C = 1, 256 * 256, 192
    xq = jax.random.normal(ks[0], (B, N, C), jnp.float32)
    xk = jax.random.normal(ks[1], (B, N, C), jnp.float32)
    xv = jax.random.normal(ks[2], (B, N, C), jnp.float32)
    Voronoi = _make_voronoi(B)
    Wq = jax.random.normal(ks[3], (C, C), jnp.float32) * 0.02
    bq = jnp.zeros((C,), jnp.float32)
    Wp = jax.random.normal(ks[4], (C, C), jnp.float32) * 0.02
    bp = jnp.zeros((C,), jnp.float32)
    return {"xq": xq, "xk": xk, "xv": xv, "Voronoi": Voronoi,
            "Wq": Wq, "bq": bq, "Wp": Wp, "bp": bp}


def reference(xq, xk, xv, Voronoi, Wq, bq, Wp, bp):
    B_, N, C = xq.shape
    hd = C // NUM_HEADS
    scale = hd ** (-0.5)

    def to_heads(x):
        # NOTE: faithful to the original module, which applies self.q (the SAME
        # linear layer) to xq, xk and xv.
        y = x @ Wq + bq
        return y.reshape(B_, N, NUM_HEADS, hd).transpose(0, 2, 1, 3)

    q = to_heads(xq) * scale
    k = to_heads(xk)
    v = to_heads(xv)

    outs = []
    for b in range(B_):
        V = Voronoi[b].reshape(N)
        cnt = Voronoi.shape[1]
        order = jnp.argsort(V)  # group token indices by region label
        size = N // cnt         # equal-size regions by construction
        idx = order.reshape(cnt, size)
        qi = q[b][:, idx, :]    # [H, cnt, size, hd]
        ki = k[b][:, idx, :]
        vi = v[b][:, idx, :]
        attn = jnp.einsum('hgnd,hgmd->hgnm', qi, ki)
        attn = jax.nn.softmax(attn, axis=-1)
        xi = jnp.einsum('hgnm,hgmd->hgnd', attn, vi)
        ob = jnp.zeros((NUM_HEADS, N, hd), xq.dtype).at[:, idx, :].set(xi)
        outs.append(ob)
    x = jnp.stack(outs, axis=0)             # [B, H, N, hd]
    x = x.transpose(0, 2, 1, 3).reshape(B_, N, C)
    x = x @ Wp + bp
    return x

if __name__ == "__main__":
    import jax
    _d = setup_inputs()
    print(jax.jit(kernel)(*tuple(_d.values())))

</pallas_src>

<mosaic_0001>
#map = affine_map<(d0, d1) -> (0, 0)>
#map1 = affine_map<(d0, d1) -> (0)>
module attributes {stable_mosaic.version = 14 : i64} {
  func.func @permute(%arg0: i32, %arg1: i32, %arg2: memref<65536x128xf32, #tpu.memory_space<hbm>>, %arg3: memref<65536xi32, #tpu.memory_space<hbm>>, %arg4: memref<65536x128xf32, #tpu.memory_space<hbm>>, %arg5: memref<128xi32, #tpu.memory_space<vmem>>, %arg6: memref<128xi32, #tpu.memory_space<vmem>>, %arg7: memref<128x128xf32, #tpu.memory_space<vmem>>, %arg8: memref<128x128xf32, #tpu.memory_space<vmem>>, %arg9: memref<!tpu.dma_semaphore, #tpu.memory_space<semaphore_mem>>, %arg10: memref<!tpu.dma_semaphore, #tpu.memory_space<semaphore_mem>>, %arg11: memref<!tpu.dma_semaphore, #tpu.memory_space<semaphore_mem>>, %arg12: memref<!tpu.dma_semaphore, #tpu.memory_space<semaphore_mem>>) attributes {dimension_semantics = [#tpu.dimension_semantics<core_parallel>, #tpu.dimension_semantics<subcore_parallel>], iteration_bounds = array<i64: 2, 16>, scalar_prefetch = 0 : i64, scratch_operands = 8 : i64, tpu.core_type = #tpu.core_type<sc_vector_subcore>, window_params = [{transform_indices = #map}, {transform_indices = #map1}, {transform_indices = #map}]} {
    %mul3A = arith.constant 2 : i32
    %mul3A_0 = arith.muli %arg1, %mul3A : i32
    %add3A = arith.addi %mul3A_0, %arg0 : i32
    %mul3A_1 = arith.constant 2048 : i32
    %mul3A_2 = arith.muli %add3A, %mul3A_1 : i32
    %add3A_3 = arith.constant 0 : i32
    %add3A_4 = arith.addi %mul3A_2, %add3A_3 : i32
    "tpu.region"() ({
      %run_scoped3A = tpu.sem_alloc : memref<!tpu.dma_semaphore, #tpu.memory_space<semaphore_mem>>
      %dma_start3A_289 = tpu.memref_slice %arg3[%add3A_4] : memref<65536xi32, #tpu.memory_space<hbm>> -> memref<128xi32, #tpu.memory_space<hbm>>
      %dma_start3A_290 = tpu.memref_slice %arg3[%add3A_4] : memref<65536xi32, #tpu.memory_space<hbm>> -> memref<128xi32, #tpu.memory_space<hbm>>
      tpu.enqueue_dma source(%dma_start3A_290 : memref<128xi32, #tpu.memory_space<hbm>>) target(%arg5 : memref<128xi32, #tpu.memory_space<vmem>>) target_semaphore(%run_scoped3A : memref<!tpu.dma_semaphore, #tpu.memory_space<semaphore_mem>>)
      %dma_wait3A_291 = tpu.memref_slice %arg3[%add3A_4] : memref<65536xi32, #tpu.memory_space<hbm>> -> memref<128xi32, #tpu.memory_space<hbm>>
      %dma_wait3A_292 = tpu.memref_slice %arg3[%add3A_4] : memref<65536xi32, #tpu.memory_space<hbm>> -> memref<128xi32, #tpu.memory_space<hbm>>
      tpu.wait_dma2 semaphore(%run_scoped3A : memref<!tpu.dma_semaphore, #tpu.memory_space<semaphore_mem>>) src(%dma_wait3A_292 : memref<128xi32, #tpu.memory_space<hbm>>) dst(%arg5 : memref<128xi32, #tpu.memory_space<vmem>>)
      tpu.yield
    }) : () -> ()
    %dma_start3A = arith.constant 0 : i32
    %dma_start3A_5 = arith.constant 0 : i32
    %dma_start3A_6 = tpu.memref_slice %arg2[%dma_start3A, %dma_start3A_5] : memref<65536x128xf32, #tpu.memory_space<hbm>> -> memref<65536x128xf32, #tpu.memory_space<hbm>>
    tpu.enqueue_indirect_dma source(%dma_start3A_6 : memref<65536x128xf32, #tpu.memory_space<hbm>>) target(%arg7 : memref<128x128xf32, #tpu.memory_space<vmem>>) offsets(%arg5 : memref<128xi32, #tpu.memory_space<vmem>>) semaphore(%arg9 : memref<!tpu.dma_semaphore, #tpu.memory_space<semaphore_mem>>)
    %add3A_7 = arith.constant 128 : i32
    %add3A_8 = arith.addi %mul3A_2, %add3A_7 : i32
    "tpu.region"() ({
      %run_scoped3A = tpu.sem_alloc : memref<!tpu.dma_semaphore, #tpu.memory_space<semaphore_mem>>
      %dma_start3A_289 = tpu.memref_slice %arg3[%add3A_8] : memref<65536xi32, #tpu.memory_space<hbm>> -> memref<128xi32, #tpu.memory_space<hbm>>
      %dma_start3A_290 = tpu.memref_slice %arg3[%add3A_8] : memref<65536xi32, #tpu.memory_space<hbm>> -> memref<128xi32, #tpu.memory_space<hbm>>
      tpu.enqueue_dma source(%dma_start3A_290 : memref<128xi32, #tpu.memory_space<hbm>>) target(%arg6 : memref<128xi32, #tpu.memory_space<vmem>>) target_semaphore(%run_scoped3A : memref<!tpu.dma_semaphore, #tpu.memory_space<semaphore_mem>>)
      %dma_wait3A_291 = tpu.memref_slice %arg3[%add3A_8] : memref<65536xi32, #tpu.memory_space<hbm>> -> memref<128xi32, #tpu.memory_space<hbm>>
      %dma_wait3A_292 = tpu.memref_slice %arg3[%add3A_8] : memref<65536xi32, #tpu.memory_space<hbm>> -> memref<128xi32, #tpu.memory_space<hbm>>
      tpu.wait_dma2 semaphore(%run_scoped3A : memref<!tpu.dma_semaphore, #tpu.memory_space<semaphore_mem>>) src(%dma_wait3A_292 : memref<128xi32, #tpu.memory_space<hbm>>) dst(%arg6 : memref<128xi32, #tpu.memory_space<vmem>>)
      tpu.yield
    }) : () -> ()
    %dma_start3A_9 = arith.constant 0 : i32
    %dma_start3A_10 = arith.constant 0 : i32
    %dma_start3A_11 = tpu.memref_slice %arg2[%dma_start3A_9, %dma_start3A_10] : memref<65536x128xf32, #tpu.memory_space<hbm>> -> memref<65536x128xf32, #tpu.memory_space<hbm>>
    tpu.enqueue_indirect_dma source(%dma_start3A_11 : memref<65536x128xf32, #tpu.memory_space<hbm>>) target(%arg8 : memref<128x128xf32, #tpu.memory_space<vmem>>) offsets(%arg6 : memref<128xi32, #tpu.memory_space<vmem>>) semaphore(%arg10 : memref<!tpu.dma_semaphore, #tpu.memory_space<semaphore_mem>>)
    %dma_wait3A = arith.constant 0 : i32
    %dma_wait3A_12 = arith.constant 0 : i32
    %dma_wait3A_13 = tpu.memref_slice %arg2[%dma_wait3A, %dma_wait3A_12] : memref<65536x128xf32, #tpu.memory_space<hbm>> -> memref<65536x128xf32, #tpu.memory_space<hbm>>
    tpu.wait_indirect_dma semaphore(%arg9 : memref<!tpu.dma_semaphore, #tpu.memory_space<semaphore_mem>>) src(%dma_wait3A_13 : memref<65536x128xf32, #tpu.memory_space<hbm>>) dst(%arg7 : memref<128x128xf32, #tpu.memory_space<vmem>>)
    %add3A_14 = arith.constant 0 : i32
    %add3A_15 = arith.addi %mul3A_2, %add3A_14 : i32
    %dma_start3A_16 = arith.constant 0 : i32
    %dma_start3A_17 = tpu.memref_slice %arg4[%add3A_15, %dma_start3A_16] : memref<65536x128xf32, #tpu.memory_space<hbm>> -> memref<128x128xf32, #tpu.memory_space<hbm>>
    %dma_start3A_18 = arith.constant 0 : i32
    %dma_start3A_19 = tpu.memref_slice %arg4[%add3A_15, %dma_start3A_18] : memref<65536x128xf32, #tpu.memory_space<hbm>> -> memref<128x128xf32, #tpu.memory_space<hbm>>
    tpu.enqueue_dma source(%arg7 : memref<128x128xf32, #tpu.memory_space<vmem>>) target(%dma_start3A_19 : memref<128x128xf32, #tpu.memory_space<hbm>>) target_semaphore(%arg11 : memref<!tpu.dma_semaphore, #tpu.memory_space<semaphore_mem>>)
    %add3A_20 = arith.constant 256 : i32
    %add3A_21 = arith.addi %mul3A_2, %add3A_20 : i32
    %dma_wait3A_22 = arith.constant 0 : i32
    %dma_wait3A_23 = tpu.memref_slice %arg4[%add3A_15, %dma_wait3A_22] : memref<65536x128xf32, #tpu.memory_space<hbm>> -> memref<128x128xf32, #tpu.memory_space<hbm>>
    %dma_wait3A_24 = arith.constant 0 : i32
    %dma_wait3A_25 = tpu.memref_slice %arg4[%add3A_15, %dma_wait3A_24] : memref<65536x128xf32, #tpu.memory_space<hbm>> -> memref<128x128xf32, #tpu.memory_space<hbm>>
    tpu.wait_dma2 semaphore(%arg11 : memref<!tpu.dma_semaphore, #tpu.memory_space<semaphore_mem>>) src(%arg7 : memref<128x128xf32, #tpu.memory_space<vmem>>) dst(%dma_wait3A_25 : memref<128x128xf32, #tpu.memory_space<hbm>>)
    "tpu.region"() ({
      %run_scoped3A = tpu.sem_alloc : memref<!tpu.dma_semaphore, #tpu.memory_space<semaphore_mem>>
      %dma_start3A_289 = tpu.memref_slice %arg3[%add3A_21] : memref<65536xi32, #tpu.memory_space<hbm>> -> memref<128xi32, #tpu.memory_space<hbm>>
      %dma_start3A_290 = tpu.memref_slice %arg3[%add3A_21] : memref<65536xi32, #tpu.memory_space<hbm>> -> memref<128xi32, #tpu.memory_space<hbm>>
      tpu.enqueue_dma source(%dma_start3A_290 : memref<128xi32, #tpu.memory_space<hbm>>) target(%arg5 : memref<128xi32, #tpu.memory_space<vmem>>) target_semaphore(%run_scoped3A : memref<!tpu.dma_semaphore, #tpu.memory_space<semaphore_mem>>)
      %dma_wait3A_291 = tpu.memref_slice %arg3[%add3A_21] : memref<65536xi32, #tpu.memory_space<hbm>> -> memref<128xi32, #tpu.memory_space<hbm>>
      %dma_wait3A_292 = tpu.memref_slice %arg3[%add3A_21] : memref<65536xi32, #tpu.memory_space<hbm>> -> memref<128xi32, #tpu.memory_space<hbm>>
      tpu.wait_dma2 semaphore(%run_scoped3A : memref<!tpu.dma_semaphore, #tpu.memory_space<semaphore_mem>>) src(%dma_wait3A_292 : memref<128xi32, #tpu.memory_space<hbm>>) dst(%arg5 : memref<128xi32, #tpu.memory_space<vmem>>)
      tpu.yield
    }) : () -> ()
    %dma_start3A_26 = arith.constant 0 : i32
    %dma_start3A_27 = arith.constant 0 : i32
    %dma_start3A_28 = tpu.memref_slice %arg2[%dma_start3A_26, %dma_start3A_27] : memref<65536x128xf32, #tpu.memory_space<hbm>> -> memref<65536x128xf32, #tpu.memory_space<hbm>>
    tpu.enqueue_indirect_dma source(%dma_start3A_28 : memref<65536x128xf32, #tpu.memory_space<hbm>>) target(%arg7 : memref<128x128xf32, #tpu.memory_space<vmem>>) offsets(%arg5 : memref<128xi32, #tpu.memory_space<vmem>>) semaphore(%arg9 : memref<!tpu.dma_semaphore, #tpu.memory_space<semaphore_mem>>)
    %dma_wait3A_29 = arith.constant 0 : i32
    %dma_wait3A_30 = arith.constant 0 : i32
    %dma_wait3A_31 = tpu.memref_slice %arg2[%dma_wait3A_29, %dma_wait3A_30] : memref<65536x128xf32, #tpu.memory_space<hbm>> -> memref<65536x128xf32, #tpu.memory_space<hbm>>
    tpu.wait_indirect_dma semaphore(%arg10 : memref<!tpu.dma_semaphore, #tpu.memory_space<semaphore_mem>>) src(%dma_wait3A_31 : memref<65536x128xf32, #tpu.memory_space<hbm>>) dst(%arg8 : memref<128x128xf32, #tpu.memory_space<vmem>>)
    %add3A_32 = arith.constant 128 : i32
    %add3A_33 = arith.addi %mul3A_2, %add3A_32 : i32
    %dma_start3A_34 = arith.constant 0 : i32
    %dma_start3A_35 = tpu.memref_slice %arg4[%add3A_33, %dma_start3A_34] : memref<65536x128xf32, #tpu.memory_space<hbm>> -> memref<128x128xf32, #tpu.memory_space<hbm>>
    %dma_start3A_36 = arith.constant 0 : i32
    %dma_start3A_37 = tpu.memref_slice %arg4[%add3A_33, %dma_start3A_36] : memref<65536x128xf32, #tpu.memory_space<hbm>> -> memref<128x128xf32, #tpu.memory_space<hbm>>
    tpu.enqueue_dma source(%arg8 : memref<128x128xf32, #tpu.memory_space<vmem>>) target(%dma_start3A_37 : memref<128x128xf32, #tpu.memory_space<hbm>>) target_semaphore(%arg12 : memref<!tpu.dma_semaphore, #tpu.memory_space<semaphore_mem>>)
    %add3A_38 = arith.constant 384 : i32
    %add3A_39 = arith.addi %mul3A_2, %add3A_38 : i32
    %dma_wait3A_40 = arith.constant 0 : i32
    %dma_wait3A_41 = tpu.memref_slice %arg4[%add3A_33, %dma_wait3A_40] : memref<65536x128xf32, #tpu.memory_space<hbm>> -> memref<128x128xf32, #tpu.memory_space<hbm>>
    %dma_wait3A_42 = arith.constant 0 : i32
    %dma_wait3A_43 = tpu.memref_slice %arg4[%add3A_33, %dma_wait3A_42] : memref<65536x128xf32, #tpu.memory_space<hbm>> -> memref<128x128xf32, #tpu.memory_space<hbm>>
    tpu.wait_dma2 semaphore(%arg12 : memref<!tpu.dma_semaphore, #tpu.memory_space<semaphore_mem>>) src(%arg8 : memref<128x128xf32, #tpu.memory_space<vmem>>) dst(%dma_wait3A_43 : memref<128x128xf32, #tpu.memory_space<hbm>>)
    "tpu.region"() ({
      %run_scoped3A = tpu.sem_alloc : memref<!tpu.dma_semaphore, #tpu.memory_space<semaphore_mem>>
      %dma_start3A_289 = tpu.memref_slice %arg3[%add3A_39] : memref<65536xi32, #tpu.memory_space<hbm>> -> memref<128xi32, #tpu.memory_space<hbm>>
      %dma_start3A_290 = tpu.memref_slice %arg3[%add3A_39] : memref<65536xi32, #tpu.memory_space<hbm>> -> memref<128xi32, #tpu.memory_space<hbm>>
      tpu.enqueue_dma source(%dma_start3A_290 : memref<128xi32, #tpu.memory_space<hbm>>) target(%arg6 : memref<128xi32, #tpu.memory_space<vmem>>) target_semaphore(%run_scoped3A : memref<!tpu.dma_semaphore, #tpu.memory_space<semaphore_mem>>)
      %dma_wait3A_291 = tpu.memref_slice %arg3[%add3A_39] : memref<65536xi32, #tpu.memory_space<hbm>> -> memref<128xi32, #tpu.memory_space<hbm>>
      %dma_wait3A_292 = tpu.memref_slice %arg3[%add3A_39] : memref<65536xi32, #tpu.memory_space<hbm>> -> memref<128xi32, #tpu.memory_space<hbm>>
      tpu.wait_dma2 semaphore(%run_scoped3A : memref<!tpu.dma_semaphore, #tpu.memory_space<semaphore_mem>>) src(%dma_wait3A_292 : memref<128xi32, #tpu.memory_space<hbm>>) dst(%arg6 : memref<128xi32, #tpu.memory_space<vmem>>)
      tpu.yield
    }) : () -> ()
    %dma_start3A_44 = arith.constant 0 : i32
    %dma_start3A_45 = arith.constant 0 : i32
    %dma_start3A_46 = tpu.memref_slice %arg2[%dma_start3A_44, %dma_start3A_45] : memref<65536x128xf32, #tpu.memory_space<hbm>> -> memref<65536x128xf32, #tpu.memory_space<hbm>>
    tpu.enqueue_indirect_dma source(%dma_start3A_46 : memref<65536x128xf32, #tpu.memory_space<hbm>>) target(%arg8 : memref<128x128xf32, #tpu.memory_space<vmem>>) offsets(%arg6 : memref<128xi32, #tpu.memory_space<vmem>>) semaphore(%arg10 : memref<!tpu.dma_semaphore, #tpu.memory_space<semaphore_mem>>)
    %dma_wait3A_47 = arith.constant 0 : i32
    %dma_wait3A_48 = arith.constant 0 : i32
    %dma_wait3A_49 = tpu.memref_slice %arg2[%dma_wait3A_47, %dma_wait3A_48] : memref<65536x128xf32, #tpu.memory_space<hbm>> -> memref<65536x128xf32, #tpu.memory_space<hbm>>
    tpu.wait_indirect_dma semaphore(%arg9 : memref<!tpu.dma_semaphore, #tpu.memory_space<semaphore_mem>>) src(%dma_wait3A_49 : memref<65536x128xf32, #tpu.memory_space<hbm>>) dst(%arg7 : memref<128x128xf32, #tpu.memory_space<vmem>>)
    %add3A_50 = arith.constant 256 : i32
    %add3A_51 = arith.addi %mul3A_2, %add3A_50 : i32
    %dma_start3A_52 = arith.constant 0 : i32
    %dma_start3A_53 = tpu.memref_slice %arg4[%add3A_51, %dma_start3A_52] : memref<65536x128xf32, #tpu.memory_space<hbm>> -> memref<128x128xf32, #tpu.memory_space<hbm>>
    %dma_start3A_54 = arith.constant 0 : i32
    %dma_start3A_55 = tpu.memref_slice %arg4[%add3A_51, %dma_start3A_54] : memref<65536x128xf32, #tpu.memory_space<hbm>> -> memref<128x128xf32, #tpu.memory_space<hbm>>
    tpu.enqueue_dma source(%arg7 : memref<128x128xf32, #tpu.memory_space<vmem>>) target(%dma_start3A_55 : memref<128x128xf32, #tpu.memory_space<hbm>>) target_semaphore(%arg11 : memref<!tpu.dma_semaphore, #tpu.memory_space<semaphore_mem>>)
    %add3A_56 = arith.constant 512 : i32
    %add3A_57 = arith.addi %mul3A_2, %add3A_56 : i32
    %dma_wait3A_58 = arith.constant 0 : i32
    %dma_wait3A_59 = tpu.memref_slice %arg4[%add3A_51, %dma_wait3A_58] : memref<65536x128xf32, #tpu.memory_space<hbm>> -> memref<128x128xf32, #tpu.memory_space<hbm>>
    %dma_wait3A_60 = arith.constant 0 : i32
    %dma_wait3A_61 = tpu.memref_slice %arg4[%add3A_51, %dma_wait3A_60] : memref<65536x128xf32, #tpu.memory_space<hbm>> -> memref<128x128xf32, #tpu.memory_space<hbm>>
    tpu.wait_dma2 semaphore(%arg11 : memref<!tpu.dma_semaphore, #tpu.memory_space<semaphore_mem>>) src(%arg7 : memref<128x128xf32, #tpu.memory_space<vmem>>) dst(%dma_wait3A_61 : memref<128x128xf32, #tpu.memory_space<hbm>>)
    "tpu.region"() ({
      %run_scoped3A = tpu.sem_alloc : memref<!tpu.dma_semaphore, #tpu.memory_space<semaphore_mem>>
      %dma_start3A_289 = tpu.memref_slice %arg3[%add3A_57] : memref<65536xi32, #tpu.memory_space<hbm>> -> memref<128xi32, #tpu.memory_space<hbm>>
      %dma_start3A_290 = tpu.memref_slice %arg3[%add3A_57] : memref<65536xi32, #tpu.memory_space<hbm>> -> memref<128xi32, #tpu.memory_space<hbm>>
      tpu.enqueue_dma source(%dma_start3A_290 : memref<128xi32, #tpu.memory_space<hbm>>) target(%arg5 : memref<128xi32, #tpu.memory_space<vmem>>) target_semaphore(%run_scoped3A : memref<!tpu.dma_semaphore, #tpu.memory_space<semaphore_mem>>)
      %dma_wait3A_291 = tpu.memref_slice %arg3[%add3A_57] : memref<65536xi32, #tpu.memory_space<hbm>> -> memref<128xi32, #tpu.memory_space<hbm>>
      %dma_wait3A_292 = tpu.memref_slice %arg3[%add3A_57] : memref<65536xi32, #tpu.memory_space<hbm>> -> memref<128xi32, #tpu.memory_space<hbm>>
      tpu.wait_dma2 semaphore(%run_scoped3A : memref<!tpu.dma_semaphore, #tpu.memory_space<semaphore_mem>>) src(%dma_wait3A_292 : memref<128xi32, #tpu.memory_space<hbm>>) dst(%arg5 : memref<128xi32, #tpu.memory_space<vmem>>)
      tpu.yield
    }) : () -> ()
    %dma_start3A_62 = arith.constant 0 : i32
    %dma_start3A_63 = arith.constant 0 : i32
    %dma_start3A_64 = tpu.memref_slice %arg2[%dma_start3A_62, %dma_start3A_63] : memref<65536x128xf32, #tpu.memory_space<hbm>> -> memref<65536x128xf32, #tpu.memory_space<hbm>>
    tpu.enqueue_indirect_dma source(%dma_start3A_64 : memref<65536x128xf32, #tpu.memory_space<hbm>>) target(%arg7 : memref<128x128xf32, #tpu.memory_space<vmem>>) offsets(%arg5 : memref<128xi32, #tpu.memory_space<vmem>>) semaphore(%arg9 : memref<!tpu.dma_semaphore, #tpu.memory_space<semaphore_mem>>)
    %dma_wait3A_65 = arith.constant 0 : i32
    %dma_wait3A_66 = arith.constant 0 : i32
    %dma_wait3A_67 = tpu.memref_slice %arg2[%dma_wait3A_65, %dma_wait3A_66] : memref<65536x128xf32, #tpu.memory_space<hbm>> -> memref<65536x128xf32, #tpu.memory_space<hbm>>
    tpu.wait_indirect_dma semaphore(%arg10 : memref<!tpu.dma_semaphore, #tpu.memory_space<semaphore_mem>>) src(%dma_wait3A_67 : memref<65536x128xf32, #tpu.memory_space<hbm>>) dst(%arg8 : memref<128x128xf32, #tpu.memory_space<vmem>>)
    %add3A_68 = arith.constant 384 : i32
    %add3A_69 = arith.addi %mul3A_2, %add3A_68 : i32
    %dma_start3A_70 = arith.constant 0 : i32
    %dma_start3A_71 = tpu.memref_slice %arg4[%add3A_69, %dma_start3A_70] : memref<65536x128xf32, #tpu.memory_space<hbm>> -> memref<128x128xf32, #tpu.memory_space<hbm>>
    %dma_start3A_72 = arith.constant 0 : i32
    %dma_start3A_73 = tpu.memref_slice %arg4[%add3A_69, %dma_start3A_72] : memref<65536x128xf32, #tpu.memory_space<hbm>> -> memref<128x128xf32, #tpu.memory_space<hbm>>
    tpu.enqueue_dma source(%arg8 : memref<128x128xf32, #tpu.memory_space<vmem>>) target(%dma_start3A_73 : memref<128x128xf32, #tpu.memory_space<hbm>>) target_semaphore(%arg12 : memref<!tpu.dma_semaphore, #tpu.memory_space<semaphore_mem>>)
    %add3A_74 = arith.constant 640 : i32
    %add3A_75 = arith.addi %mul3A_2, %add3A_74 : i32
    %dma_wait3A_76 = arith.constant 0 : i32
    %dma_wait3A_77 = tpu.memref_slice %arg4[%add3A_69, %dma_wait3A_76] : memref<65536x128xf32, #tpu.memory_space<hbm>> -> memref<128x128xf32, #tpu.memory_space<hbm>>
    %dma_wait3A_78 = arith.constant 0 : i32
    %dma_wait3A_79 = tpu.memref_slice %arg4[%add3A_69, %dma_wait3A_78] : memref<65536x128xf32, #tpu.memory_space<hbm>> -> memref<128x128xf32, #tpu.memory_space<hbm>>
    tpu.wait_dma2 semaphore(%arg12 : memref<!tpu.dma_semaphore, #tpu.memory_space<semaphore_mem>>) src(%arg8 : memref<128x128xf32, #tpu.memory_space<vmem>>) dst(%dma_wait3A_79 : memref<128x128xf32, #tpu.memory_space<hbm>>)
    "tpu.region"() ({
      %run_scoped3A = tpu.sem_alloc : memref<!tpu.dma_semaphore, #tpu.memory_space<semaphore_mem>>
      %dma_start3A_289 = tpu.memref_slice %arg3[%add3A_75] : memref<65536xi32, #tpu.memory_space<hbm>> -> memref<128xi32, #tpu.memory_space<hbm>>
      %dma_start3A_290 = tpu.memref_slice %arg3[%add3A_75] : memref<65536xi32, #tpu.memory_space<hbm>> -> memref<128xi32, #tpu.memory_space<hbm>>
      tpu.enqueue_dma source(%dma_start3A_290 : memref<128xi32, #tpu.memory_space<hbm>>) target(%arg6 : memref<128xi32, #tpu.memory_space<vmem>>) target_semaphore(%run_scoped3A : memref<!tpu.dma_semaphore, #tpu.memory_space<semaphore_mem>>)
      %dma_wait3A_291 = tpu.memref_slice %arg3[%add3A_75] : memref<65536xi32, #tpu.memory_space<hbm>> -> memref<128xi32, #tpu.memory_space<hbm>>
      %dma_wait3A_292 = tpu.memref_slice %arg3[%add3A_75] : memref<65536xi32, #tpu.memory_space<hbm>> -> memref<128xi32, #tpu.memory_space<hbm>>
      tpu.wait_dma2 semaphore(%run_scoped3A : memref<!tpu.dma_semaphore, #tpu.memory_space<semaphore_mem>>) src(%dma_wait3A_292 : memref<128xi32, #tpu.memory_space<hbm>>) dst(%arg6 : memref<128xi32, #tpu.memory_space<vmem>>)
      tpu.yield
    }) : () -> ()
    %dma_start3A_80 = arith.constant 0 : i32
    %dma_start3A_81 = arith.constant 0 : i32
    %dma_start3A_82 = tpu.memref_slice %arg2[%dma_start3A_80, %dma_start3A_81] : memref<65536x128xf32, #tpu.memory_space<hbm>> -> memref<65536x128xf32, #tpu.memory_space<hbm>>
    tpu.enqueue_indirect_dma source(%dma_start3A_82 : memref<65536x128xf32, #tpu.memory_space<hbm>>) target(%arg8 : memref<128x128xf32, #tpu.memory_space<vmem>>) offsets(%arg6 : memref<128xi32, #tpu.memory_space<vmem>>) semaphore(%arg10 : memref<!tpu.dma_semaphore, #tpu.memory_space<semaphore_mem>>)
    %dma_wait3A_83 = arith.constant 0 : i32
    %dma_wait3A_84 = arith.constant 0 : i32
    %dma_wait3A_85 = tpu.memref_slice %arg2[%dma_wait3A_83, %dma_wait3A_84] : memref<65536x128xf32, #tpu.memory_space<hbm>> -> memref<65536x128xf32, #tpu.memory_space<hbm>>
    tpu.wait_indirect_dma semaphore(%arg9 : memref<!tpu.dma_semaphore, #tpu.memory_space<semaphore_mem>>) src(%dma_wait3A_85 : memref<65536x128xf32, #tpu.memory_space<hbm>>) dst(%arg7 : memref<128x128xf32, #tpu.memory_space<vmem>>)
    %add3A_86 = arith.constant 512 : i32
    %add3A_87 = arith.addi %mul3A_2, %add3A_86 : i32
    %dma_start3A_88 = arith.constant 0 : i32
    %dma_start3A_89 = tpu.memref_slice %arg4[%add3A_87, %dma_start3A_88] : memref<65536x128xf32, #tpu.memory_space<hbm>> -> memref<128x128xf32, #tpu.memory_space<hbm>>
    %dma_start3A_90 = arith.constant 0 : i32
    %dma_start3A_91 = tpu.memref_slice %arg4[%add3A_87, %dma_start3A_90] : memref<65536x128xf32, #tpu.memory_space<hbm>> -> memref<128x128xf32, #tpu.memory_space<hbm>>
    tpu.enqueue_dma source(%arg7 : memref<128x128xf32, #tpu.memory_space<vmem>>) target(%dma_start3A_91 : memref<128x128xf32, #tpu.memory_space<hbm>>) target_semaphore(%arg11 : memref<!tpu.dma_semaphore, #tpu.memory_space<semaphore_mem>>)
    %add3A_92 = arith.constant 768 : i32
    %add3A_93 = arith.addi %mul3A_2, %add3A_92 : i32
    %dma_wait3A_94 = arith.constant 0 : i32
    %dma_wait3A_95 = tpu.memref_slice %arg4[%add3A_87, %dma_wait3A_94] : memref<65536x128xf32, #tpu.memory_space<hbm>> -> memref<128x128xf32, #tpu.memory_space<hbm>>
    %dma_wait3A_96 = arith.constant 0 : i32
    %dma_wait3A_97 = tpu.memref_slice %arg4[%add3A_87, %dma_wait3A_96] : memref<65536x128xf32, #tpu.memory_space<hbm>> -> memref<128x128xf32, #tpu.memory_space<hbm>>
    tpu.wait_dma2 semaphore(%arg11 : memref<!tpu.dma_semaphore, #tpu.memory_space<semaphore_mem>>) src(%arg7 : memref<128x128xf32, #tpu.memory_space<vmem>>) dst(%dma_wait3A_97 : memref<128x128xf32, #tpu.memory_space<hbm>>)
    "tpu.region"() ({
      %run_scoped3A = tpu.sem_alloc : memref<!tpu.dma_semaphore, #tpu.memory_space<semaphore_mem>>
      %dma_start3A_289 = tpu.memref_slice %arg3[%add3A_93] : memref<65536xi32, #tpu.memory_space<hbm>> -> memref<128xi32, #tpu.memory_space<hbm>>
      %dma_start3A_290 = tpu.memref_slice %arg3[%add3A_93] : memref<65536xi32, #tpu.memory_space<hbm>> -> memref<128xi32, #tpu.memory_space<hbm>>
      tpu.enqueue_dma source(%dma_start3A_290 : memref<128xi32, #tpu.memory_space<hbm>>) target(%arg5 : memref<128xi32, #tpu.memory_space<vmem>>) target_semaphore(%run_scoped3A : memref<!tpu.dma_semaphore, #tpu.memory_space<semaphore_mem>>)
      %dma_wait3A_291 = tpu.memref_slice %arg3[%add3A_93] : memref<65536xi32, #tpu.memory_space<hbm>> -> memref<128xi32, #tpu.memory_space<hbm>>
      %dma_wait3A_292 = tpu.memref_slice %arg3[%add3A_93] : memref<65536xi32, #tpu.memory_space<hbm>> -> memref<128xi32, #tpu.memory_space<hbm>>
      tpu.wait_dma2 semaphore(%run_scoped3A : memref<!tpu.dma_semaphore, #tpu.memory_space<semaphore_mem>>) src(%dma_wait3A_292 : memref<128xi32, #tpu.memory_space<hbm>>) dst(%arg5 : memref<128xi32, #tpu.memory_space<vmem>>)
      tpu.yield
    }) : () -> ()
    %dma_start3A_98 = arith.constant 0 : i32
    %dma_start3A_99 = arith.constant 0 : i32
    %dma_start3A_100 = tpu.memref_slice %arg2[%dma_start3A_98, %dma_start3A_99] : memref<65536x128xf32, #tpu.memory_space<hbm>> -> memref<65536x128xf32, #tpu.memory_space<hbm>>
    tpu.enqueue_indirect_dma source(%dma_start3A_100 : memref<65536x128xf32, #tpu.memory_space<hbm>>) target(%arg7 : memref<128x128xf32, #tpu.memory_space<vmem>>) offsets(%arg5 : memref<128xi32, #tpu.memory_space<vmem>>) semaphore(%arg9 : memref<!tpu.dma_semaphore, #tpu.memory_space<semaphore_mem>>)
    %dma_wait3A_101 = arith.constant 0 : i32
    %dma_wait3A_102 = arith.constant 0 : i32
    %dma_wait3A_103 = tpu.memref_slice %arg2[%dma_wait3A_101, %dma_wait3A_102] : memref<65536x128xf32, #tpu.memory_space<hbm>> -> memref<65536x128xf32, #tpu.memory_space<hbm>>
    tpu.wait_indirect_dma semaphore(%arg10 : memref<!tpu.dma_semaphore, #tpu.memory_space<semaphore_mem>>) src(%dma_wait3A_103 : memref<65536x128xf32, #tpu.memory_space<hbm>>) dst(%arg8 : memref<128x128xf32, #tpu.memory_space<vmem>>)
    %add3A_104 = arith.constant 640 : i32
    %add3A_105 = arith.addi %mul3A_2, %add3A_104 : i32
    %dma_start3A_106 = arith.constant 0 : i32
    %dma_start3A_107 = tpu.memref_slice %arg4[%add3A_105, %dma_start3A_106] : memref<65536x128xf32, #tpu.memory_space<hbm>> -> memref<128x128xf32, #tpu.memory_space<hbm>>
    %dma_start3A_108 = arith.constant 0 : i32
    %dma_start3A_109 = tpu.memref_slice %arg4[%add3A_105, %dma_start3A_108] : memref<65536x128xf32, #tpu.memory_space<hbm>> -> memref<128x128xf32, #tpu.memory_space<hbm>>
    tpu.enqueue_dma source(%arg8 : memref<128x128xf32, #tpu.memory_space<vmem>>) target(%dma_start3A_109 : memref<128x128xf32, #tpu.memory_space<hbm>>) target_semaphore(%arg12 : memref<!tpu.dma_semaphore, #tpu.memory_space<semaphore_mem>>)
    %add3A_110 = arith.constant 896 : i32
    %add3A_111 = arith.addi %mul3A_2, %add3A_110 : i32
    %dma_wait3A_112 = arith.constant 0 : i32
    %dma_wait3A_113 = tpu.memref_slice %arg4[%add3A_105, %dma_wait3A_112] : memref<65536x128xf32, #tpu.memory_space<hbm>> -> memref<128x128xf32, #tpu.memory_space<hbm>>
    %dma_wait3A_114 = arith.constant 0 : i32
    %dma_wait3A_115 = tpu.memref_slice %arg4[%add3A_105, %dma_wait3A_114] : memref<65536x128xf32, #tpu.memory_space<hbm>> -> memref<128x128xf32, #tpu.memory_space<hbm>>
    tpu.wait_dma2 semaphore(%arg12 : memref<!tpu.dma_semaphore, #tpu.memory_space<semaphore_mem>>) src(%arg8 : memref<128x128xf32, #tpu.memory_space<vmem>>) dst(%dma_wait3A_115 : memref<128x128xf32, #tpu.memory_space<hbm>>)
    "tpu.region"() ({
      %run_scoped3A = tpu.sem_alloc : memref<!tpu.dma_semaphore, #tpu.memory_space<semaphore_mem>>
      %dma_start3A_289 = tpu.memref_slice %arg3[%add3A_111] : memref<65536xi32, #tpu.memory_space<hbm>> -> memref<128xi32, #tpu.memory_space<hbm>>
      %dma_start3A_290 = tpu.memref_slice %arg3[%add3A_111] : memref<65536xi32, #tpu.memory_space<hbm>> -> memref<128xi32, #tpu.memory_space<hbm>>
      tpu.enqueue_dma source(%dma_start3A_290 : memref<128xi32, #tpu.memory_space<hbm>>) target(%arg6 : memref<128xi32, #tpu.memory_space<vmem>>) target_semaphore(%run_scoped3A : memref<!tpu.dma_semaphore, #tpu.memory_space<semaphore_mem>>)
      %dma_wait3A_291 = tpu.memref_slice %arg3[%add3A_111] : memref<65536xi32, #tpu.memory_space<hbm>> -> memref<128xi32, #tpu.memory_space<hbm>>
      %dma_wait3A_292 = tpu.memref_slice %arg3[%add3A_111] : memref<65536xi32, #tpu.memory_space<hbm>> -> memref<128xi32, #tpu.memory_space<hbm>>
      tpu.wait_dma2 semaphore(%run_scoped3A : memref<!tpu.dma_semaphore, #tpu.memory_space<semaphore_mem>>) src(%dma_wait3A_292 : memref<128xi32, #tpu.memory_space<hbm>>) dst(%arg6 : memref<128xi32, #tpu.memory_space<vmem>>)
      tpu.yield
    }) : () -> ()
    %dma_start3A_116 = arith.constant 0 : i32
    %dma_start3A_117 = arith.constant 0 : i32
    %dma_start3A_118 = tpu.memref_slice %arg2[%dma_start3A_116, %dma_start3A_117] : memref<65536x128xf32, #tpu.memory_space<hbm>> -> memref<65536x128xf32, #tpu.memory_space<hbm>>
    tpu.enqueue_indirect_dma source(%dma_start3A_118 : memref<65536x128xf32, #tpu.memory_space<hbm>>) target(%arg8 : memref<128x128xf32, #tpu.memory_space<vmem>>) offsets(%arg6 : memref<128xi32, #tpu.memory_space<vmem>>) semaphore(%arg10 : memref<!tpu.dma_semaphore, #tpu.memory_space<semaphore_mem>>)
    %dma_wait3A_119 = arith.constant 0 : i32
    %dma_wait3A_120 = arith.constant 0 : i32
    %dma_wait3A_121 = tpu.memref_slice %arg2[%dma_wait3A_119, %dma_wait3A_120] : memref<65536x128xf32, #tpu.memory_space<hbm>> -> memref<65536x128xf32, #tpu.memory_space<hbm>>
    tpu.wait_indirect_dma semaphore(%arg9 : memref<!tpu.dma_semaphore, #tpu.memory_space<semaphore_mem>>) src(%dma_wait3A_121 : memref<65536x128xf32, #tpu.memory_space<hbm>>) dst(%arg7 : memref<128x128xf32, #tpu.memory_space<vmem>>)
    %add3A_122 = arith.constant 768 : i32
    %add3A_123 = arith.addi %mul3A_2, %add3A_122 : i32
    %dma_start3A_124 = arith.constant 0 : i32
    %dma_start3A_125 = tpu.memref_slice %arg4[%add3A_123, %dma_start3A_124] : memref<65536x128xf32, #tpu.memory_space<hbm>> -> memref<128x128xf32, #tpu.memory_space<hbm>>
    %dma_start3A_126 = arith.constant 0 : i32
    %dma_start3A_127 = tpu.memref_slice %arg4[%add3A_123, %dma_start3A_126] : memref<65536x128xf32, #tpu.memory_space<hbm>> -> memref<128x128xf32, #tpu.memory_space<hbm>>
    tpu.enqueue_dma source(%arg7 : memref<128x128xf32, #tpu.memory_space<vmem>>) target(%dma_start3A_127 : memref<128x128xf32, #tpu.memory_space<hbm>>) target_semaphore(%arg11 : memref<!tpu.dma_semaphore, #tpu.memory_space<semaphore_mem>>)
    %add3A_128 = arith.constant 1024 : i32
    %add3A_129 = arith.addi %mul3A_2, %add3A_128 : i32
    %dma_wait3A_130 = arith.constant 0 : i32
    %dma_wait3A_131 = tpu.memref_slice %arg4[%add3A_123, %dma_wait3A_130] : memref<65536x128xf32, #tpu.memory_space<hbm>> -> memref<128x128xf32, #tpu.memory_space<hbm>>
    %dma_wait3A_132 = arith.constant 0 : i32
    %dma_wait3A_133 = tpu.memref_slice %arg4[%add3A_123, %dma_wait3A_132] : memref<65536x128xf32, #tpu.memory_space<hbm>> -> memref<128x128xf32, #tpu.memory_space<hbm>>
    tpu.wait_dma2 semaphore(%arg11 : memref<!tpu.dma_semaphore, #tpu.memory_space<semaphore_mem>>) src(%arg7 : memref<128x128xf32, #tpu.memory_space<vmem>>) dst(%dma_wait3A_133 : memref<128x128xf32, #tpu.memory_space<hbm>>)
    "tpu.region"() ({
      %run_scoped3A = tpu.sem_alloc : memref<!tpu.dma_semaphore, #tpu.memory_space<semaphore_mem>>
      %dma_start3A_289 = tpu.memref_slice %arg3[%add3A_129] : memref<65536xi32, #tpu.memory_space<hbm>> -> memref<128xi32, #tpu.memory_space<hbm>>
      %dma_start3A_290 = tpu.memref_slice %arg3[%add3A_129] : memref<65536xi32, #tpu.memory_space<hbm>> -> memref<128xi32, #tpu.memory_space<hbm>>
      tpu.enqueue_dma source(%dma_start3A_290 : memref<128xi32, #tpu.memory_space<hbm>>) target(%arg5 : memref<128xi32, #tpu.memory_space<vmem>>) target_semaphore(%run_scoped3A : memref<!tpu.dma_semaphore, #tpu.memory_space<semaphore_mem>>)
      %dma_wait3A_291 = tpu.memref_slice %arg3[%add3A_129] : memref<65536xi32, #tpu.memory_space<hbm>> -> memref<128xi32, #tpu.memory_space<hbm>>
      %dma_wait3A_292 = tpu.memref_slice %arg3[%add3A_129] : memref<65536xi32, #tpu.memory_space<hbm>> -> memref<128xi32, #tpu.memory_space<hbm>>
      tpu.wait_dma2 semaphore(%run_scoped3A : memref<!tpu.dma_semaphore, #tpu.memory_space<semaphore_mem>>) src(%dma_wait3A_292 : memref<128xi32, #tpu.memory_space<hbm>>) dst(%arg5 : memref<128xi32, #tpu.memory_space<vmem>>)
      tpu.yield
    }) : () -> ()
    %dma_start3A_134 = arith.constant 0 : i32
    %dma_start3A_135 = arith.constant 0 : i32
    %dma_start3A_136 = tpu.memref_slice %arg2[%dma_start3A_134, %dma_start3A_135] : memref<65536x128xf32, #tpu.memory_space<hbm>> -> memref<65536x128xf32, #tpu.memory_space<hbm>>
    tpu.enqueue_indirect_dma source(%dma_start3A_136 : memref<65536x128xf32, #tpu.memory_space<hbm>>) target(%arg7 : memref<128x128xf32, #tpu.memory_space<vmem>>) offsets(%arg5 : memref<128xi32, #tpu.memory_space<vmem>>) semaphore(%arg9 : memref<!tpu.dma_semaphore, #tpu.memory_space<semaphore_mem>>)
    %dma_wait3A_137 = arith.constant 0 : i32
    %dma_wait3A_138 = arith.constant 0 : i32
    %dma_wait3A_139 = tpu.memref_slice %arg2[%dma_wait3A_137, %dma_wait3A_138] : memref<65536x128xf32, #tpu.memory_space<hbm>> -> memref<65536x128xf32, #tpu.memory_space<hbm>>
    tpu.wait_indirect_dma semaphore(%arg10 : memref<!tpu.dma_semaphore, #tpu.memory_space<semaphore_mem>>) src(%dma_wait3A_139 : memref<65536x128xf32, #tpu.memory_space<hbm>>) dst(%arg8 : memref<128x128xf32, #tpu.memory_space<vmem>>)
    %add3A_140 = arith.constant 896 : i32
    %add3A_141 = arith.addi %mul3A_2, %add3A_140 : i32
    %dma_start3A_142 = arith.constant 0 : i32
    %dma_start3A_143 = tpu.memref_slice %arg4[%add3A_141, %dma_start3A_142] : memref<65536x128xf32, #tpu.memory_space<hbm>> -> memref<128x128xf32, #tpu.memory_space<hbm>>
    %dma_start3A_144 = arith.constant 0 : i32
    %dma_start3A_145 = tpu.memref_slice %arg4[%add3A_141, %dma_start3A_144] : memref<65536x128xf32, #tpu.memory_space<hbm>> -> memref<128x128xf32, #tpu.memory_space<hbm>>
    tpu.enqueue_dma source(%arg8 : memref<128x128xf32, #tpu.memory_space<vmem>>) target(%dma_start3A_145 : memref<128x128xf32, #tpu.memory_space<hbm>>) target_semaphore(%arg12 : memref<!tpu.dma_semaphore, #tpu.memory_space<semaphore_mem>>)
    %add3A_146 = arith.constant 1152 : i32
    %add3A_147 = arith.addi %mul3A_2, %add3A_146 : i32
    %dma_wait3A_148 = arith.constant 0 : i32
    %dma_wait3A_149 = tpu.memref_slice %arg4[%add3A_141, %dma_wait3A_148] : memref<65536x128xf32, #tpu.memory_space<hbm>> -> memref<128x128xf32, #tpu.memory_space<hbm>>
    %dma_wait3A_150 = arith.constant 0 : i32
    %dma_wait3A_151 = tpu.memref_slice %arg4[%add3A_141, %dma_wait3A_150] : memref<65536x128xf32, #tpu.memory_space<hbm>> -> memref<128x128xf32, #tpu.memory_space<hbm>>
    tpu.wait_dma2 semaphore(%arg12 : memref<!tpu.dma_semaphore, #tpu.memory_space<semaphore_mem>>) src(%arg8 : memref<128x128xf32, #tpu.memory_space<vmem>>) dst(%dma_wait3A_151 : memref<128x128xf32, #tpu.memory_space<hbm>>)
    "tpu.region"() ({
      %run_scoped3A = tpu.sem_alloc : memref<!tpu.dma_semaphore, #tpu.memory_space<semaphore_mem>>
      %dma_start3A_289 = tpu.memref_slice %arg3[%add3A_147] : memref<65536xi32, #tpu.memory_space<hbm>> -> memref<128xi32, #tpu.memory_space<hbm>>
      %dma_start3A_290 = tpu.memref_slice %arg3[%add3A_147] : memref<65536xi32, #tpu.memory_space<hbm>> -> memref<128xi32, #tpu.memory_space<hbm>>
      tpu.enqueue_dma source(%dma_start3A_290 : memref<128xi32, #tpu.memory_space<hbm>>) target(%arg6 : memref<128xi32, #tpu.memory_space<vmem>>) target_semaphore(%run_scoped3A : memref<!tpu.dma_semaphore, #tpu.memory_space<semaphore_mem>>)
      %dma_wait3A_291 = tpu.memref_slice %arg3[%add3A_147] : memref<65536xi32, #tpu.memory_space<hbm>> -> memref<128xi32, #tpu.memory_space<hbm>>
      %dma_wait3A_292 = tpu.memref_slice %arg3[%add3A_147] : memref<65536xi32, #tpu.memory_space<hbm>> -> memref<128xi32, #tpu.memory_space<hbm>>
      tpu.wait_dma2 semaphore(%run_scoped3A : memref<!tpu.dma_semaphore, #tpu.memory_space<semaphore_mem>>) src(%dma_wait3A_292 : memref<128xi32, #tpu.memory_space<hbm>>) dst(%arg6 : memref<128xi32, #tpu.memory_space<vmem>>)
      tpu.yield
    }) : () -> ()
    %dma_start3A_152 = arith.constant 0 : i32
    %dma_start3A_153 = arith.constant 0 : i32
    %dma_start3A_154 = tpu.memref_slice %arg2[%dma_start3A_152, %dma_start3A_153] : memref<65536x128xf32, #tpu.memory_space<hbm>> -> memref<65536x128xf32, #tpu.memory_space<hbm>>
    tpu.enqueue_indirect_dma source(%dma_start3A_154 : memref<65536x128xf32, #tpu.memory_space<hbm>>) target(%arg8 : memref<128x128xf32, #tpu.memory_space<vmem>>) offsets(%arg6 : memref<128xi32, #tpu.memory_space<vmem>>) semaphore(%arg10 : memref<!tpu.dma_semaphore, #tpu.memory_space<semaphore_mem>>)
    %dma_wait3A_155 = arith.constant 0 : i32
    %dma_wait3A_156 = arith.constant 0 : i32
    %dma_wait3A_157 = tpu.memref_slice %arg2[%dma_wait3A_155, %dma_wait3A_156] : memref<65536x128xf32, #tpu.memory_space<hbm>> -> memref<65536x128xf32, #tpu.memory_space<hbm>>
    tpu.wait_indirect_dma semaphore(%arg9 : memref<!tpu.dma_semaphore, #tpu.memory_space<semaphore_mem>>) src(%dma_wait3A_157 : memref<65536x128xf32, #tpu.memory_space<hbm>>) dst(%arg7 : memref<128x128xf32, #tpu.memory_space<vmem>>)
    %add3A_158 = arith.constant 1024 : i32
    %add3A_159 = arith.addi %mul3A_2, %add3A_158 : i32
    %dma_start3A_160 = arith.constant 0 : i32
    %dma_start3A_161 = tpu.memref_slice %arg4[%add3A_159, %dma_start3A_160] : memref<65536x128xf32, #tpu.memory_space<hbm>> -> memref<128x128xf32, #tpu.memory_space<hbm>>
    %dma_start3A_162 = arith.constant 0 : i32
    %dma_start3A_163 = tpu.memref_slice %arg4[%add3A_159, %dma_start3A_162] : memref<65536x128xf32, #tpu.memory_space<hbm>> -> memref<128x128xf32, #tpu.memory_space<hbm>>
    tpu.enqueue_dma source(%arg7 : memref<128x128xf32, #tpu.memory_space<vmem>>) target(%dma_start3A_163 : memref<128x128xf32, #tpu.memory_space<hbm>>) target_semaphore(%arg11 : memref<!tpu.dma_semaphore, #tpu.memory_space<semaphore_mem>>)
    %add3A_164 = arith.constant 1280 : i32
    %add3A_165 = arith.addi %mul3A_2, %add3A_164 : i32
    %dma_wait3A_166 = arith.constant 0 : i32
    %dma_wait3A_167 = tpu.memref_slice %arg4[%add3A_159, %dma_wait3A_166] : memref<65536x128xf32, #tpu.memory_space<hbm>> -> memref<128x128xf32, #tpu.memory_space<hbm>>
    %dma_wait3A_168 = arith.constant 0 : i32
    %dma_wait3A_169 = tpu.memref_slice %arg4[%add3A_159, %dma_wait3A_168] : memref<65536x128xf32, #tpu.memory_space<hbm>> -> memref<128x128xf32, #tpu.memory_space<hbm>>
    tpu.wait_dma2 semaphore(%arg11 : memref<!tpu.dma_semaphore, #tpu.memory_space<semaphore_mem>>) src(%arg7 : memref<128x128xf32, #tpu.memory_space<vmem>>) dst(%dma_wait3A_169 : memref<128x128xf32, #tpu.memory_space<hbm>>)
    "tpu.region"() ({
      %run_scoped3A = tpu.sem_alloc : memref<!tpu.dma_semaphore, #tpu.memory_space<semaphore_mem>>
      %dma_start3A_289 = tpu.memref_slice %arg3[%add3A_165] : memref<65536xi32, #tpu.memory_space<hbm>> -> memref<128xi32, #tpu.memory_space<hbm>>
      %dma_start3A_290 = tpu.memref_slice %arg3[%add3A_165] : memref<65536xi32, #tpu.memory_space<hbm>> -> memref<128xi32, #tpu.memory_space<hbm>>
      tpu.enqueue_dma source(%dma_start3A_290 : memref<128xi32, #tpu.memory_space<hbm>>) target(%arg5 : memref<128xi32, #tpu.memory_space<vmem>>) target_semaphore(%run_scoped3A : memref<!tpu.dma_semaphore, #tpu.memory_space<semaphore_mem>>)
      %dma_wait3A_291 = tpu.memref_slice %arg3[%add3A_165] : memref<65536xi32, #tpu.memory_space<hbm>> -> memref<128xi32, #tpu.memory_space<hbm>>
      %dma_wait3A_292 = tpu.memref_slice %arg3[%add3A_165] : memref<65536xi32, #tpu.memory_space<hbm>> -> memref<128xi32, #tpu.memory_space<hbm>>
      tpu.wait_dma2 semaphore(%run_scoped3A : memref<!tpu.dma_semaphore, #tpu.memory_space<semaphore_mem>>) src(%dma_wait3A_292 : memref<128xi32, #tpu.memory_space<hbm>>) dst(%arg5 : memref<128xi32, #tpu.memory_space<vmem>>)
      tpu.yield
    }) : () -> ()
    %dma_start3A_170 = arith.constant 0 : i32
    %dma_start3A_171 = arith.constant 0 : i32
    %dma_start3A_172 = tpu.memref_slice %arg2[%dma_start3A_170, %dma_start3A_171] : memref<65536x128xf32, #tpu.memory_space<hbm>> -> memref<65536x128xf32, #tpu.memory_space<hbm>>
    tpu.enqueue_indirect_dma source(%dma_start3A_172 : memref<65536x128xf32, #tpu.memory_space<hbm>>) target(%arg7 : memref<128x128xf32, #tpu.memory_space<vmem>>) offsets(%arg5 : memref<128xi32, #tpu.memory_space<vmem>>) semaphore(%arg9 : memref<!tpu.dma_semaphore, #tpu.memory_space<semaphore_mem>>)
    %dma_wait3A_173 = arith.constant 0 : i32
    %dma_wait3A_174 = arith.constant 0 : i32
    %dma_wait3A_175 = tpu.memref_slice %arg2[%dma_wait3A_173, %dma_wait3A_174] : memref<65536x128xf32, #tpu.memory_space<hbm>> -> memref<65536x128xf32, #tpu.memory_space<hbm>>
    tpu.wait_indirect_dma semaphore(%arg10 : memref<!tpu.dma_semaphore, #tpu.memory_space<semaphore_mem>>) src(%dma_wait3A_175 : memref<65536x128xf32, #tpu.memory_space<hbm>>) dst(%arg8 : memref<128x128xf32, #tpu.memory_space<vmem>>)
    %add3A_176 = arith.constant 1152 : i32
    %add3A_177 = arith.addi %mul3A_2, %add3A_176 : i32
    %dma_start3A_178 = arith.constant 0 : i32
    %dma_start3A_179 = tpu.memref_slice %arg4[%add3A_177, %dma_start3A_178] : memref<65536x128xf32, #tpu.memory_space<hbm>> -> memref<128x128xf32, #tpu.memory_space<hbm>>
    %dma_start3A_180 = arith.constant 0 : i32
    %dma_start3A_181 = tpu.memref_slice %arg4[%add3A_177, %dma_start3A_180] : memref<65536x128xf32, #tpu.memory_space<hbm>> -> memref<128x128xf32, #tpu.memory_space<hbm>>
    tpu.enqueue_dma source(%arg8 : memref<128x128xf32, #tpu.memory_space<vmem>>) target(%dma_start3A_181 : memref<128x128xf32, #tpu.memory_space<hbm>>) target_semaphore(%arg12 : memref<!tpu.dma_semaphore, #tpu.memory_space<semaphore_mem>>)
    %add3A_182 = arith.constant 1408 : i32
    %add3A_183 = arith.addi %mul3A_2, %add3A_182 : i32
    %dma_wait3A_184 = arith.constant 0 : i32
    %dma_wait3A_185 = tpu.memref_slice %arg4[%add3A_177, %dma_wait3A_184] : memref<65536x128xf32, #tpu.memory_space<hbm>> -> memref<128x128xf32, #tpu.memory_space<hbm>>
    %dma_wait3A_186 = arith.constant 0 : i32
    %dma_wait3A_187 = tpu.memref_slice %arg4[%add3A_177, %dma_wait3A_186] : memref<65536x128xf32, #tpu.memory_space<hbm>> -> memref<128x128xf32, #tpu.memory_space<hbm>>
    tpu.wait_dma2 semaphore(%arg12 : memref<!tpu.dma_semaphore, #tpu.memory_space<semaphore_mem>>) src(%arg8 : memref<128x128xf32, #tpu.memory_space<vmem>>) dst(%dma_wait3A_187 : memref<128x128xf32, #tpu.memory_space<hbm>>)
    "tpu.region"() ({
      %run_scoped3A = tpu.sem_alloc : memref<!tpu.dma_semaphore, #tpu.memory_space<semaphore_mem>>
      %dma_start3A_289 = tpu.memref_slice %arg3[%add3A_183] : memref<65536xi32, #tpu.memory_space<hbm>> -> memref<128xi32, #tpu.memory_space<hbm>>
      %dma_start3A_290 = tpu.memref_slice %arg3[%add3A_183] : memref<65536xi32, #tpu.memory_space<hbm>> -> memref<128xi32, #tpu.memory_space<hbm>>
      tpu.enqueue_dma source(%dma_start3A_290 : memref<128xi32, #tpu.memory_space<hbm>>) target(%arg6 : memref<128xi32, #tpu.memory_space<vmem>>) target_semaphore(%run_scoped3A : memref<!tpu.dma_semaphore, #tpu.memory_space<semaphore_mem>>)
      %dma_wait3A_291 = tpu.memref_slice %arg3[%add3A_183] : memref<65536xi32, #tpu.memory_space<hbm>> -> memref<128xi32, #tpu.memory_space<hbm>>
      %dma_wait3A_292 = tpu.memref_slice %arg3[%add3A_183] : memref<65536xi32, #tpu.memory_space<hbm>> -> memref<128xi32, #tpu.memory_space<hbm>>
      tpu.wait_dma2 semaphore(%run_scoped3A : memref<!tpu.dma_semaphore, #tpu.memory_space<semaphore_mem>>) src(%dma_wait3A_292 : memref<128xi32, #tpu.memory_space<hbm>>) dst(%arg6 : memref<128xi32, #tpu.memory_space<vmem>>)
      tpu.yield
    }) : () -> ()
    %dma_start3A_188 = arith.constant 0 : i32
    %dma_start3A_189 = arith.constant 0 : i32
    %dma_start3A_190 = tpu.memref_slice %arg2[%dma_start3A_188, %dma_start3A_189] : memref<65536x128xf32, #tpu.memory_space<hbm>> -> memref<65536x128xf32, #tpu.memory_space<hbm>>
    tpu.enqueue_indirect_dma source(%dma_start3A_190 : memref<65536x128xf32, #tpu.memory_space<hbm>>) target(%arg8 : memref<128x128xf32, #tpu.memory_space<vmem>>) offsets(%arg6 : memref<128xi32, #tpu.memory_space<vmem>>) semaphore(%arg10 : memref<!tpu.dma_semaphore, #tpu.memory_space<semaphore_mem>>)
    %dma_wait3A_191 = arith.constant 0 : i32
    %dma_wait3A_192 = arith.constant 0 : i32
    %dma_wait3A_193 = tpu.memref_slice %arg2[%dma_wait3A_191, %dma_wait3A_192] : memref<65536x128xf32, #tpu.memory_space<hbm>> -> memref<65536x128xf32, #tpu.memory_space<hbm>>
    tpu.wait_indirect_dma semaphore(%arg9 : memref<!tpu.dma_semaphore, #tpu.memory_space<semaphore_mem>>) src(%dma_wait3A_193 : memref<65536x128xf32, #tpu.memory_space<hbm>>) dst(%arg7 : memref<128x128xf32, #tpu.memory_space<vmem>>)
    %add3A_194 = arith.constant 1280 : i32
    %add3A_195 = arith.addi %mul3A_2, %add3A_194 : i32
    %dma_start3A_196 = arith.constant 0 : i32
    %dma_start3A_197 = tpu.memref_slice %arg4[%add3A_195, %dma_start3A_196] : memref<65536x128xf32, #tpu.memory_space<hbm>> -> memref<128x128xf32, #tpu.memory_space<hbm>>
    %dma_start3A_198 = arith.constant 0 : i32
    %dma_start3A_199 = tpu.memref_slice %arg4[%add3A_195, %dma_start3A_198] : memref<65536x128xf32, #tpu.memory_space<hbm>> -> memref<128x128xf32, #tpu.memory_space<hbm>>
    tpu.enqueue_dma source(%arg7 : memref<128x128xf32, #tpu.memory_space<vmem>>) target(%dma_start3A_199 : memref<128x128xf32, #tpu.memory_space<hbm>>) target_semaphore(%arg11 : memref<!tpu.dma_semaphore, #tpu.memory_space<semaphore_mem>>)
    %add3A_200 = arith.constant 1536 : i32
    %add3A_201 = arith.addi %mul3A_2, %add3A_200 : i32
    %dma_wait3A_202 = arith.constant 0 : i32
    %dma_wait3A_203 = tpu.memref_slice %arg4[%add3A_195, %dma_wait3A_202] : memref<65536x128xf32, #tpu.memory_space<hbm>> -> memref<128x128xf32, #tpu.memory_space<hbm>>
    %dma_wait3A_204 = arith.constant 0 : i32
    %dma_wait3A_205 = tpu.memref_slice %arg4[%add3A_195, %dma_wait3A_204] : memref<65536x128xf32, #tpu.memory_space<hbm>> -> memref<128x128xf32, #tpu.memory_space<hbm>>
    tpu.wait_dma2 semaphore(%arg11 : memref<!tpu.dma_semaphore, #tpu.memory_space<semaphore_mem>>) src(%arg7 : memref<128x128xf32, #tpu.memory_space<vmem>>) dst(%dma_wait3A_205 : memref<128x128xf32, #tpu.memory_space<hbm>>)
    "tpu.region"() ({
      %run_scoped3A = tpu.sem_alloc : memref<!tpu.dma_semaphore, #tpu.memory_space<semaphore_mem>>
      %dma_start3A_289 = tpu.memref_slice %arg3[%add3A_201] : memref<65536xi32, #tpu.memory_space<hbm>> -> memref<128xi32, #tpu.memory_space<hbm>>
      %dma_start3A_290 = tpu.memref_slice %arg3[%add3A_201] : memref<65536xi32, #tpu.memory_space<hbm>> -> memref<128xi32, #tpu.memory_space<hbm>>
      tpu.enqueue_dma source(%dma_start3A_290 : memref<128xi32, #tpu.memory_space<hbm>>) target(%arg5 : memref<128xi32, #tpu.memory_space<vmem>>) target_semaphore(%run_scoped3A : memref<!tpu.dma_semaphore, #tpu.memory_space<semaphore_mem>>)
      %dma_wait3A_291 = tpu.memref_slice %arg3[%add3A_201] : memref<65536xi32, #tpu.memory_space<hbm>> -> memref<128xi32, #tpu.memory_space<hbm>>
      %dma_wait3A_292 = tpu.memref_slice %arg3[%add3A_201] : memref<65536xi32, #tpu.memory_space<hbm>> -> memref<128xi32, #tpu.memory_space<hbm>>
      tpu.wait_dma2 semaphore(%run_scoped3A : memref<!tpu.dma_semaphore, #tpu.memory_space<semaphore_mem>>) src(%dma_wait3A_292 : memref<128xi32, #tpu.memory_space<hbm>>) dst(%arg5 : memref<128xi32, #tpu.memory_space<vmem>>)
      tpu.yield
    }) : () -> ()
    %dma_start3A_206 = arith.constant 0 : i32
    %dma_start3A_207 = arith.constant 0 : i32
    %dma_start3A_208 = tpu.memref_slice %arg2[%dma_start3A_206, %dma_start3A_207] : memref<65536x128xf32, #tpu.memory_space<hbm>> -> memref<65536x128xf32, #tpu.memory_space<hbm>>
    tpu.enqueue_indirect_dma source(%dma_start3A_208 : memref<65536x128xf32, #tpu.memory_space<hbm>>) target(%arg7 : memref<128x128xf32, #tpu.memory_space<vmem>>) offsets(%arg5 : memref<128xi32, #tpu.memory_space<vmem>>) semaphore(%arg9 : memref<!tpu.dma_semaphore, #tpu.memory_space<semaphore_mem>>)
    %dma_wait3A_209 = arith.constant 0 : i32
    %dma_wait3A_210 = arith.constant 0 : i32
    %dma_wait3A_211 = tpu.memref_slice %arg2[%dma_wait3A_209, %dma_wait3A_210] : memref<65536x128xf32, #tpu.memory_space<hbm>> -> memref<65536x128xf32, #tpu.memory_space<hbm>>
    tpu.wait_indirect_dma semaphore(%arg10 : memref<!tpu.dma_semaphore, #tpu.memory_space<semaphore_mem>>) src(%dma_wait3A_211 : memref<65536x128xf32, #tpu.memory_space<hbm>>) dst(%arg8 : memref<128x128xf32, #tpu.memory_space<vmem>>)
    %add3A_212 = arith.constant 1408 : i32
    %add3A_213 = arith.addi %mul3A_2, %add3A_212 : i32
    %dma_start3A_214 = arith.constant 0 : i32
    %dma_start3A_215 = tpu.memref_slice %arg4[%add3A_213, %dma_start3A_214] : memref<65536x128xf32, #tpu.memory_space<hbm>> -> memref<128x128xf32, #tpu.memory_space<hbm>>
    %dma_start3A_216 = arith.constant 0 : i32
    %dma_start3A_217 = tpu.memref_slice %arg4[%add3A_213, %dma_start3A_216] : memref<65536x128xf32, #tpu.memory_space<hbm>> -> memref<128x128xf32, #tpu.memory_space<hbm>>
    tpu.enqueue_dma source(%arg8 : memref<128x128xf32, #tpu.memory_space<vmem>>) target(%dma_start3A_217 : memref<128x128xf32, #tpu.memory_space<hbm>>) target_semaphore(%arg12 : memref<!tpu.dma_semaphore, #tpu.memory_space<semaphore_mem>>)
    %add3A_218 = arith.constant 1664 : i32
    %add3A_219 = arith.addi %mul3A_2, %add3A_218 : i32
    %dma_wait3A_220 = arith.constant 0 : i32
    %dma_wait3A_221 = tpu.memref_slice %arg4[%add3A_213, %dma_wait3A_220] : memref<65536x128xf32, #tpu.memory_space<hbm>> -> memref<128x128xf32, #tpu.memory_space<hbm>>
    %dma_wait3A_222 = arith.constant 0 : i32
    %dma_wait3A_223 = tpu.memref_slice %arg4[%add3A_213, %dma_wait3A_222] : memref<65536x128xf32, #tpu.memory_space<hbm>> -> memref<128x128xf32, #tpu.memory_space<hbm>>
    tpu.wait_dma2 semaphore(%arg12 : memref<!tpu.dma_semaphore, #tpu.memory_space<semaphore_mem>>) src(%arg8 : memref<128x128xf32, #tpu.memory_space<vmem>>) dst(%dma_wait3A_223 : memref<128x128xf32, #tpu.memory_space<hbm>>)
    "tpu.region"() ({
      %run_scoped3A = tpu.sem_alloc : memref<!tpu.dma_semaphore, #tpu.memory_space<semaphore_mem>>
      %dma_start3A_289 = tpu.memref_slice %arg3[%add3A_219] : memref<65536xi32, #tpu.memory_space<hbm>> -> memref<128xi32, #tpu.memory_space<hbm>>
      %dma_start3A_290 = tpu.memref_slice %arg3[%add3A_219] : memref<65536xi32, #tpu.memory_space<hbm>> -> memref<128xi32, #tpu.memory_space<hbm>>
      tpu.enqueue_dma source(%dma_start3A_290 : memref<128xi32, #tpu.memory_space<hbm>>) target(%arg6 : memref<128xi32, #tpu.memory_space<vmem>>) target_semaphore(%run_scoped3A : memref<!tpu.dma_semaphore, #tpu.memory_space<semaphore_mem>>)
      %dma_wait3A_291 = tpu.memref_slice %arg3[%add3A_219] : memref<65536xi32, #tpu.memory_space<hbm>> -> memref<128xi32, #tpu.memory_space<hbm>>
      %dma_wait3A_292 = tpu.memref_slice %arg3[%add3A_219] : memref<65536xi32, #tpu.memory_space<hbm>> -> memref<128xi32, #tpu.memory_space<hbm>>
      tpu.wait_dma2 semaphore(%run_scoped3A : memref<!tpu.dma_semaphore, #tpu.memory_space<semaphore_mem>>) src(%dma_wait3A_292 : memref<128xi32, #tpu.memory_space<hbm>>) dst(%arg6 : memref<128xi32, #tpu.memory_space<vmem>>)
      tpu.yield
    }) : () -> ()
    %dma_start3A_224 = arith.constant 0 : i32
    %dma_start3A_225 = arith.constant 0 : i32
    %dma_start3A_226 = tpu.memref_slice %arg2[%dma_start3A_224, %dma_start3A_225] : memref<65536x128xf32, #tpu.memory_space<hbm>> -> memref<65536x128xf32, #tpu.memory_space<hbm>>
    tpu.enqueue_indirect_dma source(%dma_start3A_226 : memref<65536x128xf32, #tpu.memory_space<hbm>>) target(%arg8 : memref<128x128xf32, #tpu.memory_space<vmem>>) offsets(%arg6 : memref<128xi32, #tpu.memory_space<vmem>>) semaphore(%arg10 : memref<!tpu.dma_semaphore, #tpu.memory_space<semaphore_mem>>)
    %dma_wait3A_227 = arith.constant 0 : i32
    %dma_wait3A_228 = arith.constant 0 : i32
    %dma_wait3A_229 = tpu.memref_slice %arg2[%dma_wait3A_227, %dma_wait3A_228] : memref<65536x128xf32, #tpu.memory_space<hbm>> -> memref<65536x128xf32, #tpu.memory_space<hbm>>
    tpu.wait_indirect_dma semaphore(%arg9 : memref<!tpu.dma_semaphore, #tpu.memory_space<semaphore_mem>>) src(%dma_wait3A_229 : memref<65536x128xf32, #tpu.memory_space<hbm>>) dst(%arg7 : memref<128x128xf32, #tpu.memory_space<vmem>>)
    %add3A_230 = arith.constant 1536 : i32
    %add3A_231 = arith.addi %mul3A_2, %add3A_230 : i32
    %dma_start3A_232 = arith.constant 0 : i32
    %dma_start3A_233 = tpu.memref_slice %arg4[%add3A_231, %dma_start3A_232] : memref<65536x128xf32, #tpu.memory_space<hbm>> -> memref<128x128xf32, #tpu.memory_space<hbm>>
    %dma_start3A_234 = arith.constant 0 : i32
    %dma_start3A_235 = tpu.memref_slice %arg4[%add3A_231, %dma_start3A_234] : memref<65536x128xf32, #tpu.memory_space<hbm>> -> memref<128x128xf32, #tpu.memory_space<hbm>>
    tpu.enqueue_dma source(%arg7 : memref<128x128xf32, #tpu.memory_space<vmem>>) target(%dma_start3A_235 : memref<128x128xf32, #tpu.memory_space<hbm>>) target_semaphore(%arg11 : memref<!tpu.dma_semaphore, #tpu.memory_space<semaphore_mem>>)
    %add3A_236 = arith.constant 1792 : i32
    %add3A_237 = arith.addi %mul3A_2, %add3A_236 : i32
    %dma_wait3A_238 = arith.constant 0 : i32
    %dma_wait3A_239 = tpu.memref_slice %arg4[%add3A_231, %dma_wait3A_238] : memref<65536x128xf32, #tpu.memory_space<hbm>> -> memref<128x128xf32, #tpu.memory_space<hbm>>
    %dma_wait3A_240 = arith.constant 0 : i32
    %dma_wait3A_241 = tpu.memref_slice %arg4[%add3A_231, %dma_wait3A_240] : memref<65536x128xf32, #tpu.memory_space<hbm>> -> memref<128x128xf32, #tpu.memory_space<hbm>>
    tpu.wait_dma2 semaphore(%arg11 : memref<!tpu.dma_semaphore, #tpu.memory_space<semaphore_mem>>) src(%arg7 : memref<128x128xf32, #tpu.memory_space<vmem>>) dst(%dma_wait3A_241 : memref<128x128xf32, #tpu.memory_space<hbm>>)
    "tpu.region"() ({
      %run_scoped3A = tpu.sem_alloc : memref<!tpu.dma_semaphore, #tpu.memory_space<semaphore_mem>>
      %dma_start3A_289 = tpu.memref_slice %arg3[%add3A_237] : memref<65536xi32, #tpu.memory_space<hbm>> -> memref<128xi32, #tpu.memory_space<hbm>>
      %dma_start3A_290 = tpu.memref_slice %arg3[%add3A_237] : memref<65536xi32, #tpu.memory_space<hbm>> -> memref<128xi32, #tpu.memory_space<hbm>>
      tpu.enqueue_dma source(%dma_start3A_290 : memref<128xi32, #tpu.memory_space<hbm>>) target(%arg5 : memref<128xi32, #tpu.memory_space<vmem>>) target_semaphore(%run_scoped3A : memref<!tpu.dma_semaphore, #tpu.memory_space<semaphore_mem>>)
      %dma_wait3A_291 = tpu.memref_slice %arg3[%add3A_237] : memref<65536xi32, #tpu.memory_space<hbm>> -> memref<128xi32, #tpu.memory_space<hbm>>
      %dma_wait3A_292 = tpu.memref_slice %arg3[%add3A_237] : memref<65536xi32, #tpu.memory_space<hbm>> -> memref<128xi32, #tpu.memory_space<hbm>>
      tpu.wait_dma2 semaphore(%run_scoped3A : memref<!tpu.dma_semaphore, #tpu.memory_space<semaphore_mem>>) src(%dma_wait3A_292 : memref<128xi32, #tpu.memory_space<hbm>>) dst(%arg5 : memref<128xi32, #tpu.memory_space<vmem>>)
      tpu.yield
    }) : () -> ()
    %dma_start3A_242 = arith.constant 0 : i32
    %dma_start3A_243 = arith.constant 0 : i32
    %dma_start3A_244 = tpu.memref_slice %arg2[%dma_start3A_242, %dma_start3A_243] : memref<65536x128xf32, #tpu.memory_space<hbm>> -> memref<65536x128xf32, #tpu.memory_space<hbm>>
    tpu.enqueue_indirect_dma source(%dma_start3A_244 : memref<65536x128xf32, #tpu.memory_space<hbm>>) target(%arg7 : memref<128x128xf32, #tpu.memory_space<vmem>>) offsets(%arg5 : memref<128xi32, #tpu.memory_space<vmem>>) semaphore(%arg9 : memref<!tpu.dma_semaphore, #tpu.memory_space<semaphore_mem>>)
    %dma_wait3A_245 = arith.constant 0 : i32
    %dma_wait3A_246 = arith.constant 0 : i32
    %dma_wait3A_247 = tpu.memref_slice %arg2[%dma_wait3A_245, %dma_wait3A_246] : memref<65536x128xf32, #tpu.memory_space<hbm>> -> memref<65536x128xf32, #tpu.memory_space<hbm>>
    tpu.wait_indirect_dma semaphore(%arg10 : memref<!tpu.dma_semaphore, #tpu.memory_space<semaphore_mem>>) src(%dma_wait3A_247 : memref<65536x128xf32, #tpu.memory_space<hbm>>) dst(%arg8 : memref<128x128xf32, #tpu.memory_space<vmem>>)
    %add3A_248 = arith.constant 1664 : i32
    %add3A_249 = arith.addi %mul3A_2, %add3A_248 : i32
    %dma_start3A_250 = arith.constant 0 : i32
    %dma_start3A_251 = tpu.memref_slice %arg4[%add3A_249, %dma_start3A_250] : memref<65536x128xf32, #tpu.memory_space<hbm>> -> memref<128x128xf32, #tpu.memory_space<hbm>>
    %dma_start3A_252 = arith.constant 0 : i32
    %dma_start3A_253 = tpu.memref_slice %arg4[%add3A_249, %dma_start3A_252] : memref<65536x128xf32, #tpu.memory_space<hbm>> -> memref<128x128xf32, #tpu.memory_space<hbm>>
    tpu.enqueue_dma source(%arg8 : memref<128x128xf32, #tpu.memory_space<vmem>>) target(%dma_start3A_253 : memref<128x128xf32, #tpu.memory_space<hbm>>) target_semaphore(%arg12 : memref<!tpu.dma_semaphore, #tpu.memory_space<semaphore_mem>>)
    %add3A_254 = arith.constant 1920 : i32
    %add3A_255 = arith.addi %mul3A_2, %add3A_254 : i32
    %dma_wait3A_256 = arith.constant 0 : i32
    %dma_wait3A_257 = tpu.memref_slice %arg4[%add3A_249, %dma_wait3A_256] : memref<65536x128xf32, #tpu.memory_space<hbm>> -> memref<128x128xf32, #tpu.memory_space<hbm>>
    %dma_wait3A_258 = arith.constant 0 : i32
    %dma_wait3A_259 = tpu.memref_slice %arg4[%add3A_249, %dma_wait3A_258] : memref<65536x128xf32, #tpu.memory_space<hbm>> -> memref<128x128xf32, #tpu.memory_space<hbm>>
    tpu.wait_dma2 semaphore(%arg12 : memref<!tpu.dma_semaphore, #tpu.memory_space<semaphore_mem>>) src(%arg8 : memref<128x128xf32, #tpu.memory_space<vmem>>) dst(%dma_wait3A_259 : memref<128x128xf32, #tpu.memory_space<hbm>>)
    "tpu.region"() ({
      %run_scoped3A = tpu.sem_alloc : memref<!tpu.dma_semaphore, #tpu.memory_space<semaphore_mem>>
      %dma_start3A_289 = tpu.memref_slice %arg3[%add3A_255] : memref<65536xi32, #tpu.memory_space<hbm>> -> memref<128xi32, #tpu.memory_space<hbm>>
      %dma_start3A_290 = tpu.memref_slice %arg3[%add3A_255] : memref<65536xi32, #tpu.memory_space<hbm>> -> memref<128xi32, #tpu.memory_space<hbm>>
      tpu.enqueue_dma source(%dma_start3A_290 : memref<128xi32, #tpu.memory_space<hbm>>) target(%arg6 : memref<128xi32, #tpu.memory_space<vmem>>) target_semaphore(%run_scoped3A : memref<!tpu.dma_semaphore, #tpu.memory_space<semaphore_mem>>)
      %dma_wait3A_291 = tpu.memref_slice %arg3[%add3A_255] : memref<65536xi32, #tpu.memory_space<hbm>> -> memref<128xi32, #tpu.memory_space<hbm>>
      %dma_wait3A_292 = tpu.memref_slice %arg3[%add3A_255] : memref<65536xi32, #tpu.memory_space<hbm>> -> memref<128xi32, #tpu.memory_space<hbm>>
      tpu.wait_dma2 semaphore(%run_scoped3A : memref<!tpu.dma_semaphore, #tpu.memory_space<semaphore_mem>>) src(%dma_wait3A_292 : memref<128xi32, #tpu.memory_space<hbm>>) dst(%arg6 : memref<128xi32, #tpu.memory_space<vmem>>)
      tpu.yield
    }) : () -> ()
    %dma_start3A_260 = arith.constant 0 : i32
    %dma_start3A_261 = arith.constant 0 : i32
    %dma_start3A_262 = tpu.memref_slice %arg2[%dma_start3A_260, %dma_start3A_261] : memref<65536x128xf32, #tpu.memory_space<hbm>> -> memref<65536x128xf32, #tpu.memory_space<hbm>>
    tpu.enqueue_indirect_dma source(%dma_start3A_262 : memref<65536x128xf32, #tpu.memory_space<hbm>>) target(%arg8 : memref<128x128xf32, #tpu.memory_space<vmem>>) offsets(%arg6 : memref<128xi32, #tpu.memory_space<vmem>>) semaphore(%arg10 : memref<!tpu.dma_semaphore, #tpu.memory_space<semaphore_mem>>)
    %dma_wait3A_263 = arith.constant 0 : i32
    %dma_wait3A_264 = arith.constant 0 : i32
    %dma_wait3A_265 = tpu.memref_slice %arg2[%dma_wait3A_263, %dma_wait3A_264] : memref<65536x128xf32, #tpu.memory_space<hbm>> -> memref<65536x128xf32, #tpu.memory_space<hbm>>
    tpu.wait_indirect_dma semaphore(%arg9 : memref<!tpu.dma_semaphore, #tpu.memory_space<semaphore_mem>>) src(%dma_wait3A_265 : memref<65536x128xf32, #tpu.memory_space<hbm>>) dst(%arg7 : memref<128x128xf32, #tpu.memory_space<vmem>>)
    %add3A_266 = arith.constant 1792 : i32
    %add3A_267 = arith.addi %mul3A_2, %add3A_266 : i32
    %dma_start3A_268 = arith.constant 0 : i32
    %dma_start3A_269 = tpu.memref_slice %arg4[%add3A_267, %dma_start3A_268] : memref<65536x128xf32, #tpu.memory_space<hbm>> -> memref<128x128xf32, #tpu.memory_space<hbm>>
    %dma_start3A_270 = arith.constant 0 : i32
    %dma_start3A_271 = tpu.memref_slice %arg4[%add3A_267, %dma_start3A_270] : memref<65536x128xf32, #tpu.memory_space<hbm>> -> memref<128x128xf32, #tpu.memory_space<hbm>>
    tpu.enqueue_dma source(%arg7 : memref<128x128xf32, #tpu.memory_space<vmem>>) target(%dma_start3A_271 : memref<128x128xf32, #tpu.memory_space<hbm>>) target_semaphore(%arg11 : memref<!tpu.dma_semaphore, #tpu.memory_space<semaphore_mem>>)
    %dma_wait3A_272 = arith.constant 0 : i32
    %dma_wait3A_273 = arith.constant 0 : i32
    %dma_wait3A_274 = tpu.memref_slice %arg2[%dma_wait3A_272, %dma_wait3A_273] : memref<65536x128xf32, #tpu.memory_space<hbm>> -> memref<65536x128xf32, #tpu.memory_space<hbm>>
    tpu.wait_indirect_dma semaphore(%arg10 : memref<!tpu.dma_semaphore, #tpu.memory_space<semaphore_mem>>) src(%dma_wait3A_274 : memref<65536x128xf32, #tpu.memory_space<hbm>>) dst(%arg8 : memref<128x128xf32, #tpu.memory_space<vmem>>)
    %add3A_275 = arith.constant 1920 : i32
    %add3A_276 = arith.addi %mul3A_2, %add3A_275 : i32
    %dma_start3A_277 = arith.constant 0 : i32
    %dma_start3A_278 = tpu.memref_slice %arg4[%add3A_276, %dma_start3A_277] : memref<65536x128xf32, #tpu.memory_space<hbm>> -> memref<128x128xf32, #tpu.memory_space<hbm>>
    %dma_start3A_279 = arith.constant 0 : i32
    %dma_start3A_280 = tpu.memref_slice %arg4[%add3A_276, %dma_start3A_279] : memref<65536x128xf32, #tpu.memory_space<hbm>> -> memref<128x128xf32, #tpu.memory_space<hbm>>
    tpu.enqueue_dma source(%arg8 : memref<128x128xf32, #tpu.memory_space<vmem>>) target(%dma_start3A_280 : memref<128x128xf32, #tpu.memory_space<hbm>>) target_semaphore(%arg12 : memref<!tpu.dma_semaphore, #tpu.memory_space<semaphore_mem>>)
    %dma_wait3A_281 = arith.constant 0 : i32
    %dma_wait3A_282 = tpu.memref_slice %arg4[%add3A_267, %dma_wait3A_281] : memref<65536x128xf32, #tpu.memory_space<hbm>> -> memref<128x128xf32, #tpu.memory_space<hbm>>
    %dma_wait3A_283 = arith.constant 0 : i32
    %dma_wait3A_284 = tpu.memref_slice %arg4[%add3A_267, %dma_wait3A_283] : memref<65536x128xf32, #tpu.memory_space<hbm>> -> memref<128x128xf32, #tpu.memory_space<hbm>>
    tpu.wait_dma2 semaphore(%arg11 : memref<!tpu.dma_semaphore, #tpu.memory_space<semaphore_mem>>) src(%arg7 : memref<128x128xf32, #tpu.memory_space<vmem>>) dst(%dma_wait3A_284 : memref<128x128xf32, #tpu.memory_space<hbm>>)
    %dma_wait3A_285 = arith.constant 0 : i32
    %dma_wait3A_286 = tpu.memref_slice %arg4[%add3A_276, %dma_wait3A_285] : memref<65536x128xf32, #tpu.memory_space<hbm>> -> memref<128x128xf32, #tpu.memory_space<hbm>>
    %dma_wait3A_287 = arith.constant 0 : i32
    %dma_wait3A_288 = tpu.memref_slice %arg4[%add3A_276, %dma_wait3A_287] : memref<65536x128xf32, #tpu.memory_space<hbm>> -> memref<128x128xf32, #tpu.memory_space<hbm>>
    tpu.wait_dma2 semaphore(%arg12 : memref<!tpu.dma_semaphore, #tpu.memory_space<semaphore_mem>>) src(%arg8 : memref<128x128xf32, #tpu.memory_space<vmem>>) dst(%dma_wait3A_288 : memref<128x128xf32, #tpu.memory_space<hbm>>)
    return
  }
}

#map = affine_map<(d0, d1) -> (0, 0)>
#map1 = affine_map<(d0, d1) -> (0)>
module attributes {stable_mosaic.version = 14 : i64} {
  func.func @permute(%arg0: i32, %arg1: i32, %arg2: memref<65536x128xf32, #tpu.memory_space<hbm>>, %arg3: memref<65536xi32, #tpu.memory_space<hbm>>, %arg4: memref<65536x128xf32, #tpu.memory_space<hbm>>, %arg5: memref<128xi32, #tpu.memory_space<vmem>>, %arg6: memref<128xi32, #tpu.memory_space<vmem>>, %arg7: memref<128x128xf32, #tpu.memory_space<vmem>>, %arg8: memref<128x128xf32, #tpu.memory_space<vmem>>, %arg9: memref<!tpu.dma_semaphore, #tpu.memory_space<semaphore_mem>>, %arg10: memref<!tpu.dma_semaphore, #tpu.memory_space<semaphore_mem>>, %arg11: memref<!tpu.dma_semaphore, #tpu.memory_space<semaphore_mem>>, %arg12: memref<!tpu.dma_semaphore, #tpu.memory_space<semaphore_mem>>) attributes {dimension_semantics = [#tpu.dimension_semantics<core_parallel>, #tpu.dimension_semantics<subcore_parallel>], iteration_bounds = array<i64: 2, 16>, scalar_prefetch = 0 : i64, scratch_operands = 8 : i64, tpu.core_type = #tpu.core_type<sc_vector_subcore>, window_params = [{transform_indices = #map}, {transform_indices = #map1}, {transform_indices = #map}]} {
    %mul3A = arith.constant 2 : i32
    %mul3A_0 = arith.muli %arg1, %mul3A : i32
    %add3A = arith.addi %mul3A_0, %arg0 : i32
    %mul3A_1 = arith.constant 2048 : i32
    %mul3A_2 = arith.muli %add3A, %mul3A_1 : i32
    %add3A_3 = arith.constant 0 : i32
    %add3A_4 = arith.addi %mul3A_2, %add3A_3 : i32
    "tpu.region"() ({
      %run_scoped3A = tpu.sem_alloc : memref<!tpu.dma_semaphore, #tpu.memory_space<semaphore_mem>>
      %dma_start3A_289 = tpu.memref_slice %arg3[%add3A_4] : memref<65536xi32, #tpu.memory_space<hbm>> -> memref<128xi32, #tpu.memory_space<hbm>>
      %dma_start3A_290 = tpu.memref_slice %arg3[%add3A_4] : memref<65536xi32, #tpu.memory_space<hbm>> -> memref<128xi32, #tpu.memory_space<hbm>>
      tpu.enqueue_dma source(%dma_start3A_290 : memref<128xi32, #tpu.memory_space<hbm>>) target(%arg5 : memref<128xi32, #tpu.memory_space<vmem>>) target_semaphore(%run_scoped3A : memref<!tpu.dma_semaphore, #tpu.memory_space<semaphore_mem>>)
      %dma_wait3A_291 = tpu.memref_slice %arg3[%add3A_4] : memref<65536xi32, #tpu.memory_space<hbm>> -> memref<128xi32, #tpu.memory_space<hbm>>
      %dma_wait3A_292 = tpu.memref_slice %arg3[%add3A_4] : memref<65536xi32, #tpu.memory_space<hbm>> -> memref<128xi32, #tpu.memory_space<hbm>>
      tpu.wait_dma2 semaphore(%run_scoped3A : memref<!tpu.dma_semaphore, #tpu.memory_space<semaphore_mem>>) src(%dma_wait3A_292 : memref<128xi32, #tpu.memory_space<hbm>>) dst(%arg5 : memref<128xi32, #tpu.memory_space<vmem>>)
      tpu.yield
    }) : () -> ()
    %dma_start3A = arith.constant 0 : i32
    %dma_start3A_5 = arith.constant 0 : i32
    %dma_start3A_6 = tpu.memref_slice %arg2[%dma_start3A, %dma_start3A_5] : memref<65536x128xf32, #tpu.memory_space<hbm>> -> memref<65536x128xf32, #tpu.memory_space<hbm>>
    tpu.enqueue_indirect_dma source(%dma_start3A_6 : memref<65536x128xf32, #tpu.memory_space<hbm>>) target(%arg7 : memref<128x128xf32, #tpu.memory_space<vmem>>) offsets(%arg5 : memref<128xi32, #tpu.memory_space<vmem>>) semaphore(%arg9 : memref<!tpu.dma_semaphore, #tpu.memory_space<semaphore_mem>>)
    %add3A_7 = arith.constant 128 : i32
    %add3A_8 = arith.addi %mul3A_2, %add3A_7 : i32
    "tpu.region"() ({
      %run_scoped3A = tpu.sem_alloc : memref<!tpu.dma_semaphore, #tpu.memory_space<semaphore_mem>>
      %dma_start3A_289 = tpu.memref_slice %arg3[%add3A_8] : memref<65536xi32, #tpu.memory_space<hbm>> -> memref<128xi32, #tpu.memory_space<hbm>>
      %dma_start3A_290 = tpu.memref_slice %arg3[%add3A_8] : memref<65536xi32, #tpu.memory_space<hbm>> -> memref<128xi32, #tpu.memory_space<hbm>>
      tpu.enqueue_dma source(%dma_start3A_290 : memref<128xi32, #tpu.memory_space<hbm>>) target(%arg6 : memref<128xi32, #tpu.memory_space<vmem>>) target_semaphore(%run_scoped3A : memref<!tpu.dma_semaphore, #tpu.memory_space<semaphore_mem>>)
      %dma_wait3A_291 = tpu.memref_slice %arg3[%add3A_8] : memref<65536xi32, #tpu.memory_space<hbm>> -> memref<128xi32, #tpu.memory_space<hbm>>
      %dma_wait3A_292 = tpu.memref_slice %arg3[%add3A_8] : memref<65536xi32, #tpu.memory_space<hbm>> -> memref<128xi32, #tpu.memory_space<hbm>>
      tpu.wait_dma2 semaphore(%run_scoped3A : memref<!tpu.dma_semaphore, #tpu.memory_space<semaphore_mem>>) src(%dma_wait3A_292 : memref<128xi32, #tpu.memory_space<hbm>>) dst(%arg6 : memref<128xi32, #tpu.memory_space<vmem>>)
      tpu.yield
    }) : () -> ()
    %dma_start3A_9 = arith.constant 0 : i32
    %dma_start3A_10 = arith.constant 0 : i32
    %dma_start3A_11 = tpu.memref_slice %arg2[%dma_start3A_9, %dma_start3A_10] : memref<65536x128xf32, #tpu.memory_space<hbm>> -> memref<65536x128xf32, #tpu.memory_space<hbm>>
    tpu.enqueue_indirect_dma source(%dma_start3A_11 : memref<65536x128xf32, #tpu.memory_space<hbm>>) target(%arg8 : memref<128x128xf32, #tpu.memory_space<vmem>>) offsets(%arg6 : memref<128xi32, #tpu.memory_space<vmem>>) semaphore(%arg10 : memref<!tpu.dma_semaphore, #tpu.memory_space<semaphore_mem>>)
    %dma_wait3A = arith.constant 0 : i32
    %dma_wait3A_12 = arith.constant 0 : i32
    %dma_wait3A_13 = tpu.memref_slice %arg2[%dma_wait3A, %dma_wait3A_12] : memref<65536x128xf32, #tpu.memory_space<hbm>> -> memref<65536x128xf32, #tpu.memory_space<hbm>>
    tpu.wait_indirect_dma semaphore(%arg9 : memref<!tpu.dma_semaphore, #tpu.memory_space<semaphore_mem>>) src(%dma_wait3A_13 : memref<65536x128xf32, #tpu.memory_space<hbm>>) dst(%arg7 : memref<128x128xf32, #tpu.memory_space<vmem>>)
    %add3A_14 = arith.constant 0 : i32
    %add3A_15 = arith.addi %mul3A_2, %add3A_14 : i32
    %dma_start3A_16 = arith.constant 0 : i32
    %dma_start3A_17 = tpu.memref_slice %arg4[%add3A_15, %dma_start3A_16] : memref<65536x128xf32, #tpu.memory_space<hbm>> -> memref<128x128xf32, #tpu.memory_space<hbm>>
    %dma_start3A_18 = arith.constant 0 : i32
    %dma_start3A_19 = tpu.memref_slice %arg4[%add3A_15, %dma_start3A_18] : memref<65536x128xf32, #tpu.memory_space<hbm>> -> memref<128x128xf32, #tpu.memory_space<hbm>>
    tpu.enqueue_dma source(%arg7 : memref<128x128xf32, #tpu.memory_space<vmem>>) target(%dma_start3A_19 : memref<128x128xf32, #tpu.memory_space<hbm>>) target_semaphore(%arg11 : memref<!tpu.dma_semaphore, #tpu.memory_space<semaphore_mem>>)
    %add3A_20 = arith.constant 256 : i32
    %add3A_21 = arith.addi %mul3A_2, %add3A_20 : i32
    %dma_wait3A_22 = arith.constant 0 : i32
    %dma_wait3A_23 = tpu.memref_slice %arg4[%add3A_15, %dma_wait3A_22] : memref<65536x128xf32, #tpu.memory_space<hbm>> -> memref<128x128xf32, #tpu.memory_space<hbm>>
    %dma_wait3A_24 = arith.constant 0 : i32
    %dma_wait3A_25 = tpu.memref_slice %arg4[%add3A_15, %dma_wait3A_24] : memref<65536x128xf32, #tpu.memory_space<hbm>> -> memref<128x128xf32, #tpu.memory_space<hbm>>
    tpu.wait_dma2 semaphore(%arg11 : memref<!tpu.dma_semaphore, #tpu.memory_space<semaphore_mem>>) src(%arg7 : memref<128x128xf32, #tpu.memory_space<vmem>>) dst(%dma_wait3A_25 : memref<128x128xf32, #tpu.memory_space<hbm>>)
    "tpu.region"() ({
      %run_scoped3A = tpu.sem_alloc : memref<!tpu.dma_semaphore, #tpu.memory_space<semaphore_mem>>
      %dma_start3A_289 = tpu.memref_slice %arg3[%add3A_21] : memref<65536xi32, #tpu.memory_space<hbm>> -> memref<128xi32, #tpu.memory_space<hbm>>
      %dma_start3A_290 = tpu.memref_slice %arg3[%add3A_21] : memref<65536xi32, #tpu.memory_space<hbm>> -> memref<128xi32, #tpu.memory_space<hbm>>
      tpu.enqueue_dma source(%dma_start3A_290 : memref<128xi32, #tpu.memory_space<hbm>>) target(%arg5 : memref<128xi32, #tpu.memory_space<vmem>>) target_semaphore(%run_scoped3A : memref<!tpu.dma_semaphore, #tpu.memory_space<semaphore_mem>>)
      %dma_wait3A_291 = tpu.memref_slice %arg3[%add3A_21] : memref<65536xi32, #tpu.memory_space<hbm>> -> memref<128xi32, #tpu.memory_space<hbm>>
      %dma_wait3A_292 = tpu.memref_slice %arg3[%add3A_21] : memref<65536xi32, #tpu.memory_space<hbm>> -> memref<128xi32, #tpu.memory_space<hbm>>
      tpu.wait_dma2 semaphore(%run_scoped3A : memref<!tpu.dma_semaphore, #tpu.memory_space<semaphore_mem>>) src(%dma_wait3A_292 : memref<128xi32, #tpu.memory_space<hbm>>) dst(%arg5 : memref<128xi32, #tpu.memory_space<vmem>>)
      tpu.yield
    }) : () -> ()
    %dma_start3A_26 = arith.constant 0 : i32
    %dma_start3A_27 = arith.constant 0 : i32
    %dma_start3A_28 = tpu.memref_slice %arg2[%dma_start3A_26, %dma_start3A_27] : memref<65536x128xf32, #tpu.memory_space<hbm>> -> memref<65536x128xf32, #tpu.memory_space<hbm>>
    tpu.enqueue_indirect_dma source(%dma_start3A_28 : memref<65536x128xf32, #tpu.memory_space<hbm>>) target(%arg7 : memref<128x128xf32, #tpu.memory_space<vmem>>) offsets(%arg5 : memref<128xi32, #tpu.memory_space<vmem>>) semaphore(%arg9 : memref<!tpu.dma_semaphore, #tpu.memory_space<semaphore_mem>>)
    %dma_wait3A_29 = arith.constant 0 : i32
    %dma_wait3A_30 = arith.constant 0 : i32
    %dma_wait3A_31 = tpu.memref_slice %arg2[%dma_wait3A_29, %dma_wait3A_30] : memref<65536x128xf32, #tpu.memory_space<hbm>> -> memref<65536x128xf32, #tpu.memory_space<hbm>>
    tpu.wait_indirect_dma semaphore(%arg10 : memref<!tpu.dma_semaphore, #tpu.memory_space<semaphore_mem>>) src(%dma_wait3A_31 : memref<65536x128xf32, #tpu.memory_space<hbm>>) dst(%arg8 : memref<128x128xf32, #tpu.memory_space<vmem>>)
    %add3A_32 = arith.constant 128 : i32
    %add3A_33 = arith.addi %mul3A_2, %add3A_32 : i32
    %dma_start3A_34 = arith.constant 0 : i32
    %dma_start3A_35 = tpu.memref_slice %arg4[%add3A_33, %dma_start3A_34] : memref<65536x128xf32, #tpu.memory_space<hbm>> -> memref<128x128xf32, #tpu.memory_space<hbm>>
    %dma_start3A_36 = arith.constant 0 : i32
    %dma_start3A_37 = tpu.memref_slice %arg4[%add3A_33, %dma_start3A_36] : memref<65536x128xf32, #tpu.memory_space<hbm>> -> memref<128x128xf32, #tpu.memory_space<hbm>>
    tpu.enqueue_dma source(%arg8 : memref<128x128xf32, #tpu.memory_space<vmem>>) target(%dma_start3A_37 : memref<128x128xf32, #tpu.memory_space<hbm>>) target_semaphore(%arg12 : memref<!tpu.dma_semaphore, #tpu.memory_space<semaphore_mem>>)
    %add3A_38 = arith.constant 384 : i32
    %add3A_39 = arith.addi %mul3A_2, %add3A_38 : i32
    %dma_wait3A_40 = arith.constant 0 : i32
    %dma_wait3A_41 = tpu.memref_slice %arg4[%add3A_33, %dma_wait3A_40] : memref<65536x128xf32, #tpu.memory_space<hbm>> -> memref<128x128xf32, #tpu.memory_space<hbm>>
    %dma_wait3A_42 = arith.constant 0 : i32
    %dma_wait3A_43 = tpu.memref_slice %arg4[%add3A_33, %dma_wait3A_42] : memref<65536x128xf32, #tpu.memory_space<hbm>> -> memref<128x128xf32, #tpu.memory_space<hbm>>
    tpu.wait_dma2 semaphore(%arg12 : memref<!tpu.dma_semaphore, #tpu.memory_space<semaphore_mem>>) src(%arg8 : memref<128x128xf32, #tpu.memory_space<vmem>>) dst(%dma_wait3A_43 : memref<128x128xf32, #tpu.memory_space<hbm>>)
    "tpu.region"() ({
      %run_scoped3A = tpu.sem_alloc : memref<!tpu.dma_semaphore, #tpu.memory_space<semaphore_mem>>
      %dma_start3A_289 = tpu.memref_slice %arg3[%add3A_39] : memref<65536xi32, #tpu.memory_space<hbm>> -> memref<128xi32, #tpu.memory_space<hbm>>
      %dma_start3A_290 = tpu.memref_slice %arg3[%add3A_39] : memref<65536xi32, #tpu.memory_space<hbm>> -> memref<128xi32, #tpu.memory_space<hbm>>
      tpu.enqueue_dma source(%dma_start3A_290 : memref<128xi32, #tpu.memory_space<hbm>>) target(%arg6 : memref<128xi32, #tpu.memory_space<vmem>>) target_semaphore(%run_scoped3A : memref<!tpu.dma_semaphore, #tpu.memory_space<semaphore_mem>>)
      %dma_wait3A_291 = tpu.memref_slice %arg3[%add3A_39] : memref<65536xi32, #tpu.memory_space<hbm>> -> memref<128xi32, #tpu.memory_space<hbm>>
      %dma_wait3A_292 = tpu.memref_slice %arg3[%add3A_39] : memref<65536xi32, #tpu.memory_space<hbm>> -> memref<128xi32, #tpu.memory_space<hbm>>
      tpu.wait_dma2 semaphore(%run_scoped3A : memref<!tpu.dma_semaphore, #tpu.memory_space<semaphore_mem>>) src(%dma_wait3A_292 : memref<128xi32, #tpu.memory_space<hbm>>) dst(%arg6 : memref<128xi32, #tpu.memory_space<vmem>>)
      tpu.yield
    }) : () -> ()
    %dma_start3A_44 = arith.constant 0 : i32
    %dma_start3A_45 = arith.constant 0 : i32
    %dma_start3A_46 = tpu.memref_slice %arg2[%dma_start3A_44, %dma_start3A_45] : memref<65536x128xf32, #tpu.memory_space<hbm>> -> memref<65536x128xf32, #tpu.memory_space<hbm>>
    tpu.enqueue_indirect_dma source(%dma_start3A_46 : memref<65536x128xf32, #tpu.memory_space<hbm>>) target(%arg8 : memref<128x128xf32, #tpu.memory_space<vmem>>) offsets(%arg6 : memref<128xi32, #tpu.memory_space<vmem>>) semaphore(%arg10 : memref<!tpu.dma_semaphore, #tpu.memory_space<semaphore_mem>>)
    %dma_wait3A_47 = arith.constant 0 : i32
    %dma_wait3A_48 = arith.constant 0 : i32
    %dma_wait3A_49 = tpu.memref_slice %arg2[%dma_wait3A_47, %dma_wait3A_48] : memref<65536x128xf32, #tpu.memory_space<hbm>> -> memref<65536x128xf32, #tpu.memory_space<hbm>>
    tpu.wait_indirect_dma semaphore(%arg9 : memref<!tpu.dma_semaphore, #tpu.memory_space<semaphore_mem>>) src(%dma_wait3A_49 : memref<65536x128xf32, #tpu.memory_space<hbm>>) dst(%arg7 : memref<128x128xf32, #tpu.memory_space<vmem>>)
    %add3A_50 = arith.constant 256 : i32
    %add3A_51 = arith.addi %mul3A_2, %add3A_50 : i32
    %dma_start3A_52 = arith.constant 0 : i32
    %dma_start3A_53 = tpu.memref_slice %arg4[%add3A_51, %dma_start3A_52] : memref<65536x128xf32, #tpu.memory_space<hbm>> -> memref<128x128xf32, #tpu.memory_space<hbm>>
    %dma_start3A_54 = arith.constant 0 : i32
    %dma_start3A_55 = tpu.memref_slice %arg4[%add3A_51, %dma_start3A_54] : memref<65536x128xf32, #tpu.memory_space<hbm>> -> memref<128x128xf32, #tpu.memory_space<hbm>>
    tpu.enqueue_dma source(%arg7 : memref<128x128xf32, #tpu.memory_space<vmem>>) target(%dma_start3A_55 : memref<128x128xf32, #tpu.memory_space<hbm>>) target_semaphore(%arg11 : memref<!tpu.dma_semaphore, #tpu.memory_space<semaphore_mem>>)
    %add3A_56 = arith.constant 512 : i32
    %add3A_57 = arith.addi %mul3A_2, %add3A_56 : i32
    %dma_wait3A_58 = arith.constant 0 : i32
    %dma_wait3A_59 = tpu.memref_slice %arg4[%add3A_51, %dma_wait3A_58] : memref<65536x128xf32, #tpu.memory_space<hbm>> -> memref<128x128xf32, #tpu.memory_space<hbm>>
    %dma_wait3A_60 = arith.constant 0 : i32
    %dma_wait3A_61 = tpu.memref_slice %arg4[%add3A_51, %dma_wait3A_60] : memref<65536x128xf32, #tpu.memory_space<hbm>> -> memref<128x128xf32, #tpu.memory_space<hbm>>
    tpu.wait_dma2 semaphore(%arg11 : memref<!tpu.dma_semaphore, #tpu.memory_space<semaphore_mem>>) src(%arg7 : memref<128x128xf32, #tpu.memory_space<vmem>>) dst(%dma_wait3A_61 : memref<128x128xf32, #tpu.memory_space<hbm>>)
    "tpu.region"() ({
      %run_scoped3A = tpu.sem_alloc : memref<!tpu.dma_semaphore, #tpu.memory_space<semaphore_mem>>
      %dma_start3A_289 = tpu.memref_slice %arg3[%add3A_57] : memref<65536xi32, #tpu.memory_space<hbm>> -> memref<128xi32, #tpu.memory_space<hbm>>
      %dma_start3A_290 = tpu.memref_slice %arg3[%add3A_57] : memref<65536xi32, #tpu.memory_space<hbm>> -> memref<128xi32, #tpu.memory_space<hbm>>
      tpu.enqueue_dma source(%dma_start3A_290 : memref<128xi32, #tpu.memory_space<hbm>>) target(%arg5 : memref<128xi32, #tpu.memory_space<vmem>>) target_semaphore(%run_scoped3A : memref<!tpu.dma_semaphore, #tpu.memory_space<semaphore_mem>>)
      %dma_wait3A_291 = tpu.memref_slice %arg3[%add3A_57] : memref<65536xi32, #tpu.memory_space<hbm>> -> memref<128xi32, #tpu.memory_space<hbm>>
      %dma_wait3A_292 = tpu.memref_slice %arg3[%add3A_57] : memref<65536xi32, #tpu.memory_space<hbm>> -> memref<128xi32, #tpu.memory_space<hbm>>
      tpu.wait_dma2 semaphore(%run_scoped3A : memref<!tpu.dma_semaphore, #tpu.memory_space<semaphore_mem>>) src(%dma_wait3A_292 : memref<128xi32, #tpu.memory_space<hbm>>) dst(%arg5 : memref<128xi32, #tpu.memory_space<vmem>>)
      tpu.yield
    }) : () -> ()
    %dma_start3A_62 = arith.constant 0 : i32
    %dma_start3A_63 = arith.constant 0 : i32
    %dma_start3A_64 = tpu.memref_slice %arg2[%dma_start3A_62, %dma_start3A_63] : memref<65536x128xf32, #tpu.memory_space<hbm>> -> memref<65536x128xf32, #tpu.memory_space<hbm>>
    tpu.enqueue_indirect_dma source(%dma_start3A_64 : memref<65536x128xf32, #tpu.memory_space<hbm>>) target(%arg7 : memref<128x128xf32, #tpu.memory_space<vmem>>) offsets(%arg5 : memref<128xi32, #tpu.memory_space<vmem>>) semaphore(%arg9 : memref<!tpu.dma_semaphore, #tpu.memory_space<semaphore_mem>>)
    %dma_wait3A_65 = arith.constant 0 : i32
    %dma_wait3A_66 = arith.constant 0 : i32
    %dma_wait3A_67 = tpu.memref_slice %arg2[%dma_wait3A_65, %dma_wait3A_66] : memref<65536x128xf32, #tpu.memory_space<hbm>> -> memref<65536x128xf32, #tpu.memory_space<hbm>>
    tpu.wait_indirect_dma semaphore(%arg10 : memref<!tpu.dma_semaphore, #tpu.memory_space<semaphore_mem>>) src(%dma_wait3A_67 : memref<65536x128xf32, #tpu.memory_space<hbm>>) dst(%arg8 : memref<128x128xf32, #tpu.memory_space<vmem>>)
    %add3A_68 = arith.constant 384 : i32
    %add3A_69 = arith.addi %mul3A_2, %add3A_68 : i32
    %dma_start3A_70 = arith.constant 0 : i32
    %dma_start3A_71 = tpu.memref_slice %arg4[%add3A_69, %dma_start3A_70] : memref<65536x128xf32, #tpu.memory_space<hbm>> -> memref<128x128xf32, #tpu.memory_space<hbm>>
    %dma_start3A_72 = arith.constant 0 : i32
    %dma_start3A_73 = tpu.memref_slice %arg4[%add3A_69, %dma_start3A_72] : memref<65536x128xf32, #tpu.memory_space<hbm>> -> memref<128x128xf32, #tpu.memory_space<hbm>>
    tpu.enqueue_dma source(%arg8 : memref<128x128xf32, #tpu.memory_space<vmem>>) target(%dma_start3A_73 : memref<128x128xf32, #tpu.memory_space<hbm>>) target_semaphore(%arg12 : memref<!tpu.dma_semaphore, #tpu.memory_space<semaphore_mem>>)
    %add3A_74 = arith.constant 640 : i32
    %add3A_75 = arith.addi %mul3A_2, %add3A_74 : i32
    %dma_wait3A_76 = arith.constant 0 : i32
    %dma_wait3A_77 = tpu.memref_slice %arg4[%add3A_69, %dma_wait3A_76] : memref<65536x128xf32, #tpu.memory_space<hbm>> -> memref<128x128xf32, #tpu.memory_space<hbm>>
    %dma_wait3A_78 = arith.constant 0 : i32
    %dma_wait3A_79 = tpu.memref_slice %arg4[%add3A_69, %dma_wait3A_78] : memref<65536x128xf32, #tpu.memory_space<hbm>> -> memref<128x128xf32, #tpu.memory_space<hbm>>
    tpu.wait_dma2 semaphore(%arg12 : memref<!tpu.dma_semaphore, #tpu.memory_space<semaphore_mem>>) src(%arg8 : memref<128x128xf32, #tpu.memory_space<vmem>>) dst(%dma_wait3A_79 : memref<128x128xf32, #tpu.memory_space<hbm>>)
    "tpu.region"() ({
      %run_scoped3A = tpu.sem_alloc : memref<!tpu.dma_semaphore, #tpu.memory_space<semaphore_mem>>
      %dma_start3A_289 = tpu.memref_slice %arg3[%add3A_75] : memref<65536xi32, #tpu.memory_space<hbm>> -> memref<128xi32, #tpu.memory_space<hbm>>
      %dma_start3A_290 = tpu.memref_slice %arg3[%add3A_75] : memref<65536xi32, #tpu.memory_space<hbm>> -> memref<128xi32, #tpu.memory_space<hbm>>
      tpu.enqueue_dma source(%dma_start3A_290 : memref<128xi32, #tpu.memory_space<hbm>>) target(%arg6 : memref<128xi32, #tpu.memory_space<vmem>>) target_semaphore(%run_scoped3A : memref<!tpu.dma_semaphore, #tpu.memory_space<semaphore_mem>>)
      %dma_wait3A_291 = tpu.memref_slice %arg3[%add3A_75] : memref<65536xi32, #tpu.memory_space<hbm>> -> memref<128xi32, #tpu.memory_space<hbm>>
      %dma_wait3A_292 = tpu.memref_slice %arg3[%add3A_75] : memref<65536xi32, #tpu.memory_space<hbm>> -> memref<128xi32, #tpu.memory_space<hbm>>
      tpu.wait_dma2 semaphore(%run_scoped3A : memref<!tpu.dma_semaphore, #tpu.memory_space<semaphore_mem>>) src(%dma_wait3A_292 : memref<128xi32, #tpu.memory_space<hbm>>) dst(%arg6 : memref<128xi32, #tpu.memory_space<vmem>>)
      tpu.yield
    }) : () -> ()
    %dma_start3A_80 = arith.constant 0 : i32
    %dma_start3A_81 = arith.constant 0 : i32
    %dma_start3A_82 = tpu.memref_slice %arg2[%dma_start3A_80, %dma_start3A_81] : memref<65536x128xf32, #tpu.memory_space<hbm>> -> memref<65536x128xf32, #tpu.memory_space<hbm>>
    tpu.enqueue_indirect_dma source(%dma_start3A_82 : memref<65536x128xf32, #tpu.memory_space<hbm>>) target(%arg8 : memref<128x128xf32, #tpu.memory_space<vmem>>) offsets(%arg6 : memref<128xi32, #tpu.memory_space<vmem>>) semaphore(%arg10 : memref<!tpu.dma_semaphore, #tpu.memory_space<semaphore_mem>>)
    %dma_wait3A_83 = arith.constant 0 : i32
    %dma_wait3A_84 = arith.constant 0 : i32
    %dma_wait3A_85 = tpu.memref_slice %arg2[%dma_wait3A_83, %dma_wait3A_84] : memref<65536x128xf32, #tpu.memory_space<hbm>> -> memref<65536x128xf32, #tpu.memory_space<hbm>>
    tpu.wait_indirect_dma semaphore(%arg9 : memref<!tpu.dma_semaphore, #tpu.memory_space<semaphore_mem>>) src(%dma_wait3A_85 : memref<65536x128xf32, #tpu.memory_space<hbm>>) dst(%arg7 : memref<128x128xf32, #tpu.memory_space<vmem>>)
    %add3A_86 = arith.constant 512 : i32
    %add3A_87 = arith.addi %mul3A_2, %add3A_86 : i32
    %dma_start3A_88 = arith.constant 0 : i32
    %dma_start3A_89 = tpu.memref_slice %arg4[%add3A_87, %dma_start3A_88] : memref<65536x128xf32, #tpu.memory_space<hbm>> -> memref<128x128xf32, #tpu.memory_space<hbm>>
    %dma_start3A_90 = arith.constant 0 : i32
    %dma_start3A_91 = tpu.memref_slice %arg4[%add3A_87, %dma_start3A_90] : memref<65536x128xf32, #tpu.memory_space<hbm>> -> memref<128x128xf32, #tpu.memory_space<hbm>>
    tpu.enqueue_dma source(%arg7 : memref<128x128xf32, #tpu.memory_space<vmem>>) target(%dma_start3A_91 : memref<128x128xf32, #tpu.memory_space<hbm>>) target_semaphore(%arg11 : memref<!tpu.dma_semaphore, #tpu.memory_space<semaphore_mem>>)
    %add3A_92 = arith.constant 768 : i32
    %add3A_93 = arith.addi %mul3A_2, %add3A_92 : i32
    %dma_wait3A_94 = arith.constant 0 : i32
    %dma_wait3A_95 = tpu.memref_slice %arg4[%add3A_87, %dma_wait3A_94] : memref<65536x128xf32, #tpu.memory_space<hbm>> -> memref<128x128xf32, #tpu.memory_space<hbm>>
    %dma_wait3A_96 = arith.constant 0 : i32
    %dma_wait3A_97 = tpu.memref_slice %arg4[%add3A_87, %dma_wait3A_96] : memref<65536x128xf32, #tpu.memory_space<hbm>> -> memref<128x128xf32, #tpu.memory_space<hbm>>
    tpu.wait_dma2 semaphore(%arg11 : memref<!tpu.dma_semaphore, #tpu.memory_space<semaphore_mem>>) src(%arg7 : memref<128x128xf32, #tpu.memory_space<vmem>>) dst(%dma_wait3A_97 : memref<128x128xf32, #tpu.memory_space<hbm>>)
    "tpu.region"() ({
      %run_scoped3A = tpu.sem_alloc : memref<!tpu.dma_semaphore, #tpu.memory_space<semaphore_mem>>
      %dma_start3A_289 = tpu.memref_slice %arg3[%add3A_93] : memref<65536xi32, #tpu.memory_space<hbm>> -> memref<128xi32, #tpu.memory_space<hbm>>
      %dma_start3A_290 = tpu.memref_slice %arg3[%add3A_93] : memref<65536xi32, #tpu.memory_space<hbm>> -> memref<128xi32, #tpu.memory_space<hbm>>
      tpu.enqueue_dma source(%dma_start3A_290 : memref<128xi32, #tpu.memory_space<hbm>>) target(%arg5 : memref<128xi32, #tpu.memory_space<vmem>>) target_semaphore(%run_scoped3A : memref<!tpu.dma_semaphore, #tpu.memory_space<semaphore_mem>>)
      %dma_wait3A_291 = tpu.memref_slice %arg3[%add3A_93] : memref<65536xi32, #tpu.memory_space<hbm>> -> memref<128xi32, #tpu.memory_space<hbm>>
      %dma_wait3A_292 = tpu.memref_slice %arg3[%add3A_93] : memref<65536xi32, #tpu.memory_space<hbm>> -> memref<128xi32, #tpu.memory_space<hbm>>
      tpu.wait_dma2 semaphore(%run_scoped3A : memref<!tpu.dma_semaphore, #tpu.memory_space<semaphore_mem>>) src(%dma_wait3A_292 : memref<128xi32, #tpu.memory_space<hbm>>) dst(%arg5 : memref<128xi32, #tpu.memory_space<vmem>>)
      tpu.yield
    }) : () -> ()
    %dma_start3A_98 = arith.constant 0 : i32
    %dma_start3A_99 = arith.constant 0 : i32
    %dma_start3A_100 = tpu.memref_slice %arg2[%dma_start3A_98, %dma_start3A_99] : memref<65536x128xf32, #tpu.memory_space<hbm>> -> memref<65536x128xf32, #tpu.memory_space<hbm>>
    tpu.enqueue_indirect_dma source(%dma_start3A_100 : memref<65536x128xf32, #tpu.memory_space<hbm>>) target(%arg7 : memref<128x128xf32, #tpu.memory_space<vmem>>) offsets(%arg5 : memref<128xi32, #tpu.memory_space<vmem>>) semaphore(%arg9 : memref<!tpu.dma_semaphore, #tpu.memory_space<semaphore_mem>>)
    %dma_wait3A_101 = arith.constant 0 : i32
    %dma_wait3A_102 = arith.constant 0 : i32
    %dma_wait3A_103 = tpu.memref_slice %arg2[%dma_wait3A_101, %dma_wait3A_102] : memref<65536x128xf32, #tpu.memory_space<hbm>> -> memref<65536x128xf32, #tpu.memory_space<hbm>>
    tpu.wait_indirect_dma semaphore(%arg10 : memref<!tpu.dma_semaphore, #tpu.memory_space<semaphore_mem>>) src(%dma_wait3A_103 : memref<65536x128xf32, #tpu.memory_space<hbm>>) dst(%arg8 : memref<128x128xf32, #tpu.memory_space<vmem>>)
    %add3A_104 = arith.constant 640 : i32
    %add3A_105 = arith.addi %mul3A_2, %add3A_104 : i32
    %dma_start3A_106 = arith.constant 0 : i32
    %dma_start3A_107 = tpu.memref_slice %arg4[%add3A_105, %dma_start3A_106] : memref<65536x128xf32, #tpu.memory_space<hbm>> -> memref<128x128xf32, #tpu.memory_space<hbm>>
    %dma_start3A_108 = arith.constant 0 : i32
    %dma_start3A_109 = tpu.memref_slice %arg4[%add3A_105, %dma_start3A_108] : memref<65536x128xf32, #tpu.memory_space<hbm>> -> memref<128x128xf32, #tpu.memory_space<hbm>>
    tpu.enqueue_dma source(%arg8 : memref<128x128xf32, #tpu.memory_space<vmem>>) target(%dma_start3A_109 : memref<128x128xf32, #tpu.memory_space<hbm>>) target_semaphore(%arg12 : memref<!tpu.dma_semaphore, #tpu.memory_space<semaphore_mem>>)
    %add3A_110 = arith.constant 896 : i32
    %add3A_111 = arith.addi %mul3A_2, %add3A_110 : i32
    %dma_wait3A_112 = arith.constant 0 : i32
    %dma_wait3A_113 = tpu.memref_slice %arg4[%add3A_105, %dma_wait3A_112] : memref<65536x128xf32, #tpu.memory_space<hbm>> -> memref<128x128xf32, #tpu.memory_space<hbm>>
    %dma_wait3A_114 = arith.constant 0 : i32
    %dma_wait3A_115 = tpu.memref_slice %arg4[%add3A_105, %dma_wait3A_114] : memref<65536x128xf32, #tpu.memory_space<hbm>> -> memref<128x128xf32, #tpu.memory_space<hbm>>
    tpu.wait_dma2 semaphore(%arg12 : memref<!tpu.dma_semaphore, #tpu.memory_space<semaphore_mem>>) src(%arg8 : memref<128x128xf32, #tpu.memory_space<vmem>>) dst(%dma_wait3A_115 : memref<128x128xf32, #tpu.memory_space<hbm>>)
    "tpu.region"() ({
      %run_scoped3A = tpu.sem_alloc : memref<!tpu.dma_semaphore, #tpu.memory_space<semaphore_mem>>
      %dma_start3A_289 = tpu.memref_slice %arg3[%add3A_111] : memref<65536xi32, #tpu.memory_space<hbm>> -> memref<128xi32, #tpu.memory_space<hbm>>
      %dma_start3A_290 = tpu.memref_slice %arg3[%add3A_111] : memref<65536xi32, #tpu.memory_space<hbm>> -> memref<128xi32, #tpu.memory_space<hbm>>
      tpu.enqueue_dma source(%dma_start3A_290 : memref<128xi32, #tpu.memory_space<hbm>>) target(%arg6 : memref<128xi32, #tpu.memory_space<vmem>>) target_semaphore(%run_scoped3A : memref<!tpu.dma_semaphore, #tpu.memory_space<semaphore_mem>>)
      %dma_wait3A_291 = tpu.memref_slice %arg3[%add3A_111] : memref<65536xi32, #tpu.memory_space<hbm>> -> memref<128xi32, #tpu.memory_space<hbm>>
      %dma_wait3A_292 = tpu.memref_slice %arg3[%add3A_111] : memref<65536xi32, #tpu.memory_space<hbm>> -> memref<128xi32, #tpu.memory_space<hbm>>
      tpu.wait_dma2 semaphore(%run_scoped3A : memref<!tpu.dma_semaphore, #tpu.memory_space<semaphore_mem>>) src(%dma_wait3A_292 : memref<128xi32, #tpu.memory_space<hbm>>) dst(%arg6 : memref<128xi32, #tpu.memory_space<vmem>>)
      tpu.yield
    }) : () -> ()
    %dma_start3A_116 = arith.constant 0 : i32
    %dma_start3A_117 = arith.constant 0 : i32
    %dma_start3A_118 = tpu.memref_slice %arg2[%dma_start3A_116, %dma_start3A_117] : memref<65536x128xf32, #tpu.memory_space<hbm>> -> memref<65536x128xf32, #tpu.memory_space<hbm>>
    tpu.enqueue_indirect_dma source(%dma_start3A_118 : memref<65536x128xf32, #tpu.memory_space<hbm>>) target(%arg8 : memref<128x128xf32, #tpu.memory_space<vmem>>) offsets(%arg6 : memref<128xi32, #tpu.memory_space<vmem>>) semaphore(%arg10 : memref<!tpu.dma_semaphore, #tpu.memory_space<semaphore_mem>>)
    %dma_wait3A_119 = arith.constant 0 : i32
    %dma_wait3A_120 = arith.constant 0 : i32
    %dma_wait3A_121 = tpu.memref_slice %arg2[%dma_wait3A_119, %dma_wait3A_120] : memref<65536x128xf32, #tpu.memory_space<hbm>> -> memref<65536x128xf32, #tpu.memory_space<hbm>>
    tpu.wait_indirect_dma semaphore(%arg9 : memref<!tpu.dma_semaphore, #tpu.memory_space<semaphore_mem>>) src(%dma_wait3A_121 : memref<65536x128xf32, #tpu.memory_space<hbm>>) dst(%arg7 : memref<128x128xf32, #tpu.memory_space<vmem>>)
    %add3A_122 = arith.constant 768 : i32
    %add3A_123 = arith.addi %mul3A_2, %add3A_122 : i32
    %dma_start3A_124 = arith.constant 0 : i32
    %dma_start3A_125 = tpu.memref_slice %arg4[%add3A_123, %dma_start3A_124] : memref<65536x128xf32, #tpu.memory_space<hbm>> -> memref<128x128xf32, #tpu.memory_space<hbm>>
    %dma_start3A_126 = arith.constant 0 : i32
    %dma_start3A_127 = tpu.memref_slice %arg4[%add3A_123, %dma_start3A_126] : memref<65536x128xf32, #tpu.memory_space<hbm>> -> memref<128x128xf32, #tpu.memory_space<hbm>>
    tpu.enqueue_dma source(%arg7 : memref<128x128xf32, #tpu.memory_space<vmem>>) target(%dma_start3A_127 : memref<128x128xf32, #tpu.memory_space<hbm>>) target_semaphore(%arg11 : memref<!tpu.dma_semaphore, #tpu.memory_space<semaphore_mem>>)
    %add3A_128 = arith.constant 1024 : i32
    %add3A_129 = arith.addi %mul3A_2, %add3A_128 : i32
    %dma_wait3A_130 = arith.constant 0 : i32
    %dma_wait3A_131 = tpu.memref_slice %arg4[%add3A_123, %dma_wait3A_130] : memref<65536x128xf32, #tpu.memory_space<hbm>> -> memref<128x128xf32, #tpu.memory_space<hbm>>
    %dma_wait3A_132 = arith.constant 0 : i32
    %dma_wait3A_133 = tpu.memref_slice %arg4[%add3A_123, %dma_wait3A_132] : memref<65536x128xf32, #tpu.memory_space<hbm>> -> memref<128x128xf32, #tpu.memory_space<hbm>>
    tpu.wait_dma2 semaphore(%arg11 : memref<!tpu.dma_semaphore, #tpu.memory_space<semaphore_mem>>) src(%arg7 : memref<128x128xf32, #tpu.memory_space<vmem>>) dst(%dma_wait3A_133 : memref<128x128xf32, #tpu.memory_space<hbm>>)
    "tpu.region"() ({
      %run_scoped3A = tpu.sem_alloc : memref<!tpu.dma_semaphore, #tpu.memory_space<semaphore_mem>>
      %dma_start3A_289 = tpu.memref_slice %arg3[%add3A_129] : memref<65536xi32, #tpu.memory_space<hbm>> -> memref<128xi32, #tpu.memory_space<hbm>>
      %dma_start3A_290 = tpu.memref_slice %arg3[%add3A_129] : memref<65536xi32, #tpu.memory_space<hbm>> -> memref<128xi32, #tpu.memory_space<hbm>>
      tpu.enqueue_dma source(%dma_start3A_290 : memref<128xi32, #tpu.memory_space<hbm>>) target(%arg5 : memref<128xi32, #tpu.memory_space<vmem>>) target_semaphore(%run_scoped3A : memref<!tpu.dma_semaphore, #tpu.memory_space<semaphore_mem>>)
      %dma_wait3A_291 = tpu.memref_slice %arg3[%add3A_129] : memref<65536xi32, #tpu.memory_space<hbm>> -> memref<128xi32, #tpu.memory_space<hbm>>
      %dma_wait3A_292 = tpu.memref_slice %arg3[%add3A_129] : memref<65536xi32, #tpu.memory_space<hbm>> -> memref<128xi32, #tpu.memory_space<hbm>>
      tpu.wait_dma2 semaphore(%run_scoped3A : memref<!tpu.dma_semaphore, #tpu.memory_space<semaphore_mem>>) src(%dma_wait3A_292 : memref<128xi32, #tpu.memory_space<hbm>>) dst(%arg5 : memref<128xi32, #tpu.memory_space<vmem>>)
      tpu.yield
    }) : () -> ()
    %dma_start3A_134 = arith.constant 0 : i32
    %dma_start3A_135 = arith.constant 0 : i32
    %dma_start3A_136 = tpu.memref_slice %arg2[%dma_start3A_134, %dma_start3A_135] : memref<65536x128xf32, #tpu.memory_space<hbm>> -> memref<65536x128xf32, #tpu.memory_space<hbm>>
    tpu.enqueue_indirect_dma source(%dma_start3A_136 : memref<65536x128xf32, #tpu.memory_space<hbm>>) target(%arg7 : memref<128x128xf32, #tpu.memory_space<vmem>>) offsets(%arg5 : memref<128xi32, #tpu.memory_space<vmem>>) semaphore(%arg9 : memref<!tpu.dma_semaphore, #tpu.memory_space<semaphore_mem>>)
    %dma_wait3A_137 = arith.constant 0 : i32
    %dma_wait3A_138 = arith.constant 0 : i32
    %dma_wait3A_139 = tpu.memref_slice %arg2[%dma_wait3A_137, %dma_wait3A_138] : memref<65536x128xf32, #tpu.memory_space<hbm>> -> memref<65536x128xf32, #tpu.memory_space<hbm>>
    tpu.wait_indirect_dma semaphore(%arg10 : memref<!tpu.dma_semaphore, #tpu.memory_space<semaphore_mem>>) src(%dma_wait3A_139 : memref<65536x128xf32, #tpu.memory_space<hbm>>) dst(%arg8 : memref<128x128xf32, #tpu.memory_space<vmem>>)
    %add3A_140 = arith.constant 896 : i32
    %add3A_141 = arith.addi %mul3A_2, %add3A_140 : i32
    %dma_start3A_142 = arith.constant 0 : i32
    %dma_start3A_143 = tpu.memref_slice %arg4[%add3A_141, %dma_start3A_142] : memref<65536x128xf32, #tpu.memory_space<hbm>> -> memref<128x128xf32, #tpu.memory_space<hbm>>
    %dma_start3A_144 = arith.constant 0 : i32
    %dma_start3A_145 = tpu.memref_slice %arg4[%add3A_141, %dma_start3A_144] : memref<65536x128xf32, #tpu.memory_space<hbm>> -> memref<128x128xf32, #tpu.memory_space<hbm>>
    tpu.enqueue_dma source(%arg8 : memref<128x128xf32, #tpu.memory_space<vmem>>) target(%dma_start3A_145 : memref<128x128xf32, #tpu.memory_space<hbm>>) target_semaphore(%arg12 : memref<!tpu.dma_semaphore, #tpu.memory_space<semaphore_mem>>)
    %add3A_146 = arith.constant 1152 : i32
    %add3A_147 = arith.addi %mul3A_2, %add3A_146 : i32
    %dma_wait3A_148 = arith.constant 0 : i32
    %dma_wait3A_149 = tpu.memref_slice %arg4[%add3A_141, %dma_wait3A_148] : memref<65536x128xf32, #tpu.memory_space<hbm>> -> memref<128x128xf32, #tpu.memory_space<hbm>>
    %dma_wait3A_150 = arith.constant 0 : i32
    %dma_wait3A_151 = tpu.memref_slice %arg4[%add3A_141, %dma_wait3A_150] : memref<65536x128xf32, #tpu.memory_space<hbm>> -> memref<128x128xf32, #tpu.memory_space<hbm>>
    tpu.wait_dma2 semaphore(%arg12 : memref<!tpu.dma_semaphore, #tpu.memory_space<semaphore_mem>>) src(%arg8 : memref<128x128xf32, #tpu.memory_space<vmem>>) dst(%dma_wait3A_151 : memref<128x128xf32, #tpu.memory_space<hbm>>)
    "tpu.region"() ({
      %run_scoped3A = tpu.sem_alloc : memref<!tpu.dma_semaphore, #tpu.memory_space<semaphore_mem>>
      %dma_start3A_289 = tpu.memref_slice %arg3[%add3A_147] : memref<65536xi32, #tpu.memory_space<hbm>> -> memref<128xi32, #tpu.memory_space<hbm>>
      %dma_start3A_290 = tpu.memref_slice %arg3[%add3A_147] : memref<65536xi32, #tpu.memory_space<hbm>> -> memref<128xi32, #tpu.memory_space<hbm>>
      tpu.enqueue_dma source(%dma_start3A_290 : memref<128xi32, #tpu.memory_space<hbm>>) target(%arg6 : memref<128xi32, #tpu.memory_space<vmem>>) target_semaphore(%run_scoped3A : memref<!tpu.dma_semaphore, #tpu.memory_space<semaphore_mem>>)
      %dma_wait3A_291 = tpu.memref_slice %arg3[%add3A_147] : memref<65536xi32, #tpu.memory_space<hbm>> -> memref<128xi32, #tpu.memory_space<hbm>>
      %dma_wait3A_292 = tpu.memref_slice %arg3[%add3A_147] : memref<65536xi32, #tpu.memory_space<hbm>> -> memref<128xi32, #tpu.memory_space<hbm>>
      tpu.wait_dma2 semaphore(%run_scoped3A : memref<!tpu.dma_semaphore, #tpu.memory_space<semaphore_mem>>) src(%dma_wait3A_292 : memref<128xi32, #tpu.memory_space<hbm>>) dst(%arg6 : memref<128xi32, #tpu.memory_space<vmem>>)
      tpu.yield
    }) : () -> ()
    %dma_start3A_152 = arith.constant 0 : i32
    %dma_start3A_153 = arith.constant 0 : i32
    %dma_start3A_154 = tpu.memref_slice %arg2[%dma_start3A_152, %dma_start3A_153] : memref<65536x128xf32, #tpu.memory_space<hbm>> -> memref<65536x128xf32, #tpu.memory_space<hbm>>
    tpu.enqueue_indirect_dma source(%dma_start3A_154 : memref<65536x128xf32, #tpu.memory_space<hbm>>) target(%arg8 : memref<128x128xf32, #tpu.memory_space<vmem>>) offsets(%arg6 : memref<128xi32, #tpu.memory_space<vmem>>) semaphore(%arg10 : memref<!tpu.dma_semaphore, #tpu.memory_space<semaphore_mem>>)
    %dma_wait3A_155 = arith.constant 0 : i32
    %dma_wait3A_156 = arith.constant 0 : i32
    %dma_wait3A_157 = tpu.memref_slice %arg2[%dma_wait3A_155, %dma_wait3A_156] : memref<65536x128xf32, #tpu.memory_space<hbm>> -> memref<65536x128xf32, #tpu.memory_space<hbm>>
    tpu.wait_indirect_dma semaphore(%arg9 : memref<!tpu.dma_semaphore, #tpu.memory_space<semaphore_mem>>) src(%dma_wait3A_157 : memref<65536x128xf32, #tpu.memory_space<hbm>>) dst(%arg7 : memref<128x128xf32, #tpu.memory_space<vmem>>)
    %add3A_158 = arith.constant 1024 : i32
    %add3A_159 = arith.addi %mul3A_2, %add3A_158 : i32
    %dma_start3A_160 = arith.constant 0 : i32
    %dma_start3A_161 = tpu.memref_slice %arg4[%add3A_159, %dma_start3A_160] : memref<65536x128xf32, #tpu.memory_space<hbm>> -> memref<128x128xf32, #tpu.memory_space<hbm>>
    %dma_start3A_162 = arith.constant 0 : i32
    %dma_start3A_163 = tpu.memref_slice %arg4[%add3A_159, %dma_start3A_162] : memref<65536x128xf32, #tpu.memory_space<hbm>> -> memref<128x128xf32, #tpu.memory_space<hbm>>
    tpu.enqueue_dma source(%arg7 : memref<128x128xf32, #tpu.memory_space<vmem>>) target(%dma_start3A_163 : memref<128x128xf32, #tpu.memory_space<hbm>>) target_semaphore(%arg11 : memref<!tpu.dma_semaphore, #tpu.memory_space<semaphore_mem>>)
    %add3A_164 = arith.constant 1280 : i32
    %add3A_165 = arith.addi %mul3A_2, %add3A_164 : i32
    %dma_wait3A_166 = arith.constant 0 : i32
    %dma_wait3A_167 = tpu.memref_slice %arg4[%add3A_159, %dma_wait3A_166] : memref<65536x128xf32, #tpu.memory_space<hbm>> -> memref<128x128xf32, #tpu.memory_space<hbm>>
    %dma_wait3A_168 = arith.constant 0 : i32
    %dma_wait3A_169 = tpu.memref_slice %arg4[%add3A_159, %dma_wait3A_168] : memref<65536x128xf32, #tpu.memory_space<hbm>> -> memref<128x128xf32, #tpu.memory_space<hbm>>
    tpu.wait_dma2 semaphore(%arg11 : memref<!tpu.dma_semaphore, #tpu.memory_space<semaphore_mem>>) src(%arg7 : memref<128x128xf32, #tpu.memory_space<vmem>>) dst(%dma_wait3A_169 : memref<128x128xf32, #tpu.memory_space<hbm>>)
    "tpu.region"() ({
      %run_scoped3A = tpu.sem_alloc : memref<!tpu.dma_semaphore, #tpu.memory_space<semaphore_mem>>
      %dma_start3A_289 = tpu.memref_slice %arg3[%add3A_165] : memref<65536xi32, #tpu.memory_space<hbm>> -> memref<128xi32, #tpu.memory_space<hbm>>
      %dma_start3A_290 = tpu.memref_slice %arg3[%add3A_165] : memref<65536xi32, #tpu.memory_space<hbm>> -> memref<128xi32, #tpu.memory_space<hbm>>
      tpu.enqueue_dma source(%dma_start3A_290 : memref<128xi32, #tpu.memory_space<hbm>>) target(%arg5 : memref<128xi32, #tpu.memory_space<vmem>>) target_semaphore(%run_scoped3A : memref<!tpu.dma_semaphore, #tpu.memory_space<semaphore_mem>>)
      %dma_wait3A_291 = tpu.memref_slice %arg3[%add3A_165] : memref<65536xi32, #tpu.memory_space<hbm>> -> memref<128xi32, #tpu.memory_space<hbm>>
      %dma_wait3A_292 = tpu.memref_slice %arg3[%add3A_165] : memref<65536xi32, #tpu.memory_space<hbm>> -> memref<128xi32, #tpu.memory_space<hbm>>
      tpu.wait_dma2 semaphore(%run_scoped3A : memref<!tpu.dma_semaphore, #tpu.memory_space<semaphore_mem>>) src(%dma_wait3A_292 : memref<128xi32, #tpu.memory_space<hbm>>) dst(%arg5 : memref<128xi32, #tpu.memory_space<vmem>>)
      tpu.yield
    }) : () -> ()
    %dma_start3A_170 = arith.constant 0 : i32
    %dma_start3A_171 = arith.constant 0 : i32
    %dma_start3A_172 = tpu.memref_slice %arg2[%dma_start3A_170, %dma_start3A_171] : memref<65536x128xf32, #tpu.memory_space<hbm>> -> memref<65536x128xf32, #tpu.memory_space<hbm>>
    tpu.enqueue_indirect_dma source(%dma_start3A_172 : memref<65536x128xf32, #tpu.memory_space<hbm>>) target(%arg7 : memref<128x128xf32, #tpu.memory_space<vmem>>) offsets(%arg5 : memref<128xi32, #tpu.memory_space<vmem>>) semaphore(%arg9 : memref<!tpu.dma_semaphore, #tpu.memory_space<semaphore_mem>>)
    %dma_wait3A_173 = arith.constant 0 : i32
    %dma_wait3A_174 = arith.constant 0 : i32
    %dma_wait3A_175 = tpu.memref_slice %arg2[%dma_wait3A_173, %dma_wait3A_174] : memref<65536x128xf32, #tpu.memory_space<hbm>> -> memref<65536x128xf32, #tpu.memory_space<hbm>>
    tpu.wait_indirect_dma semaphore(%arg10 : memref<!tpu.dma_semaphore, #tpu.memory_space<semaphore_mem>>) src(%dma_wait3A_175 : memref<65536x128xf32, #tpu.memory_space<hbm>>) dst(%arg8 : memref<128x128xf32, #tpu.memory_space<vmem>>)
    %add3A_176 = arith.constant 1152 : i32
    %add3A_177 = arith.addi %mul3A_2, %add3A_176 : i32
    %dma_start3A_178 = arith.constant 0 : i32
    %dma_start3A_179 = tpu.memref_slice %arg4[%add3A_177, %dma_start3A_178] : memref<65536x128xf32, #tpu.memory_space<hbm>> -> memref<128x128xf32, #tpu.memory_space<hbm>>
    %dma_start3A_180 = arith.constant 0 : i32
    %dma_start3A_181 = tpu.memref_slice %arg4[%add3A_177, %dma_start3A_180] : memref<65536x128xf32, #tpu.memory_space<hbm>> -> memref<128x128xf32, #tpu.memory_space<hbm>>
    tpu.enqueue_dma source(%arg8 : memref<128x128xf32, #tpu.memory_space<vmem>>) target(%dma_start3A_181 : memref<128x128xf32, #tpu.memory_space<hbm>>) target_semaphore(%arg12 : memref<!tpu.dma_semaphore, #tpu.memory_space<semaphore_mem>>)
    %add3A_182 = arith.constant 1408 : i32
    %add3A_183 = arith.addi %mul3A_2, %add3A_182 : i32
    %dma_wait3A_184 = arith.constant 0 : i32
    %dma_wait3A_185 = tpu.memref_slice %arg4[%add3A_177, %dma_wait3A_184] : memref<65536x128xf32, #tpu.memory_space<hbm>> -> memref<128x128xf32, #tpu.memory_space<hbm>>
    %dma_wait3A_186 = arith.constant 0 : i32
    %dma_wait3A_187 = tpu.memref_slice %arg4[%add3A_177, %dma_wait3A_186] : memref<65536x128xf32, #tpu.memory_space<hbm>> -> memref<128x128xf32, #tpu.memory_space<hbm>>
    tpu.wait_dma2 semaphore(%arg12 : memref<!tpu.dma_semaphore, #tpu.memory_space<semaphore_mem>>) src(%arg8 : memref<128x128xf32, #tpu.memory_space<vmem>>) dst(%dma_wait3A_187 : memref<128x128xf32, #tpu.memory_space<hbm>>)
    "tpu.region"() ({
      %run_scoped3A = tpu.sem_alloc : memref<!tpu.dma_semaphore, #tpu.memory_space<semaphore_mem>>
      %dma_start3A_289 = tpu.memref_slice %arg3[%add3A_183] : memref<65536xi32, #tpu.memory_space<hbm>> -> memref<128xi32, #tpu.memory_space<hbm>>
      %dma_start3A_290 = tpu.memref_slice %arg3[%add3A_183] : memref<65536xi32, #tpu.memory_space<hbm>> -> memref<128xi32, #tpu.memory_space<hbm>>
      tpu.enqueue_dma source(%dma_start3A_290 : memref<128xi32, #tpu.memory_space<hbm>>) target(%arg6 : memref<128xi32, #tpu.memory_space<vmem>>) target_semaphore(%run_scoped3A : memref<!tpu.dma_semaphore, #tpu.memory_space<semaphore_mem>>)
      %dma_wait3A_291 = tpu.memref_slice %arg3[%add3A_183] : memref<65536xi32, #tpu.memory_space<hbm>> -> memref<128xi32, #tpu.memory_space<hbm>>
      %dma_wait3A_292 = tpu.memref_slice %arg3[%add3A_183] : memref<65536xi32, #tpu.memory_space<hbm>> -> memref<128xi32, #tpu.memory_space<hbm>>
      tpu.wait_dma2 semaphore(%run_scoped3A : memref<!tpu.dma_semaphore, #tpu.memory_space<semaphore_mem>>) src(%dma_wait3A_292 : memref<128xi32, #tpu.memory_space<hbm>>) dst(%arg6 : memref<128xi32, #tpu.memory_space<vmem>>)
      tpu.yield
    }) : () -> ()
    %dma_start3A_188 = arith.constant 0 : i32
    %dma_start3A_189 = arith.constant 0 : i32
    %dma_start3A_190 = tpu.memref_slice %arg2[%dma_start3A_188, %dma_start3A_189] : memref<65536x128xf32, #tpu.memory_space<hbm>> -> memref<65536x128xf32, #tpu.memory_space<hbm>>
    tpu.enqueue_indirect_dma source(%dma_start3A_190 : memref<65536x128xf32, #tpu.memory_space<hbm>>) target(%arg8 : memref<128x128xf32, #tpu.memory_space<vmem>>) offsets(%arg6 : memref<128xi32, #tpu.memory_space<vmem>>) semaphore(%arg10 : memref<!tpu.dma_semaphore, #tpu.memory_space<semaphore_mem>>)
    %dma_wait3A_191 = arith.constant 0 : i32
    %dma_wait3A_192 = arith.constant 0 : i32
    %dma_wait3A_193 = tpu.memref_slice %arg2[%dma_wait3A_191, %dma_wait3A_192] : memref<65536x128xf32, #tpu.memory_space<hbm>> -> memref<65536x128xf32, #tpu.memory_space<hbm>>
    tpu.wait_indirect_dma semaphore(%arg9 : memref<!tpu.dma_semaphore, #tpu.memory_space<semaphore_mem>>) src(%dma_wait3A_193 : memref<65536x128xf32, #tpu.memory_space<hbm>>) dst(%arg7 : memref<128x128xf32, #tpu.memory_space<vmem>>)
    %add3A_194 = arith.constant 1280 : i32
    %add3A_195 = arith.addi %mul3A_2, %add3A_194 : i32
    %dma_start3A_196 = arith.constant 0 : i32
    %dma_start3A_197 = tpu.memref_slice %arg4[%add3A_195, %dma_start3A_196] : memref<65536x128xf32, #tpu.memory_space<hbm>> -> memref<128x128xf32, #tpu.memory_space<hbm>>
    %dma_start3A_198 = arith.constant 0 : i32
    %dma_start3A_199 = tpu.memref_slice %arg4[%add3A_195, %dma_start3A_198] : memref<65536x128xf32, #tpu.memory_space<hbm>> -> memref<128x128xf32, #tpu.memory_space<hbm>>
    tpu.enqueue_dma source(%arg7 : memref<128x128xf32, #tpu.memory_space<vmem>>) target(%dma_start3A_199 : memref<128x128xf32, #tpu.memory_space<hbm>>) target_semaphore(%arg11 : memref<!tpu.dma_semaphore, #tpu.memory_space<semaphore_mem>>)
    %add3A_200 = arith.constant 1536 : i32
    %add3A_201 = arith.addi %mul3A_2, %add3A_200 : i32
    %dma_wait3A_202 = arith.constant 0 : i32
    %dma_wait3A_203 = tpu.memref_slice %arg4[%add3A_195, %dma_wait3A_202] : memref<65536x128xf32, #tpu.memory_space<hbm>> -> memref<128x128xf32, #tpu.memory_space<hbm>>
    %dma_wait3A_204 = arith.constant 0 : i32
    %dma_wait3A_205 = tpu.memref_slice %arg4[%add3A_195, %dma_wait3A_204] : memref<65536x128xf32, #tpu.memory_space<hbm>> -> memref<128x128xf32, #tpu.memory_space<hbm>>
    tpu.wait_dma2 semaphore(%arg11 : memref<!tpu.dma_semaphore, #tpu.memory_space<semaphore_mem>>) src(%arg7 : memref<128x128xf32, #tpu.memory_space<vmem>>) dst(%dma_wait3A_205 : memref<128x128xf32, #tpu.memory_space<hbm>>)
    "tpu.region"() ({
      %run_scoped3A = tpu.sem_alloc : memref<!tpu.dma_semaphore, #tpu.memory_space<semaphore_mem>>
      %dma_start3A_289 = tpu.memref_slice %arg3[%add3A_201] : memref<65536xi32, #tpu.memory_space<hbm>> -> memref<128xi32, #tpu.memory_space<hbm>>
      %dma_start3A_290 = tpu.memref_slice %arg3[%add3A_201] : memref<65536xi32, #tpu.memory_space<hbm>> -> memref<128xi32, #tpu.memory_space<hbm>>
      tpu.enqueue_dma source(%dma_start3A_290 : memref<128xi32, #tpu.memory_space<hbm>>) target(%arg5 : memref<128xi32, #tpu.memory_space<vmem>>) target_semaphore(%run_scoped3A : memref<!tpu.dma_semaphore, #tpu.memory_space<semaphore_mem>>)
      %dma_wait3A_291 = tpu.memref_slice %arg3[%add3A_201] : memref<65536xi32, #tpu.memory_space<hbm>> -> memref<128xi32, #tpu.memory_space<hbm>>
      %dma_wait3A_292 = tpu.memref_slice %arg3[%add3A_201] : memref<65536xi32, #tpu.memory_space<hbm>> -> memref<128xi32, #tpu.memory_space<hbm>>
      tpu.wait_dma2 semaphore(%run_scoped3A : memref<!tpu.dma_semaphore, #tpu.memory_space<semaphore_mem>>) src(%dma_wait3A_292 : memref<128xi32, #tpu.memory_space<hbm>>) dst(%arg5 : memref<128xi32, #tpu.memory_space<vmem>>)
      tpu.yield
    }) : () -> ()
    %dma_start3A_206 = arith.constant 0 : i32
    %dma_start3A_207 = arith.constant 0 : i32
    %dma_start3A_208 = tpu.memref_slice %arg2[%dma_start3A_206, %dma_start3A_207] : memref<65536x128xf32, #tpu.memory_space<hbm>> -> memref<65536x128xf32, #tpu.memory_space<hbm>>
    tpu.enqueue_indirect_dma source(%dma_start3A_208 : memref<65536x128xf32, #tpu.memory_space<hbm>>) target(%arg7 : memref<128x128xf32, #tpu.memory_space<vmem>>) offsets(%arg5 : memref<128xi32, #tpu.memory_space<vmem>>) semaphore(%arg9 : memref<!tpu.dma_semaphore, #tpu.memory_space<semaphore_mem>>)
    %dma_wait3A_209 = arith.constant 0 : i32
    %dma_wait3A_210 = arith.constant 0 : i32
    %dma_wait3A_211 = tpu.memref_slice %arg2[%dma_wait3A_209, %dma_wait3A_210] : memref<65536x128xf32, #tpu.memory_space<hbm>> -> memref<65536x128xf32, #tpu.memory_space<hbm>>
    tpu.wait_indirect_dma semaphore(%arg10 : memref<!tpu.dma_semaphore, #tpu.memory_space<semaphore_mem>>) src(%dma_wait3A_211 : memref<65536x128xf32, #tpu.memory_space<hbm>>) dst(%arg8 : memref<128x128xf32, #tpu.memory_space<vmem>>)
    %add3A_212 = arith.constant 1408 : i32
    %add3A_213 = arith.addi %mul3A_2, %add3A_212 : i32
    %dma_start3A_214 = arith.constant 0 : i32
    %dma_start3A_215 = tpu.memref_slice %arg4[%add3A_213, %dma_start3A_214] : memref<65536x128xf32, #tpu.memory_space<hbm>> -> memref<128x128xf32, #tpu.memory_space<hbm>>
    %dma_start3A_216 = arith.constant 0 : i32
    %dma_start3A_217 = tpu.memref_slice %arg4[%add3A_213, %dma_start3A_216] : memref<65536x128xf32, #tpu.memory_space<hbm>> -> memref<128x128xf32, #tpu.memory_space<hbm>>
    tpu.enqueue_dma source(%arg8 : memref<128x128xf32, #tpu.memory_space<vmem>>) target(%dma_start3A_217 : memref<128x128xf32, #tpu.memory_space<hbm>>) target_semaphore(%arg12 : memref<!tpu.dma_semaphore, #tpu.memory_space<semaphore_mem>>)
    %add3A_218 = arith.constant 1664 : i32
    %add3A_219 = arith.addi %mul3A_2, %add3A_218 : i32
    %dma_wait3A_220 = arith.constant 0 : i32
    %dma_wait3A_221 = tpu.memref_slice %arg4[%add3A_213, %dma_wait3A_220] : memref<65536x128xf32, #tpu.memory_space<hbm>> -> memref<128x128xf32, #tpu.memory_space<hbm>>
    %dma_wait3A_222 = arith.constant 0 : i32
    %dma_wait3A_223 = tpu.memref_slice %arg4[%add3A_213, %dma_wait3A_222] : memref<65536x128xf32, #tpu.memory_space<hbm>> -> memref<128x128xf32, #tpu.memory_space<hbm>>
    tpu.wait_dma2 semaphore(%arg12 : memref<!tpu.dma_semaphore, #tpu.memory_space<semaphore_mem>>) src(%arg8 : memref<128x128xf32, #tpu.memory_space<vmem>>) dst(%dma_wait3A_223 : memref<128x128xf32, #tpu.memory_space<hbm>>)
    "tpu.region"() ({
      %run_scoped3A = tpu.sem_alloc : memref<!tpu.dma_semaphore, #tpu.memory_space<semaphore_mem>>
      %dma_start3A_289 = tpu.memref_slice %arg3[%add3A_219] : memref<65536xi32, #tpu.memory_space<hbm>> -> memref<128xi32, #tpu.memory_space<hbm>>
      %dma_start3A_290 = tpu.memref_slice %arg3[%add3A_219] : memref<65536xi32, #tpu.memory_space<hbm>> -> memref<128xi32, #tpu.memory_space<hbm>>
      tpu.enqueue_dma source(%dma_start3A_290 : memref<128xi32, #tpu.memory_space<hbm>>) target(%arg6 : memref<128xi32, #tpu.memory_space<vmem>>) target_semaphore(%run_scoped3A : memref<!tpu.dma_semaphore, #tpu.memory_space<semaphore_mem>>)
      %dma_wait3A_291 = tpu.memref_slice %arg3[%add3A_219] : memref<65536xi32, #tpu.memory_space<hbm>> -> memref<128xi32, #tpu.memory_space<hbm>>
      %dma_wait3A_292 = tpu.memref_slice %arg3[%add3A_219] : memref<65536xi32, #tpu.memory_space<hbm>> -> memref<128xi32, #tpu.memory_space<hbm>>
      tpu.wait_dma2 semaphore(%run_scoped3A : memref<!tpu.dma_semaphore, #tpu.memory_space<semaphore_mem>>) src(%dma_wait3A_292 : memref<128xi32, #tpu.memory_space<hbm>>) dst(%arg6 : memref<128xi32, #tpu.memory_space<vmem>>)
      tpu.yield
    }) : () -> ()
    %dma_start3A_224 = arith.constant 0 : i32
    %dma_start3A_225 = arith.constant 0 : i32
    %dma_start3A_226 = tpu.memref_slice %arg2[%dma_start3A_224, %dma_start3A_225] : memref<65536x128xf32, #tpu.memory_space<hbm>> -> memref<65536x128xf32, #tpu.memory_space<hbm>>
    tpu.enqueue_indirect_dma source(%dma_start3A_226 : memref<65536x128xf32, #tpu.memory_space<hbm>>) target(%arg8 : memref<128x128xf32, #tpu.memory_space<vmem>>) offsets(%arg6 : memref<128xi32, #tpu.memory_space<vmem>>) semaphore(%arg10 : memref<!tpu.dma_semaphore, #tpu.memory_space<semaphore_mem>>)
    %dma_wait3A_227 = arith.constant 0 : i32
    %dma_wait3A_228 = arith.constant 0 : i32
    %dma_wait3A_229 = tpu.memref_slice %arg2[%dma_wait3A_227, %dma_wait3A_228] : memref<65536x128xf32, #tpu.memory_space<hbm>> -> memref<65536x128xf32, #tpu.memory_space<hbm>>
    tpu.wait_indirect_dma semaphore(%arg9 : memref<!tpu.dma_semaphore, #tpu.memory_space<semaphore_mem>>) src(%dma_wait3A_229 : memref<65536x128xf32, #tpu.memory_space<hbm>>) dst(%arg7 : memref<128x128xf32, #tpu.memory_space<vmem>>)
    %add3A_230 = arith.constant 1536 : i32
    %add3A_231 = arith.addi %mul3A_2, %add3A_230 : i32
    %dma_start3A_232 = arith.constant 0 : i32
    %dma_start3A_233 = tpu.memref_slice %arg4[%add3A_231, %dma_start3A_232] : memref<65536x128xf32, #tpu.memory_space<hbm>> -> memref<128x128xf32, #tpu.memory_space<hbm>>
    %dma_start3A_234 = arith.constant 0 : i32
    %dma_start3A_235 = tpu.memref_slice %arg4[%add3A_231, %dma_start3A_234] : memref<65536x128xf32, #tpu.memory_space<hbm>> -> memref<128x128xf32, #tpu.memory_space<hbm>>
    tpu.enqueue_dma source(%arg7 : memref<128x128xf32, #tpu.memory_space<vmem>>) target(%dma_start3A_235 : memref<128x128xf32, #tpu.memory_space<hbm>>) target_semaphore(%arg11 : memref<!tpu.dma_semaphore, #tpu.memory_space<semaphore_mem>>)
    %add3A_236 = arith.constant 1792 : i32
    %add3A_237 = arith.addi %mul3A_2, %add3A_236 : i32
    %dma_wait3A_238 = arith.constant 0 : i32
    %dma_wait3A_239 = tpu.memref_slice %arg4[%add3A_231, %dma_wait3A_238] : memref<65536x128xf32, #tpu.memory_space<hbm>> -> memref<128x128xf32, #tpu.memory_space<hbm>>
    %dma_wait3A_240 = arith.constant 0 : i32
    %dma_wait3A_241 = tpu.memref_slice %arg4[%add3A_231, %dma_wait3A_240] : memref<65536x128xf32, #tpu.memory_space<hbm>> -> memref<128x128xf32, #tpu.memory_space<hbm>>
    tpu.wait_dma2 semaphore(%arg11 : memref<!tpu.dma_semaphore, #tpu.memory_space<semaphore_mem>>) src(%arg7 : memref<128x128xf32, #tpu.memory_space<vmem>>) dst(%dma_wait3A_241 : memref<128x128xf32, #tpu.memory_space<hbm>>)
    "tpu.region"() ({
      %run_scoped3A = tpu.sem_alloc : memref<!tpu.dma_semaphore, #tpu.memory_space<semaphore_mem>>
      %dma_start3A_289 = tpu.memref_slice %arg3[%add3A_237] : memref<65536xi32, #tpu.memory_space<hbm>> -> memref<128xi32, #tpu.memory_space<hbm>>
      %dma_start3A_290 = tpu.memref_slice %arg3[%add3A_237] : memref<65536xi32, #tpu.memory_space<hbm>> -> memref<128xi32, #tpu.memory_space<hbm>>
      tpu.enqueue_dma source(%dma_start3A_290 : memref<128xi32, #tpu.memory_space<hbm>>) target(%arg5 : memref<128xi32, #tpu.memory_space<vmem>>) target_semaphore(%run_scoped3A : memref<!tpu.dma_semaphore, #tpu.memory_space<semaphore_mem>>)
      %dma_wait3A_291 = tpu.memref_slice %arg3[%add3A_237] : memref<65536xi32, #tpu.memory_space<hbm>> -> memref<128xi32, #tpu.memory_space<hbm>>
      %dma_wait3A_292 = tpu.memref_slice %arg3[%add3A_237] : memref<65536xi32, #tpu.memory_space<hbm>> -> memref<128xi32, #tpu.memory_space<hbm>>
      tpu.wait_dma2 semaphore(%run_scoped3A : memref<!tpu.dma_semaphore, #tpu.memory_space<semaphore_mem>>) src(%dma_wait3A_292 : memref<128xi32, #tpu.memory_space<hbm>>) dst(%arg5 : memref<128xi32, #tpu.memory_space<vmem>>)
      tpu.yield
    }) : () -> ()
    %dma_start3A_242 = arith.constant 0 : i32
    %dma_start3A_243 = arith.constant 0 : i32
    %dma_start3A_244 = tpu.memref_slice %arg2[%dma_start3A_242, %dma_start3A_243] : memref<65536x128xf32, #tpu.memory_space<hbm>> -> memref<65536x128xf32, #tpu.memory_space<hbm>>
    tpu.enqueue_indirect_dma source(%dma_start3A_244 : memref<65536x128xf32, #tpu.memory_space<hbm>>) target(%arg7 : memref<128x128xf32, #tpu.memory_space<vmem>>) offsets(%arg5 : memref<128xi32, #tpu.memory_space<vmem>>) semaphore(%arg9 : memref<!tpu.dma_semaphore, #tpu.memory_space<semaphore_mem>>)
    %dma_wait3A_245 = arith.constant 0 : i32
    %dma_wait3A_246 = arith.constant 0 : i32
    %dma_wait3A_247 = tpu.memref_slice %arg2[%dma_wait3A_245, %dma_wait3A_246] : memref<65536x128xf32, #tpu.memory_space<hbm>> -> memref<65536x128xf32, #tpu.memory_space<hbm>>
    tpu.wait_indirect_dma semaphore(%arg10 : memref<!tpu.dma_semaphore, #tpu.memory_space<semaphore_mem>>) src(%dma_wait3A_247 : memref<65536x128xf32, #tpu.memory_space<hbm>>) dst(%arg8 : memref<128x128xf32, #tpu.memory_space<vmem>>)
    %add3A_248 = arith.constant 1664 : i32
    %add3A_249 = arith.addi %mul3A_2, %add3A_248 : i32
    %dma_start3A_250 = arith.constant 0 : i32
    %dma_start3A_251 = tpu.memref_slice %arg4[%add3A_249, %dma_start3A_250] : memref<65536x128xf32, #tpu.memory_space<hbm>> -> memref<128x128xf32, #tpu.memory_space<hbm>>
    %dma_start3A_252 = arith.constant 0 : i32
    %dma_start3A_253 = tpu.memref_slice %arg4[%add3A_249, %dma_start3A_252] : memref<65536x128xf32, #tpu.memory_space<hbm>> -> memref<128x128xf32, #tpu.memory_space<hbm>>
    tpu.enqueue_dma source(%arg8 : memref<128x128xf32, #tpu.memory_space<vmem>>) target(%dma_start3A_253 : memref<128x128xf32, #tpu.memory_space<hbm>>) target_semaphore(%arg12 : memref<!tpu.dma_semaphore, #tpu.memory_space<semaphore_mem>>)
    %add3A_254 = arith.constant 1920 : i32
    %add3A_255 = arith.addi %mul3A_2, %add3A_254 : i32
    %dma_wait3A_256 = arith.constant 0 : i32
    %dma_wait3A_257 = tpu.memref_slice %arg4[%add3A_249, %dma_wait3A_256] : memref<65536x128xf32, #tpu.memory_space<hbm>> -> memref<128x128xf32, #tpu.memory_space<hbm>>
    %dma_wait3A_258 = arith.constant 0 : i32
    %dma_wait3A_259 = tpu.memref_slice %arg4[%add3A_249, %dma_wait3A_258] : memref<65536x128xf32, #tpu.memory_space<hbm>> -> memref<128x128xf32, #tpu.memory_space<hbm>>
    tpu.wait_dma2 semaphore(%arg12 : memref<!tpu.dma_semaphore, #tpu.memory_space<semaphore_mem>>) src(%arg8 : memref<128x128xf32, #tpu.memory_space<vmem>>) dst(%dma_wait3A_259 : memref<128x128xf32, #tpu.memory_space<hbm>>)
    "tpu.region"() ({
      %run_scoped3A = tpu.sem_alloc : memref<!tpu.dma_semaphore, #tpu.memory_space<semaphore_mem>>
      %dma_start3A_289 = tpu.memref_slice %arg3[%add3A_255] : memref<65536xi32, #tpu.memory_space<hbm>> -> memref<128xi32, #tpu.memory_space<hbm>>
      %dma_start3A_290 = tpu.memref_slice %arg3[%add3A_255] : memref<65536xi32, #tpu.memory_space<hbm>> -> memref<128xi32, #tpu.memory_space<hbm>>
      tpu.enqueue_dma source(%dma_start3A_290 : memref<128xi32, #tpu.memory_space<hbm>>) target(%arg6 : memref<128xi32, #tpu.memory_space<vmem>>) target_semaphore(%run_scoped3A : memref<!tpu.dma_semaphore, #tpu.memory_space<semaphore_mem>>)
      %dma_wait3A_291 = tpu.memref_slice %arg3[%add3A_255] : memref<65536xi32, #tpu.memory_space<hbm>> -> memref<128xi32, #tpu.memory_space<hbm>>
      %dma_wait3A_292 = tpu.memref_slice %arg3[%add3A_255] : memref<65536xi32, #tpu.memory_space<hbm>> -> memref<128xi32, #tpu.memory_space<hbm>>
      tpu.wait_dma2 semaphore(%run_scoped3A : memref<!tpu.dma_semaphore, #tpu.memory_space<semaphore_mem>>) src(%dma_wait3A_292 : memref<128xi32, #tpu.memory_space<hbm>>) dst(%arg6 : memref<128xi32, #tpu.memory_space<vmem>>)
      tpu.yield
    }) : () -> ()
    %dma_start3A_260 = arith.constant 0 : i32
    %dma_start3A_261 = arith.constant 0 : i32
    %dma_start3A_262 = tpu.memref_slice %arg2[%dma_start3A_260, %dma_start3A_261] : memref<65536x128xf32, #tpu.memory_space<hbm>> -> memref<65536x128xf32, #tpu.memory_space<hbm>>
    tpu.enqueue_indirect_dma source(%dma_start3A_262 : memref<65536x128xf32, #tpu.memory_space<hbm>>) target(%arg8 : memref<128x128xf32, #tpu.memory_space<vmem>>) offsets(%arg6 : memref<128xi32, #tpu.memory_space<vmem>>) semaphore(%arg10 : memref<!tpu.dma_semaphore, #tpu.memory_space<semaphore_mem>>)
    %dma_wait3A_263 = arith.constant 0 : i32
    %dma_wait3A_264 = arith.constant 0 : i32
    %dma_wait3A_265 = tpu.memref_slice %arg2[%dma_wait3A_263, %dma_wait3A_264] : memref<65536x128xf32, #tpu.memory_space<hbm>> -> memref<65536x128xf32, #tpu.memory_space<hbm>>
    tpu.wait_indirect_dma semaphore(%arg9 : memref<!tpu.dma_semaphore, #tpu.memory_space<semaphore_mem>>) src(%dma_wait3A_265 : memref<65536x128xf32, #tpu.memory_space<hbm>>) dst(%arg7 : memref<128x128xf32, #tpu.memory_space<vmem>>)
    %add3A_266 = arith.constant 1792 : i32
    %add3A_267 = arith.addi %mul3A_2, %add3A_266 : i32
    %dma_start3A_268 = arith.constant 0 : i32
    %dma_start3A_269 = tpu.memref_slice %arg4[%add3A_267, %dma_start3A_268] : memref<65536x128xf32, #tpu.memory_space<hbm>> -> memref<128x128xf32, #tpu.memory_space<hbm>>
    %dma_start3A_270 = arith.constant 0 : i32
    %dma_start3A_271 = tpu.memref_slice %arg4[%add3A_267, %dma_start3A_270] : memref<65536x128xf32, #tpu.memory_space<hbm>> -> memref<128x128xf32, #tpu.memory_space<hbm>>
    tpu.enqueue_dma source(%arg7 : memref<128x128xf32, #tpu.memory_space<vmem>>) target(%dma_start3A_271 : memref<128x128xf32, #tpu.memory_space<hbm>>) target_semaphore(%arg11 : memref<!tpu.dma_semaphore, #tpu.memory_space<semaphore_mem>>)
    %dma_wait3A_272 = arith.constant 0 : i32
    %dma_wait3A_273 = arith.constant 0 : i32
    %dma_wait3A_274 = tpu.memref_slice %arg2[%dma_wait3A_272, %dma_wait3A_273] : memref<65536x128xf32, #tpu.memory_space<hbm>> -> memref<65536x128xf32, #tpu.memory_space<hbm>>
    tpu.wait_indirect_dma semaphore(%arg10 : memref<!tpu.dma_semaphore, #tpu.memory_space<semaphore_mem>>) src(%dma_wait3A_274 : memref<65536x128xf32, #tpu.memory_space<hbm>>) dst(%arg8 : memref<128x128xf32, #tpu.memory_space<vmem>>)
    %add3A_275 = arith.constant 1920 : i32
    %add3A_276 = arith.addi %mul3A_2, %add3A_275 : i32
    %dma_start3A_277 = arith.constant 0 : i32
    %dma_start3A_278 = tpu.memref_slice %arg4[%add3A_276, %dma_start3A_277] : memref<65536x128xf32, #tpu.memory_space<hbm>> -> memref<128x128xf32, #tpu.memory_space<hbm>>
    %dma_start3A_279 = arith.constant 0 : i32
    %dma_start3A_280 = tpu.memref_slice %arg4[%add3A_276, %dma_start3A_279] : memref<65536x128xf32, #tpu.memory_space<hbm>> -> memref<128x128xf32, #tpu.memory_space<hbm>>
    tpu.enqueue_dma source(%arg8 : memref<128x128xf32, #tpu.memory_space<vmem>>) target(%dma_start3A_280 : memref<128x128xf32, #tpu.memory_space<hbm>>) target_semaphore(%arg12 : memref<!tpu.dma_semaphore, #tpu.memory_space<semaphore_mem>>)
    %dma_wait3A_281 = arith.constant 0 : i32
    %dma_wait3A_282 = tpu.memref_slice %arg4[%add3A_267, %dma_wait3A_281] : memref<65536x128xf32, #tpu.memory_space<hbm>> -> memref<128x128xf32, #tpu.memory_space<hbm>>
    %dma_wait3A_283 = arith.constant 0 : i32
    %dma_wait3A_284 = tpu.memref_slice %arg4[%add3A_267, %dma_wait3A_283] : memref<65536x128xf32, #tpu.memory_space<hbm>> -> memref<128x128xf32, #tpu.memory_space<hbm>>
    tpu.wait_dma2 semaphore(%arg11 : memref<!tpu.dma_semaphore, #tpu.memory_space<semaphore_mem>>) src(%arg7 : memref<128x128xf32, #tpu.memory_space<vmem>>) dst(%dma_wait3A_284 : memref<128x128xf32, #tpu.memory_space<hbm>>)
    %dma_wait3A_285 = arith.constant 0 : i32
    %dma_wait3A_286 = tpu.memref_slice %arg4[%add3A_276, %dma_wait3A_285] : memref<65536x128xf32, #tpu.memory_space<hbm>> -> memref<128x128xf32, #tpu.memory_space<hbm>>
    %dma_wait3A_287 = arith.constant 0 : i32
    %dma_wait3A_288 = tpu.memref_slice %arg4[%add3A_276, %dma_wait3A_287] : memref<65536x128xf32, #tpu.memory_space<hbm>> -> memref<128x128xf32, #tpu.memory_space<hbm>>
    tpu.wait_dma2 semaphore(%arg12 : memref<!tpu.dma_semaphore, #tpu.memory_space<semaphore_mem>>) src(%arg8 : memref<128x128xf32, #tpu.memory_space<vmem>>) dst(%dma_wait3A_288 : memref<128x128xf32, #tpu.memory_space<hbm>>)
    return
  }
}

#map = affine_map<(d0, d1) -> (0, 0)>
#map1 = affine_map<(d0, d1) -> (0)>
module attributes {stable_mosaic.version = 14 : i64} {
  func.func @permute(%arg0: i32, %arg1: i32, %arg2: memref<65536x128xf32, #tpu.memory_space<hbm>>, %arg3: memref<65536xi32, #tpu.memory_space<hbm>>, %arg4: memref<65536x128xf32, #tpu.memory_space<hbm>>, %arg5: memref<128xi32, #tpu.memory_space<vmem>>, %arg6: memref<128xi32, #tpu.memory_space<vmem>>, %arg7: memref<128x128xf32, #tpu.memory_space<vmem>>, %arg8: memref<128x128xf32, #tpu.memory_space<vmem>>, %arg9: memref<!tpu.dma_semaphore, #tpu.memory_space<semaphore_mem>>, %arg10: memref<!tpu.dma_semaphore, #tpu.memory_space<semaphore_mem>>, %arg11: memref<!tpu.dma_semaphore, #tpu.memory_space<semaphore_mem>>, %arg12: memref<!tpu.dma_semaphore, #tpu.memory_space<semaphore_mem>>) attributes {dimension_semantics = [#tpu.dimension_semantics<core_parallel>, #tpu.dimension_semantics<subcore_parallel>], iteration_bounds = array<i64: 2, 16>, scalar_prefetch = 0 : i64, scratch_operands = 8 : i64, tpu.core_type = #tpu.core_type<sc_vector_subcore>, window_params = [{transform_indices = #map}, {transform_indices = #map1}, {transform_indices = #map}]} {
    %mul3A = arith.constant 2 : i32
    %mul3A_0 = arith.muli %arg1, %mul3A : i32
    %add3A = arith.addi %mul3A_0, %arg0 : i32
    %mul3A_1 = arith.constant 2048 : i32
    %mul3A_2 = arith.muli %add3A, %mul3A_1 : i32
    %add3A_3 = arith.constant 0 : i32
    %add3A_4 = arith.addi %mul3A_2, %add3A_3 : i32
    "tpu.region"() ({
      %run_scoped3A = tpu.sem_alloc : memref<!tpu.dma_semaphore, #tpu.memory_space<semaphore_mem>>
      %dma_start3A_257 = tpu.memref_slice %arg3[%add3A_4] : memref<65536xi32, #tpu.memory_space<hbm>> -> memref<128xi32, #tpu.memory_space<hbm>>
      %dma_start3A_258 = tpu.memref_slice %arg3[%add3A_4] : memref<65536xi32, #tpu.memory_space<hbm>> -> memref<128xi32, #tpu.memory_space<hbm>>
      tpu.enqueue_dma source(%dma_start3A_258 : memref<128xi32, #tpu.memory_space<hbm>>) target(%arg5 : memref<128xi32, #tpu.memory_space<vmem>>) target_semaphore(%run_scoped3A : memref<!tpu.dma_semaphore, #tpu.memory_space<semaphore_mem>>)
      %dma_wait3A_259 = tpu.memref_slice %arg3[%add3A_4] : memref<65536xi32, #tpu.memory_space<hbm>> -> memref<128xi32, #tpu.memory_space<hbm>>
      %dma_wait3A_260 = tpu.memref_slice %arg3[%add3A_4] : memref<65536xi32, #tpu.memory_space<hbm>> -> memref<128xi32, #tpu.memory_space<hbm>>
      tpu.wait_dma2 semaphore(%run_scoped3A : memref<!tpu.dma_semaphore, #tpu.memory_space<semaphore_mem>>) src(%dma_wait3A_260 : memref<128xi32, #tpu.memory_space<hbm>>) dst(%arg5 : memref<128xi32, #tpu.memory_space<vmem>>)
      tpu.yield
    }) : () -> ()
    %dma_start3A = arith.constant 0 : i32
    %dma_start3A_5 = tpu.memref_slice %arg2[%add3A_4, %dma_start3A] : memref<65536x128xf32, #tpu.memory_space<hbm>> -> memref<128x128xf32, #tpu.memory_space<hbm>>
    %dma_start3A_6 = arith.constant 0 : i32
    %dma_start3A_7 = tpu.memref_slice %arg2[%add3A_4, %dma_start3A_6] : memref<65536x128xf32, #tpu.memory_space<hbm>> -> memref<128x128xf32, #tpu.memory_space<hbm>>
    tpu.enqueue_dma source(%dma_start3A_7 : memref<128x128xf32, #tpu.memory_space<hbm>>) target(%arg7 : memref<128x128xf32, #tpu.memory_space<vmem>>) target_semaphore(%arg9 : memref<!tpu.dma_semaphore, #tpu.memory_space<semaphore_mem>>)
    %add3A_8 = arith.constant 128 : i32
    %add3A_9 = arith.addi %mul3A_2, %add3A_8 : i32
    "tpu.region"() ({
      %run_scoped3A = tpu.sem_alloc : memref<!tpu.dma_semaphore, #tpu.memory_space<semaphore_mem>>
      %dma_start3A_257 = tpu.memref_slice %arg3[%add3A_9] : memref<65536xi32, #tpu.memory_space<hbm>> -> memref<128xi32, #tpu.memory_space<hbm>>
      %dma_start3A_258 = tpu.memref_slice %arg3[%add3A_9] : memref<65536xi32, #tpu.memory_space<hbm>> -> memref<128xi32, #tpu.memory_space<hbm>>
      tpu.enqueue_dma source(%dma_start3A_258 : memref<128xi32, #tpu.memory_space<hbm>>) target(%arg6 : memref<128xi32, #tpu.memory_space<vmem>>) target_semaphore(%run_scoped3A : memref<!tpu.dma_semaphore, #tpu.memory_space<semaphore_mem>>)
      %dma_wait3A_259 = tpu.memref_slice %arg3[%add3A_9] : memref<65536xi32, #tpu.memory_space<hbm>> -> memref<128xi32, #tpu.memory_space<hbm>>
      %dma_wait3A_260 = tpu.memref_slice %arg3[%add3A_9] : memref<65536xi32, #tpu.memory_space<hbm>> -> memref<128xi32, #tpu.memory_space<hbm>>
      tpu.wait_dma2 semaphore(%run_scoped3A : memref<!tpu.dma_semaphore, #tpu.memory_space<semaphore_mem>>) src(%dma_wait3A_260 : memref<128xi32, #tpu.memory_space<hbm>>) dst(%arg6 : memref<128xi32, #tpu.memory_space<vmem>>)
      tpu.yield
    }) : () -> ()
    %dma_start3A_10 = arith.constant 0 : i32
    %dma_start3A_11 = tpu.memref_slice %arg2[%add3A_9, %dma_start3A_10] : memref<65536x128xf32, #tpu.memory_space<hbm>> -> memref<128x128xf32, #tpu.memory_space<hbm>>
    %dma_start3A_12 = arith.constant 0 : i32
    %dma_start3A_13 = tpu.memref_slice %arg2[%add3A_9, %dma_start3A_12] : memref<65536x128xf32, #tpu.memory_space<hbm>> -> memref<128x128xf32, #tpu.memory_space<hbm>>
    tpu.enqueue_dma source(%dma_start3A_13 : memref<128x128xf32, #tpu.memory_space<hbm>>) target(%arg8 : memref<128x128xf32, #tpu.memory_space<vmem>>) target_semaphore(%arg10 : memref<!tpu.dma_semaphore, #tpu.memory_space<semaphore_mem>>)
    %dma_wait3A = arith.constant 0 : i32
    %dma_wait3A_14 = tpu.memref_slice %arg2[%add3A_4, %dma_wait3A] : memref<65536x128xf32, #tpu.memory_space<hbm>> -> memref<128x128xf32, #tpu.memory_space<hbm>>
    %dma_wait3A_15 = arith.constant 0 : i32
    %dma_wait3A_16 = tpu.memref_slice %arg2[%add3A_4, %dma_wait3A_15] : memref<65536x128xf32, #tpu.memory_space<hbm>> -> memref<128x128xf32, #tpu.memory_space<hbm>>
    tpu.wait_dma2 semaphore(%arg9 : memref<!tpu.dma_semaphore, #tpu.memory_space<semaphore_mem>>) src(%dma_wait3A_16 : memref<128x128xf32, #tpu.memory_space<hbm>>) dst(%arg7 : memref<128x128xf32, #tpu.memory_space<vmem>>)
    %dma_start3A_17 = arith.constant 0 : i32
    %dma_start3A_18 = arith.constant 0 : i32
    %dma_start3A_19 = tpu.memref_slice %arg4[%dma_start3A_17, %dma_start3A_18] : memref<65536x128xf32, #tpu.memory_space<hbm>> -> memref<65536x128xf32, #tpu.memory_space<hbm>>
    tpu.enqueue_indirect_dma source(%arg7 : memref<128x128xf32, #tpu.memory_space<vmem>>) target(%dma_start3A_19 : memref<65536x128xf32, #tpu.memory_space<hbm>>) offsets(%arg5 : memref<128xi32, #tpu.memory_space<vmem>>) semaphore(%arg11 : memref<!tpu.dma_semaphore, #tpu.memory_space<semaphore_mem>>)
    %add3A_20 = arith.constant 256 : i32
    %add3A_21 = arith.addi %mul3A_2, %add3A_20 : i32
    %dma_wait3A_22 = arith.constant 0 : i32
    %dma_wait3A_23 = arith.constant 0 : i32
    %dma_wait3A_24 = tpu.memref_slice %arg4[%dma_wait3A_22, %dma_wait3A_23] : memref<65536x128xf32, #tpu.memory_space<hbm>> -> memref<65536x128xf32, #tpu.memory_space<hbm>>
    tpu.wait_indirect_dma semaphore(%arg11 : memref<!tpu.dma_semaphore, #tpu.memory_space<semaphore_mem>>) src(%arg7 : memref<128x128xf32, #tpu.memory_space<vmem>>) dst(%dma_wait3A_24 : memref<65536x128xf32, #tpu.memory_space<hbm>>)
    "tpu.region"() ({
      %run_scoped3A = tpu.sem_alloc : memref<!tpu.dma_semaphore, #tpu.memory_space<semaphore_mem>>
      %dma_start3A_257 = tpu.memref_slice %arg3[%add3A_21] : memref<65536xi32, #tpu.memory_space<hbm>> -> memref<128xi32, #tpu.memory_space<hbm>>
      %dma_start3A_258 = tpu.memref_slice %arg3[%add3A_21] : memref<65536xi32, #tpu.memory_space<hbm>> -> memref<128xi32, #tpu.memory_space<hbm>>
      tpu.enqueue_dma source(%dma_start3A_258 : memref<128xi32, #tpu.memory_space<hbm>>) target(%arg5 : memref<128xi32, #tpu.memory_space<vmem>>) target_semaphore(%run_scoped3A : memref<!tpu.dma_semaphore, #tpu.memory_space<semaphore_mem>>)
      %dma_wait3A_259 = tpu.memref_slice %arg3[%add3A_21] : memref<65536xi32, #tpu.memory_space<hbm>> -> memref<128xi32, #tpu.memory_space<hbm>>
      %dma_wait3A_260 = tpu.memref_slice %arg3[%add3A_21] : memref<65536xi32, #tpu.memory_space<hbm>> -> memref<128xi32, #tpu.memory_space<hbm>>
      tpu.wait_dma2 semaphore(%run_scoped3A : memref<!tpu.dma_semaphore, #tpu.memory_space<semaphore_mem>>) src(%dma_wait3A_260 : memref<128xi32, #tpu.memory_space<hbm>>) dst(%arg5 : memref<128xi32, #tpu.memory_space<vmem>>)
      tpu.yield
    }) : () -> ()
    %dma_start3A_25 = arith.constant 0 : i32
    %dma_start3A_26 = tpu.memref_slice %arg2[%add3A_21, %dma_start3A_25] : memref<65536x128xf32, #tpu.memory_space<hbm>> -> memref<128x128xf32, #tpu.memory_space<hbm>>
    %dma_start3A_27 = arith.constant 0 : i32
    %dma_start3A_28 = tpu.memref_slice %arg2[%add3A_21, %dma_start3A_27] : memref<65536x128xf32, #tpu.memory_space<hbm>> -> memref<128x128xf32, #tpu.memory_space<hbm>>
    tpu.enqueue_dma source(%dma_start3A_28 : memref<128x128xf32, #tpu.memory_space<hbm>>) target(%arg7 : memref<128x128xf32, #tpu.memory_space<vmem>>) target_semaphore(%arg9 : memref<!tpu.dma_semaphore, #tpu.memory_space<semaphore_mem>>)
    %dma_wait3A_29 = arith.constant 0 : i32
    %dma_wait3A_30 = tpu.memref_slice %arg2[%add3A_9, %dma_wait3A_29] : memref<65536x128xf32, #tpu.memory_space<hbm>> -> memref<128x128xf32, #tpu.memory_space<hbm>>
    %dma_wait3A_31 = arith.constant 0 : i32
    %dma_wait3A_32 = tpu.memref_slice %arg2[%add3A_9, %dma_wait3A_31] : memref<65536x128xf32, #tpu.memory_space<hbm>> -> memref<128x128xf32, #tpu.memory_space<hbm>>
    tpu.wait_dma2 semaphore(%arg10 : memref<!tpu.dma_semaphore, #tpu.memory_space<semaphore_mem>>) src(%dma_wait3A_32 : memref<128x128xf32, #tpu.memory_space<hbm>>) dst(%arg8 : memref<128x128xf32, #tpu.memory_space<vmem>>)
    %dma_start3A_33 = arith.constant 0 : i32
    %dma_start3A_34 = arith.constant 0 : i32
    %dma_start3A_35 = tpu.memref_slice %arg4[%dma_start3A_33, %dma_start3A_34] : memref<65536x128xf32, #tpu.memory_space<hbm>> -> memref<65536x128xf32, #tpu.memory_space<hbm>>
    tpu.enqueue_indirect_dma source(%arg8 : memref<128x128xf32, #tpu.memory_space<vmem>>) target(%dma_start3A_35 : memref<65536x128xf32, #tpu.memory_space<hbm>>) offsets(%arg6 : memref<128xi32, #tpu.memory_space<vmem>>) semaphore(%arg12 : memref<!tpu.dma_semaphore, #tpu.memory_space<semaphore_mem>>)
    %add3A_36 = arith.constant 384 : i32
    %add3A_37 = arith.addi %mul3A_2, %add3A_36 : i32
    %dma_wait3A_38 = arith.constant 0 : i32
    %dma_wait3A_39 = arith.constant 0 : i32
    %dma_wait3A_40 = tpu.memref_slice %arg4[%dma_wait3A_38, %dma_wait3A_39] : memref<65536x128xf32, #tpu.memory_space<hbm>> -> memref<65536x128xf32, #tpu.memory_space<hbm>>
    tpu.wait_indirect_dma semaphore(%arg12 : memref<!tpu.dma_semaphore, #tpu.memory_space<semaphore_mem>>) src(%arg8 : memref<128x128xf32, #tpu.memory_space<vmem>>) dst(%dma_wait3A_40 : memref<65536x128xf32, #tpu.memory_space<hbm>>)
    "tpu.region"() ({
      %run_scoped3A = tpu.sem_alloc : memref<!tpu.dma_semaphore, #tpu.memory_space<semaphore_mem>>
      %dma_start3A_257 = tpu.memref_slice %arg3[%add3A_37] : memref<65536xi32, #tpu.memory_space<hbm>> -> memref<128xi32, #tpu.memory_space<hbm>>
      %dma_start3A_258 = tpu.memref_slice %arg3[%add3A_37] : memref<65536xi32, #tpu.memory_space<hbm>> -> memref<128xi32, #tpu.memory_space<hbm>>
      tpu.enqueue_dma source(%dma_start3A_258 : memref<128xi32, #tpu.memory_space<hbm>>) target(%arg6 : memref<128xi32, #tpu.memory_space<vmem>>) target_semaphore(%run_scoped3A : memref<!tpu.dma_semaphore, #tpu.memory_space<semaphore_mem>>)
      %dma_wait3A_259 = tpu.memref_slice %arg3[%add3A_37] : memref<65536xi32, #tpu.memory_space<hbm>> -> memref<128xi32, #tpu.memory_space<hbm>>
      %dma_wait3A_260 = tpu.memref_slice %arg3[%add3A_37] : memref<65536xi32, #tpu.memory_space<hbm>> -> memref<128xi32, #tpu.memory_space<hbm>>
      tpu.wait_dma2 semaphore(%run_scoped3A : memref<!tpu.dma_semaphore, #tpu.memory_space<semaphore_mem>>) src(%dma_wait3A_260 : memref<128xi32, #tpu.memory_space<hbm>>) dst(%arg6 : memref<128xi32, #tpu.memory_space<vmem>>)
      tpu.yield
    }) : () -> ()
    %dma_start3A_41 = arith.constant 0 : i32
    %dma_start3A_42 = tpu.memref_slice %arg2[%add3A_37, %dma_start3A_41] : memref<65536x128xf32, #tpu.memory_space<hbm>> -> memref<128x128xf32, #tpu.memory_space<hbm>>
    %dma_start3A_43 = arith.constant 0 : i32
    %dma_start3A_44 = tpu.memref_slice %arg2[%add3A_37, %dma_start3A_43] : memref<65536x128xf32, #tpu.memory_space<hbm>> -> memref<128x128xf32, #tpu.memory_space<hbm>>
    tpu.enqueue_dma source(%dma_start3A_44 : memref<128x128xf32, #tpu.memory_space<hbm>>) target(%arg8 : memref<128x128xf32, #tpu.memory_space<vmem>>) target_semaphore(%arg10 : memref<!tpu.dma_semaphore, #tpu.memory_space<semaphore_mem>>)
    %dma_wait3A_45 = arith.constant 0 : i32
    %dma_wait3A_46 = tpu.memref_slice %arg2[%add3A_21, %dma_wait3A_45] : memref<65536x128xf32, #tpu.memory_space<hbm>> -> memref<128x128xf32, #tpu.memory_space<hbm>>
    %dma_wait3A_47 = arith.constant 0 : i32
    %dma_wait3A_48 = tpu.memref_slice %arg2[%add3A_21, %dma_wait3A_47] : memref<65536x128xf32, #tpu.memory_space<hbm>> -> memref<128x128xf32, #tpu.memory_space<hbm>>
    tpu.wait_dma2 semaphore(%arg9 : memref<!tpu.dma_semaphore, #tpu.memory_space<semaphore_mem>>) src(%dma_wait3A_48 : memref<128x128xf32, #tpu.memory_space<hbm>>) dst(%arg7 : memref<128x128xf32, #tpu.memory_space<vmem>>)
    %dma_start3A_49 = arith.constant 0 : i32
    %dma_start3A_50 = arith.constant 0 : i32
    %dma_start3A_51 = tpu.memref_slice %arg4[%dma_start3A_49, %dma_start3A_50] : memref<65536x128xf32, #tpu.memory_space<hbm>> -> memref<65536x128xf32, #tpu.memory_space<hbm>>
    tpu.enqueue_indirect_dma source(%arg7 : memref<128x128xf32, #tpu.memory_space<vmem>>) target(%dma_start3A_51 : memref<65536x128xf32, #tpu.memory_space<hbm>>) offsets(%arg5 : memref<128xi32, #tpu.memory_space<vmem>>) semaphore(%arg11 : memref<!tpu.dma_semaphore, #tpu.memory_space<semaphore_mem>>)
    %add3A_52 = arith.constant 512 : i32
    %add3A_53 = arith.addi %mul3A_2, %add3A_52 : i32
    %dma_wait3A_54 = arith.constant 0 : i32
    %dma_wait3A_55 = arith.constant 0 : i32
    %dma_wait3A_56 = tpu.memref_slice %arg4[%dma_wait3A_54, %dma_wait3A_55] : memref<65536x128xf32, #tpu.memory_space<hbm>> -> memref<65536x128xf32, #tpu.memory_space<hbm>>
    tpu.wait_indirect_dma semaphore(%arg11 : memref<!tpu.dma_semaphore, #tpu.memory_space<semaphore_mem>>) src(%arg7 : memref<128x128xf32, #tpu.memory_space<vmem>>) dst(%dma_wait3A_56 : memref<65536x128xf32, #tpu.memory_space<hbm>>)
    "tpu.region"() ({
      %run_scoped3A = tpu.sem_alloc : memref<!tpu.dma_semaphore, #tpu.memory_space<semaphore_mem>>
      %dma_start3A_257 = tpu.memref_slice %arg3[%add3A_53] : memref<65536xi32, #tpu.memory_space<hbm>> -> memref<128xi32, #tpu.memory_space<hbm>>
      %dma_start3A_258 = tpu.memref_slice %arg3[%add3A_53] : memref<65536xi32, #tpu.memory_space<hbm>> -> memref<128xi32, #tpu.memory_space<hbm>>
      tpu.enqueue_dma source(%dma_start3A_258 : memref<128xi32, #tpu.memory_space<hbm>>) target(%arg5 : memref<128xi32, #tpu.memory_space<vmem>>) target_semaphore(%run_scoped3A : memref<!tpu.dma_semaphore, #tpu.memory_space<semaphore_mem>>)
      %dma_wait3A_259 = tpu.memref_slice %arg3[%add3A_53] : memref<65536xi32, #tpu.memory_space<hbm>> -> memref<128xi32, #tpu.memory_space<hbm>>
      %dma_wait3A_260 = tpu.memref_slice %arg3[%add3A_53] : memref<65536xi32, #tpu.memory_space<hbm>> -> memref<128xi32, #tpu.memory_space<hbm>>
      tpu.wait_dma2 semaphore(%run_scoped3A : memref<!tpu.dma_semaphore, #tpu.memory_space<semaphore_mem>>) src(%dma_wait3A_260 : memref<128xi32, #tpu.memory_space<hbm>>) dst(%arg5 : memref<128xi32, #tpu.memory_space<vmem>>)
      tpu.yield
    }) : () -> ()
    %dma_start3A_57 = arith.constant 0 : i32
    %dma_start3A_58 = tpu.memref_slice %arg2[%add3A_53, %dma_start3A_57] : memref<65536x128xf32, #tpu.memory_space<hbm>> -> memref<128x128xf32, #tpu.memory_space<hbm>>
    %dma_start3A_59 = arith.constant 0 : i32
    %dma_start3A_60 = tpu.memref_slice %arg2[%add3A_53, %dma_start3A_59] : memref<65536x128xf32, #tpu.memory_space<hbm>> -> memref<128x128xf32, #tpu.memory_space<hbm>>
    tpu.enqueue_dma source(%dma_start3A_60 : memref<128x128xf32, #tpu.memory_space<hbm>>) target(%arg7 : memref<128x128xf32, #tpu.memory_space<vmem>>) target_semaphore(%arg9 : memref<!tpu.dma_semaphore, #tpu.memory_space<semaphore_mem>>)
    %dma_wait3A_61 = arith.constant 0 : i32
    %dma_wait3A_62 = tpu.memref_slice %arg2[%add3A_37, %dma_wait3A_61] : memref<65536x128xf32, #tpu.memory_space<hbm>> -> memref<128x128xf32, #tpu.memory_space<hbm>>
    %dma_wait3A_63 = arith.constant 0 : i32
    %dma_wait3A_64 = tpu.memref_slice %arg2[%add3A_37, %dma_wait3A_63] : memref<65536x128xf32, #tpu.memory_space<hbm>> -> memref<128x128xf32, #tpu.memory_space<hbm>>
    tpu.wait_dma2 semaphore(%arg10 : memref<!tpu.dma_semaphore, #tpu.memory_space<semaphore_mem>>) src(%dma_wait3A_64 : memref<128x128xf32, #tpu.memory_space<hbm>>) dst(%arg8 : memref<128x128xf32, #tpu.memory_space<vmem>>)
    %dma_start3A_65 = arith.constant 0 : i32
    %dma_start3A_66 = arith.constant 0 : i32
    %dma_start3A_67 = tpu.memref_slice %arg4[%dma_start3A_65, %dma_start3A_66] : memref<65536x128xf32, #tpu.memory_space<hbm>> -> memref<65536x128xf32, #tpu.memory_space<hbm>>
    tpu.enqueue_indirect_dma source(%arg8 : memref<128x128xf32, #tpu.memory_space<vmem>>) target(%dma_start3A_67 : memref<65536x128xf32, #tpu.memory_space<hbm>>) offsets(%arg6 : memref<128xi32, #tpu.memory_space<vmem>>) semaphore(%arg12 : memref<!tpu.dma_semaphore, #tpu.memory_space<semaphore_mem>>)
    %add3A_68 = arith.constant 640 : i32
    %add3A_69 = arith.addi %mul3A_2, %add3A_68 : i32
    %dma_wait3A_70 = arith.constant 0 : i32
    %dma_wait3A_71 = arith.constant 0 : i32
    %dma_wait3A_72 = tpu.memref_slice %arg4[%dma_wait3A_70, %dma_wait3A_71] : memref<65536x128xf32, #tpu.memory_space<hbm>> -> memref<65536x128xf32, #tpu.memory_space<hbm>>
    tpu.wait_indirect_dma semaphore(%arg12 : memref<!tpu.dma_semaphore, #tpu.memory_space<semaphore_mem>>) src(%arg8 : memref<128x128xf32, #tpu.memory_space<vmem>>) dst(%dma_wait3A_72 : memref<65536x128xf32, #tpu.memory_space<hbm>>)
    "tpu.region"() ({
      %run_scoped3A = tpu.sem_alloc : memref<!tpu.dma_semaphore, #tpu.memory_space<semaphore_mem>>
      %dma_start3A_257 = tpu.memref_slice %arg3[%add3A_69] : memref<65536xi32, #tpu.memory_space<hbm>> -> memref<128xi32, #tpu.memory_space<hbm>>
      %dma_start3A_258 = tpu.memref_slice %arg3[%add3A_69] : memref<65536xi32, #tpu.memory_space<hbm>> -> memref<128xi32, #tpu.memory_space<hbm>>
      tpu.enqueue_dma source(%dma_start3A_258 : memref<128xi32, #tpu.memory_space<hbm>>) target(%arg6 : memref<128xi32, #tpu.memory_space<vmem>>) target_semaphore(%run_scoped3A : memref<!tpu.dma_semaphore, #tpu.memory_space<semaphore_mem>>)
      %dma_wait3A_259 = tpu.memref_slice %arg3[%add3A_69] : memref<65536xi32, #tpu.memory_space<hbm>> -> memref<128xi32, #tpu.memory_space<hbm>>
      %dma_wait3A_260 = tpu.memref_slice %arg3[%add3A_69] : memref<65536xi32, #tpu.memory_space<hbm>> -> memref<128xi32, #tpu.memory_space<hbm>>
      tpu.wait_dma2 semaphore(%run_scoped3A : memref<!tpu.dma_semaphore, #tpu.memory_space<semaphore_mem>>) src(%dma_wait3A_260 : memref<128xi32, #tpu.memory_space<hbm>>) dst(%arg6 : memref<128xi32, #tpu.memory_space<vmem>>)
      tpu.yield
    }) : () -> ()
    %dma_start3A_73 = arith.constant 0 : i32
    %dma_start3A_74 = tpu.memref_slice %arg2[%add3A_69, %dma_start3A_73] : memref<65536x128xf32, #tpu.memory_space<hbm>> -> memref<128x128xf32, #tpu.memory_space<hbm>>
    %dma_start3A_75 = arith.constant 0 : i32
    %dma_start3A_76 = tpu.memref_slice %arg2[%add3A_69, %dma_start3A_75] : memref<65536x128xf32, #tpu.memory_space<hbm>> -> memref<128x128xf32, #tpu.memory_space<hbm>>
    tpu.enqueue_dma source(%dma_start3A_76 : memref<128x128xf32, #tpu.memory_space<hbm>>) target(%arg8 : memref<128x128xf32, #tpu.memory_space<vmem>>) target_semaphore(%arg10 : memref<!tpu.dma_semaphore, #tpu.memory_space<semaphore_mem>>)
    %dma_wait3A_77 = arith.constant 0 : i32
    %dma_wait3A_78 = tpu.memref_slice %arg2[%add3A_53, %dma_wait3A_77] : memref<65536x128xf32, #tpu.memory_space<hbm>> -> memref<128x128xf32, #tpu.memory_space<hbm>>
    %dma_wait3A_79 = arith.constant 0 : i32
    %dma_wait3A_80 = tpu.memref_slice %arg2[%add3A_53, %dma_wait3A_79] : memref<65536x128xf32, #tpu.memory_space<hbm>> -> memref<128x128xf32, #tpu.memory_space<hbm>>
    tpu.wait_dma2 semaphore(%arg9 : memref<!tpu.dma_semaphore, #tpu.memory_space<semaphore_mem>>) src(%dma_wait3A_80 : memref<128x128xf32, #tpu.memory_space<hbm>>) dst(%arg7 : memref<128x128xf32, #tpu.memory_space<vmem>>)
    %dma_start3A_81 = arith.constant 0 : i32
    %dma_start3A_82 = arith.constant 0 : i32
    %dma_start3A_83 = tpu.memref_slice %arg4[%dma_start3A_81, %dma_start3A_82] : memref<65536x128xf32, #tpu.memory_space<hbm>> -> memref<65536x128xf32, #tpu.memory_space<hbm>>
    tpu.enqueue_indirect_dma source(%arg7 : memref<128x128xf32, #tpu.memory_space<vmem>>) target(%dma_start3A_83 : memref<65536x128xf32, #tpu.memory_space<hbm>>) offsets(%arg5 : memref<128xi32, #tpu.memory_space<vmem>>) semaphore(%arg11 : memref<!tpu.dma_semaphore, #tpu.memory_space<semaphore_mem>>)
    %add3A_84 = arith.constant 768 : i32
    %add3A_85 = arith.addi %mul3A_2, %add3A_84 : i32
    %dma_wait3A_86 = arith.constant 0 : i32
    %dma_wait3A_87 = arith.constant 0 : i32
    %dma_wait3A_88 = tpu.memref_slice %arg4[%dma_wait3A_86, %dma_wait3A_87] : memref<65536x128xf32, #tpu.memory_space<hbm>> -> memref<65536x128xf32, #tpu.memory_space<hbm>>
    tpu.wait_indirect_dma semaphore(%arg11 : memref<!tpu.dma_semaphore, #tpu.memory_space<semaphore_mem>>) src(%arg7 : memref<128x128xf32, #tpu.memory_space<vmem>>) dst(%dma_wait3A_88 : memref<65536x128xf32, #tpu.memory_space<hbm>>)
    "tpu.region"() ({
      %run_scoped3A = tpu.sem_alloc : memref<!tpu.dma_semaphore, #tpu.memory_space<semaphore_mem>>
      %dma_start3A_257 = tpu.memref_slice %arg3[%add3A_85] : memref<65536xi32, #tpu.memory_space<hbm>> -> memref<128xi32, #tpu.memory_space<hbm>>
      %dma_start3A_258 = tpu.memref_slice %arg3[%add3A_85] : memref<65536xi32, #tpu.memory_space<hbm>> -> memref<128xi32, #tpu.memory_space<hbm>>
      tpu.enqueue_dma source(%dma_start3A_258 : memref<128xi32, #tpu.memory_space<hbm>>) target(%arg5 : memref<128xi32, #tpu.memory_space<vmem>>) target_semaphore(%run_scoped3A : memref<!tpu.dma_semaphore, #tpu.memory_space<semaphore_mem>>)
      %dma_wait3A_259 = tpu.memref_slice %arg3[%add3A_85] : memref<65536xi32, #tpu.memory_space<hbm>> -> memref<128xi32, #tpu.memory_space<hbm>>
      %dma_wait3A_260 = tpu.memref_slice %arg3[%add3A_85] : memref<65536xi32, #tpu.memory_space<hbm>> -> memref<128xi32, #tpu.memory_space<hbm>>
      tpu.wait_dma2 semaphore(%run_scoped3A : memref<!tpu.dma_semaphore, #tpu.memory_space<semaphore_mem>>) src(%dma_wait3A_260 : memref<128xi32, #tpu.memory_space<hbm>>) dst(%arg5 : memref<128xi32, #tpu.memory_space<vmem>>)
      tpu.yield
    }) : () -> ()
    %dma_start3A_89 = arith.constant 0 : i32
    %dma_start3A_90 = tpu.memref_slice %arg2[%add3A_85, %dma_start3A_89] : memref<65536x128xf32, #tpu.memory_space<hbm>> -> memref<128x128xf32, #tpu.memory_space<hbm>>
    %dma_start3A_91 = arith.constant 0 : i32
    %dma_start3A_92 = tpu.memref_slice %arg2[%add3A_85, %dma_start3A_91] : memref<65536x128xf32, #tpu.memory_space<hbm>> -> memref<128x128xf32, #tpu.memory_space<hbm>>
    tpu.enqueue_dma source(%dma_start3A_92 : memref<128x128xf32, #tpu.memory_space<hbm>>) target(%arg7 : memref<128x128xf32, #tpu.memory_space<vmem>>) target_semaphore(%arg9 : memref<!tpu.dma_semaphore, #tpu.memory_space<semaphore_mem>>)
    %dma_wait3A_93 = arith.constant 0 : i32
    %dma_wait3A_94 = tpu.memref_slice %arg2[%add3A_69, %dma_wait3A_93] : memref<65536x128xf32, #tpu.memory_space<hbm>> -> memref<128x128xf32, #tpu.memory_space<hbm>>
    %dma_wait3A_95 = arith.constant 0 : i32
    %dma_wait3A_96 = tpu.memref_slice %arg2[%add3A_69, %dma_wait3A_95] : memref<65536x128xf32, #tpu.memory_space<hbm>> -> memref<128x128xf32, #tpu.memory_space<hbm>>
    tpu.wait_dma2 semaphore(%arg10 : memref<!tpu.dma_semaphore, #tpu.memory_space<semaphore_mem>>) src(%dma_wait3A_96 : memref<128x128xf32, #tpu.memory_space<hbm>>) dst(%arg8 : memref<128x128xf32, #tpu.memory_space<vmem>>)
    %dma_start3A_97 = arith.constant 0 : i32
    %dma_start3A_98 = arith.constant 0 : i32
    %dma_start3A_99 = tpu.memref_slice %arg4[%dma_start3A_97, %dma_start3A_98] : memref<65536x128xf32, #tpu.memory_space<hbm>> -> memref<65536x128xf32, #tpu.memory_space<hbm>>
    tpu.enqueue_indirect_dma source(%arg8 : memref<128x128xf32, #tpu.memory_space<vmem>>) target(%dma_start3A_99 : memref<65536x128xf32, #tpu.memory_space<hbm>>) offsets(%arg6 : memref<128xi32, #tpu.memory_space<vmem>>) semaphore(%arg12 : memref<!tpu.dma_semaphore, #tpu.memory_space<semaphore_mem>>)
    %add3A_100 = arith.constant 896 : i32
    %add3A_101 = arith.addi %mul3A_2, %add3A_100 : i32
    %dma_wait3A_102 = arith.constant 0 : i32
    %dma_wait3A_103 = arith.constant 0 : i32
    %dma_wait3A_104 = tpu.memref_slice %arg4[%dma_wait3A_102, %dma_wait3A_103] : memref<65536x128xf32, #tpu.memory_space<hbm>> -> memref<65536x128xf32, #tpu.memory_space<hbm>>
    tpu.wait_indirect_dma semaphore(%arg12 : memref<!tpu.dma_semaphore, #tpu.memory_space<semaphore_mem>>) src(%arg8 : memref<128x128xf32, #tpu.memory_space<vmem>>) dst(%dma_wait3A_104 : memref<65536x128xf32, #tpu.memory_space<hbm>>)
    "tpu.region"() ({
      %run_scoped3A = tpu.sem_alloc : memref<!tpu.dma_semaphore, #tpu.memory_space<semaphore_mem>>
      %dma_start3A_257 = tpu.memref_slice %arg3[%add3A_101] : memref<65536xi32, #tpu.memory_space<hbm>> -> memref<128xi32, #tpu.memory_space<hbm>>
      %dma_start3A_258 = tpu.memref_slice %arg3[%add3A_101] : memref<65536xi32, #tpu.memory_space<hbm>> -> memref<128xi32, #tpu.memory_space<hbm>>
      tpu.enqueue_dma source(%dma_start3A_258 : memref<128xi32, #tpu.memory_space<hbm>>) target(%arg6 : memref<128xi32, #tpu.memory_space<vmem>>) target_semaphore(%run_scoped3A : memref<!tpu.dma_semaphore, #tpu.memory_space<semaphore_mem>>)
      %dma_wait3A_259 = tpu.memref_slice %arg3[%add3A_101] : memref<65536xi32, #tpu.memory_space<hbm>> -> memref<128xi32, #tpu.memory_space<hbm>>
      %dma_wait3A_260 = tpu.memref_slice %arg3[%add3A_101] : memref<65536xi32, #tpu.memory_space<hbm>> -> memref<128xi32, #tpu.memory_space<hbm>>
      tpu.wait_dma2 semaphore(%run_scoped3A : memref<!tpu.dma_semaphore, #tpu.memory_space<semaphore_mem>>) src(%dma_wait3A_260 : memref<128xi32, #tpu.memory_space<hbm>>) dst(%arg6 : memref<128xi32, #tpu.memory_space<vmem>>)
      tpu.yield
    }) : () -> ()
    %dma_start3A_105 = arith.constant 0 : i32
    %dma_start3A_106 = tpu.memref_slice %arg2[%add3A_101, %dma_start3A_105] : memref<65536x128xf32, #tpu.memory_space<hbm>> -> memref<128x128xf32, #tpu.memory_space<hbm>>
    %dma_start3A_107 = arith.constant 0 : i32
    %dma_start3A_108 = tpu.memref_slice %arg2[%add3A_101, %dma_start3A_107] : memref<65536x128xf32, #tpu.memory_space<hbm>> -> memref<128x128xf32, #tpu.memory_space<hbm>>
    tpu.enqueue_dma source(%dma_start3A_108 : memref<128x128xf32, #tpu.memory_space<hbm>>) target(%arg8 : memref<128x128xf32, #tpu.memory_space<vmem>>) target_semaphore(%arg10 : memref<!tpu.dma_semaphore, #tpu.memory_space<semaphore_mem>>)
    %dma_wait3A_109 = arith.constant 0 : i32
    %dma_wait3A_110 = tpu.memref_slice %arg2[%add3A_85, %dma_wait3A_109] : memref<65536x128xf32, #tpu.memory_space<hbm>> -> memref<128x128xf32, #tpu.memory_space<hbm>>
    %dma_wait3A_111 = arith.constant 0 : i32
    %dma_wait3A_112 = tpu.memref_slice %arg2[%add3A_85, %dma_wait3A_111] : memref<65536x128xf32, #tpu.memory_space<hbm>> -> memref<128x128xf32, #tpu.memory_space<hbm>>
    tpu.wait_dma2 semaphore(%arg9 : memref<!tpu.dma_semaphore, #tpu.memory_space<semaphore_mem>>) src(%dma_wait3A_112 : memref<128x128xf32, #tpu.memory_space<hbm>>) dst(%arg7 : memref<128x128xf32, #tpu.memory_space<vmem>>)
    %dma_start3A_113 = arith.constant 0 : i32
    %dma_start3A_114 = arith.constant 0 : i32
    %dma_start3A_115 = tpu.memref_slice %arg4[%dma_start3A_113, %dma_start3A_114] : memref<65536x128xf32, #tpu.memory_space<hbm>> -> memref<65536x128xf32, #tpu.memory_space<hbm>>
    tpu.enqueue_indirect_dma source(%arg7 : memref<128x128xf32, #tpu.memory_space<vmem>>) target(%dma_start3A_115 : memref<65536x128xf32, #tpu.memory_space<hbm>>) offsets(%arg5 : memref<128xi32, #tpu.memory_space<vmem>>) semaphore(%arg11 : memref<!tpu.dma_semaphore, #tpu.memory_space<semaphore_mem>>)
    %add3A_116 = arith.constant 1024 : i32
    %add3A_117 = arith.addi %mul3A_2, %add3A_116 : i32
    %dma_wait3A_118 = arith.constant 0 : i32
    %dma_wait3A_119 = arith.constant 0 : i32
    %dma_wait3A_120 = tpu.memref_slice %arg4[%dma_wait3A_118, %dma_wait3A_119] : memref<65536x128xf32, #tpu.memory_space<hbm>> -> memref<65536x128xf32, #tpu.memory_space<hbm>>
    tpu.wait_indirect_dma semaphore(%arg11 : memref<!tpu.dma_semaphore, #tpu.memory_space<semaphore_mem>>) src(%arg7 : memref<128x128xf32, #tpu.memory_space<vmem>>) dst(%dma_wait3A_120 : memref<65536x128xf32, #tpu.memory_space<hbm>>)
    "tpu.region"() ({
      %run_scoped3A = tpu.sem_alloc : memref<!tpu.dma_semaphore, #tpu.memory_space<semaphore_mem>>
      %dma_start3A_257 = tpu.memref_slice %arg3[%add3A_117] : memref<65536xi32, #tpu.memory_space<hbm>> -> memref<128xi32, #tpu.memory_space<hbm>>
      %dma_start3A_258 = tpu.memref_slice %arg3[%add3A_117] : memref<65536xi32, #tpu.memory_space<hbm>> -> memref<128xi32, #tpu.memory_space<hbm>>
      tpu.enqueue_dma source(%dma_start3A_258 : memref<128xi32, #tpu.memory_space<hbm>>) target(%arg5 : memref<128xi32, #tpu.memory_space<vmem>>) target_semaphore(%run_scoped3A : memref<!tpu.dma_semaphore, #tpu.memory_space<semaphore_mem>>)
      %dma_wait3A_259 = tpu.memref_slice %arg3[%add3A_117] : memref<65536xi32, #tpu.memory_space<hbm>> -> memref<128xi32, #tpu.memory_space<hbm>>
      %dma_wait3A_260 = tpu.memref_slice %arg3[%add3A_117] : memref<65536xi32, #tpu.memory_space<hbm>> -> memref<128xi32, #tpu.memory_space<hbm>>
      tpu.wait_dma2 semaphore(%run_scoped3A : memref<!tpu.dma_semaphore, #tpu.memory_space<semaphore_mem>>) src(%dma_wait3A_260 : memref<128xi32, #tpu.memory_space<hbm>>) dst(%arg5 : memref<128xi32, #tpu.memory_space<vmem>>)
      tpu.yield
    }) : () -> ()
    %dma_start3A_121 = arith.constant 0 : i32
    %dma_start3A_122 = tpu.memref_slice %arg2[%add3A_117, %dma_start3A_121] : memref<65536x128xf32, #tpu.memory_space<hbm>> -> memref<128x128xf32, #tpu.memory_space<hbm>>
    %dma_start3A_123 = arith.constant 0 : i32
    %dma_start3A_124 = tpu.memref_slice %arg2[%add3A_117, %dma_start3A_123] : memref<65536x128xf32, #tpu.memory_space<hbm>> -> memref<128x128xf32, #tpu.memory_space<hbm>>
    tpu.enqueue_dma source(%dma_start3A_124 : memref<128x128xf32, #tpu.memory_space<hbm>>) target(%arg7 : memref<128x128xf32, #tpu.memory_space<vmem>>) target_semaphore(%arg9 : memref<!tpu.dma_semaphore, #tpu.memory_space<semaphore_mem>>)
    %dma_wait3A_125 = arith.constant 0 : i32
    %dma_wait3A_126 = tpu.memref_slice %arg2[%add3A_101, %dma_wait3A_125] : memref<65536x128xf32, #tpu.memory_space<hbm>> -> memref<128x128xf32, #tpu.memory_space<hbm>>
    %dma_wait3A_127 = arith.constant 0 : i32
    %dma_wait3A_128 = tpu.memref_slice %arg2[%add3A_101, %dma_wait3A_127] : memref<65536x128xf32, #tpu.memory_space<hbm>> -> memref<128x128xf32, #tpu.memory_space<hbm>>
    tpu.wait_dma2 semaphore(%arg10 : memref<!tpu.dma_semaphore, #tpu.memory_space<semaphore_mem>>) src(%dma_wait3A_128 : memref<128x128xf32, #tpu.memory_space<hbm>>) dst(%arg8 : memref<128x128xf32, #tpu.memory_space<vmem>>)
    %dma_start3A_129 = arith.constant 0 : i32
    %dma_start3A_130 = arith.constant 0 : i32
    %dma_start3A_131 = tpu.memref_slice %arg4[%dma_start3A_129, %dma_start3A_130] : memref<65536x128xf32, #tpu.memory_space<hbm>> -> memref<65536x128xf32, #tpu.memory_space<hbm>>
    tpu.enqueue_indirect_dma source(%arg8 : memref<128x128xf32, #tpu.memory_space<vmem>>) target(%dma_start3A_131 : memref<65536x128xf32, #tpu.memory_space<hbm>>) offsets(%arg6 : memref<128xi32, #tpu.memory_space<vmem>>) semaphore(%arg12 : memref<!tpu.dma_semaphore, #tpu.memory_space<semaphore_mem>>)
    %add3A_132 = arith.constant 1152 : i32
    %add3A_133 = arith.addi %mul3A_2, %add3A_132 : i32
    %dma_wait3A_134 = arith.constant 0 : i32
    %dma_wait3A_135 = arith.constant 0 : i32
    %dma_wait3A_136 = tpu.memref_slice %arg4[%dma_wait3A_134, %dma_wait3A_135] : memref<65536x128xf32, #tpu.memory_space<hbm>> -> memref<65536x128xf32, #tpu.memory_space<hbm>>
    tpu.wait_indirect_dma semaphore(%arg12 : memref<!tpu.dma_semaphore, #tpu.memory_space<semaphore_mem>>) src(%arg8 : memref<128x128xf32, #tpu.memory_space<vmem>>) dst(%dma_wait3A_136 : memref<65536x128xf32, #tpu.memory_space<hbm>>)
    "tpu.region"() ({
      %run_scoped3A = tpu.sem_alloc : memref<!tpu.dma_semaphore, #tpu.memory_space<semaphore_mem>>
      %dma_start3A_257 = tpu.memref_slice %arg3[%add3A_133] : memref<65536xi32, #tpu.memory_space<hbm>> -> memref<128xi32, #tpu.memory_space<hbm>>
      %dma_start3A_258 = tpu.memref_slice %arg3[%add3A_133] : memref<65536xi32, #tpu.memory_space<hbm>> -> memref<128xi32, #tpu.memory_space<hbm>>
      tpu.enqueue_dma source(%dma_start3A_258 : memref<128xi32, #tpu.memory_space<hbm>>) target(%arg6 : memref<128xi32, #tpu.memory_space<vmem>>) target_semaphore(%run_scoped3A : memref<!tpu.dma_semaphore, #tpu.memory_space<semaphore_mem>>)
      %dma_wait3A_259 = tpu.memref_slice %arg3[%add3A_133] : memref<65536xi32, #tpu.memory_space<hbm>> -> memref<128xi32, #tpu.memory_space<hbm>>
      %dma_wait3A_260 = tpu.memref_slice %arg3[%add3A_133] : memref<65536xi32, #tpu.memory_space<hbm>> -> memref<128xi32, #tpu.memory_space<hbm>>
      tpu.wait_dma2 semaphore(%run_scoped3A : memref<!tpu.dma_semaphore, #tpu.memory_space<semaphore_mem>>) src(%dma_wait3A_260 : memref<128xi32, #tpu.memory_space<hbm>>) dst(%arg6 : memref<128xi32, #tpu.memory_space<vmem>>)
      tpu.yield
    }) : () -> ()
    %dma_start3A_137 = arith.constant 0 : i32
    %dma_start3A_138 = tpu.memref_slice %arg2[%add3A_133, %dma_start3A_137] : memref<65536x128xf32, #tpu.memory_space<hbm>> -> memref<128x128xf32, #tpu.memory_space<hbm>>
    %dma_start3A_139 = arith.constant 0 : i32
    %dma_start3A_140 = tpu.memref_slice %arg2[%add3A_133, %dma_start3A_139] : memref<65536x128xf32, #tpu.memory_space<hbm>> -> memref<128x128xf32, #tpu.memory_space<hbm>>
    tpu.enqueue_dma source(%dma_start3A_140 : memref<128x128xf32, #tpu.memory_space<hbm>>) target(%arg8 : memref<128x128xf32, #tpu.memory_space<vmem>>) target_semaphore(%arg10 : memref<!tpu.dma_semaphore, #tpu.memory_space<semaphore_mem>>)
    %dma_wait3A_141 = arith.constant 0 : i32
    %dma_wait3A_142 = tpu.memref_slice %arg2[%add3A_117, %dma_wait3A_141] : memref<65536x128xf32, #tpu.memory_space<hbm>> -> memref<128x128xf32, #tpu.memory_space<hbm>>
    %dma_wait3A_143 = arith.constant 0 : i32
    %dma_wait3A_144 = tpu.memref_slice %arg2[%add3A_117, %dma_wait3A_143] : memref<65536x128xf32, #tpu.memory_space<hbm>> -> memref<128x128xf32, #tpu.memory_space<hbm>>
    tpu.wait_dma2 semaphore(%arg9 : memref<!tpu.dma_semaphore, #tpu.memory_space<semaphore_mem>>) src(%dma_wait3A_144 : memref<128x128xf32, #tpu.memory_space<hbm>>) dst(%arg7 : memref<128x128xf32, #tpu.memory_space<vmem>>)
    %dma_start3A_145 = arith.constant 0 : i32
    %dma_start3A_146 = arith.constant 0 : i32
    %dma_start3A_147 = tpu.memref_slice %arg4[%dma_start3A_145, %dma_start3A_146] : memref<65536x128xf32, #tpu.memory_space<hbm>> -> memref<65536x128xf32, #tpu.memory_space<hbm>>
    tpu.enqueue_indirect_dma source(%arg7 : memref<128x128xf32, #tpu.memory_space<vmem>>) target(%dma_start3A_147 : memref<65536x128xf32, #tpu.memory_space<hbm>>) offsets(%arg5 : memref<128xi32, #tpu.memory_space<vmem>>) semaphore(%arg11 : memref<!tpu.dma_semaphore, #tpu.memory_space<semaphore_mem>>)
    %add3A_148 = arith.constant 1280 : i32
    %add3A_149 = arith.addi %mul3A_2, %add3A_148 : i32
    %dma_wait3A_150 = arith.constant 0 : i32
    %dma_wait3A_151 = arith.constant 0 : i32
    %dma_wait3A_152 = tpu.memref_slice %arg4[%dma_wait3A_150, %dma_wait3A_151] : memref<65536x128xf32, #tpu.memory_space<hbm>> -> memref<65536x128xf32, #tpu.memory_space<hbm>>
    tpu.wait_indirect_dma semaphore(%arg11 : memref<!tpu.dma_semaphore, #tpu.memory_space<semaphore_mem>>) src(%arg7 : memref<128x128xf32, #tpu.memory_space<vmem>>) dst(%dma_wait3A_152 : memref<65536x128xf32, #tpu.memory_space<hbm>>)
    "tpu.region"() ({
      %run_scoped3A = tpu.sem_alloc : memref<!tpu.dma_semaphore, #tpu.memory_space<semaphore_mem>>
      %dma_start3A_257 = tpu.memref_slice %arg3[%add3A_149] : memref<65536xi32, #tpu.memory_space<hbm>> -> memref<128xi32, #tpu.memory_space<hbm>>
      %dma_start3A_258 = tpu.memref_slice %arg3[%add3A_149] : memref<65536xi32, #tpu.memory_space<hbm>> -> memref<128xi32, #tpu.memory_space<hbm>>
      tpu.enqueue_dma source(%dma_start3A_258 : memref<128xi32, #tpu.memory_space<hbm>>) target(%arg5 : memref<128xi32, #tpu.memory_space<vmem>>) target_semaphore(%run_scoped3A : memref<!tpu.dma_semaphore, #tpu.memory_space<semaphore_mem>>)
      %dma_wait3A_259 = tpu.memref_slice %arg3[%add3A_149] : memref<65536xi32, #tpu.memory_space<hbm>> -> memref<128xi32, #tpu.memory_space<hbm>>
      %dma_wait3A_260 = tpu.memref_slice %arg3[%add3A_149] : memref<65536xi32, #tpu.memory_space<hbm>> -> memref<128xi32, #tpu.memory_space<hbm>>
      tpu.wait_dma2 semaphore(%run_scoped3A : memref<!tpu.dma_semaphore, #tpu.memory_space<semaphore_mem>>) src(%dma_wait3A_260 : memref<128xi32, #tpu.memory_space<hbm>>) dst(%arg5 : memref<128xi32, #tpu.memory_space<vmem>>)
      tpu.yield
    }) : () -> ()
    %dma_start3A_153 = arith.constant 0 : i32
    %dma_start3A_154 = tpu.memref_slice %arg2[%add3A_149, %dma_start3A_153] : memref<65536x128xf32, #tpu.memory_space<hbm>> -> memref<128x128xf32, #tpu.memory_space<hbm>>
    %dma_start3A_155 = arith.constant 0 : i32
    %dma_start3A_156 = tpu.memref_slice %arg2[%add3A_149, %dma_start3A_155] : memref<65536x128xf32, #tpu.memory_space<hbm>> -> memref<128x128xf32, #tpu.memory_space<hbm>>
    tpu.enqueue_dma source(%dma_start3A_156 : memref<128x128xf32, #tpu.memory_space<hbm>>) target(%arg7 : memref<128x128xf32, #tpu.memory_space<vmem>>) target_semaphore(%arg9 : memref<!tpu.dma_semaphore, #tpu.memory_space<semaphore_mem>>)
    %dma_wait3A_157 = arith.constant 0 : i32
    %dma_wait3A_158 = tpu.memref_slice %arg2[%add3A_133, %dma_wait3A_157] : memref<65536x128xf32, #tpu.memory_space<hbm>> -> memref<128x128xf32, #tpu.memory_space<hbm>>
    %dma_wait3A_159 = arith.constant 0 : i32
    %dma_wait3A_160 = tpu.memref_slice %arg2[%add3A_133, %dma_wait3A_159] : memref<65536x128xf32, #tpu.memory_space<hbm>> -> memref<128x128xf32, #tpu.memory_space<hbm>>
    tpu.wait_dma2 semaphore(%arg10 : memref<!tpu.dma_semaphore, #tpu.memory_space<semaphore_mem>>) src(%dma_wait3A_160 : memref<128x128xf32, #tpu.memory_space<hbm>>) dst(%arg8 : memref<128x128xf32, #tpu.memory_space<vmem>>)
    %dma_start3A_161 = arith.constant 0 : i32
    %dma_start3A_162 = arith.constant 0 : i32
    %dma_start3A_163 = tpu.memref_slice %arg4[%dma_start3A_161, %dma_start3A_162] : memref<65536x128xf32, #tpu.memory_space<hbm>> -> memref<65536x128xf32, #tpu.memory_space<hbm>>
    tpu.enqueue_indirect_dma source(%arg8 : memref<128x128xf32, #tpu.memory_space<vmem>>) target(%dma_start3A_163 : memref<65536x128xf32, #tpu.memory_space<hbm>>) offsets(%arg6 : memref<128xi32, #tpu.memory_space<vmem>>) semaphore(%arg12 : memref<!tpu.dma_semaphore, #tpu.memory_space<semaphore_mem>>)
    %add3A_164 = arith.constant 1408 : i32
    %add3A_165 = arith.addi %mul3A_2, %add3A_164 : i32
    %dma_wait3A_166 = arith.constant 0 : i32
    %dma_wait3A_167 = arith.constant 0 : i32
    %dma_wait3A_168 = tpu.memref_slice %arg4[%dma_wait3A_166, %dma_wait3A_167] : memref<65536x128xf32, #tpu.memory_space<hbm>> -> memref<65536x128xf32, #tpu.memory_space<hbm>>
    tpu.wait_indirect_dma semaphore(%arg12 : memref<!tpu.dma_semaphore, #tpu.memory_space<semaphore_mem>>) src(%arg8 : memref<128x128xf32, #tpu.memory_space<vmem>>) dst(%dma_wait3A_168 : memref<65536x128xf32, #tpu.memory_space<hbm>>)
    "tpu.region"() ({
      %run_scoped3A = tpu.sem_alloc : memref<!tpu.dma_semaphore, #tpu.memory_space<semaphore_mem>>
      %dma_start3A_257 = tpu.memref_slice %arg3[%add3A_165] : memref<65536xi32, #tpu.memory_space<hbm>> -> memref<128xi32, #tpu.memory_space<hbm>>
      %dma_start3A_258 = tpu.memref_slice %arg3[%add3A_165] : memref<65536xi32, #tpu.memory_space<hbm>> -> memref<128xi32, #tpu.memory_space<hbm>>
      tpu.enqueue_dma source(%dma_start3A_258 : memref<128xi32, #tpu.memory_space<hbm>>) target(%arg6 : memref<128xi32, #tpu.memory_space<vmem>>) target_semaphore(%run_scoped3A : memref<!tpu.dma_semaphore, #tpu.memory_space<semaphore_mem>>)
      %dma_wait3A_259 = tpu.memref_slice %arg3[%add3A_165] : memref<65536xi32, #tpu.memory_space<hbm>> -> memref<128xi32, #tpu.memory_space<hbm>>
      %dma_wait3A_260 = tpu.memref_slice %arg3[%add3A_165] : memref<65536xi32, #tpu.memory_space<hbm>> -> memref<128xi32, #tpu.memory_space<hbm>>
      tpu.wait_dma2 semaphore(%run_scoped3A : memref<!tpu.dma_semaphore, #tpu.memory_space<semaphore_mem>>) src(%dma_wait3A_260 : memref<128xi32, #tpu.memory_space<hbm>>) dst(%arg6 : memref<128xi32, #tpu.memory_space<vmem>>)
      tpu.yield
    }) : () -> ()
    %dma_start3A_169 = arith.constant 0 : i32
    %dma_start3A_170 = tpu.memref_slice %arg2[%add3A_165, %dma_start3A_169] : memref<65536x128xf32, #tpu.memory_space<hbm>> -> memref<128x128xf32, #tpu.memory_space<hbm>>
    %dma_start3A_171 = arith.constant 0 : i32
    %dma_start3A_172 = tpu.memref_slice %arg2[%add3A_165, %dma_start3A_171] : memref<65536x128xf32, #tpu.memory_space<hbm>> -> memref<128x128xf32, #tpu.memory_space<hbm>>
    tpu.enqueue_dma source(%dma_start3A_172 : memref<128x128xf32, #tpu.memory_space<hbm>>) target(%arg8 : memref<128x128xf32, #tpu.memory_space<vmem>>) target_semaphore(%arg10 : memref<!tpu.dma_semaphore, #tpu.memory_space<semaphore_mem>>)
    %dma_wait3A_173 = arith.constant 0 : i32
    %dma_wait3A_174 = tpu.memref_slice %arg2[%add3A_149, %dma_wait3A_173] : memref<65536x128xf32, #tpu.memory_space<hbm>> -> memref<128x128xf32, #tpu.memory_space<hbm>>
    %dma_wait3A_175 = arith.constant 0 : i32
    %dma_wait3A_176 = tpu.memref_slice %arg2[%add3A_149, %dma_wait3A_175] : memref<65536x128xf32, #tpu.memory_space<hbm>> -> memref<128x128xf32, #tpu.memory_space<hbm>>
    tpu.wait_dma2 semaphore(%arg9 : memref<!tpu.dma_semaphore, #tpu.memory_space<semaphore_mem>>) src(%dma_wait3A_176 : memref<128x128xf32, #tpu.memory_space<hbm>>) dst(%arg7 : memref<128x128xf32, #tpu.memory_space<vmem>>)
    %dma_start3A_177 = arith.constant 0 : i32
    %dma_start3A_178 = arith.constant 0 : i32
    %dma_start3A_179 = tpu.memref_slice %arg4[%dma_start3A_177, %dma_start3A_178] : memref<65536x128xf32, #tpu.memory_space<hbm>> -> memref<65536x128xf32, #tpu.memory_space<hbm>>
    tpu.enqueue_indirect_dma source(%arg7 : memref<128x128xf32, #tpu.memory_space<vmem>>) target(%dma_start3A_179 : memref<65536x128xf32, #tpu.memory_space<hbm>>) offsets(%arg5 : memref<128xi32, #tpu.memory_space<vmem>>) semaphore(%arg11 : memref<!tpu.dma_semaphore, #tpu.memory_space<semaphore_mem>>)
    %add3A_180 = arith.constant 1536 : i32
    %add3A_181 = arith.addi %mul3A_2, %add3A_180 : i32
    %dma_wait3A_182 = arith.constant 0 : i32
    %dma_wait3A_183 = arith.constant 0 : i32
    %dma_wait3A_184 = tpu.memref_slice %arg4[%dma_wait3A_182, %dma_wait3A_183] : memref<65536x128xf32, #tpu.memory_space<hbm>> -> memref<65536x128xf32, #tpu.memory_space<hbm>>
    tpu.wait_indirect_dma semaphore(%arg11 : memref<!tpu.dma_semaphore, #tpu.memory_space<semaphore_mem>>) src(%arg7 : memref<128x128xf32, #tpu.memory_space<vmem>>) dst(%dma_wait3A_184 : memref<65536x128xf32, #tpu.memory_space<hbm>>)
    "tpu.region"() ({
      %run_scoped3A = tpu.sem_alloc : memref<!tpu.dma_semaphore, #tpu.memory_space<semaphore_mem>>
      %dma_start3A_257 = tpu.memref_slice %arg3[%add3A_181] : memref<65536xi32, #tpu.memory_space<hbm>> -> memref<128xi32, #tpu.memory_space<hbm>>
      %dma_start3A_258 = tpu.memref_slice %arg3[%add3A_181] : memref<65536xi32, #tpu.memory_space<hbm>> -> memref<128xi32, #tpu.memory_space<hbm>>
      tpu.enqueue_dma source(%dma_start3A_258 : memref<128xi32, #tpu.memory_space<hbm>>) target(%arg5 : memref<128xi32, #tpu.memory_space<vmem>>) target_semaphore(%run_scoped3A : memref<!tpu.dma_semaphore, #tpu.memory_space<semaphore_mem>>)
      %dma_wait3A_259 = tpu.memref_slice %arg3[%add3A_181] : memref<65536xi32, #tpu.memory_space<hbm>> -> memref<128xi32, #tpu.memory_space<hbm>>
      %dma_wait3A_260 = tpu.memref_slice %arg3[%add3A_181] : memref<65536xi32, #tpu.memory_space<hbm>> -> memref<128xi32, #tpu.memory_space<hbm>>
      tpu.wait_dma2 semaphore(%run_scoped3A : memref<!tpu.dma_semaphore, #tpu.memory_space<semaphore_mem>>) src(%dma_wait3A_260 : memref<128xi32, #tpu.memory_space<hbm>>) dst(%arg5 : memref<128xi32, #tpu.memory_space<vmem>>)
      tpu.yield
    }) : () -> ()
    %dma_start3A_185 = arith.constant 0 : i32
    %dma_start3A_186 = tpu.memref_slice %arg2[%add3A_181, %dma_start3A_185] : memref<65536x128xf32, #tpu.memory_space<hbm>> -> memref<128x128xf32, #tpu.memory_space<hbm>>
    %dma_start3A_187 = arith.constant 0 : i32
    %dma_start3A_188 = tpu.memref_slice %arg2[%add3A_181, %dma_start3A_187] : memref<65536x128xf32, #tpu.memory_space<hbm>> -> memref<128x128xf32, #tpu.memory_space<hbm>>
    tpu.enqueue_dma source(%dma_start3A_188 : memref<128x128xf32, #tpu.memory_space<hbm>>) target(%arg7 : memref<128x128xf32, #tpu.memory_space<vmem>>) target_semaphore(%arg9 : memref<!tpu.dma_semaphore, #tpu.memory_space<semaphore_mem>>)
    %dma_wait3A_189 = arith.constant 0 : i32
    %dma_wait3A_190 = tpu.memref_slice %arg2[%add3A_165, %dma_wait3A_189] : memref<65536x128xf32, #tpu.memory_space<hbm>> -> memref<128x128xf32, #tpu.memory_space<hbm>>
    %dma_wait3A_191 = arith.constant 0 : i32
    %dma_wait3A_192 = tpu.memref_slice %arg2[%add3A_165, %dma_wait3A_191] : memref<65536x128xf32, #tpu.memory_space<hbm>> -> memref<128x128xf32, #tpu.memory_space<hbm>>
    tpu.wait_dma2 semaphore(%arg10 : memref<!tpu.dma_semaphore, #tpu.memory_space<semaphore_mem>>) src(%dma_wait3A_192 : memref<128x128xf32, #tpu.memory_space<hbm>>) dst(%arg8 : memref<128x128xf32, #tpu.memory_space<vmem>>)
    %dma_start3A_193 = arith.constant 0 : i32
    %dma_start3A_194 = arith.constant 0 : i32
    %dma_start3A_195 = tpu.memref_slice %arg4[%dma_start3A_193, %dma_start3A_194] : memref<65536x128xf32, #tpu.memory_space<hbm>> -> memref<65536x128xf32, #tpu.memory_space<hbm>>
    tpu.enqueue_indirect_dma source(%arg8 : memref<128x128xf32, #tpu.memory_space<vmem>>) target(%dma_start3A_195 : memref<65536x128xf32, #tpu.memory_space<hbm>>) offsets(%arg6 : memref<128xi32, #tpu.memory_space<vmem>>) semaphore(%arg12 : memref<!tpu.dma_semaphore, #tpu.memory_space<semaphore_mem>>)
    %add3A_196 = arith.constant 1664 : i32
    %add3A_197 = arith.addi %mul3A_2, %add3A_196 : i32
    %dma_wait3A_198 = arith.constant 0 : i32
    %dma_wait3A_199 = arith.constant 0 : i32
    %dma_wait3A_200 = tpu.memref_slice %arg4[%dma_wait3A_198, %dma_wait3A_199] : memref<65536x128xf32, #tpu.memory_space<hbm>> -> memref<65536x128xf32, #tpu.memory_space<hbm>>
    tpu.wait_indirect_dma semaphore(%arg12 : memref<!tpu.dma_semaphore, #tpu.memory_space<semaphore_mem>>) src(%arg8 : memref<128x128xf32, #tpu.memory_space<vmem>>) dst(%dma_wait3A_200 : memref<65536x128xf32, #tpu.memory_space<hbm>>)
    "tpu.region"() ({
      %run_scoped3A = tpu.sem_alloc : memref<!tpu.dma_semaphore, #tpu.memory_space<semaphore_mem>>
      %dma_start3A_257 = tpu.memref_slice %arg3[%add3A_197] : memref<65536xi32, #tpu.memory_space<hbm>> -> memref<128xi32, #tpu.memory_space<hbm>>
      %dma_start3A_258 = tpu.memref_slice %arg3[%add3A_197] : memref<65536xi32, #tpu.memory_space<hbm>> -> memref<128xi32, #tpu.memory_space<hbm>>
      tpu.enqueue_dma source(%dma_start3A_258 : memref<128xi32, #tpu.memory_space<hbm>>) target(%arg6 : memref<128xi32, #tpu.memory_space<vmem>>) target_semaphore(%run_scoped3A : memref<!tpu.dma_semaphore, #tpu.memory_space<semaphore_mem>>)
      %dma_wait3A_259 = tpu.memref_slice %arg3[%add3A_197] : memref<65536xi32, #tpu.memory_space<hbm>> -> memref<128xi32, #tpu.memory_space<hbm>>
      %dma_wait3A_260 = tpu.memref_slice %arg3[%add3A_197] : memref<65536xi32, #tpu.memory_space<hbm>> -> memref<128xi32, #tpu.memory_space<hbm>>
      tpu.wait_dma2 semaphore(%run_scoped3A : memref<!tpu.dma_semaphore, #tpu.memory_space<semaphore_mem>>) src(%dma_wait3A_260 : memref<128xi32, #tpu.memory_space<hbm>>) dst(%arg6 : memref<128xi32, #tpu.memory_space<vmem>>)
      tpu.yield
    }) : () -> ()
    %dma_start3A_201 = arith.constant 0 : i32
    %dma_start3A_202 = tpu.memref_slice %arg2[%add3A_197, %dma_start3A_201] : memref<65536x128xf32, #tpu.memory_space<hbm>> -> memref<128x128xf32, #tpu.memory_space<hbm>>
    %dma_start3A_203 = arith.constant 0 : i32
    %dma_start3A_204 = tpu.memref_slice %arg2[%add3A_197, %dma_start3A_203] : memref<65536x128xf32, #tpu.memory_space<hbm>> -> memref<128x128xf32, #tpu.memory_space<hbm>>
    tpu.enqueue_dma source(%dma_start3A_204 : memref<128x128xf32, #tpu.memory_space<hbm>>) target(%arg8 : memref<128x128xf32, #tpu.memory_space<vmem>>) target_semaphore(%arg10 : memref<!tpu.dma_semaphore, #tpu.memory_space<semaphore_mem>>)
    %dma_wait3A_205 = arith.constant 0 : i32
    %dma_wait3A_206 = tpu.memref_slice %arg2[%add3A_181, %dma_wait3A_205] : memref<65536x128xf32, #tpu.memory_space<hbm>> -> memref<128x128xf32, #tpu.memory_space<hbm>>
    %dma_wait3A_207 = arith.constant 0 : i32
    %dma_wait3A_208 = tpu.memref_slice %arg2[%add3A_181, %dma_wait3A_207] : memref<65536x128xf32, #tpu.memory_space<hbm>> -> memref<128x128xf32, #tpu.memory_space<hbm>>
    tpu.wait_dma2 semaphore(%arg9 : memref<!tpu.dma_semaphore, #tpu.memory_space<semaphore_mem>>) src(%dma_wait3A_208 : memref<128x128xf32, #tpu.memory_space<hbm>>) dst(%arg7 : memref<128x128xf32, #tpu.memory_space<vmem>>)
    %dma_start3A_209 = arith.constant 0 : i32
    %dma_start3A_210 = arith.constant 0 : i32
    %dma_start3A_211 = tpu.memref_slice %arg4[%dma_start3A_209, %dma_start3A_210] : memref<65536x128xf32, #tpu.memory_space<hbm>> -> memref<65536x128xf32, #tpu.memory_space<hbm>>
    tpu.enqueue_indirect_dma source(%arg7 : memref<128x128xf32, #tpu.memory_space<vmem>>) target(%dma_start3A_211 : memref<65536x128xf32, #tpu.memory_space<hbm>>) offsets(%arg5 : memref<128xi32, #tpu.memory_space<vmem>>) semaphore(%arg11 : memref<!tpu.dma_semaphore, #tpu.memory_space<semaphore_mem>>)
    %add3A_212 = arith.constant 1792 : i32
    %add3A_213 = arith.addi %mul3A_2, %add3A_212 : i32
    %dma_wait3A_214 = arith.constant 0 : i32
    %dma_wait3A_215 = arith.constant 0 : i32
    %dma_wait3A_216 = tpu.memref_slice %arg4[%dma_wait3A_214, %dma_wait3A_215] : memref<65536x128xf32, #tpu.memory_space<hbm>> -> memref<65536x128xf32, #tpu.memory_space<hbm>>
    tpu.wait_indirect_dma semaphore(%arg11 : memref<!tpu.dma_semaphore, #tpu.memory_space<semaphore_mem>>) src(%arg7 : memref<128x128xf32, #tpu.memory_space<vmem>>) dst(%dma_wait3A_216 : memref<65536x128xf32, #tpu.memory_space<hbm>>)
    "tpu.region"() ({
      %run_scoped3A = tpu.sem_alloc : memref<!tpu.dma_semaphore, #tpu.memory_space<semaphore_mem>>
      %dma_start3A_257 = tpu.memref_slice %arg3[%add3A_213] : memref<65536xi32, #tpu.memory_space<hbm>> -> memref<128xi32, #tpu.memory_space<hbm>>
      %dma_start3A_258 = tpu.memref_slice %arg3[%add3A_213] : memref<65536xi32, #tpu.memory_space<hbm>> -> memref<128xi32, #tpu.memory_space<hbm>>
      tpu.enqueue_dma source(%dma_start3A_258 : memref<128xi32, #tpu.memory_space<hbm>>) target(%arg5 : memref<128xi32, #tpu.memory_space<vmem>>) target_semaphore(%run_scoped3A : memref<!tpu.dma_semaphore, #tpu.memory_space<semaphore_mem>>)
      %dma_wait3A_259 = tpu.memref_slice %arg3[%add3A_213] : memref<65536xi32, #tpu.memory_space<hbm>> -> memref<128xi32, #tpu.memory_space<hbm>>
      %dma_wait3A_260 = tpu.memref_slice %arg3[%add3A_213] : memref<65536xi32, #tpu.memory_space<hbm>> -> memref<128xi32, #tpu.memory_space<hbm>>
      tpu.wait_dma2 semaphore(%run_scoped3A : memref<!tpu.dma_semaphore, #tpu.memory_space<semaphore_mem>>) src(%dma_wait3A_260 : memref<128xi32, #tpu.memory_space<hbm>>) dst(%arg5 : memref<128xi32, #tpu.memory_space<vmem>>)
      tpu.yield
    }) : () -> ()
    %dma_start3A_217 = arith.constant 0 : i32
    %dma_start3A_218 = tpu.memref_slice %arg2[%add3A_213, %dma_start3A_217] : memref<65536x128xf32, #tpu.memory_space<hbm>> -> memref<128x128xf32, #tpu.memory_space<hbm>>
    %dma_start3A_219 = arith.constant 0 : i32
    %dma_start3A_220 = tpu.memref_slice %arg2[%add3A_213, %dma_start3A_219] : memref<65536x128xf32, #tpu.memory_space<hbm>> -> memref<128x128xf32, #tpu.memory_space<hbm>>
    tpu.enqueue_dma source(%dma_start3A_220 : memref<128x128xf32, #tpu.memory_space<hbm>>) target(%arg7 : memref<128x128xf32, #tpu.memory_space<vmem>>) target_semaphore(%arg9 : memref<!tpu.dma_semaphore, #tpu.memory_space<semaphore_mem>>)
    %dma_wait3A_221 = arith.constant 0 : i32
    %dma_wait3A_222 = tpu.memref_slice %arg2[%add3A_197, %dma_wait3A_221] : memref<65536x128xf32, #tpu.memory_space<hbm>> -> memref<128x128xf32, #tpu.memory_space<hbm>>
    %dma_wait3A_223 = arith.constant 0 : i32
    %dma_wait3A_224 = tpu.memref_slice %arg2[%add3A_197, %dma_wait3A_223] : memref<65536x128xf32, #tpu.memory_space<hbm>> -> memref<128x128xf32, #tpu.memory_space<hbm>>
    tpu.wait_dma2 semaphore(%arg10 : memref<!tpu.dma_semaphore, #tpu.memory_space<semaphore_mem>>) src(%dma_wait3A_224 : memref<128x128xf32, #tpu.memory_space<hbm>>) dst(%arg8 : memref<128x128xf32, #tpu.memory_space<vmem>>)
    %dma_start3A_225 = arith.constant 0 : i32
    %dma_start3A_226 = arith.constant 0 : i32
    %dma_start3A_227 = tpu.memref_slice %arg4[%dma_start3A_225, %dma_start3A_226] : memref<65536x128xf32, #tpu.memory_space<hbm>> -> memref<65536x128xf32, #tpu.memory_space<hbm>>
    tpu.enqueue_indirect_dma source(%arg8 : memref<128x128xf32, #tpu.memory_space<vmem>>) target(%dma_start3A_227 : memref<65536x128xf32, #tpu.memory_space<hbm>>) offsets(%arg6 : memref<128xi32, #tpu.memory_space<vmem>>) semaphore(%arg12 : memref<!tpu.dma_semaphore, #tpu.memory_space<semaphore_mem>>)
    %add3A_228 = arith.constant 1920 : i32
    %add3A_229 = arith.addi %mul3A_2, %add3A_228 : i32
    %dma_wait3A_230 = arith.constant 0 : i32
    %dma_wait3A_231 = arith.constant 0 : i32
    %dma_wait3A_232 = tpu.memref_slice %arg4[%dma_wait3A_230, %dma_wait3A_231] : memref<65536x128xf32, #tpu.memory_space<hbm>> -> memref<65536x128xf32, #tpu.memory_space<hbm>>
    tpu.wait_indirect_dma semaphore(%arg12 : memref<!tpu.dma_semaphore, #tpu.memory_space<semaphore_mem>>) src(%arg8 : memref<128x128xf32, #tpu.memory_space<vmem>>) dst(%dma_wait3A_232 : memref<65536x128xf32, #tpu.memory_space<hbm>>)
    "tpu.region"() ({
      %run_scoped3A = tpu.sem_alloc : memref<!tpu.dma_semaphore, #tpu.memory_space<semaphore_mem>>
      %dma_start3A_257 = tpu.memref_slice %arg3[%add3A_229] : memref<65536xi32, #tpu.memory_space<hbm>> -> memref<128xi32, #tpu.memory_space<hbm>>
      %dma_start3A_258 = tpu.memref_slice %arg3[%add3A_229] : memref<65536xi32, #tpu.memory_space<hbm>> -> memref<128xi32, #tpu.memory_space<hbm>>
      tpu.enqueue_dma source(%dma_start3A_258 : memref<128xi32, #tpu.memory_space<hbm>>) target(%arg6 : memref<128xi32, #tpu.memory_space<vmem>>) target_semaphore(%run_scoped3A : memref<!tpu.dma_semaphore, #tpu.memory_space<semaphore_mem>>)
      %dma_wait3A_259 = tpu.memref_slice %arg3[%add3A_229] : memref<65536xi32, #tpu.memory_space<hbm>> -> memref<128xi32, #tpu.memory_space<hbm>>
      %dma_wait3A_260 = tpu.memref_slice %arg3[%add3A_229] : memref<65536xi32, #tpu.memory_space<hbm>> -> memref<128xi32, #tpu.memory_space<hbm>>
      tpu.wait_dma2 semaphore(%run_scoped3A : memref<!tpu.dma_semaphore, #tpu.memory_space<semaphore_mem>>) src(%dma_wait3A_260 : memref<128xi32, #tpu.memory_space<hbm>>) dst(%arg6 : memref<128xi32, #tpu.memory_space<vmem>>)
      tpu.yield
    }) : () -> ()
    %dma_start3A_233 = arith.constant 0 : i32
    %dma_start3A_234 = tpu.memref_slice %arg2[%add3A_229, %dma_start3A_233] : memref<65536x128xf32, #tpu.memory_space<hbm>> -> memref<128x128xf32, #tpu.memory_space<hbm>>
    %dma_start3A_235 = arith.constant 0 : i32
    %dma_start3A_236 = tpu.memref_slice %arg2[%add3A_229, %dma_start3A_235] : memref<65536x128xf32, #tpu.memory_space<hbm>> -> memref<128x128xf32, #tpu.memory_space<hbm>>
    tpu.enqueue_dma source(%dma_start3A_236 : memref<128x128xf32, #tpu.memory_space<hbm>>) target(%arg8 : memref<128x128xf32, #tpu.memory_space<vmem>>) target_semaphore(%arg10 : memref<!tpu.dma_semaphore, #tpu.memory_space<semaphore_mem>>)
    %dma_wait3A_237 = arith.constant 0 : i32
    %dma_wait3A_238 = tpu.memref_slice %arg2[%add3A_213, %dma_wait3A_237] : memref<65536x128xf32, #tpu.memory_space<hbm>> -> memref<128x128xf32, #tpu.memory_space<hbm>>
    %dma_wait3A_239 = arith.constant 0 : i32
    %dma_wait3A_240 = tpu.memref_slice %arg2[%add3A_213, %dma_wait3A_239] : memref<65536x128xf32, #tpu.memory_space<hbm>> -> memref<128x128xf32, #tpu.memory_space<hbm>>
    tpu.wait_dma2 semaphore(%arg9 : memref<!tpu.dma_semaphore, #tpu.memory_space<semaphore_mem>>) src(%dma_wait3A_240 : memref<128x128xf32, #tpu.memory_space<hbm>>) dst(%arg7 : memref<128x128xf32, #tpu.memory_space<vmem>>)
    %dma_start3A_241 = arith.constant 0 : i32
    %dma_start3A_242 = arith.constant 0 : i32
    %dma_start3A_243 = tpu.memref_slice %arg4[%dma_start3A_241, %dma_start3A_242] : memref<65536x128xf32, #tpu.memory_space<hbm>> -> memref<65536x128xf32, #tpu.memory_space<hbm>>
    tpu.enqueue_indirect_dma source(%arg7 : memref<128x128xf32, #tpu.memory_space<vmem>>) target(%dma_start3A_243 : memref<65536x128xf32, #tpu.memory_space<hbm>>) offsets(%arg5 : memref<128xi32, #tpu.memory_space<vmem>>) semaphore(%arg11 : memref<!tpu.dma_semaphore, #tpu.memory_space<semaphore_mem>>)
    %dma_wait3A_244 = arith.constant 0 : i32
    %dma_wait3A_245 = tpu.memref_slice %arg2[%add3A_229, %dma_wait3A_244] : memref<65536x128xf32, #tpu.memory_space<hbm>> -> memref<128x128xf32, #tpu.memory_space<hbm>>
    %dma_wait3A_246 = arith.constant 0 : i32
    %dma_wait3A_247 = tpu.memref_slice %arg2[%add3A_229, %dma_wait3A_246] : memref<65536x128xf32, #tpu.memory_space<hbm>> -> memref<128x128xf32, #tpu.memory_space<hbm>>
    tpu.wait_dma2 semaphore(%arg10 : memref<!tpu.dma_semaphore, #tpu.memory_space<semaphore_mem>>) src(%dma_wait3A_247 : memref<128x128xf32, #tpu.memory_space<hbm>>) dst(%arg8 : memref<128x128xf32, #tpu.memory_space<vmem>>)
    %dma_start3A_248 = arith.constant 0 : i32
    %dma_start3A_249 = arith.constant 0 : i32
    %dma_start3A_250 = tpu.memref_slice %arg4[%dma_start3A_248, %dma_start3A_249] : memref<65536x128xf32, #tpu.memory_space<hbm>> -> memref<65536x128xf32, #tpu.memory_space<hbm>>
    tpu.enqueue_indirect_dma source(%arg8 : memref<128x128xf32, #tpu.memory_space<vmem>>) target(%dma_start3A_250 : memref<65536x128xf32, #tpu.memory_space<hbm>>) offsets(%arg6 : memref<128xi32, #tpu.memory_space<vmem>>) semaphore(%arg12 : memref<!tpu.dma_semaphore, #tpu.memory_space<semaphore_mem>>)
    %dma_wait3A_251 = arith.constant 0 : i32
    %dma_wait3A_252 = arith.constant 0 : i32
    %dma_wait3A_253 = tpu.memref_slice %arg4[%dma_wait3A_251, %dma_wait3A_252] : memref<65536x128xf32, #tpu.memory_space<hbm>> -> memref<65536x128xf32, #tpu.memory_space<hbm>>
    tpu.wait_indirect_dma semaphore(%arg11 : memref<!tpu.dma_semaphore, #tpu.memory_space<semaphore_mem>>) src(%arg7 : memref<128x128xf32, #tpu.memory_space<vmem>>) dst(%dma_wait3A_253 : memref<65536x128xf32, #tpu.memory_space<hbm>>)
    %dma_wait3A_254 = arith.constant 0 : i32
    %dma_wait3A_255 = arith.constant 0 : i32
    %dma_wait3A_256 = tpu.memref_slice %arg4[%dma_wait3A_254, %dma_wait3A_255] : memref<65536x128xf32, #tpu.memory_space<hbm>> -> memref<65536x128xf32, #tpu.memory_space<hbm>>
    tpu.wait_indirect_dma semaphore(%arg12 : memref<!tpu.dma_semaphore, #tpu.memory_space<semaphore_mem>>) src(%arg8 : memref<128x128xf32, #tpu.memory_space<vmem>>) dst(%dma_wait3A_256 : memref<65536x128xf32, #tpu.memory_space<hbm>>)
    return
  }
}

#map = affine_map<(d0, d1) -> (0, 0)>
#map1 = affine_map<(d0, d1) -> (0)>
module attributes {stable_mosaic.version = 14 : i64} {
  func.func @permute(%arg0: i32, %arg1: i32, %arg2: memref<65536x128xf32, #tpu.memory_space<hbm>>, %arg3: memref<65536xi32, #tpu.memory_space<hbm>>, %arg4: memref<65536x128xf32, #tpu.memory_space<hbm>>, %arg5: memref<128xi32, #tpu.memory_space<vmem>>, %arg6: memref<128xi32, #tpu.memory_space<vmem>>, %arg7: memref<128x128xf32, #tpu.memory_space<vmem>>, %arg8: memref<128x128xf32, #tpu.memory_space<vmem>>, %arg9: memref<!tpu.dma_semaphore, #tpu.memory_space<semaphore_mem>>, %arg10: memref<!tpu.dma_semaphore, #tpu.memory_space<semaphore_mem>>, %arg11: memref<!tpu.dma_semaphore, #tpu.memory_space<semaphore_mem>>, %arg12: memref<!tpu.dma_semaphore, #tpu.memory_space<semaphore_mem>>) attributes {dimension_semantics = [#tpu.dimension_semantics<core_parallel>, #tpu.dimension_semantics<subcore_parallel>], iteration_bounds = array<i64: 2, 16>, scalar_prefetch = 0 : i64, scratch_operands = 8 : i64, tpu.core_type = #tpu.core_type<sc_vector_subcore>, window_params = [{transform_indices = #map}, {transform_indices = #map1}, {transform_indices = #map}]} {
    %mul3A = arith.constant 2 : i32
    %mul3A_0 = arith.muli %arg1, %mul3A : i32
    %add3A = arith.addi %mul3A_0, %arg0 : i32
    %mul3A_1 = arith.constant 2048 : i32
    %mul3A_2 = arith.muli %add3A, %mul3A_1 : i32
    %add3A_3 = arith.constant 0 : i32
    %add3A_4 = arith.addi %mul3A_2, %add3A_3 : i32
    "tpu.region"() ({
      %run_scoped3A = tpu.sem_alloc : memref<!tpu.dma_semaphore, #tpu.memory_space<semaphore_mem>>
      %dma_start3A_289 = tpu.memref_slice %arg3[%add3A_4] : memref<65536xi32, #tpu.memory_space<hbm>> -> memref<128xi32, #tpu.memory_space<hbm>>
      %dma_start3A_290 = tpu.memref_slice %arg3[%add3A_4] : memref<65536xi32, #tpu.memory_space<hbm>> -> memref<128xi32, #tpu.memory_space<hbm>>
      tpu.enqueue_dma source(%dma_start3A_290 : memref<128xi32, #tpu.memory_space<hbm>>) target(%arg5 : memref<128xi32, #tpu.memory_space<vmem>>) target_semaphore(%run_scoped3A : memref<!tpu.dma_semaphore, #tpu.memory_space<semaphore_mem>>)
      %dma_wait3A_291 = tpu.memref_slice %arg3[%add3A_4] : memref<65536xi32, #tpu.memory_space<hbm>> -> memref<128xi32, #tpu.memory_space<hbm>>
      %dma_wait3A_292 = tpu.memref_slice %arg3[%add3A_4] : memref<65536xi32, #tpu.memory_space<hbm>> -> memref<128xi32, #tpu.memory_space<hbm>>
      tpu.wait_dma2 semaphore(%run_scoped3A : memref<!tpu.dma_semaphore, #tpu.memory_space<semaphore_mem>>) src(%dma_wait3A_292 : memref<128xi32, #tpu.memory_space<hbm>>) dst(%arg5 : memref<128xi32, #tpu.memory_space<vmem>>)
      tpu.yield
    }) : () -> ()
    %dma_start3A = arith.constant 0 : i32
    %dma_start3A_5 = arith.constant 0 : i32
    %dma_start3A_6 = tpu.memref_slice %arg2[%dma_start3A, %dma_start3A_5] : memref<65536x128xf32, #tpu.memory_space<hbm>> -> memref<65536x128xf32, #tpu.memory_space<hbm>>
    tpu.enqueue_indirect_dma source(%dma_start3A_6 : memref<65536x128xf32, #tpu.memory_space<hbm>>) target(%arg7 : memref<128x128xf32, #tpu.memory_space<vmem>>) offsets(%arg5 : memref<128xi32, #tpu.memory_space<vmem>>) semaphore(%arg9 : memref<!tpu.dma_semaphore, #tpu.memory_space<semaphore_mem>>)
    %add3A_7 = arith.constant 128 : i32
    %add3A_8 = arith.addi %mul3A_2, %add3A_7 : i32
    "tpu.region"() ({
      %run_scoped3A = tpu.sem_alloc : memref<!tpu.dma_semaphore, #tpu.memory_space<semaphore_mem>>
      %dma_start3A_289 = tpu.memref_slice %arg3[%add3A_8] : memref<65536xi32, #tpu.memory_space<hbm>> -> memref<128xi32, #tpu.memory_space<hbm>>
      %dma_start3A_290 = tpu.memref_slice %arg3[%add3A_8] : memref<65536xi32, #tpu.memory_space<hbm>> -> memref<128xi32, #tpu.memory_space<hbm>>
      tpu.enqueue_dma source(%dma_start3A_290 : memref<128xi32, #tpu.memory_space<hbm>>) target(%arg6 : memref<128xi32, #tpu.memory_space<vmem>>) target_semaphore(%run_scoped3A : memref<!tpu.dma_semaphore, #tpu.memory_space<semaphore_mem>>)
      %dma_wait3A_291 = tpu.memref_slice %arg3[%add3A_8] : memref<65536xi32, #tpu.memory_space<hbm>> -> memref<128xi32, #tpu.memory_space<hbm>>
      %dma_wait3A_292 = tpu.memref_slice %arg3[%add3A_8] : memref<65536xi32, #tpu.memory_space<hbm>> -> memref<128xi32, #tpu.memory_space<hbm>>
      tpu.wait_dma2 semaphore(%run_scoped3A : memref<!tpu.dma_semaphore, #tpu.memory_space<semaphore_mem>>) src(%dma_wait3A_292 : memref<128xi32, #tpu.memory_space<hbm>>) dst(%arg6 : memref<128xi32, #tpu.memory_space<vmem>>)
      tpu.yield
    }) : () -> ()
    %dma_start3A_9 = arith.constant 0 : i32
    %dma_start3A_10 = arith.constant 0 : i32
    %dma_start3A_11 = tpu.memref_slice %arg2[%dma_start3A_9, %dma_start3A_10] : memref<65536x128xf32, #tpu.memory_space<hbm>> -> memref<65536x128xf32, #tpu.memory_space<hbm>>
    tpu.enqueue_indirect_dma source(%dma_start3A_11 : memref<65536x128xf32, #tpu.memory_space<hbm>>) target(%arg8 : memref<128x128xf32, #tpu.memory_space<vmem>>) offsets(%arg6 : memref<128xi32, #tpu.memory_space<vmem>>) semaphore(%arg10 : memref<!tpu.dma_semaphore, #tpu.memory_space<semaphore_mem>>)
    %dma_wait3A = arith.constant 0 : i32
    %dma_wait3A_12 = arith.constant 0 : i32
    %dma_wait3A_13 = tpu.memref_slice %arg2[%dma_wait3A, %dma_wait3A_12] : memref<65536x128xf32, #tpu.memory_space<hbm>> -> memref<65536x128xf32, #tpu.memory_space<hbm>>
    tpu.wait_indirect_dma semaphore(%arg9 : memref<!tpu.dma_semaphore, #tpu.memory_space<semaphore_mem>>) src(%dma_wait3A_13 : memref<65536x128xf32, #tpu.memory_space<hbm>>) dst(%arg7 : memref<128x128xf32, #tpu.memory_space<vmem>>)
    %add3A_14 = arith.constant 0 : i32
    %add3A_15 = arith.addi %mul3A_2, %add3A_14 : i32
    %dma_start3A_16 = arith.constant 0 : i32
    %dma_start3A_17 = tpu.memref_slice %arg4[%add3A_15, %dma_start3A_16] : memref<65536x128xf32, #tpu.memory_space<hbm>> -> memref<128x128xf32, #tpu.memory_space<hbm>>
    %dma_start3A_18 = arith.constant 0 : i32
    %dma_start3A_19 = tpu.memref_slice %arg4[%add3A_15, %dma_start3A_18] : memref<65536x128xf32, #tpu.memory_space<hbm>> -> memref<128x128xf32, #tpu.memory_space<hbm>>
    tpu.enqueue_dma source(%arg7 : memref<128x128xf32, #tpu.memory_space<vmem>>) target(%dma_start3A_19 : memref<128x128xf32, #tpu.memory_space<hbm>>) target_semaphore(%arg11 : memref<!tpu.dma_semaphore, #tpu.memory_space<semaphore_mem>>)
    %add3A_20 = arith.constant 256 : i32
    %add3A_21 = arith.addi %mul3A_2, %add3A_20 : i32
    %dma_wait3A_22 = arith.constant 0 : i32
    %dma_wait3A_23 = tpu.memref_slice %arg4[%add3A_15, %dma_wait3A_22] : memref<65536x128xf32, #tpu.memory_space<hbm>> -> memref<128x128xf32, #tpu.memory_space<hbm>>
    %dma_wait3A_24 = arith.constant 0 : i32
    %dma_wait3A_25 = tpu.memref_slice %arg4[%add3A_15, %dma_wait3A_24] : memref<65536x128xf32, #tpu.memory_space<hbm>> -> memref<128x128xf32, #tpu.memory_space<hbm>>
    tpu.wait_dma2 semaphore(%arg11 : memref<!tpu.dma_semaphore, #tpu.memory_space<semaphore_mem>>) src(%arg7 : memref<128x128xf32, #tpu.memory_space<vmem>>) dst(%dma_wait3A_25 : memref<128x128xf32, #tpu.memory_space<hbm>>)
    "tpu.region"() ({
      %run_scoped3A = tpu.sem_alloc : memref<!tpu.dma_semaphore, #tpu.memory_space<semaphore_mem>>
      %dma_start3A_289 = tpu.memref_slice %arg3[%add3A_21] : memref<65536xi32, #tpu.memory_space<hbm>> -> memref<128xi32, #tpu.memory_space<hbm>>
      %dma_start3A_290 = tpu.memref_slice %arg3[%add3A_21] : memref<65536xi32, #tpu.memory_space<hbm>> -> memref<128xi32, #tpu.memory_space<hbm>>
      tpu.enqueue_dma source(%dma_start3A_290 : memref<128xi32, #tpu.memory_space<hbm>>) target(%arg5 : memref<128xi32, #tpu.memory_space<vmem>>) target_semaphore(%run_scoped3A : memref<!tpu.dma_semaphore, #tpu.memory_space<semaphore_mem>>)
      %dma_wait3A_291 = tpu.memref_slice %arg3[%add3A_21] : memref<65536xi32, #tpu.memory_space<hbm>> -> memref<128xi32, #tpu.memory_space<hbm>>
      %dma_wait3A_292 = tpu.memref_slice %arg3[%add3A_21] : memref<65536xi32, #tpu.memory_space<hbm>> -> memref<128xi32, #tpu.memory_space<hbm>>
      tpu.wait_dma2 semaphore(%run_scoped3A : memref<!tpu.dma_semaphore, #tpu.memory_space<semaphore_mem>>) src(%dma_wait3A_292 : memref<128xi32, #tpu.memory_space<hbm>>) dst(%arg5 : memref<128xi32, #tpu.memory_space<vmem>>)
      tpu.yield
    }) : () -> ()
    %dma_start3A_26 = arith.constant 0 : i32
    %dma_start3A_27 = arith.constant 0 : i32
    %dma_start3A_28 = tpu.memref_slice %arg2[%dma_start3A_26, %dma_start3A_27] : memref<65536x128xf32, #tpu.memory_space<hbm>> -> memref<65536x128xf32, #tpu.memory_space<hbm>>
    tpu.enqueue_indirect_dma source(%dma_start3A_28 : memref<65536x128xf32, #tpu.memory_space<hbm>>) target(%arg7 : memref<128x128xf32, #tpu.memory_space<vmem>>) offsets(%arg5 : memref<128xi32, #tpu.memory_space<vmem>>) semaphore(%arg9 : memref<!tpu.dma_semaphore, #tpu.memory_space<semaphore_mem>>)
    %dma_wait3A_29 = arith.constant 0 : i32
    %dma_wait3A_30 = arith.constant 0 : i32
    %dma_wait3A_31 = tpu.memref_slice %arg2[%dma_wait3A_29, %dma_wait3A_30] : memref<65536x128xf32, #tpu.memory_space<hbm>> -> memref<65536x128xf32, #tpu.memory_space<hbm>>
    tpu.wait_indirect_dma semaphore(%arg10 : memref<!tpu.dma_semaphore, #tpu.memory_space<semaphore_mem>>) src(%dma_wait3A_31 : memref<65536x128xf32, #tpu.memory_space<hbm>>) dst(%arg8 : memref<128x128xf32, #tpu.memory_space<vmem>>)
    %add3A_32 = arith.constant 128 : i32
    %add3A_33 = arith.addi %mul3A_2, %add3A_32 : i32
    %dma_start3A_34 = arith.constant 0 : i32
    %dma_start3A_35 = tpu.memref_slice %arg4[%add3A_33, %dma_start3A_34] : memref<65536x128xf32, #tpu.memory_space<hbm>> -> memref<128x128xf32, #tpu.memory_space<hbm>>
    %dma_start3A_36 = arith.constant 0 : i32
    %dma_start3A_37 = tpu.memref_slice %arg4[%add3A_33, %dma_start3A_36] : memref<65536x128xf32, #tpu.memory_space<hbm>> -> memref<128x128xf32, #tpu.memory_space<hbm>>
    tpu.enqueue_dma source(%arg8 : memref<128x128xf32, #tpu.memory_space<vmem>>) target(%dma_start3A_37 : memref<128x128xf32, #tpu.memory_space<hbm>>) target_semaphore(%arg12 : memref<!tpu.dma_semaphore, #tpu.memory_space<semaphore_mem>>)
    %add3A_38 = arith.constant 384 : i32
    %add3A_39 = arith.addi %mul3A_2, %add3A_38 : i32
    %dma_wait3A_40 = arith.constant 0 : i32
    %dma_wait3A_41 = tpu.memref_slice %arg4[%add3A_33, %dma_wait3A_40] : memref<65536x128xf32, #tpu.memory_space<hbm>> -> memref<128x128xf32, #tpu.memory_space<hbm>>
    %dma_wait3A_42 = arith.constant 0 : i32
    %dma_wait3A_43 = tpu.memref_slice %arg4[%add3A_33, %dma_wait3A_42] : memref<65536x128xf32, #tpu.memory_space<hbm>> -> memref<128x128xf32, #tpu.memory_space<hbm>>
    tpu.wait_dma2 semaphore(%arg12 : memref<!tpu.dma_semaphore, #tpu.memory_space<semaphore_mem>>) src(%arg8 : memref<128x128xf32, #tpu.memory_space<vmem>>) dst(%dma_wait3A_43 : memref<128x128xf32, #tpu.memory_space<hbm>>)
    "tpu.region"() ({
      %run_scoped3A = tpu.sem_alloc : memref<!tpu.dma_semaphore, #tpu.memory_space<semaphore_mem>>
      %dma_start3A_289 = tpu.memref_slice %arg3[%add3A_39] : memref<65536xi32, #tpu.memory_space<hbm>> -> memref<128xi32, #tpu.memory_space<hbm>>
      %dma_start3A_290 = tpu.memref_slice %arg3[%add3A_39] : memref<65536xi32, #tpu.memory_space<hbm>> -> memref<128xi32, #tpu.memory_space<hbm>>
      tpu.enqueue_dma source(%dma_start3A_290 : memref<128xi32, #tpu.memory_space<hbm>>) target(%arg6 : memref<128xi32, #tpu.memory_space<vmem>>) target_semaphore(%run_scoped3A : memref<!tpu.dma_semaphore, #tpu.memory_space<semaphore_mem>>)
      %dma_wait3A_291 = tpu.memref_slice %arg3[%add3A_39] : memref<65536xi32, #tpu.memory_space<hbm>> -> memref<128xi32, #tpu.memory_space<hbm>>
      %dma_wait3A_292 = tpu.memref_slice %arg3[%add3A_39] : memref<65536xi32, #tpu.memory_space<hbm>> -> memref<128xi32, #tpu.memory_space<hbm>>
      tpu.wait_dma2 semaphore(%run_scoped3A : memref<!tpu.dma_semaphore, #tpu.memory_space<semaphore_mem>>) src(%dma_wait3A_292 : memref<128xi32, #tpu.memory_space<hbm>>) dst(%arg6 : memref<128xi32, #tpu.memory_space<vmem>>)
      tpu.yield
    }) : () -> ()
    %dma_start3A_44 = arith.constant 0 : i32
    %dma_start3A_45 = arith.constant 0 : i32
    %dma_start3A_46 = tpu.memref_slice %arg2[%dma_start3A_44, %dma_start3A_45] : memref<65536x128xf32, #tpu.memory_space<hbm>> -> memref<65536x128xf32, #tpu.memory_space<hbm>>
    tpu.enqueue_indirect_dma source(%dma_start3A_46 : memref<65536x128xf32, #tpu.memory_space<hbm>>) target(%arg8 : memref<128x128xf32, #tpu.memory_space<vmem>>) offsets(%arg6 : memref<128xi32, #tpu.memory_space<vmem>>) semaphore(%arg10 : memref<!tpu.dma_semaphore, #tpu.memory_space<semaphore_mem>>)
    %dma_wait3A_47 = arith.constant 0 : i32
    %dma_wait3A_48 = arith.constant 0 : i32
    %dma_wait3A_49 = tpu.memref_slice %arg2[%dma_wait3A_47, %dma_wait3A_48] : memref<65536x128xf32, #tpu.memory_space<hbm>> -> memref<65536x128xf32, #tpu.memory_space<hbm>>
    tpu.wait_indirect_dma semaphore(%arg9 : memref<!tpu.dma_semaphore, #tpu.memory_space<semaphore_mem>>) src(%dma_wait3A_49 : memref<65536x128xf32, #tpu.memory_space<hbm>>) dst(%arg7 : memref<128x128xf32, #tpu.memory_space<vmem>>)
    %add3A_50 = arith.constant 256 : i32
    %add3A_51 = arith.addi %mul3A_2, %add3A_50 : i32
    %dma_start3A_52 = arith.constant 0 : i32
    %dma_start3A_53 = tpu.memref_slice %arg4[%add3A_51, %dma_start3A_52] : memref<65536x128xf32, #tpu.memory_space<hbm>> -> memref<128x128xf32, #tpu.memory_space<hbm>>
    %dma_start3A_54 = arith.constant 0 : i32
    %dma_start3A_55 = tpu.memref_slice %arg4[%add3A_51, %dma_start3A_54] : memref<65536x128xf32, #tpu.memory_space<hbm>> -> memref<128x128xf32, #tpu.memory_space<hbm>>
    tpu.enqueue_dma source(%arg7 : memref<128x128xf32, #tpu.memory_space<vmem>>) target(%dma_start3A_55 : memref<128x128xf32, #tpu.memory_space<hbm>>) target_semaphore(%arg11 : memref<!tpu.dma_semaphore, #tpu.memory_space<semaphore_mem>>)
    %add3A_56 = arith.constant 512 : i32
    %add3A_57 = arith.addi %mul3A_2, %add3A_56 : i32
    %dma_wait3A_58 = arith.constant 0 : i32
    %dma_wait3A_59 = tpu.memref_slice %arg4[%add3A_51, %dma_wait3A_58] : memref<65536x128xf32, #tpu.memory_space<hbm>> -> memref<128x128xf32, #tpu.memory_space<hbm>>
    %dma_wait3A_60 = arith.constant 0 : i32
    %dma_wait3A_61 = tpu.memref_slice %arg4[%add3A_51, %dma_wait3A_60] : memref<65536x128xf32, #tpu.memory_space<hbm>> -> memref<128x128xf32, #tpu.memory_space<hbm>>
    tpu.wait_dma2 semaphore(%arg11 : memref<!tpu.dma_semaphore, #tpu.memory_space<semaphore_mem>>) src(%arg7 : memref<128x128xf32, #tpu.memory_space<vmem>>) dst(%dma_wait3A_61 : memref<128x128xf32, #tpu.memory_space<hbm>>)
    "tpu.region"() ({
      %run_scoped3A = tpu.sem_alloc : memref<!tpu.dma_semaphore, #tpu.memory_space<semaphore_mem>>
      %dma_start3A_289 = tpu.memref_slice %arg3[%add3A_57] : memref<65536xi32, #tpu.memory_space<hbm>> -> memref<128xi32, #tpu.memory_space<hbm>>
      %dma_start3A_290 = tpu.memref_slice %arg3[%add3A_57] : memref<65536xi32, #tpu.memory_space<hbm>> -> memref<128xi32, #tpu.memory_space<hbm>>
      tpu.enqueue_dma source(%dma_start3A_290 : memref<128xi32, #tpu.memory_space<hbm>>) target(%arg5 : memref<128xi32, #tpu.memory_space<vmem>>) target_semaphore(%run_scoped3A : memref<!tpu.dma_semaphore, #tpu.memory_space<semaphore_mem>>)
      %dma_wait3A_291 = tpu.memref_slice %arg3[%add3A_57] : memref<65536xi32, #tpu.memory_space<hbm>> -> memref<128xi32, #tpu.memory_space<hbm>>
      %dma_wait3A_292 = tpu.memref_slice %arg3[%add3A_57] : memref<65536xi32, #tpu.memory_space<hbm>> -> memref<128xi32, #tpu.memory_space<hbm>>
      tpu.wait_dma2 semaphore(%run_scoped3A : memref<!tpu.dma_semaphore, #tpu.memory_space<semaphore_mem>>) src(%dma_wait3A_292 : memref<128xi32, #tpu.memory_space<hbm>>) dst(%arg5 : memref<128xi32, #tpu.memory_space<vmem>>)
      tpu.yield
    }) : () -> ()
    %dma_start3A_62 = arith.constant 0 : i32
    %dma_start3A_63 = arith.constant 0 : i32
    %dma_start3A_64 = tpu.memref_slice %arg2[%dma_start3A_62, %dma_start3A_63] : memref<65536x128xf32, #tpu.memory_space<hbm>> -> memref<65536x128xf32, #tpu.memory_space<hbm>>
    tpu.enqueue_indirect_dma source(%dma_start3A_64 : memref<65536x128xf32, #tpu.memory_space<hbm>>) target(%arg7 : memref<128x128xf32, #tpu.memory_space<vmem>>) offsets(%arg5 : memref<128xi32, #tpu.memory_space<vmem>>) semaphore(%arg9 : memref<!tpu.dma_semaphore, #tpu.memory_space<semaphore_mem>>)
    %dma_wait3A_65 = arith.constant 0 : i32
    %dma_wait3A_66 = arith.constant 0 : i32
    %dma_wait3A_67 = tpu.memref_slice %arg2[%dma_wait3A_65, %dma_wait3A_66] : memref<65536x128xf32, #tpu.memory_space<hbm>> -> memref<65536x128xf32, #tpu.memory_space<hbm>>
    tpu.wait_indirect_dma semaphore(%arg10 : memref<!tpu.dma_semaphore, #tpu.memory_space<semaphore_mem>>) src(%dma_wait3A_67 : memref<65536x128xf32, #tpu.memory_space<hbm>>) dst(%arg8 : memref<128x128xf32, #tpu.memory_space<vmem>>)
    %add3A_68 = arith.constant 384 : i32
    %add3A_69 = arith.addi %mul3A_2, %add3A_68 : i32
    %dma_start3A_70 = arith.constant 0 : i32
    %dma_start3A_71 = tpu.memref_slice %arg4[%add3A_69, %dma_start3A_70] : memref<65536x128xf32, #tpu.memory_space<hbm>> -> memref<128x128xf32, #tpu.memory_space<hbm>>
    %dma_start3A_72 = arith.constant 0 : i32
    %dma_start3A_73 = tpu.memref_slice %arg4[%add3A_69, %dma_start3A_72] : memref<65536x128xf32, #tpu.memory_space<hbm>> -> memref<128x128xf32, #tpu.memory_space<hbm>>
    tpu.enqueue_dma source(%arg8 : memref<128x128xf32, #tpu.memory_space<vmem>>) target(%dma_start3A_73 : memref<128x128xf32, #tpu.memory_space<hbm>>) target_semaphore(%arg12 : memref<!tpu.dma_semaphore, #tpu.memory_space<semaphore_mem>>)
    %add3A_74 = arith.constant 640 : i32
    %add3A_75 = arith.addi %mul3A_2, %add3A_74 : i32
    %dma_wait3A_76 = arith.constant 0 : i32
    %dma_wait3A_77 = tpu.memref_slice %arg4[%add3A_69, %dma_wait3A_76] : memref<65536x128xf32, #tpu.memory_space<hbm>> -> memref<128x128xf32, #tpu.memory_space<hbm>>
    %dma_wait3A_78 = arith.constant 0 : i32
    %dma_wait3A_79 = tpu.memref_slice %arg4[%add3A_69, %dma_wait3A_78] : memref<65536x128xf32, #tpu.memory_space<hbm>> -> memref<128x128xf32, #tpu.memory_space<hbm>>
    tpu.wait_dma2 semaphore(%arg12 : memref<!tpu.dma_semaphore, #tpu.memory_space<semaphore_mem>>) src(%arg8 : memref<128x128xf32, #tpu.memory_space<vmem>>) dst(%dma_wait3A_79 : memref<128x128xf32, #tpu.memory_space<hbm>>)
    "tpu.region"() ({
      %run_scoped3A = tpu.sem_alloc : memref<!tpu.dma_semaphore, #tpu.memory_space<semaphore_mem>>
      %dma_start3A_289 = tpu.memref_slice %arg3[%add3A_75] : memref<65536xi32, #tpu.memory_space<hbm>> -> memref<128xi32, #tpu.memory_space<hbm>>
      %dma_start3A_290 = tpu.memref_slice %arg3[%add3A_75] : memref<65536xi32, #tpu.memory_space<hbm>> -> memref<128xi32, #tpu.memory_space<hbm>>
      tpu.enqueue_dma source(%dma_start3A_290 : memref<128xi32, #tpu.memory_space<hbm>>) target(%arg6 : memref<128xi32, #tpu.memory_space<vmem>>) target_semaphore(%run_scoped3A : memref<!tpu.dma_semaphore, #tpu.memory_space<semaphore_mem>>)
      %dma_wait3A_291 = tpu.memref_slice %arg3[%add3A_75] : memref<65536xi32, #tpu.memory_space<hbm>> -> memref<128xi32, #tpu.memory_space<hbm>>
      %dma_wait3A_292 = tpu.memref_slice %arg3[%add3A_75] : memref<65536xi32, #tpu.memory_space<hbm>> -> memref<128xi32, #tpu.memory_space<hbm>>
      tpu.wait_dma2 semaphore(%run_scoped3A : memref<!tpu.dma_semaphore, #tpu.memory_space<semaphore_mem>>) src(%dma_wait3A_292 : memref<128xi32, #tpu.memory_space<hbm>>) dst(%arg6 : memref<128xi32, #tpu.memory_space<vmem>>)
      tpu.yield
    }) : () -> ()
    %dma_start3A_80 = arith.constant 0 : i32
    %dma_start3A_81 = arith.constant 0 : i32
    %dma_start3A_82 = tpu.memref_slice %arg2[%dma_start3A_80, %dma_start3A_81] : memref<65536x128xf32, #tpu.memory_space<hbm>> -> memref<65536x128xf32, #tpu.memory_space<hbm>>
    tpu.enqueue_indirect_dma source(%dma_start3A_82 : memref<65536x128xf32, #tpu.memory_space<hbm>>) target(%arg8 : memref<128x128xf32, #tpu.memory_space<vmem>>) offsets(%arg6 : memref<128xi32, #tpu.memory_space<vmem>>) semaphore(%arg10 : memref<!tpu.dma_semaphore, #tpu.memory_space<semaphore_mem>>)
    %dma_wait3A_83 = arith.constant 0 : i32
    %dma_wait3A_84 = arith.constant 0 : i32
    %dma_wait3A_85 = tpu.memref_slice %arg2[%dma_wait3A_83, %dma_wait3A_84] : memref<65536x128xf32, #tpu.memory_space<hbm>> -> memref<65536x128xf32, #tpu.memory_space<hbm>>
    tpu.wait_indirect_dma semaphore(%arg9 : memref<!tpu.dma_semaphore, #tpu.memory_space<semaphore_mem>>) src(%dma_wait3A_85 : memref<65536x128xf32, #tpu.memory_space<hbm>>) dst(%arg7 : memref<128x128xf32, #tpu.memory_space<vmem>>)
    %add3A_86 = arith.constant 512 : i32
    %add3A_87 = arith.addi %mul3A_2, %add3A_86 : i32
    %dma_start3A_88 = arith.constant 0 : i32
    %dma_start3A_89 = tpu.memref_slice %arg4[%add3A_87, %dma_start3A_88] : memref<65536x128xf32, #tpu.memory_space<hbm>> -> memref<128x128xf32, #tpu.memory_space<hbm>>
    %dma_start3A_90 = arith.constant 0 : i32
    %dma_start3A_91 = tpu.memref_slice %arg4[%add3A_87, %dma_start3A_90] : memref<65536x128xf32, #tpu.memory_space<hbm>> -> memref<128x128xf32, #tpu.memory_space<hbm>>
    tpu.enqueue_dma source(%arg7 : memref<128x128xf32, #tpu.memory_space<vmem>>) target(%dma_start3A_91 : memref<128x128xf32, #tpu.memory_space<hbm>>) target_semaphore(%arg11 : memref<!tpu.dma_semaphore, #tpu.memory_space<semaphore_mem>>)
    %add3A_92 = arith.constant 768 : i32
    %add3A_93 = arith.addi %mul3A_2, %add3A_92 : i32
    %dma_wait3A_94 = arith.constant 0 : i32
    %dma_wait3A_95 = tpu.memref_slice %arg4[%add3A_87, %dma_wait3A_94] : memref<65536x128xf32, #tpu.memory_space<hbm>> -> memref<128x128xf32, #tpu.memory_space<hbm>>
    %dma_wait3A_96 = arith.constant 0 : i32
    %dma_wait3A_97 = tpu.memref_slice %arg4[%add3A_87, %dma_wait3A_96] : memref<65536x128xf32, #tpu.memory_space<hbm>> -> memref<128x128xf32, #tpu.memory_space<hbm>>
    tpu.wait_dma2 semaphore(%arg11 : memref<!tpu.dma_semaphore, #tpu.memory_space<semaphore_mem>>) src(%arg7 : memref<128x128xf32, #tpu.memory_space<vmem>>) dst(%dma_wait3A_97 : memref<128x128xf32, #tpu.memory_space<hbm>>)
    "tpu.region"() ({
      %run_scoped3A = tpu.sem_alloc : memref<!tpu.dma_semaphore, #tpu.memory_space<semaphore_mem>>
      %dma_start3A_289 = tpu.memref_slice %arg3[%add3A_93] : memref<65536xi32, #tpu.memory_space<hbm>> -> memref<128xi32, #tpu.memory_space<hbm>>
      %dma_start3A_290 = tpu.memref_slice %arg3[%add3A_93] : memref<65536xi32, #tpu.memory_space<hbm>> -> memref<128xi32, #tpu.memory_space<hbm>>
      tpu.enqueue_dma source(%dma_start3A_290 : memref<128xi32, #tpu.memory_space<hbm>>) target(%arg5 : memref<128xi32, #tpu.memory_space<vmem>>) target_semaphore(%run_scoped3A : memref<!tpu.dma_semaphore, #tpu.memory_space<semaphore_mem>>)
      %dma_wait3A_291 = tpu.memref_slice %arg3[%add3A_93] : memref<65536xi32, #tpu.memory_space<hbm>> -> memref<128xi32, #tpu.memory_space<hbm>>
      %dma_wait3A_292 = tpu.memref_slice %arg3[%add3A_93] : memref<65536xi32, #tpu.memory_space<hbm>> -> memref<128xi32, #tpu.memory_space<hbm>>
      tpu.wait_dma2 semaphore(%run_scoped3A : memref<!tpu.dma_semaphore, #tpu.memory_space<semaphore_mem>>) src(%dma_wait3A_292 : memref<128xi32, #tpu.memory_space<hbm>>) dst(%arg5 : memref<128xi32, #tpu.memory_space<vmem>>)
      tpu.yield
    }) : () -> ()
    %dma_start3A_98 = arith.constant 0 : i32
    %dma_start3A_99 = arith.constant 0 : i32
    %dma_start3A_100 = tpu.memref_slice %arg2[%dma_start3A_98, %dma_start3A_99] : memref<65536x128xf32, #tpu.memory_space<hbm>> -> memref<65536x128xf32, #tpu.memory_space<hbm>>
    tpu.enqueue_indirect_dma source(%dma_start3A_100 : memref<65536x128xf32, #tpu.memory_space<hbm>>) target(%arg7 : memref<128x128xf32, #tpu.memory_space<vmem>>) offsets(%arg5 : memref<128xi32, #tpu.memory_space<vmem>>) semaphore(%arg9 : memref<!tpu.dma_semaphore, #tpu.memory_space<semaphore_mem>>)
    %dma_wait3A_101 = arith.constant 0 : i32
    %dma_wait3A_102 = arith.constant 0 : i32
    %dma_wait3A_103 = tpu.memref_slice %arg2[%dma_wait3A_101, %dma_wait3A_102] : memref<65536x128xf32, #tpu.memory_space<hbm>> -> memref<65536x128xf32, #tpu.memory_space<hbm>>
    tpu.wait_indirect_dma semaphore(%arg10 : memref<!tpu.dma_semaphore, #tpu.memory_space<semaphore_mem>>) src(%dma_wait3A_103 : memref<65536x128xf32, #tpu.memory_space<hbm>>) dst(%arg8 : memref<128x128xf32, #tpu.memory_space<vmem>>)
    %add3A_104 = arith.constant 640 : i32
    %add3A_105 = arith.addi %mul3A_2, %add3A_104 : i32
    %dma_start3A_106 = arith.constant 0 : i32
    %dma_start3A_107 = tpu.memref_slice %arg4[%add3A_105, %dma_start3A_106] : memref<65536x128xf32, #tpu.memory_space<hbm>> -> memref<128x128xf32, #tpu.memory_space<hbm>>
    %dma_start3A_108 = arith.constant 0 : i32
    %dma_start3A_109 = tpu.memref_slice %arg4[%add3A_105, %dma_start3A_108] : memref<65536x128xf32, #tpu.memory_space<hbm>> -> memref<128x128xf32, #tpu.memory_space<hbm>>
    tpu.enqueue_dma source(%arg8 : memref<128x128xf32, #tpu.memory_space<vmem>>) target(%dma_start3A_109 : memref<128x128xf32, #tpu.memory_space<hbm>>) target_semaphore(%arg12 : memref<!tpu.dma_semaphore, #tpu.memory_space<semaphore_mem>>)
    %add3A_110 = arith.constant 896 : i32
    %add3A_111 = arith.addi %mul3A_2, %add3A_110 : i32
    %dma_wait3A_112 = arith.constant 0 : i32
    %dma_wait3A_113 = tpu.memref_slice %arg4[%add3A_105, %dma_wait3A_112] : memref<65536x128xf32, #tpu.memory_space<hbm>> -> memref<128x128xf32, #tpu.memory_space<hbm>>
    %dma_wait3A_114 = arith.constant 0 : i32
    %dma_wait3A_115 = tpu.memref_slice %arg4[%add3A_105, %dma_wait3A_114] : memref<65536x128xf32, #tpu.memory_space<hbm>> -> memref<128x128xf32, #tpu.memory_space<hbm>>
    tpu.wait_dma2 semaphore(%arg12 : memref<!tpu.dma_semaphore, #tpu.memory_space<semaphore_mem>>) src(%arg8 : memref<128x128xf32, #tpu.memory_space<vmem>>) dst(%dma_wait3A_115 : memref<128x128xf32, #tpu.memory_space<hbm>>)
    "tpu.region"() ({
      %run_scoped3A = tpu.sem_alloc : memref<!tpu.dma_semaphore, #tpu.memory_space<semaphore_mem>>
      %dma_start3A_289 = tpu.memref_slice %arg3[%add3A_111] : memref<65536xi32, #tpu.memory_space<hbm>> -> memref<128xi32, #tpu.memory_space<hbm>>
      %dma_start3A_290 = tpu.memref_slice %arg3[%add3A_111] : memref<65536xi32, #tpu.memory_space<hbm>> -> memref<128xi32, #tpu.memory_space<hbm>>
      tpu.enqueue_dma source(%dma_start3A_290 : memref<128xi32, #tpu.memory_space<hbm>>) target(%arg6 : memref<128xi32, #tpu.memory_space<vmem>>) target_semaphore(%run_scoped3A : memref<!tpu.dma_semaphore, #tpu.memory_space<semaphore_mem>>)
      %dma_wait3A_291 = tpu.memref_slice %arg3[%add3A_111] : memref<65536xi32, #tpu.memory_space<hbm>> -> memref<128xi32, #tpu.memory_space<hbm>>
      %dma_wait3A_292 = tpu.memref_slice %arg3[%add3A_111] : memref<65536xi32, #tpu.memory_space<hbm>> -> memref<128xi32, #tpu.memory_space<hbm>>
      tpu.wait_dma2 semaphore(%run_scoped3A : memref<!tpu.dma_semaphore, #tpu.memory_space<semaphore_mem>>) src(%dma_wait3A_292 : memref<128xi32, #tpu.memory_space<hbm>>) dst(%arg6 : memref<128xi32, #tpu.memory_space<vmem>>)
      tpu.yield
    }) : () -> ()
    %dma_start3A_116 = arith.constant 0 : i32
    %dma_start3A_117 = arith.constant 0 : i32
    %dma_start3A_118 = tpu.memref_slice %arg2[%dma_start3A_116, %dma_start3A_117] : memref<65536x128xf32, #tpu.memory_space<hbm>> -> memref<65536x128xf32, #tpu.memory_space<hbm>>
    tpu.enqueue_indirect_dma source(%dma_start3A_118 : memref<65536x128xf32, #tpu.memory_space<hbm>>) target(%arg8 : memref<128x128xf32, #tpu.memory_space<vmem>>) offsets(%arg6 : memref<128xi32, #tpu.memory_space<vmem>>) semaphore(%arg10 : memref<!tpu.dma_semaphore, #tpu.memory_space<semaphore_mem>>)
    %dma_wait3A_119 = arith.constant 0 : i32
    %dma_wait3A_120 = arith.constant 0 : i32
    %dma_wait3A_121 = tpu.memref_slice %arg2[%dma_wait3A_119, %dma_wait3A_120] : memref<65536x128xf32, #tpu.memory_space<hbm>> -> memref<65536x128xf32, #tpu.memory_space<hbm>>
    tpu.wait_indirect_dma semaphore(%arg9 : memref<!tpu.dma_semaphore, #tpu.memory_space<semaphore_mem>>) src(%dma_wait3A_121 : memref<65536x128xf32, #tpu.memory_space<hbm>>) dst(%arg7 : memref<128x128xf32, #tpu.memory_space<vmem>>)
    %add3A_122 = arith.constant 768 : i32
    %add3A_123 = arith.addi %mul3A_2, %add3A_122 : i32
    %dma_start3A_124 = arith.constant 0 : i32
    %dma_start3A_125 = tpu.memref_slice %arg4[%add3A_123, %dma_start3A_124] : memref<65536x128xf32, #tpu.memory_space<hbm>> -> memref<128x128xf32, #tpu.memory_space<hbm>>
    %dma_start3A_126 = arith.constant 0 : i32
    %dma_start3A_127 = tpu.memref_slice %arg4[%add3A_123, %dma_start3A_126] : memref<65536x128xf32, #tpu.memory_space<hbm>> -> memref<128x128xf32, #tpu.memory_space<hbm>>
    tpu.enqueue_dma source(%arg7 : memref<128x128xf32, #tpu.memory_space<vmem>>) target(%dma_start3A_127 : memref<128x128xf32, #tpu.memory_space<hbm>>) target_semaphore(%arg11 : memref<!tpu.dma_semaphore, #tpu.memory_space<semaphore_mem>>)
    %add3A_128 = arith.constant 1024 : i32
    %add3A_129 = arith.addi %mul3A_2, %add3A_128 : i32
    %dma_wait3A_130 = arith.constant 0 : i32
    %dma_wait3A_131 = tpu.memref_slice %arg4[%add3A_123, %dma_wait3A_130] : memref<65536x128xf32, #tpu.memory_space<hbm>> -> memref<128x128xf32, #tpu.memory_space<hbm>>
    %dma_wait3A_132 = arith.constant 0 : i32
    %dma_wait3A_133 = tpu.memref_slice %arg4[%add3A_123, %dma_wait3A_132] : memref<65536x128xf32, #tpu.memory_space<hbm>> -> memref<128x128xf32, #tpu.memory_space<hbm>>
    tpu.wait_dma2 semaphore(%arg11 : memref<!tpu.dma_semaphore, #tpu.memory_space<semaphore_mem>>) src(%arg7 : memref<128x128xf32, #tpu.memory_space<vmem>>) dst(%dma_wait3A_133 : memref<128x128xf32, #tpu.memory_space<hbm>>)
    "tpu.region"() ({
      %run_scoped3A = tpu.sem_alloc : memref<!tpu.dma_semaphore, #tpu.memory_space<semaphore_mem>>
      %dma_start3A_289 = tpu.memref_slice %arg3[%add3A_129] : memref<65536xi32, #tpu.memory_space<hbm>> -> memref<128xi32, #tpu.memory_space<hbm>>
      %dma_start3A_290 = tpu.memref_slice %arg3[%add3A_129] : memref<65536xi32, #tpu.memory_space<hbm>> -> memref<128xi32, #tpu.memory_space<hbm>>
      tpu.enqueue_dma source(%dma_start3A_290 : memref<128xi32, #tpu.memory_space<hbm>>) target(%arg5 : memref<128xi32, #tpu.memory_space<vmem>>) target_semaphore(%run_scoped3A : memref<!tpu.dma_semaphore, #tpu.memory_space<semaphore_mem>>)
      %dma_wait3A_291 = tpu.memref_slice %arg3[%add3A_129] : memref<65536xi32, #tpu.memory_space<hbm>> -> memref<128xi32, #tpu.memory_space<hbm>>
      %dma_wait3A_292 = tpu.memref_slice %arg3[%add3A_129] : memref<65536xi32, #tpu.memory_space<hbm>> -> memref<128xi32, #tpu.memory_space<hbm>>
      tpu.wait_dma2 semaphore(%run_scoped3A : memref<!tpu.dma_semaphore, #tpu.memory_space<semaphore_mem>>) src(%dma_wait3A_292 : memref<128xi32, #tpu.memory_space<hbm>>) dst(%arg5 : memref<128xi32, #tpu.memory_space<vmem>>)
      tpu.yield
    }) : () -> ()
    %dma_start3A_134 = arith.constant 0 : i32
    %dma_start3A_135 = arith.constant 0 : i32
    %dma_start3A_136 = tpu.memref_slice %arg2[%dma_start3A_134, %dma_start3A_135] : memref<65536x128xf32, #tpu.memory_space<hbm>> -> memref<65536x128xf32, #tpu.memory_space<hbm>>
    tpu.enqueue_indirect_dma source(%dma_start3A_136 : memref<65536x128xf32, #tpu.memory_space<hbm>>) target(%arg7 : memref<128x128xf32, #tpu.memory_space<vmem>>) offsets(%arg5 : memref<128xi32, #tpu.memory_space<vmem>>) semaphore(%arg9 : memref<!tpu.dma_semaphore, #tpu.memory_space<semaphore_mem>>)
    %dma_wait3A_137 = arith.constant 0 : i32
    %dma_wait3A_138 = arith.constant 0 : i32
    %dma_wait3A_139 = tpu.memref_slice %arg2[%dma_wait3A_137, %dma_wait3A_138] : memref<65536x128xf32, #tpu.memory_space<hbm>> -> memref<65536x128xf32, #tpu.memory_space<hbm>>
    tpu.wait_indirect_dma semaphore(%arg10 : memref<!tpu.dma_semaphore, #tpu.memory_space<semaphore_mem>>) src(%dma_wait3A_139 : memref<65536x128xf32, #tpu.memory_space<hbm>>) dst(%arg8 : memref<128x128xf32, #tpu.memory_space<vmem>>)
    %add3A_140 = arith.constant 896 : i32
    %add3A_141 = arith.addi %mul3A_2, %add3A_140 : i32
    %dma_start3A_142 = arith.constant 0 : i32
    %dma_start3A_143 = tpu.memref_slice %arg4[%add3A_141, %dma_start3A_142] : memref<65536x128xf32, #tpu.memory_space<hbm>> -> memref<128x128xf32, #tpu.memory_space<hbm>>
    %dma_start3A_144 = arith.constant 0 : i32
    %dma_start3A_145 = tpu.memref_slice %arg4[%add3A_141, %dma_start3A_144] : memref<65536x128xf32, #tpu.memory_space<hbm>> -> memref<128x128xf32, #tpu.memory_space<hbm>>
    tpu.enqueue_dma source(%arg8 : memref<128x128xf32, #tpu.memory_space<vmem>>) target(%dma_start3A_145 : memref<128x128xf32, #tpu.memory_space<hbm>>) target_semaphore(%arg12 : memref<!tpu.dma_semaphore, #tpu.memory_space<semaphore_mem>>)
    %add3A_146 = arith.constant 1152 : i32
    %add3A_147 = arith.addi %mul3A_2, %add3A_146 : i32
    %dma_wait3A_148 = arith.constant 0 : i32
    %dma_wait3A_149 = tpu.memref_slice %arg4[%add3A_141, %dma_wait3A_148] : memref<65536x128xf32, #tpu.memory_space<hbm>> -> memref<128x128xf32, #tpu.memory_space<hbm>>
    %dma_wait3A_150 = arith.constant 0 : i32
    %dma_wait3A_151 = tpu.memref_slice %arg4[%add3A_141, %dma_wait3A_150] : memref<65536x128xf32, #tpu.memory_space<hbm>> -> memref<128x128xf32, #tpu.memory_space<hbm>>
    tpu.wait_dma2 semaphore(%arg12 : memref<!tpu.dma_semaphore, #tpu.memory_space<semaphore_mem>>) src(%arg8 : memref<128x128xf32, #tpu.memory_space<vmem>>) dst(%dma_wait3A_151 : memref<128x128xf32, #tpu.memory_space<hbm>>)
    "tpu.region"() ({
      %run_scoped3A = tpu.sem_alloc : memref<!tpu.dma_semaphore, #tpu.memory_space<semaphore_mem>>
      %dma_start3A_289 = tpu.memref_slice %arg3[%add3A_147] : memref<65536xi32, #tpu.memory_space<hbm>> -> memref<128xi32, #tpu.memory_space<hbm>>
      %dma_start3A_290 = tpu.memref_slice %arg3[%add3A_147] : memref<65536xi32, #tpu.memory_space<hbm>> -> memref<128xi32, #tpu.memory_space<hbm>>
      tpu.enqueue_dma source(%dma_start3A_290 : memref<128xi32, #tpu.memory_space<hbm>>) target(%arg6 : memref<128xi32, #tpu.memory_space<vmem>>) target_semaphore(%run_scoped3A : memref<!tpu.dma_semaphore, #tpu.memory_space<semaphore_mem>>)
      %dma_wait3A_291 = tpu.memref_slice %arg3[%add3A_147] : memref<65536xi32, #tpu.memory_space<hbm>> -> memref<128xi32, #tpu.memory_space<hbm>>
      %dma_wait3A_292 = tpu.memref_slice %arg3[%add3A_147] : memref<65536xi32, #tpu.memory_space<hbm>> -> memref<128xi32, #tpu.memory_space<hbm>>
      tpu.wait_dma2 semaphore(%run_scoped3A : memref<!tpu.dma_semaphore, #tpu.memory_space<semaphore_mem>>) src(%dma_wait3A_292 : memref<128xi32, #tpu.memory_space<hbm>>) dst(%arg6 : memref<128xi32, #tpu.memory_space<vmem>>)
      tpu.yield
    }) : () -> ()
    %dma_start3A_152 = arith.constant 0 : i32
    %dma_start3A_153 = arith.constant 0 : i32
    %dma_start3A_154 = tpu.memref_slice %arg2[%dma_start3A_152, %dma_start3A_153] : memref<65536x128xf32, #tpu.memory_space<hbm>> -> memref<65536x128xf32, #tpu.memory_space<hbm>>
    tpu.enqueue_indirect_dma source(%dma_start3A_154 : memref<65536x128xf32, #tpu.memory_space<hbm>>) target(%arg8 : memref<128x128xf32, #tpu.memory_space<vmem>>) offsets(%arg6 : memref<128xi32, #tpu.memory_space<vmem>>) semaphore(%arg10 : memref<!tpu.dma_semaphore, #tpu.memory_space<semaphore_mem>>)
    %dma_wait3A_155 = arith.constant 0 : i32
    %dma_wait3A_156 = arith.constant 0 : i32
    %dma_wait3A_157 = tpu.memref_slice %arg2[%dma_wait3A_155, %dma_wait3A_156] : memref<65536x128xf32, #tpu.memory_space<hbm>> -> memref<65536x128xf32, #tpu.memory_space<hbm>>
    tpu.wait_indirect_dma semaphore(%arg9 : memref<!tpu.dma_semaphore, #tpu.memory_space<semaphore_mem>>) src(%dma_wait3A_157 : memref<65536x128xf32, #tpu.memory_space<hbm>>) dst(%arg7 : memref<128x128xf32, #tpu.memory_space<vmem>>)
    %add3A_158 = arith.constant 1024 : i32
    %add3A_159 = arith.addi %mul3A_2, %add3A_158 : i32
    %dma_start3A_160 = arith.constant 0 : i32
    %dma_start3A_161 = tpu.memref_slice %arg4[%add3A_159, %dma_start3A_160] : memref<65536x128xf32, #tpu.memory_space<hbm>> -> memref<128x128xf32, #tpu.memory_space<hbm>>
    %dma_start3A_162 = arith.constant 0 : i32
    %dma_start3A_163 = tpu.memref_slice %arg4[%add3A_159, %dma_start3A_162] : memref<65536x128xf32, #tpu.memory_space<hbm>> -> memref<128x128xf32, #tpu.memory_space<hbm>>
    tpu.enqueue_dma source(%arg7 : memref<128x128xf32, #tpu.memory_space<vmem>>) target(%dma_start3A_163 : memref<128x128xf32, #tpu.memory_space<hbm>>) target_semaphore(%arg11 : memref<!tpu.dma_semaphore, #tpu.memory_space<semaphore_mem>>)
    %add3A_164 = arith.constant 1280 : i32
    %add3A_165 = arith.addi %mul3A_2, %add3A_164 : i32
    %dma_wait3A_166 = arith.constant 0 : i32
    %dma_wait3A_167 = tpu.memref_slice %arg4[%add3A_159, %dma_wait3A_166] : memref<65536x128xf32, #tpu.memory_space<hbm>> -> memref<128x128xf32, #tpu.memory_space<hbm>>
    %dma_wait3A_168 = arith.constant 0 : i32
    %dma_wait3A_169 = tpu.memref_slice %arg4[%add3A_159, %dma_wait3A_168] : memref<65536x128xf32, #tpu.memory_space<hbm>> -> memref<128x128xf32, #tpu.memory_space<hbm>>
    tpu.wait_dma2 semaphore(%arg11 : memref<!tpu.dma_semaphore, #tpu.memory_space<semaphore_mem>>) src(%arg7 : memref<128x128xf32, #tpu.memory_space<vmem>>) dst(%dma_wait3A_169 : memref<128x128xf32, #tpu.memory_space<hbm>>)
    "tpu.region"() ({
      %run_scoped3A = tpu.sem_alloc : memref<!tpu.dma_semaphore, #tpu.memory_space<semaphore_mem>>
      %dma_start3A_289 = tpu.memref_slice %arg3[%add3A_165] : memref<65536xi32, #tpu.memory_space<hbm>> -> memref<128xi32, #tpu.memory_space<hbm>>
      %dma_start3A_290 = tpu.memref_slice %arg3[%add3A_165] : memref<65536xi32, #tpu.memory_space<hbm>> -> memref<128xi32, #tpu.memory_space<hbm>>
      tpu.enqueue_dma source(%dma_start3A_290 : memref<128xi32, #tpu.memory_space<hbm>>) target(%arg5 : memref<128xi32, #tpu.memory_space<vmem>>) target_semaphore(%run_scoped3A : memref<!tpu.dma_semaphore, #tpu.memory_space<semaphore_mem>>)
      %dma_wait3A_291 = tpu.memref_slice %arg3[%add3A_165] : memref<65536xi32, #tpu.memory_space<hbm>> -> memref<128xi32, #tpu.memory_space<hbm>>
      %dma_wait3A_292 = tpu.memref_slice %arg3[%add3A_165] : memref<65536xi32, #tpu.memory_space<hbm>> -> memref<128xi32, #tpu.memory_space<hbm>>
      tpu.wait_dma2 semaphore(%run_scoped3A : memref<!tpu.dma_semaphore, #tpu.memory_space<semaphore_mem>>) src(%dma_wait3A_292 : memref<128xi32, #tpu.memory_space<hbm>>) dst(%arg5 : memref<128xi32, #tpu.memory_space<vmem>>)
      tpu.yield
    }) : () -> ()
    %dma_start3A_170 = arith.constant 0 : i32
    %dma_start3A_171 = arith.constant 0 : i32
    %dma_start3A_172 = tpu.memref_slice %arg2[%dma_start3A_170, %dma_start3A_171] : memref<65536x128xf32, #tpu.memory_space<hbm>> -> memref<65536x128xf32, #tpu.memory_space<hbm>>
    tpu.enqueue_indirect_dma source(%dma_start3A_172 : memref<65536x128xf32, #tpu.memory_space<hbm>>) target(%arg7 : memref<128x128xf32, #tpu.memory_space<vmem>>) offsets(%arg5 : memref<128xi32, #tpu.memory_space<vmem>>) semaphore(%arg9 : memref<!tpu.dma_semaphore, #tpu.memory_space<semaphore_mem>>)
    %dma_wait3A_173 = arith.constant 0 : i32
    %dma_wait3A_174 = arith.constant 0 : i32
    %dma_wait3A_175 = tpu.memref_slice %arg2[%dma_wait3A_173, %dma_wait3A_174] : memref<65536x128xf32, #tpu.memory_space<hbm>> -> memref<65536x128xf32, #tpu.memory_space<hbm>>
    tpu.wait_indirect_dma semaphore(%arg10 : memref<!tpu.dma_semaphore, #tpu.memory_space<semaphore_mem>>) src(%dma_wait3A_175 : memref<65536x128xf32, #tpu.memory_space<hbm>>) dst(%arg8 : memref<128x128xf32, #tpu.memory_space<vmem>>)
    %add3A_176 = arith.constant 1152 : i32
    %add3A_177 = arith.addi %mul3A_2, %add3A_176 : i32
    %dma_start3A_178 = arith.constant 0 : i32
    %dma_start3A_179 = tpu.memref_slice %arg4[%add3A_177, %dma_start3A_178] : memref<65536x128xf32, #tpu.memory_space<hbm>> -> memref<128x128xf32, #tpu.memory_space<hbm>>
    %dma_start3A_180 = arith.constant 0 : i32
    %dma_start3A_181 = tpu.memref_slice %arg4[%add3A_177, %dma_start3A_180] : memref<65536x128xf32, #tpu.memory_space<hbm>> -> memref<128x128xf32, #tpu.memory_space<hbm>>
    tpu.enqueue_dma source(%arg8 : memref<128x128xf32, #tpu.memory_space<vmem>>) target(%dma_start3A_181 : memref<128x128xf32, #tpu.memory_space<hbm>>) target_semaphore(%arg12 : memref<!tpu.dma_semaphore, #tpu.memory_space<semaphore_mem>>)
    %add3A_182 = arith.constant 1408 : i32
    %add3A_183 = arith.addi %mul3A_2, %add3A_182 : i32
    %dma_wait3A_184 = arith.constant 0 : i32
    %dma_wait3A_185 = tpu.memref_slice %arg4[%add3A_177, %dma_wait3A_184] : memref<65536x128xf32, #tpu.memory_space<hbm>> -> memref<128x128xf32, #tpu.memory_space<hbm>>
    %dma_wait3A_186 = arith.constant 0 : i32
    %dma_wait3A_187 = tpu.memref_slice %arg4[%add3A_177, %dma_wait3A_186] : memref<65536x128xf32, #tpu.memory_space<hbm>> -> memref<128x128xf32, #tpu.memory_space<hbm>>
    tpu.wait_dma2 semaphore(%arg12 : memref<!tpu.dma_semaphore, #tpu.memory_space<semaphore_mem>>) src(%arg8 : memref<128x128xf32, #tpu.memory_space<vmem>>) dst(%dma_wait3A_187 : memref<128x128xf32, #tpu.memory_space<hbm>>)
    "tpu.region"() ({
      %run_scoped3A = tpu.sem_alloc : memref<!tpu.dma_semaphore, #tpu.memory_space<semaphore_mem>>
      %dma_start3A_289 = tpu.memref_slice %arg3[%add3A_183] : memref<65536xi32, #tpu.memory_space<hbm>> -> memref<128xi32, #tpu.memory_space<hbm>>
      %dma_start3A_290 = tpu.memref_slice %arg3[%add3A_183] : memref<65536xi32, #tpu.memory_space<hbm>> -> memref<128xi32, #tpu.memory_space<hbm>>
      tpu.enqueue_dma source(%dma_start3A_290 : memref<128xi32, #tpu.memory_space<hbm>>) target(%arg6 : memref<128xi32, #tpu.memory_space<vmem>>) target_semaphore(%run_scoped3A : memref<!tpu.dma_semaphore, #tpu.memory_space<semaphore_mem>>)
      %dma_wait3A_291 = tpu.memref_slice %arg3[%add3A_183] : memref<65536xi32, #tpu.memory_space<hbm>> -> memref<128xi32, #tpu.memory_space<hbm>>
      %dma_wait3A_292 = tpu.memref_slice %arg3[%add3A_183] : memref<65536xi32, #tpu.memory_space<hbm>> -> memref<128xi32, #tpu.memory_space<hbm>>
      tpu.wait_dma2 semaphore(%run_scoped3A : memref<!tpu.dma_semaphore, #tpu.memory_space<semaphore_mem>>) src(%dma_wait3A_292 : memref<128xi32, #tpu.memory_space<hbm>>) dst(%arg6 : memref<128xi32, #tpu.memory_space<vmem>>)
      tpu.yield
    }) : () -> ()
    %dma_start3A_188 = arith.constant 0 : i32
    %dma_start3A_189 = arith.constant 0 : i32
    %dma_start3A_190 = tpu.memref_slice %arg2[%dma_start3A_188, %dma_start3A_189] : memref<65536x128xf32, #tpu.memory_space<hbm>> -> memref<65536x128xf32, #tpu.memory_space<hbm>>
    tpu.enqueue_indirect_dma source(%dma_start3A_190 : memref<65536x128xf32, #tpu.memory_space<hbm>>) target(%arg8 : memref<128x128xf32, #tpu.memory_space<vmem>>) offsets(%arg6 : memref<128xi32, #tpu.memory_space<vmem>>) semaphore(%arg10 : memref<!tpu.dma_semaphore, #tpu.memory_space<semaphore_mem>>)
    %dma_wait3A_191 = arith.constant 0 : i32
    %dma_wait3A_192 = arith.constant 0 : i32
    %dma_wait3A_193 = tpu.memref_slice %arg2[%dma_wait3A_191, %dma_wait3A_192] : memref<65536x128xf32, #tpu.memory_space<hbm>> -> memref<65536x128xf32, #tpu.memory_space<hbm>>
    tpu.wait_indirect_dma semaphore(%arg9 : memref<!tpu.dma_semaphore, #tpu.memory_space<semaphore_mem>>) src(%dma_wait3A_193 : memref<65536x128xf32, #tpu.memory_space<hbm>>) dst(%arg7 : memref<128x128xf32, #tpu.memory_space<vmem>>)
    %add3A_194 = arith.constant 1280 : i32
    %add3A_195 = arith.addi %mul3A_2, %add3A_194 : i32
    %dma_start3A_196 = arith.constant 0 : i32
    %dma_start3A_197 = tpu.memref_slice %arg4[%add3A_195, %dma_start3A_196] : memref<65536x128xf32, #tpu.memory_space<hbm>> -> memref<128x128xf32, #tpu.memory_space<hbm>>
    %dma_start3A_198 = arith.constant 0 : i32
    %dma_start3A_199 = tpu.memref_slice %arg4[%add3A_195, %dma_start3A_198] : memref<65536x128xf32, #tpu.memory_space<hbm>> -> memref<128x128xf32, #tpu.memory_space<hbm>>
    tpu.enqueue_dma source(%arg7 : memref<128x128xf32, #tpu.memory_space<vmem>>) target(%dma_start3A_199 : memref<128x128xf32, #tpu.memory_space<hbm>>) target_semaphore(%arg11 : memref<!tpu.dma_semaphore, #tpu.memory_space<semaphore_mem>>)
    %add3A_200 = arith.constant 1536 : i32
    %add3A_201 = arith.addi %mul3A_2, %add3A_200 : i32
    %dma_wait3A_202 = arith.constant 0 : i32
    %dma_wait3A_203 = tpu.memref_slice %arg4[%add3A_195, %dma_wait3A_202] : memref<65536x128xf32, #tpu.memory_space<hbm>> -> memref<128x128xf32, #tpu.memory_space<hbm>>
    %dma_wait3A_204 = arith.constant 0 : i32
    %dma_wait3A_205 = tpu.memref_slice %arg4[%add3A_195, %dma_wait3A_204] : memref<65536x128xf32, #tpu.memory_space<hbm>> -> memref<128x128xf32, #tpu.memory_space<hbm>>
    tpu.wait_dma2 semaphore(%arg11 : memref<!tpu.dma_semaphore, #tpu.memory_space<semaphore_mem>>) src(%arg7 : memref<128x128xf32, #tpu.memory_space<vmem>>) dst(%dma_wait3A_205 : memref<128x128xf32, #tpu.memory_space<hbm>>)
    "tpu.region"() ({
      %run_scoped3A = tpu.sem_alloc : memref<!tpu.dma_semaphore, #tpu.memory_space<semaphore_mem>>
      %dma_start3A_289 = tpu.memref_slice %arg3[%add3A_201] : memref<65536xi32, #tpu.memory_space<hbm>> -> memref<128xi32, #tpu.memory_space<hbm>>
      %dma_start3A_290 = tpu.memref_slice %arg3[%add3A_201] : memref<65536xi32, #tpu.memory_space<hbm>> -> memref<128xi32, #tpu.memory_space<hbm>>
      tpu.enqueue_dma source(%dma_start3A_290 : memref<128xi32, #tpu.memory_space<hbm>>) target(%arg5 : memref<128xi32, #tpu.memory_space<vmem>>) target_semaphore(%run_scoped3A : memref<!tpu.dma_semaphore, #tpu.memory_space<semaphore_mem>>)
      %dma_wait3A_291 = tpu.memref_slice %arg3[%add3A_201] : memref<65536xi32, #tpu.memory_space<hbm>> -> memref<128xi32, #tpu.memory_space<hbm>>
      %dma_wait3A_292 = tpu.memref_slice %arg3[%add3A_201] : memref<65536xi32, #tpu.memory_space<hbm>> -> memref<128xi32, #tpu.memory_space<hbm>>
      tpu.wait_dma2 semaphore(%run_scoped3A : memref<!tpu.dma_semaphore, #tpu.memory_space<semaphore_mem>>) src(%dma_wait3A_292 : memref<128xi32, #tpu.memory_space<hbm>>) dst(%arg5 : memref<128xi32, #tpu.memory_space<vmem>>)
      tpu.yield
    }) : () -> ()
    %dma_start3A_206 = arith.constant 0 : i32
    %dma_start3A_207 = arith.constant 0 : i32
    %dma_start3A_208 = tpu.memref_slice %arg2[%dma_start3A_206, %dma_start3A_207] : memref<65536x128xf32, #tpu.memory_space<hbm>> -> memref<65536x128xf32, #tpu.memory_space<hbm>>
    tpu.enqueue_indirect_dma source(%dma_start3A_208 : memref<65536x128xf32, #tpu.memory_space<hbm>>) target(%arg7 : memref<128x128xf32, #tpu.memory_space<vmem>>) offsets(%arg5 : memref<128xi32, #tpu.memory_space<vmem>>) semaphore(%arg9 : memref<!tpu.dma_semaphore, #tpu.memory_space<semaphore_mem>>)
    %dma_wait3A_209 = arith.constant 0 : i32
    %dma_wait3A_210 = arith.constant 0 : i32
    %dma_wait3A_211 = tpu.memref_slice %arg2[%dma_wait3A_209, %dma_wait3A_210] : memref<65536x128xf32, #tpu.memory_space<hbm>> -> memref<65536x128xf32, #tpu.memory_space<hbm>>
    tpu.wait_indirect_dma semaphore(%arg10 : memref<!tpu.dma_semaphore, #tpu.memory_space<semaphore_mem>>) src(%dma_wait3A_211 : memref<65536x128xf32, #tpu.memory_space<hbm>>) dst(%arg8 : memref<128x128xf32, #tpu.memory_space<vmem>>)
    %add3A_212 = arith.constant 1408 : i32
    %add3A_213 = arith.addi %mul3A_2, %add3A_212 : i32
    %dma_start3A_214 = arith.constant 0 : i32
    %dma_start3A_215 = tpu.memref_slice %arg4[%add3A_213, %dma_start3A_214] : memref<65536x128xf32, #tpu.memory_space<hbm>> -> memref<128x128xf32, #tpu.memory_space<hbm>>
    %dma_start3A_216 = arith.constant 0 : i32
    %dma_start3A_217 = tpu.memref_slice %arg4[%add3A_213, %dma_start3A_216] : memref<65536x128xf32, #tpu.memory_space<hbm>> -> memref<128x128xf32, #tpu.memory_space<hbm>>
    tpu.enqueue_dma source(%arg8 : memref<128x128xf32, #tpu.memory_space<vmem>>) target(%dma_start3A_217 : memref<128x128xf32, #tpu.memory_space<hbm>>) target_semaphore(%arg12 : memref<!tpu.dma_semaphore, #tpu.memory_space<semaphore_mem>>)
    %add3A_218 = arith.constant 1664 : i32
    %add3A_219 = arith.addi %mul3A_2, %add3A_218 : i32
    %dma_wait3A_220 = arith.constant 0 : i32
    %dma_wait3A_221 = tpu.memref_slice %arg4[%add3A_213, %dma_wait3A_220] : memref<65536x128xf32, #tpu.memory_space<hbm>> -> memref<128x128xf32, #tpu.memory_space<hbm>>
    %dma_wait3A_222 = arith.constant 0 : i32
    %dma_wait3A_223 = tpu.memref_slice %arg4[%add3A_213, %dma_wait3A_222] : memref<65536x128xf32, #tpu.memory_space<hbm>> -> memref<128x128xf32, #tpu.memory_space<hbm>>
    tpu.wait_dma2 semaphore(%arg12 : memref<!tpu.dma_semaphore, #tpu.memory_space<semaphore_mem>>) src(%arg8 : memref<128x128xf32, #tpu.memory_space<vmem>>) dst(%dma_wait3A_223 : memref<128x128xf32, #tpu.memory_space<hbm>>)
    "tpu.region"() ({
      %run_scoped3A = tpu.sem_alloc : memref<!tpu.dma_semaphore, #tpu.memory_space<semaphore_mem>>
      %dma_start3A_289 = tpu.memref_slice %arg3[%add3A_219] : memref<65536xi32, #tpu.memory_space<hbm>> -> memref<128xi32, #tpu.memory_space<hbm>>
      %dma_start3A_290 = tpu.memref_slice %arg3[%add3A_219] : memref<65536xi32, #tpu.memory_space<hbm>> -> memref<128xi32, #tpu.memory_space<hbm>>
      tpu.enqueue_dma source(%dma_start3A_290 : memref<128xi32, #tpu.memory_space<hbm>>) target(%arg6 : memref<128xi32, #tpu.memory_space<vmem>>) target_semaphore(%run_scoped3A : memref<!tpu.dma_semaphore, #tpu.memory_space<semaphore_mem>>)
      %dma_wait3A_291 = tpu.memref_slice %arg3[%add3A_219] : memref<65536xi32, #tpu.memory_space<hbm>> -> memref<128xi32, #tpu.memory_space<hbm>>
      %dma_wait3A_292 = tpu.memref_slice %arg3[%add3A_219] : memref<65536xi32, #tpu.memory_space<hbm>> -> memref<128xi32, #tpu.memory_space<hbm>>
      tpu.wait_dma2 semaphore(%run_scoped3A : memref<!tpu.dma_semaphore, #tpu.memory_space<semaphore_mem>>) src(%dma_wait3A_292 : memref<128xi32, #tpu.memory_space<hbm>>) dst(%arg6 : memref<128xi32, #tpu.memory_space<vmem>>)
      tpu.yield
    }) : () -> ()
    %dma_start3A_224 = arith.constant 0 : i32
    %dma_start3A_225 = arith.constant 0 : i32
    %dma_start3A_226 = tpu.memref_slice %arg2[%dma_start3A_224, %dma_start3A_225] : memref<65536x128xf32, #tpu.memory_space<hbm>> -> memref<65536x128xf32, #tpu.memory_space<hbm>>
    tpu.enqueue_indirect_dma source(%dma_start3A_226 : memref<65536x128xf32, #tpu.memory_space<hbm>>) target(%arg8 : memref<128x128xf32, #tpu.memory_space<vmem>>) offsets(%arg6 : memref<128xi32, #tpu.memory_space<vmem>>) semaphore(%arg10 : memref<!tpu.dma_semaphore, #tpu.memory_space<semaphore_mem>>)
    %dma_wait3A_227 = arith.constant 0 : i32
    %dma_wait3A_228 = arith.constant 0 : i32
    %dma_wait3A_229 = tpu.memref_slice %arg2[%dma_wait3A_227, %dma_wait3A_228] : memref<65536x128xf32, #tpu.memory_space<hbm>> -> memref<65536x128xf32, #tpu.memory_space<hbm>>
    tpu.wait_indirect_dma semaphore(%arg9 : memref<!tpu.dma_semaphore, #tpu.memory_space<semaphore_mem>>) src(%dma_wait3A_229 : memref<65536x128xf32, #tpu.memory_space<hbm>>) dst(%arg7 : memref<128x128xf32, #tpu.memory_space<vmem>>)
    %add3A_230 = arith.constant 1536 : i32
    %add3A_231 = arith.addi %mul3A_2, %add3A_230 : i32
    %dma_start3A_232 = arith.constant 0 : i32
    %dma_start3A_233 = tpu.memref_slice %arg4[%add3A_231, %dma_start3A_232] : memref<65536x128xf32, #tpu.memory_space<hbm>> -> memref<128x128xf32, #tpu.memory_space<hbm>>
    %dma_start3A_234 = arith.constant 0 : i32
    %dma_start3A_235 = tpu.memref_slice %arg4[%add3A_231, %dma_start3A_234] : memref<65536x128xf32, #tpu.memory_space<hbm>> -> memref<128x128xf32, #tpu.memory_space<hbm>>
    tpu.enqueue_dma source(%arg7 : memref<128x128xf32, #tpu.memory_space<vmem>>) target(%dma_start3A_235 : memref<128x128xf32, #tpu.memory_space<hbm>>) target_semaphore(%arg11 : memref<!tpu.dma_semaphore, #tpu.memory_space<semaphore_mem>>)
    %add3A_236 = arith.constant 1792 : i32
    %add3A_237 = arith.addi %mul3A_2, %add3A_236 : i32
    %dma_wait3A_238 = arith.constant 0 : i32
    %dma_wait3A_239 = tpu.memref_slice %arg4[%add3A_231, %dma_wait3A_238] : memref<65536x128xf32, #tpu.memory_space<hbm>> -> memref<128x128xf32, #tpu.memory_space<hbm>>
    %dma_wait3A_240 = arith.constant 0 : i32
    %dma_wait3A_241 = tpu.memref_slice %arg4[%add3A_231, %dma_wait3A_240] : memref<65536x128xf32, #tpu.memory_space<hbm>> -> memref<128x128xf32, #tpu.memory_space<hbm>>
    tpu.wait_dma2 semaphore(%arg11 : memref<!tpu.dma_semaphore, #tpu.memory_space<semaphore_mem>>) src(%arg7 : memref<128x128xf32, #tpu.memory_space<vmem>>) dst(%dma_wait3A_241 : memref<128x128xf32, #tpu.memory_space<hbm>>)
    "tpu.region"() ({
      %run_scoped3A = tpu.sem_alloc : memref<!tpu.dma_semaphore, #tpu.memory_space<semaphore_mem>>
      %dma_start3A_289 = tpu.memref_slice %arg3[%add3A_237] : memref<65536xi32, #tpu.memory_space<hbm>> -> memref<128xi32, #tpu.memory_space<hbm>>
      %dma_start3A_290 = tpu.memref_slice %arg3[%add3A_237] : memref<65536xi32, #tpu.memory_space<hbm>> -> memref<128xi32, #tpu.memory_space<hbm>>
      tpu.enqueue_dma source(%dma_start3A_290 : memref<128xi32, #tpu.memory_space<hbm>>) target(%arg5 : memref<128xi32, #tpu.memory_space<vmem>>) target_semaphore(%run_scoped3A : memref<!tpu.dma_semaphore, #tpu.memory_space<semaphore_mem>>)
      %dma_wait3A_291 = tpu.memref_slice %arg3[%add3A_237] : memref<65536xi32, #tpu.memory_space<hbm>> -> memref<128xi32, #tpu.memory_space<hbm>>
      %dma_wait3A_292 = tpu.memref_slice %arg3[%add3A_237] : memref<65536xi32, #tpu.memory_space<hbm>> -> memref<128xi32, #tpu.memory_space<hbm>>
      tpu.wait_dma2 semaphore(%run_scoped3A : memref<!tpu.dma_semaphore, #tpu.memory_space<semaphore_mem>>) src(%dma_wait3A_292 : memref<128xi32, #tpu.memory_space<hbm>>) dst(%arg5 : memref<128xi32, #tpu.memory_space<vmem>>)
      tpu.yield
    }) : () -> ()
    %dma_start3A_242 = arith.constant 0 : i32
    %dma_start3A_243 = arith.constant 0 : i32
    %dma_start3A_244 = tpu.memref_slice %arg2[%dma_start3A_242, %dma_start3A_243] : memref<65536x128xf32, #tpu.memory_space<hbm>> -> memref<65536x128xf32, #tpu.memory_space<hbm>>
    tpu.enqueue_indirect_dma source(%dma_start3A_244 : memref<65536x128xf32, #tpu.memory_space<hbm>>) target(%arg7 : memref<128x128xf32, #tpu.memory_space<vmem>>) offsets(%arg5 : memref<128xi32, #tpu.memory_space<vmem>>) semaphore(%arg9 : memref<!tpu.dma_semaphore, #tpu.memory_space<semaphore_mem>>)
    %dma_wait3A_245 = arith.constant 0 : i32
    %dma_wait3A_246 = arith.constant 0 : i32
    %dma_wait3A_247 = tpu.memref_slice %arg2[%dma_wait3A_245, %dma_wait3A_246] : memref<65536x128xf32, #tpu.memory_space<hbm>> -> memref<65536x128xf32, #tpu.memory_space<hbm>>
    tpu.wait_indirect_dma semaphore(%arg10 : memref<!tpu.dma_semaphore, #tpu.memory_space<semaphore_mem>>) src(%dma_wait3A_247 : memref<65536x128xf32, #tpu.memory_space<hbm>>) dst(%arg8 : memref<128x128xf32, #tpu.memory_space<vmem>>)
    %add3A_248 = arith.constant 1664 : i32
    %add3A_249 = arith.addi %mul3A_2, %add3A_248 : i32
    %dma_start3A_250 = arith.constant 0 : i32
    %dma_start3A_251 = tpu.memref_slice %arg4[%add3A_249, %dma_start3A_250] : memref<65536x128xf32, #tpu.memory_space<hbm>> -> memref<128x128xf32, #tpu.memory_space<hbm>>
    %dma_start3A_252 = arith.constant 0 : i32
    %dma_start3A_253 = tpu.memref_slice %arg4[%add3A_249, %dma_start3A_252] : memref<65536x128xf32, #tpu.memory_space<hbm>> -> memref<128x128xf32, #tpu.memory_space<hbm>>
    tpu.enqueue_dma source(%arg8 : memref<128x128xf32, #tpu.memory_space<vmem>>) target(%dma_start3A_253 : memref<128x128xf32, #tpu.memory_space<hbm>>) target_semaphore(%arg12 : memref<!tpu.dma_semaphore, #tpu.memory_space<semaphore_mem>>)
    %add3A_254 = arith.constant 1920 : i32
    %add3A_255 = arith.addi %mul3A_2, %add3A_254 : i32
    %dma_wait3A_256 = arith.constant 0 : i32
    %dma_wait3A_257 = tpu.memref_slice %arg4[%add3A_249, %dma_wait3A_256] : memref<65536x128xf32, #tpu.memory_space<hbm>> -> memref<128x128xf32, #tpu.memory_space<hbm>>
    %dma_wait3A_258 = arith.constant 0 : i32
    %dma_wait3A_259 = tpu.memref_slice %arg4[%add3A_249, %dma_wait3A_258] : memref<65536x128xf32, #tpu.memory_space<hbm>> -> memref<128x128xf32, #tpu.memory_space<hbm>>
    tpu.wait_dma2 semaphore(%arg12 : memref<!tpu.dma_semaphore, #tpu.memory_space<semaphore_mem>>) src(%arg8 : memref<128x128xf32, #tpu.memory_space<vmem>>) dst(%dma_wait3A_259 : memref<128x128xf32, #tpu.memory_space<hbm>>)
    "tpu.region"() ({
      %run_scoped3A = tpu.sem_alloc : memref<!tpu.dma_semaphore, #tpu.memory_space<semaphore_mem>>
      %dma_start3A_289 = tpu.memref_slice %arg3[%add3A_255] : memref<65536xi32, #tpu.memory_space<hbm>> -> memref<128xi32, #tpu.memory_space<hbm>>
      %dma_start3A_290 = tpu.memref_slice %arg3[%add3A_255] : memref<65536xi32, #tpu.memory_space<hbm>> -> memref<128xi32, #tpu.memory_space<hbm>>
      tpu.enqueue_dma source(%dma_start3A_290 : memref<128xi32, #tpu.memory_space<hbm>>) target(%arg6 : memref<128xi32, #tpu.memory_space<vmem>>) target_semaphore(%run_scoped3A : memref<!tpu.dma_semaphore, #tpu.memory_space<semaphore_mem>>)
      %dma_wait3A_291 = tpu.memref_slice %arg3[%add3A_255] : memref<65536xi32, #tpu.memory_space<hbm>> -> memref<128xi32, #tpu.memory_space<hbm>>
      %dma_wait3A_292 = tpu.memref_slice %arg3[%add3A_255] : memref<65536xi32, #tpu.memory_space<hbm>> -> memref<128xi32, #tpu.memory_space<hbm>>
      tpu.wait_dma2 semaphore(%run_scoped3A : memref<!tpu.dma_semaphore, #tpu.memory_space<semaphore_mem>>) src(%dma_wait3A_292 : memref<128xi32, #tpu.memory_space<hbm>>) dst(%arg6 : memref<128xi32, #tpu.memory_space<vmem>>)
      tpu.yield
    }) : () -> ()
    %dma_start3A_260 = arith.constant 0 : i32
    %dma_start3A_261 = arith.constant 0 : i32
    %dma_start3A_262 = tpu.memref_slice %arg2[%dma_start3A_260, %dma_start3A_261] : memref<65536x128xf32, #tpu.memory_space<hbm>> -> memref<65536x128xf32, #tpu.memory_space<hbm>>
    tpu.enqueue_indirect_dma source(%dma_start3A_262 : memref<65536x128xf32, #tpu.memory_space<hbm>>) target(%arg8 : memref<128x128xf32, #tpu.memory_space<vmem>>) offsets(%arg6 : memref<128xi32, #tpu.memory_space<vmem>>) semaphore(%arg10 : memref<!tpu.dma_semaphore, #tpu.memory_space<semaphore_mem>>)
    %dma_wait3A_263 = arith.constant 0 : i32
    %dma_wait3A_264 = arith.constant 0 : i32
    %dma_wait3A_265 = tpu.memref_slice %arg2[%dma_wait3A_263, %dma_wait3A_264] : memref<65536x128xf32, #tpu.memory_space<hbm>> -> memref<65536x128xf32, #tpu.memory_space<hbm>>
    tpu.wait_indirect_dma semaphore(%arg9 : memref<!tpu.dma_semaphore, #tpu.memory_space<semaphore_mem>>) src(%dma_wait3A_265 : memref<65536x128xf32, #tpu.memory_space<hbm>>) dst(%arg7 : memref<128x128xf32, #tpu.memory_space<vmem>>)
    %add3A_266 = arith.constant 1792 : i32
    %add3A_267 = arith.addi %mul3A_2, %add3A_266 : i32
    %dma_start3A_268 = arith.constant 0 : i32
    %dma_start3A_269 = tpu.memref_slice %arg4[%add3A_267, %dma_start3A_268] : memref<65536x128xf32, #tpu.memory_space<hbm>> -> memref<128x128xf32, #tpu.memory_space<hbm>>
    %dma_start3A_270 = arith.constant 0 : i32
    %dma_start3A_271 = tpu.memref_slice %arg4[%add3A_267, %dma_start3A_270] : memref<65536x128xf32, #tpu.memory_space<hbm>> -> memref<128x128xf32, #tpu.memory_space<hbm>>
    tpu.enqueue_dma source(%arg7 : memref<128x128xf32, #tpu.memory_space<vmem>>) target(%dma_start3A_271 : memref<128x128xf32, #tpu.memory_space<hbm>>) target_semaphore(%arg11 : memref<!tpu.dma_semaphore, #tpu.memory_space<semaphore_mem>>)
    %dma_wait3A_272 = arith.constant 0 : i32
    %dma_wait3A_273 = arith.constant 0 : i32
    %dma_wait3A_274 = tpu.memref_slice %arg2[%dma_wait3A_272, %dma_wait3A_273] : memref<65536x128xf32, #tpu.memory_space<hbm>> -> memref<65536x128xf32, #tpu.memory_space<hbm>>
    tpu.wait_indirect_dma semaphore(%arg10 : memref<!tpu.dma_semaphore, #tpu.memory_space<semaphore_mem>>) src(%dma_wait3A_274 : memref<65536x128xf32, #tpu.memory_space<hbm>>) dst(%arg8 : memref<128x128xf32, #tpu.memory_space<vmem>>)
    %add3A_275 = arith.constant 1920 : i32
    %add3A_276 = arith.addi %mul3A_2, %add3A_275 : i32
    %dma_start3A_277 = arith.constant 0 : i32
    %dma_start3A_278 = tpu.memref_slice %arg4[%add3A_276, %dma_start3A_277] : memref<65536x128xf32, #tpu.memory_space<hbm>> -> memref<128x128xf32, #tpu.memory_space<hbm>>
    %dma_start3A_279 = arith.constant 0 : i32
    %dma_start3A_280 = tpu.memref_slice %arg4[%add3A_276, %dma_start3A_279] : memref<65536x128xf32, #tpu.memory_space<hbm>> -> memref<128x128xf32, #tpu.memory_space<hbm>>
    tpu.enqueue_dma source(%arg8 : memref<128x128xf32, #tpu.memory_space<vmem>>) target(%dma_start3A_280 : memref<128x128xf32, #tpu.memory_space<hbm>>) target_semaphore(%arg12 : memref<!tpu.dma_semaphore, #tpu.memory_space<semaphore_mem>>)
    %dma_wait3A_281 = arith.constant 0 : i32
    %dma_wait3A_282 = tpu.memref_slice %arg4[%add3A_267, %dma_wait3A_281] : memref<65536x128xf32, #tpu.memory_space<hbm>> -> memref<128x128xf32, #tpu.memory_space<hbm>>
    %dma_wait3A_283 = arith.constant 0 : i32
    %dma_wait3A_284 = tpu.memref_slice %arg4[%add3A_267, %dma_wait3A_283] : memref<65536x128xf32, #tpu.memory_space<hbm>> -> memref<128x128xf32, #tpu.memory_space<hbm>>
    tpu.wait_dma2 semaphore(%arg11 : memref<!tpu.dma_semaphore, #tpu.memory_space<semaphore_mem>>) src(%arg7 : memref<128x128xf32, #tpu.memory_space<vmem>>) dst(%dma_wait3A_284 : memref<128x128xf32, #tpu.memory_space<hbm>>)
    %dma_wait3A_285 = arith.constant 0 : i32
    %dma_wait3A_286 = tpu.memref_slice %arg4[%add3A_276, %dma_wait3A_285] : memref<65536x128xf32, #tpu.memory_space<hbm>> -> memref<128x128xf32, #tpu.memory_space<hbm>>
    %dma_wait3A_287 = arith.constant 0 : i32
    %dma_wait3A_288 = tpu.memref_slice %arg4[%add3A_276, %dma_wait3A_287] : memref<65536x128xf32, #tpu.memory_space<hbm>> -> memref<128x128xf32, #tpu.memory_space<hbm>>
    tpu.wait_dma2 semaphore(%arg12 : memref<!tpu.dma_semaphore, #tpu.memory_space<semaphore_mem>>) src(%arg8 : memref<128x128xf32, #tpu.memory_space<vmem>>) dst(%dma_wait3A_288 : memref<128x128xf32, #tpu.memory_space<hbm>>)
    return
  }
}

module attributes {stable_mosaic.version = 14 : i64} {
  func.func @_proj_body(%arg0: i32, %arg1: memref<4096x192xf32, #tpu.memory_space<vmem>>, %arg2: memref<192x192xf32, #tpu.memory_space<vmem>>, %arg3: memref<1x192xf32, #tpu.memory_space<vmem>>, %arg4: memref<4096x128xf32, #tpu.memory_space<vmem>>) attributes {dimension_semantics = [#tpu.dimension_semantics<arbitrary>], iteration_bounds = array<i64: 16>, scalar_prefetch = 0 : i64, scratch_operands = 0 : i64, tpu.core_type = #tpu.core_type<tc>, window_params = [{transform_indices = @transform_0, window_bounds = array<i64: 4096, 192>}, {pipeline_mode = #tpu.pipeline_mode<synchronous>, transform_indices = @transform_1, window_bounds = array<i64: 192, 192>}, {pipeline_mode = #tpu.pipeline_mode<synchronous>, transform_indices = @transform_2, window_bounds = array<i64: 1, 192>}, {transform_indices = @transform_3, window_bounds = array<i64: 4096, 128>}]} {
    %get3A = arith.constant 0 : index
    %get3A_0 = arith.constant 0 : index
    %get3A_1 = vector.load %arg1[%get3A, %get3A_0] : memref<4096x192xf32, #tpu.memory_space<vmem>>, vector<4096x192xf32>
    %convert_element_type3A = arith.truncf %get3A_1 : vector<4096x192xf32> to vector<4096x192xbf16>
    %get3A_2 = arith.constant 0 : index
    %get3A_3 = arith.constant 0 : index
    %get3A_4 = vector.load %arg2[%get3A_2, %get3A_3] : memref<192x192xf32, #tpu.memory_space<vmem>>, vector<192x192xf32>
    %convert_element_type3A_5 = arith.truncf %get3A_4 : vector<192x192xf32> to vector<192x192xbf16>
    %dot_general3A = arith.constant dense<0.000000e+00> : vector<4096x192xf32>
    %dot_general3A_6 = tpu.matmul %convert_element_type3A, %convert_element_type3A_5, %dot_general3A {dimension_numbers = #tpu.dot_dimension_numbers<[1], [0], [0], [1], [0, 0, 1, 1], [], []>, transpose_lhs_hint = false} : vector<4096x192xbf16>, vector<192x192xbf16>, vector<4096x192xf32> -> vector<4096x192xf32>
    %get3A_7 = arith.constant 0 : index
    %get3A_8 = arith.constant 0 : index
    %get3A_9 = vector.load %arg3[%get3A_7, %get3A_8] : memref<1x192xf32, #tpu.memory_space<vmem>>, vector<1x192xf32>
    %add3A = vector.broadcast %get3A_9 : vector<1x192xf32> to vector<4096x192xf32>
    %add3A_10 = arith.addf %dot_general3A_6, %add3A : vector<4096x192xf32>
    %broadcast_in_dim3A = arith.constant 0.000000e+00 : f32
    %broadcast_in_dim3A_11 = vector.broadcast %broadcast_in_dim3A : f32 to vector<4096x64xf32>
    %concatenate3A = tpu.concatenate %add3A_10, %broadcast_in_dim3A_11 in 1 : vector<4096x192xf32>, vector<4096x64xf32> -> vector<4096x256xf32>
    %slice3A = vector.extract_strided_slice %concatenate3A {offsets = [0, 0], sizes = [4096, 128], strides = [1, 1]} : vector<4096x256xf32> to vector<4096x128xf32>
    %convert_element_type3A_12 = arith.truncf %slice3A : vector<4096x128xf32> to vector<4096x128xbf16>
    %convert_element_type3A_13 = arith.extf %convert_element_type3A_12 : vector<4096x128xbf16> to vector<4096x128xf32>
    %slice3A_14 = vector.extract_strided_slice %concatenate3A {offsets = [0, 128], sizes = [4096, 128], strides = [1, 1]} : vector<4096x256xf32> to vector<4096x128xf32>
    %convert_element_type3A_15 = arith.truncf %slice3A_14 : vector<4096x128xf32> to vector<4096x128xbf16>
    %convert_element_type3A_16 = arith.extf %convert_element_type3A_15 : vector<4096x128xbf16> to vector<4096x128xf32>
    %bitcast_convert_type3A = tpu.bitcast %convert_element_type3A_13 : vector<4096x128xf32> -> vector<4096x128xi32>
    %bitcast_convert_type3A_17 = tpu.bitcast %convert_element_type3A_16 : vector<4096x128xf32> -> vector<4096x128xi32>
    %and3A = arith.constant -65536 : i32
    %and3A_18 = vector.broadcast %and3A : i32 to vector<4096x128xi32>
    %and3A_19 = arith.andi %bitcast_convert_type3A_17, %and3A_18 : vector<4096x128xi32>
    %shift_right_logical3A = arith.constant 16 : i32
    %shift_right_logical3A_20 = vector.broadcast %shift_right_logical3A : i32 to vector<4096x128xi32>
    %shift_right_logical3A_21 = arith.shrui %bitcast_convert_type3A, %shift_right_logical3A_20 : vector<4096x128xi32>
    %or3A = arith.ori %and3A_19, %shift_right_logical3A_21 : vector<4096x128xi32>
    %bitcast_convert_type3A_22 = tpu.bitcast %or3A : vector<4096x128xi32> -> vector<4096x128xf32>
    %swap3A = arith.constant 0 : index
    %swap3A_23 = arith.constant 0 : index
    %swap3A_24 = vector.load %arg4[%swap3A, %swap3A_23] : memref<4096x128xf32, #tpu.memory_space<vmem>>, vector<4096x128xf32>
    tpu.vector_store %arg4[%swap3A, %swap3A_23], %bitcast_convert_type3A_22 {strides = array<i32>} : memref<4096x128xf32, #tpu.memory_space<vmem>>, vector<4096x128xf32>,
    return
  }
  func.func @transform_0(%arg0: i32) -> (i32, i32) {
    %c0_i32 = arith.constant 0 : i32
    %c0_i32_0 = arith.constant 0 : i32
    return %arg0, %c0_i32 : i32, i32
  }
  func.func @transform_1(%arg0: i32) -> (i32, i32) {
    %c0_i32 = arith.constant 0 : i32
    %c0_i32_0 = arith.constant 0 : i32
    %c0_i32_1 = arith.constant 0 : i32
    return %c0_i32, %c0_i32_0 : i32, i32
  }
  func.func @transform_2(%arg0: i32) -> (i32, i32) {
    %c0_i32 = arith.constant 0 : i32
    %c0_i32_0 = arith.constant 0 : i32
    %c0_i32_1 = arith.constant 0 : i32
    return %c0_i32, %c0_i32_0 : i32, i32
  }
  func.func @transform_3(%arg0: i32) -> (i32, i32) {
    %c0_i32 = arith.constant 0 : i32
    %c0_i32_0 = arith.constant 0 : i32
    return %arg0, %c0_i32 : i32, i32
  }
}

module attributes {stable_mosaic.version = 14 : i64} {
  func.func @_attn_body(%arg0: i32, %arg1: memref<512x128xf32, #tpu.memory_space<vmem>>, %arg2: memref<512x128xf32, #tpu.memory_space<vmem>>, %arg3: memref<512x128xf32, #tpu.memory_space<vmem>>, %arg4: memref<512x128xf32, #tpu.memory_space<vmem>>) attributes {dimension_semantics = [#tpu.dimension_semantics<arbitrary>], iteration_bounds = array<i64: 128>, scalar_prefetch = 0 : i64, scratch_operands = 0 : i64, tpu.core_type = #tpu.core_type<tc>, window_params = [{transform_indices = @transform_0, window_bounds = array<i64: 512, 128>}, {transform_indices = @transform_1, window_bounds = array<i64: 512, 128>}, {transform_indices = @transform_2, window_bounds = array<i64: 512, 128>}, {transform_indices = @transform_3, window_bounds = array<i64: 512, 128>}]} {
    %get3A = arith.constant 0 : index
    %get3A_0 = arith.constant 0 : index
    %get3A_1 = vector.load %arg1[%get3A, %get3A_0] : memref<512x128xf32, #tpu.memory_space<vmem>>, vector<512x128xf32>
    %bitcast_convert_type3A = tpu.bitcast %get3A_1 : vector<512x128xf32> -> vector<512x128xi32>
    %and3A = arith.constant -65536 : i32
    %and3A_2 = vector.broadcast %and3A : i32 to vector<512x128xi32>
    %and3A_3 = arith.andi %bitcast_convert_type3A, %and3A_2 : vector<512x128xi32>
    %bitcast_convert_type3A_4 = tpu.bitcast %and3A_3 : vector<512x128xi32> -> vector<512x128xf32>
    %shift_left3A = arith.constant 16 : i32
    %shift_left3A_5 = vector.broadcast %shift_left3A : i32 to vector<512x128xi32>
    %shift_left3A_6 = arith.shli %bitcast_convert_type3A, %shift_left3A_5 : vector<512x128xi32>
    %bitcast_convert_type3A_7 = tpu.bitcast %shift_left3A_6 : vector<512x128xi32> -> vector<512x128xf32>
    %concatenate3A = tpu.concatenate %bitcast_convert_type3A_7, %bitcast_convert_type3A_4 in 1 : vector<512x128xf32>, vector<512x128xf32> -> vector<512x256xf32>
    %get3A_8 = arith.constant 0 : index
    %get3A_9 = arith.constant 0 : index
    %get3A_10 = vector.load %arg2[%get3A_8, %get3A_9] : memref<512x128xf32, #tpu.memory_space<vmem>>, vector<512x128xf32>
    %bitcast_convert_type3A_11 = tpu.bitcast %get3A_10 : vector<512x128xf32> -> vector<512x128xi32>
    %and3A_12 = arith.constant -65536 : i32
    %and3A_13 = vector.broadcast %and3A_12 : i32 to vector<512x128xi32>
    %and3A_14 = arith.andi %bitcast_convert_type3A_11, %and3A_13 : vector<512x128xi32>
    %bitcast_convert_type3A_15 = tpu.bitcast %and3A_14 : vector<512x128xi32> -> vector<512x128xf32>
    %shift_left3A_16 = arith.constant 16 : i32
    %shift_left3A_17 = vector.broadcast %shift_left3A_16 : i32 to vector<512x128xi32>
    %shift_left3A_18 = arith.shli %bitcast_convert_type3A_11, %shift_left3A_17 : vector<512x128xi32>
    %bitcast_convert_type3A_19 = tpu.bitcast %shift_left3A_18 : vector<512x128xi32> -> vector<512x128xf32>
    %concatenate3A_20 = tpu.concatenate %bitcast_convert_type3A_19, %bitcast_convert_type3A_15 in 1 : vector<512x128xf32>, vector<512x128xf32> -> vector<512x256xf32>
    %get3A_21 = arith.constant 0 : index
    %get3A_22 = arith.constant 0 : index
    %get3A_23 = vector.load %arg3[%get3A_21, %get3A_22] : memref<512x128xf32, #tpu.memory_space<vmem>>, vector<512x128xf32>
    %bitcast_convert_type3A_24 = tpu.bitcast %get3A_23 : vector<512x128xf32> -> vector<512x128xi32>
    %and3A_25 = arith.constant -65536 : i32
    %and3A_26 = vector.broadcast %and3A_25 : i32 to vector<512x128xi32>
    %and3A_27 = arith.andi %bitcast_convert_type3A_24, %and3A_26 : vector<512x128xi32>
    %bitcast_convert_type3A_28 = tpu.bitcast %and3A_27 : vector<512x128xi32> -> vector<512x128xf32>
    %shift_left3A_29 = arith.constant 16 : i32
    %shift_left3A_30 = vector.broadcast %shift_left3A_29 : i32 to vector<512x128xi32>
    %shift_left3A_31 = arith.shli %bitcast_convert_type3A_24, %shift_left3A_30 : vector<512x128xi32>
    %bitcast_convert_type3A_32 = tpu.bitcast %shift_left3A_31 : vector<512x128xi32> -> vector<512x128xf32>
    %concatenate3A_33 = tpu.concatenate %bitcast_convert_type3A_32, %bitcast_convert_type3A_28 in 1 : vector<512x128xf32>, vector<512x128xf32> -> vector<512x256xf32>
    %slice3A = vector.extract_strided_slice %concatenate3A {offsets = [0, 0], sizes = [256, 32], strides = [1, 1]} : vector<512x256xf32> to vector<256x32xf32>
    %mul3A = arith.constant 0.176776692 : f32
    %mul3A_34 = vector.broadcast %mul3A : f32 to vector<256x32xf32>
    %mul3A_35 = arith.mulf %slice3A, %mul3A_34 : vector<256x32xf32>
    %convert_element_type3A = arith.truncf %mul3A_35 : vector<256x32xf32> to vector<256x32xbf16>
    %slice3A_36 = vector.extract_strided_slice %concatenate3A_20 {offsets = [0, 0], sizes = [256, 32], strides = [1, 1]} : vector<512x256xf32> to vector<256x32xf32>
    %convert_element_type3A_37 = arith.truncf %slice3A_36 : vector<256x32xf32> to vector<256x32xbf16>
    %slice3A_38 = vector.extract_strided_slice %concatenate3A_33 {offsets = [0, 0], sizes = [256, 32], strides = [1, 1]} : vector<512x256xf32> to vector<256x32xf32>
    %convert_element_type3A_39 = arith.truncf %slice3A_38 : vector<256x32xf32> to vector<256x32xbf16>
    %dot_general3A = arith.constant dense<0.000000e+00> : vector<256x256xf32>
    %dot_general3A_40 = tpu.matmul %convert_element_type3A, %convert_element_type3A_37, %dot_general3A {dimension_numbers = #tpu.dot_dimension_numbers<[1], [1], [0], [0], [0, 0, 1, 0], [], []>, transpose_lhs_hint = false} : vector<256x32xbf16>, vector<256x32xbf16>, vector<256x256xf32> -> vector<256x256xf32>
    %exp3A = math.exp %dot_general3A_40 : vector<256x256xf32>
    %reduce_sum3A = arith.constant dense<0.000000e+00> : vector<256xf32>
    %reduce_sum3A_41 = vector.multi_reduction <add>, %exp3A, %reduce_sum3A [1] : vector<256x256xf32> to vector<256xf32>
    %broadcast_in_dim3A = vector.shape_cast %reduce_sum3A_41 : vector<256xf32> to vector<256x1xf32>
    %div3A = arith.constant 1.000000e+00 : f32
    %div3A_42 = vector.broadcast %div3A : f32 to vector<256x1xf32>
    %div3A_43 = arith.divf %div3A_42, %broadcast_in_dim3A : vector<256x1xf32>
    %convert_element_type3A_44 = arith.truncf %exp3A : vector<256x256xf32> to vector<256x256xbf16>
    %dot_general3A_45 = arith.constant dense<0.000000e+00> : vector<256x32xf32>
    %dot_general3A_46 = tpu.matmul %convert_element_type3A_44, %convert_element_type3A_39, %dot_general3A_45 {dimension_numbers = #tpu.dot_dimension_numbers<[1], [0], [0], [1], [0, 0, 1, 1], [], []>, transpose_lhs_hint = false} : vector<256x256xbf16>, vector<256x32xbf16>, vector<256x32xf32> -> vector<256x32xf32>
    %mul3A_47 = vector.broadcast %div3A_43 : vector<256x1xf32> to vector<256x32xf32>
    %mul3A_48 = arith.mulf %dot_general3A_46, %mul3A_47 : vector<256x32xf32>
    %slice3A_49 = vector.extract_strided_slice %concatenate3A {offsets = [0, 32], sizes = [256, 32], strides = [1, 1]} : vector<512x256xf32> to vector<256x32xf32>
    %mul3A_50 = arith.constant 0.176776692 : f32
    %mul3A_51 = vector.broadcast %mul3A_50 : f32 to vector<256x32xf32>
    %mul3A_52 = arith.mulf %slice3A_49, %mul3A_51 : vector<256x32xf32>
    %convert_element_type3A_53 = arith.truncf %mul3A_52 : vector<256x32xf32> to vector<256x32xbf16>
    %slice3A_54 = vector.extract_strided_slice %concatenate3A_20 {offsets = [0, 32], sizes = [256, 32], strides = [1, 1]} : vector<512x256xf32> to vector<256x32xf32>
    %convert_element_type3A_55 = arith.truncf %slice3A_54 : vector<256x32xf32> to vector<256x32xbf16>
    %slice3A_56 = vector.extract_strided_slice %concatenate3A_33 {offsets = [0, 32], sizes = [256, 32], strides = [1, 1]} : vector<512x256xf32> to vector<256x32xf32>
    %convert_element_type3A_57 = arith.truncf %slice3A_56 : vector<256x32xf32> to vector<256x32xbf16>
    %dot_general3A_58 = arith.constant dense<0.000000e+00> : vector<256x256xf32>
    %dot_general3A_59 = tpu.matmul %convert_element_type3A_53, %convert_element_type3A_55, %dot_general3A_58 {dimension_numbers = #tpu.dot_dimension_numbers<[1], [1], [0], [0], [0, 0, 1, 0], [], []>, transpose_lhs_hint = false} : vector<256x32xbf16>, vector<256x32xbf16>, vector<256x256xf32> -> vector<256x256xf32>
    %exp3A_60 = math.exp %dot_general3A_59 : vector<256x256xf32>
    %reduce_sum3A_61 = arith.constant dense<0.000000e+00> : vector<256xf32>
    %reduce_sum3A_62 = vector.multi_reduction <add>, %exp3A_60, %reduce_sum3A_61 [1] : vector<256x256xf32> to vector<256xf32>
    %broadcast_in_dim3A_63 = vector.shape_cast %reduce_sum3A_62 : vector<256xf32> to vector<256x1xf32>
    %div3A_64 = arith.constant 1.000000e+00 : f32
    %div3A_65 = vector.broadcast %div3A_64 : f32 to vector<256x1xf32>
    %div3A_66 = arith.divf %div3A_65, %broadcast_in_dim3A_63 : vector<256x1xf32>
    %convert_element_type3A_67 = arith.truncf %exp3A_60 : vector<256x256xf32> to vector<256x256xbf16>
    %dot_general3A_68 = arith.constant dense<0.000000e+00> : vector<256x32xf32>
    %dot_general3A_69 = tpu.matmul %convert_element_type3A_67, %convert_element_type3A_57, %dot_general3A_68 {dimension_numbers = #tpu.dot_dimension_numbers<[1], [0], [0], [1], [0, 0, 1, 1], [], []>, transpose_lhs_hint = false} : vector<256x256xbf16>, vector<256x32xbf16>, vector<256x32xf32> -> vector<256x32xf32>
    %mul3A_70 = vector.broadcast %div3A_66 : vector<256x1xf32> to vector<256x32xf32>
    %mul3A_71 = arith.mulf %dot_general3A_69, %mul3A_70 : vector<256x32xf32>
    %slice3A_72 = vector.extract_strided_slice %concatenate3A {offsets = [0, 64], sizes = [256, 32], strides = [1, 1]} : vector<512x256xf32> to vector<256x32xf32>
    %mul3A_73 = arith.constant 0.176776692 : f32
    %mul3A_74 = vector.broadcast %mul3A_73 : f32 to vector<256x32xf32>
    %mul3A_75 = arith.mulf %slice3A_72, %mul3A_74 : vector<256x32xf32>
    %convert_element_type3A_76 = arith.truncf %mul3A_75 : vector<256x32xf32> to vector<256x32xbf16>
    %slice3A_77 = vector.extract_strided_slice %concatenate3A_20 {offsets = [0, 64], sizes = [256, 32], strides = [1, 1]} : vector<512x256xf32> to vector<256x32xf32>
    %convert_element_type3A_78 = arith.truncf %slice3A_77 : vector<256x32xf32> to vector<256x32xbf16>
    %slice3A_79 = vector.extract_strided_slice %concatenate3A_33 {offsets = [0, 64], sizes = [256, 32], strides = [1, 1]} : vector<512x256xf32> to vector<256x32xf32>
    %convert_element_type3A_80 = arith.truncf %slice3A_79 : vector<256x32xf32> to vector<256x32xbf16>
    %dot_general3A_81 = arith.constant dense<0.000000e+00> : vector<256x256xf32>
    %dot_general3A_82 = tpu.matmul %convert_element_type3A_76, %convert_element_type3A_78, %dot_general3A_81 {dimension_numbers = #tpu.dot_dimension_numbers<[1], [1], [0], [0], [0, 0, 1, 0], [], []>, transpose_lhs_hint = false} : vector<256x32xbf16>, vector<256x32xbf16>, vector<256x256xf32> -> vector<256x256xf32>
    %exp3A_83 = math.exp %dot_general3A_82 : vector<256x256xf32>
    %reduce_sum3A_84 = arith.constant dense<0.000000e+00> : vector<256xf32>
    %reduce_sum3A_85 = vector.multi_reduction <add>, %exp3A_83, %reduce_sum3A_84 [1] : vector<256x256xf32> to vector<256xf32>
    %broadcast_in_dim3A_86 = vector.shape_cast %reduce_sum3A_85 : vector<256xf32> to vector<256x1xf32>
    %div3A_87 = arith.constant 1.000000e+00 : f32
    %div3A_88 = vector.broadcast %div3A_87 : f32 to vector<256x1xf32>
    %div3A_89 = arith.divf %div3A_88, %broadcast_in_dim3A_86 : vector<256x1xf32>
    %convert_element_type3A_90 = arith.truncf %exp3A_83 : vector<256x256xf32> to vector<256x256xbf16>
    %dot_general3A_91 = arith.constant dense<0.000000e+00> : vector<256x32xf32>
    %dot_general3A_92 = tpu.matmul %convert_element_type3A_90, %convert_element_type3A_80, %dot_general3A_91 {dimension_numbers = #tpu.dot_dimension_numbers<[1], [0], [0], [1], [0, 0, 1, 1], [], []>, transpose_lhs_hint = false} : vector<256x256xbf16>, vector<256x32xbf16>, vector<256x32xf32> -> vector<256x32xf32>
    %mul3A_93 = vector.broadcast %div3A_89 : vector<256x1xf32> to vector<256x32xf32>
    %mul3A_94 = arith.mulf %dot_general3A_92, %mul3A_93 : vector<256x32xf32>
    %slice3A_95 = vector.extract_strided_slice %concatenate3A {offsets = [0, 96], sizes = [256, 32], strides = [1, 1]} : vector<512x256xf32> to vector<256x32xf32>
    %mul3A_96 = arith.constant 0.176776692 : f32
    %mul3A_97 = vector.broadcast %mul3A_96 : f32 to vector<256x32xf32>
    %mul3A_98 = arith.mulf %slice3A_95, %mul3A_97 : vector<256x32xf32>
    %convert_element_type3A_99 = arith.truncf %mul3A_98 : vector<256x32xf32> to vector<256x32xbf16>
    %slice3A_100 = vector.extract_strided_slice %concatenate3A_20 {offsets = [0, 96], sizes = [256, 32], strides = [1, 1]} : vector<512x256xf32> to vector<256x32xf32>
    %convert_element_type3A_101 = arith.truncf %slice3A_100 : vector<256x32xf32> to vector<256x32xbf16>
    %slice3A_102 = vector.extract_strided_slice %concatenate3A_33 {offsets = [0, 96], sizes = [256, 32], strides = [1, 1]} : vector<512x256xf32> to vector<256x32xf32>
    %convert_element_type3A_103 = arith.truncf %slice3A_102 : vector<256x32xf32> to vector<256x32xbf16>
    %dot_general3A_104 = arith.constant dense<0.000000e+00> : vector<256x256xf32>
    %dot_general3A_105 = tpu.matmul %convert_element_type3A_99, %convert_element_type3A_101, %dot_general3A_104 {dimension_numbers = #tpu.dot_dimension_numbers<[1], [1], [0], [0], [0, 0, 1, 0], [], []>, transpose_lhs_hint = false} : vector<256x32xbf16>, vector<256x32xbf16>, vector<256x256xf32> -> vector<256x256xf32>
    %exp3A_106 = math.exp %dot_general3A_105 : vector<256x256xf32>
    %reduce_sum3A_107 = arith.constant dense<0.000000e+00> : vector<256xf32>
    %reduce_sum3A_108 = vector.multi_reduction <add>, %exp3A_106, %reduce_sum3A_107 [1] : vector<256x256xf32> to vector<256xf32>
    %broadcast_in_dim3A_109 = vector.shape_cast %reduce_sum3A_108 : vector<256xf32> to vector<256x1xf32>
    %div3A_110 = arith.constant 1.000000e+00 : f32
    %div3A_111 = vector.broadcast %div3A_110 : f32 to vector<256x1xf32>
    %div3A_112 = arith.divf %div3A_111, %broadcast_in_dim3A_109 : vector<256x1xf32>
    %convert_element_type3A_113 = arith.truncf %exp3A_106 : vector<256x256xf32> to vector<256x256xbf16>
    %dot_general3A_114 = arith.constant dense<0.000000e+00> : vector<256x32xf32>
    %dot_general3A_115 = tpu.matmul %convert_element_type3A_113, %convert_element_type3A_103, %dot_general3A_114 {dimension_numbers = #tpu.dot_dimension_numbers<[1], [0], [0], [1], [0, 0, 1, 1], [], []>, transpose_lhs_hint = false} : vector<256x256xbf16>, vector<256x32xbf16>, vector<256x32xf32> -> vector<256x32xf32>
    %mul3A_116 = vector.broadcast %div3A_112 : vector<256x1xf32> to vector<256x32xf32>
    %mul3A_117 = arith.mulf %dot_general3A_115, %mul3A_116 : vector<256x32xf32>
    %slice3A_118 = vector.extract_strided_slice %concatenate3A {offsets = [0, 128], sizes = [256, 32], strides = [1, 1]} : vector<512x256xf32> to vector<256x32xf32>
    %mul3A_119 = arith.constant 0.176776692 : f32
    %mul3A_120 = vector.broadcast %mul3A_119 : f32 to vector<256x32xf32>
    %mul3A_121 = arith.mulf %slice3A_118, %mul3A_120 : vector<256x32xf32>
    %convert_element_type3A_122 = arith.truncf %mul3A_121 : vector<256x32xf32> to vector<256x32xbf16>
    %slice3A_123 = vector.extract_strided_slice %concatenate3A_20 {offsets = [0, 128], sizes = [256, 32], strides = [1, 1]} : vector<512x256xf32> to vector<256x32xf32>
    %convert_element_type3A_124 = arith.truncf %slice3A_123 : vector<256x32xf32> to vector<256x32xbf16>
    %slice3A_125 = vector.extract_strided_slice %concatenate3A_33 {offsets = [0, 128], sizes = [256, 32], strides = [1, 1]} : vector<512x256xf32> to vector<256x32xf32>
    %convert_element_type3A_126 = arith.truncf %slice3A_125 : vector<256x32xf32> to vector<256x32xbf16>
    %dot_general3A_127 = arith.constant dense<0.000000e+00> : vector<256x256xf32>
    %dot_general3A_128 = tpu.matmul %convert_element_type3A_122, %convert_element_type3A_124, %dot_general3A_127 {dimension_numbers = #tpu.dot_dimension_numbers<[1], [1], [0], [0], [0, 0, 1, 0], [], []>, transpose_lhs_hint = false} : vector<256x32xbf16>, vector<256x32xbf16>, vector<256x256xf32> -> vector<256x256xf32>
    %exp3A_129 = math.exp %dot_general3A_128 : vector<256x256xf32>
    %reduce_sum3A_130 = arith.constant dense<0.000000e+00> : vector<256xf32>
    %reduce_sum3A_131 = vector.multi_reduction <add>, %exp3A_129, %reduce_sum3A_130 [1] : vector<256x256xf32> to vector<256xf32>
    %broadcast_in_dim3A_132 = vector.shape_cast %reduce_sum3A_131 : vector<256xf32> to vector<256x1xf32>
    %div3A_133 = arith.constant 1.000000e+00 : f32
    %div3A_134 = vector.broadcast %div3A_133 : f32 to vector<256x1xf32>
    %div3A_135 = arith.divf %div3A_134, %broadcast_in_dim3A_132 : vector<256x1xf32>
    %convert_element_type3A_136 = arith.truncf %exp3A_129 : vector<256x256xf32> to vector<256x256xbf16>
    %dot_general3A_137 = arith.constant dense<0.000000e+00> : vector<256x32xf32>
    %dot_general3A_138 = tpu.matmul %convert_element_type3A_136, %convert_element_type3A_126, %dot_general3A_137 {dimension_numbers = #tpu.dot_dimension_numbers<[1], [0], [0], [1], [0, 0, 1, 1], [], []>, transpose_lhs_hint = false} : vector<256x256xbf16>, vector<256x32xbf16>, vector<256x32xf32> -> vector<256x32xf32>
    %mul3A_139 = vector.broadcast %div3A_135 : vector<256x1xf32> to vector<256x32xf32>
    %mul3A_140 = arith.mulf %dot_general3A_138, %mul3A_139 : vector<256x32xf32>
    %slice3A_141 = vector.extract_strided_slice %concatenate3A {offsets = [0, 160], sizes = [256, 32], strides = [1, 1]} : vector<512x256xf32> to vector<256x32xf32>
    %mul3A_142 = arith.constant 0.176776692 : f32
    %mul3A_143 = vector.broadcast %mul3A_142 : f32 to vector<256x32xf32>
    %mul3A_144 = arith.mulf %slice3A_141, %mul3A_143 : vector<256x32xf32>
    %convert_element_type3A_145 = arith.truncf %mul3A_144 : vector<256x32xf32> to vector<256x32xbf16>
    %slice3A_146 = vector.extract_strided_slice %concatenate3A_20 {offsets = [0, 160], sizes = [256, 32], strides = [1, 1]} : vector<512x256xf32> to vector<256x32xf32>
    %convert_element_type3A_147 = arith.truncf %slice3A_146 : vector<256x32xf32> to vector<256x32xbf16>
    %slice3A_148 = vector.extract_strided_slice %concatenate3A_33 {offsets = [0, 160], sizes = [256, 32], strides = [1, 1]} : vector<512x256xf32> to vector<256x32xf32>
    %convert_element_type3A_149 = arith.truncf %slice3A_148 : vector<256x32xf32> to vector<256x32xbf16>
    %dot_general3A_150 = arith.constant dense<0.000000e+00> : vector<256x256xf32>
    %dot_general3A_151 = tpu.matmul %convert_element_type3A_145, %convert_element_type3A_147, %dot_general3A_150 {dimension_numbers = #tpu.dot_dimension_numbers<[1], [1], [0], [0], [0, 0, 1, 0], [], []>, transpose_lhs_hint = false} : vector<256x32xbf16>, vector<256x32xbf16>, vector<256x256xf32> -> vector<256x256xf32>
    %exp3A_152 = math.exp %dot_general3A_151 : vector<256x256xf32>
    %reduce_sum3A_153 = arith.constant dense<0.000000e+00> : vector<256xf32>
    %reduce_sum3A_154 = vector.multi_reduction <add>, %exp3A_152, %reduce_sum3A_153 [1] : vector<256x256xf32> to vector<256xf32>
    %broadcast_in_dim3A_155 = vector.shape_cast %reduce_sum3A_154 : vector<256xf32> to vector<256x1xf32>
    %div3A_156 = arith.constant 1.000000e+00 : f32
    %div3A_157 = vector.broadcast %div3A_156 : f32 to vector<256x1xf32>
    %div3A_158 = arith.divf %div3A_157, %broadcast_in_dim3A_155 : vector<256x1xf32>
    %convert_element_type3A_159 = arith.truncf %exp3A_152 : vector<256x256xf32> to vector<256x256xbf16>
    %dot_general3A_160 = arith.constant dense<0.000000e+00> : vector<256x32xf32>
    %dot_general3A_161 = tpu.matmul %convert_element_type3A_159, %convert_element_type3A_149, %dot_general3A_160 {dimension_numbers = #tpu.dot_dimension_numbers<[1], [0], [0], [1], [0, 0, 1, 1], [], []>, transpose_lhs_hint = false} : vector<256x256xbf16>, vector<256x32xbf16>, vector<256x32xf32> -> vector<256x32xf32>
    %mul3A_162 = vector.broadcast %div3A_158 : vector<256x1xf32> to vector<256x32xf32>
    %mul3A_163 = arith.mulf %dot_general3A_161, %mul3A_162 : vector<256x32xf32>
    %broadcast_in_dim3A_164 = arith.constant 0.000000e+00 : f32
    %broadcast_in_dim3A_165 = vector.broadcast %broadcast_in_dim3A_164 : f32 to vector<256x64xf32>
    %concatenate3A_166 = tpu.concatenate %mul3A_48, %mul3A_71, %mul3A_94, %mul3A_117, %mul3A_140, %mul3A_163, %broadcast_in_dim3A_165 in 1 : vector<256x32xf32>, vector<256x32xf32>, vector<256x32xf32>, vector<256x32xf32>, vector<256x32xf32>, vector<256x32xf32>, vector<256x64xf32> -> vector<256x256xf32>
    %slice3A_167 = vector.extract_strided_slice %concatenate3A_166 {offsets = [0, 0], sizes = [256, 128], strides = [1, 1]} : vector<256x256xf32> to vector<256x128xf32>
    %convert_element_type3A_168 = arith.truncf %slice3A_167 : vector<256x128xf32> to vector<256x128xbf16>
    %convert_element_type3A_169 = arith.extf %convert_element_type3A_168 : vector<256x128xbf16> to vector<256x128xf32>
    %slice3A_170 = vector.extract_strided_slice %concatenate3A_166 {offsets = [0, 128], sizes = [256, 128], strides = [1, 1]} : vector<256x256xf32> to vector<256x128xf32>
    %convert_element_type3A_171 = arith.truncf %slice3A_170 : vector<256x128xf32> to vector<256x128xbf16>
    %convert_element_type3A_172 = arith.extf %convert_element_type3A_171 : vector<256x128xbf16> to vector<256x128xf32>
    %bitcast_convert_type3A_173 = tpu.bitcast %convert_element_type3A_169 : vector<256x128xf32> -> vector<256x128xi32>
    %bitcast_convert_type3A_174 = tpu.bitcast %convert_element_type3A_172 : vector<256x128xf32> -> vector<256x128xi32>
    %and3A_175 = arith.constant -65536 : i32
    %and3A_176 = vector.broadcast %and3A_175 : i32 to vector<256x128xi32>
    %and3A_177 = arith.andi %bitcast_convert_type3A_174, %and3A_176 : vector<256x128xi32>
    %shift_right_logical3A = arith.constant 16 : i32
    %shift_right_logical3A_178 = vector.broadcast %shift_right_logical3A : i32 to vector<256x128xi32>
    %shift_right_logical3A_179 = arith.shrui %bitcast_convert_type3A_173, %shift_right_logical3A_178 : vector<256x128xi32>
    %or3A = arith.ori %and3A_177, %shift_right_logical3A_179 : vector<256x128xi32>
    %bitcast_convert_type3A_180 = tpu.bitcast %or3A : vector<256x128xi32> -> vector<256x128xf32>
    %slice3A_181 = vector.extract_strided_slice %concatenate3A {offsets = [256, 0], sizes = [256, 32], strides = [1, 1]} : vector<512x256xf32> to vector<256x32xf32>
    %mul3A_182 = arith.constant 0.176776692 : f32
    %mul3A_183 = vector.broadcast %mul3A_182 : f32 to vector<256x32xf32>
    %mul3A_184 = arith.mulf %slice3A_181, %mul3A_183 : vector<256x32xf32>
    %convert_element_type3A_185 = arith.truncf %mul3A_184 : vector<256x32xf32> to vector<256x32xbf16>
    %slice3A_186 = vector.extract_strided_slice %concatenate3A_20 {offsets = [256, 0], sizes = [256, 32], strides = [1, 1]} : vector<512x256xf32> to vector<256x32xf32>
    %convert_element_type3A_187 = arith.truncf %slice3A_186 : vector<256x32xf32> to vector<256x32xbf16>
    %slice3A_188 = vector.extract_strided_slice %concatenate3A_33 {offsets = [256, 0], sizes = [256, 32], strides = [1, 1]} : vector<512x256xf32> to vector<256x32xf32>
    %convert_element_type3A_189 = arith.truncf %slice3A_188 : vector<256x32xf32> to vector<256x32xbf16>
    %dot_general3A_190 = arith.constant dense<0.000000e+00> : vector<256x256xf32>
    %dot_general3A_191 = tpu.matmul %convert_element_type3A_185, %convert_element_type3A_187, %dot_general3A_190 {dimension_numbers = #tpu.dot_dimension_numbers<[1], [1], [0], [0], [0, 0, 1, 0], [], []>, transpose_lhs_hint = false} : vector<256x32xbf16>, vector<256x32xbf16>, vector<256x256xf32> -> vector<256x256xf32>
    %exp3A_192 = math.exp %dot_general3A_191 : vector<256x256xf32>
    %reduce_sum3A_193 = arith.constant dense<0.000000e+00> : vector<256xf32>
    %reduce_sum3A_194 = vector.multi_reduction <add>, %exp3A_192, %reduce_sum3A_193 [1] : vector<256x256xf32> to vector<256xf32>
    %broadcast_in_dim3A_195 = vector.shape_cast %reduce_sum3A_194 : vector<256xf32> to vector<256x1xf32>
    %div3A_196 = arith.constant 1.000000e+00 : f32
    %div3A_197 = vector.broadcast %div3A_196 : f32 to vector<256x1xf32>
    %div3A_198 = arith.divf %div3A_197, %broadcast_in_dim3A_195 : vector<256x1xf32>
    %convert_element_type3A_199 = arith.truncf %exp3A_192 : vector<256x256xf32> to vector<256x256xbf16>
    %dot_general3A_200 = arith.constant dense<0.000000e+00> : vector<256x32xf32>
    %dot_general3A_201 = tpu.matmul %convert_element_type3A_199, %convert_element_type3A_189, %dot_general3A_200 {dimension_numbers = #tpu.dot_dimension_numbers<[1], [0], [0], [1], [0, 0, 1, 1], [], []>, transpose_lhs_hint = false} : vector<256x256xbf16>, vector<256x32xbf16>, vector<256x32xf32> -> vector<256x32xf32>
    %mul3A_202 = vector.broadcast %div3A_198 : vector<256x1xf32> to vector<256x32xf32>
    %mul3A_203 = arith.mulf %dot_general3A_201, %mul3A_202 : vector<256x32xf32>
    %slice3A_204 = vector.extract_strided_slice %concatenate3A {offsets = [256, 32], sizes = [256, 32], strides = [1, 1]} : vector<512x256xf32> to vector<256x32xf32>
    %mul3A_205 = arith.constant 0.176776692 : f32
    %mul3A_206 = vector.broadcast %mul3A_205 : f32 to vector<256x32xf32>
    %mul3A_207 = arith.mulf %slice3A_204, %mul3A_206 : vector<256x32xf32>
    %convert_element_type3A_208 = arith.truncf %mul3A_207 : vector<256x32xf32> to vector<256x32xbf16>
    %slice3A_209 = vector.extract_strided_slice %concatenate3A_20 {offsets = [256, 32], sizes = [256, 32], strides = [1, 1]} : vector<512x256xf32> to vector<256x32xf32>
    %convert_element_type3A_210 = arith.truncf %slice3A_209 : vector<256x32xf32> to vector<256x32xbf16>
    %slice3A_211 = vector.extract_strided_slice %concatenate3A_33 {offsets = [256, 32], sizes = [256, 32], strides = [1, 1]} : vector<512x256xf32> to vector<256x32xf32>
    %convert_element_type3A_212 = arith.truncf %slice3A_211 : vector<256x32xf32> to vector<256x32xbf16>
    %dot_general3A_213 = arith.constant dense<0.000000e+00> : vector<256x256xf32>
    %dot_general3A_214 = tpu.matmul %convert_element_type3A_208, %convert_element_type3A_210, %dot_general3A_213 {dimension_numbers = #tpu.dot_dimension_numbers<[1], [1], [0], [0], [0, 0, 1, 0], [], []>, transpose_lhs_hint = false} : vector<256x32xbf16>, vector<256x32xbf16>, vector<256x256xf32> -> vector<256x256xf32>
    %exp3A_215 = math.exp %dot_general3A_214 : vector<256x256xf32>
    %reduce_sum3A_216 = arith.constant dense<0.000000e+00> : vector<256xf32>
    %reduce_sum3A_217 = vector.multi_reduction <add>, %exp3A_215, %reduce_sum3A_216 [1] : vector<256x256xf32> to vector<256xf32>
    %broadcast_in_dim3A_218 = vector.shape_cast %reduce_sum3A_217 : vector<256xf32> to vector<256x1xf32>
    %div3A_219 = arith.constant 1.000000e+00 : f32
    %div3A_220 = vector.broadcast %div3A_219 : f32 to vector<256x1xf32>
    %div3A_221 = arith.divf %div3A_220, %broadcast_in_dim3A_218 : vector<256x1xf32>
    %convert_element_type3A_222 = arith.truncf %exp3A_215 : vector<256x256xf32> to vector<256x256xbf16>
    %dot_general3A_223 = arith.constant dense<0.000000e+00> : vector<256x32xf32>
    %dot_general3A_224 = tpu.matmul %convert_element_type3A_222, %convert_element_type3A_212, %dot_general3A_223 {dimension_numbers = #tpu.dot_dimension_numbers<[1], [0], [0], [1], [0, 0, 1, 1], [], []>, transpose_lhs_hint = false} : vector<256x256xbf16>, vector<256x32xbf16>, vector<256x32xf32> -> vector<256x32xf32>
    %mul3A_225 = vector.broadcast %div3A_221 : vector<256x1xf32> to vector<256x32xf32>
    %mul3A_226 = arith.mulf %dot_general3A_224, %mul3A_225 : vector<256x32xf32>
    %slice3A_227 = vector.extract_strided_slice %concatenate3A {offsets = [256, 64], sizes = [256, 32], strides = [1, 1]} : vector<512x256xf32> to vector<256x32xf32>
    %mul3A_228 = arith.constant 0.176776692 : f32
    %mul3A_229 = vector.broadcast %mul3A_228 : f32 to vector<256x32xf32>
    %mul3A_230 = arith.mulf %slice3A_227, %mul3A_229 : vector<256x32xf32>
    %convert_element_type3A_231 = arith.truncf %mul3A_230 : vector<256x32xf32> to vector<256x32xbf16>
    %slice3A_232 = vector.extract_strided_slice %concatenate3A_20 {offsets = [256, 64], sizes = [256, 32], strides = [1, 1]} : vector<512x256xf32> to vector<256x32xf32>
    %convert_element_type3A_233 = arith.truncf %slice3A_232 : vector<256x32xf32> to vector<256x32xbf16>
    %slice3A_234 = vector.extract_strided_slice %concatenate3A_33 {offsets = [256, 64], sizes = [256, 32], strides = [1, 1]} : vector<512x256xf32> to vector<256x32xf32>
    %convert_element_type3A_235 = arith.truncf %slice3A_234 : vector<256x32xf32> to vector<256x32xbf16>
    %dot_general3A_236 = arith.constant dense<0.000000e+00> : vector<256x256xf32>
    %dot_general3A_237 = tpu.matmul %convert_element_type3A_231, %convert_element_type3A_233, %dot_general3A_236 {dimension_numbers = #tpu.dot_dimension_numbers<[1], [1], [0], [0], [0, 0, 1, 0], [], []>, transpose_lhs_hint = false} : vector<256x32xbf16>, vector<256x32xbf16>, vector<256x256xf32> -> vector<256x256xf32>
    %exp3A_238 = math.exp %dot_general3A_237 : vector<256x256xf32>
    %reduce_sum3A_239 = arith.constant dense<0.000000e+00> : vector<256xf32>
    %reduce_sum3A_240 = vector.multi_reduction <add>, %exp3A_238, %reduce_sum3A_239 [1] : vector<256x256xf32> to vector<256xf32>
    %broadcast_in_dim3A_241 = vector.shape_cast %reduce_sum3A_240 : vector<256xf32> to vector<256x1xf32>
    %div3A_242 = arith.constant 1.000000e+00 : f32
    %div3A_243 = vector.broadcast %div3A_242 : f32 to vector<256x1xf32>
    %div3A_244 = arith.divf %div3A_243, %broadcast_in_dim3A_241 : vector<256x1xf32>
    %convert_element_type3A_245 = arith.truncf %exp3A_238 : vector<256x256xf32> to vector<256x256xbf16>
    %dot_general3A_246 = arith.constant dense<0.000000e+00> : vector<256x32xf32>
    %dot_general3A_247 = tpu.matmul %convert_element_type3A_245, %convert_element_type3A_235, %dot_general3A_246 {dimension_numbers = #tpu.dot_dimension_numbers<[1], [0], [0], [1], [0, 0, 1, 1], [], []>, transpose_lhs_hint = false} : vector<256x256xbf16>, vector<256x32xbf16>, vector<256x32xf32> -> vector<256x32xf32>
    %mul3A_248 = vector.broadcast %div3A_244 : vector<256x1xf32> to vector<256x32xf32>
    %mul3A_249 = arith.mulf %dot_general3A_247, %mul3A_248 : vector<256x32xf32>
    %slice3A_250 = vector.extract_strided_slice %concatenate3A {offsets = [256, 96], sizes = [256, 32], strides = [1, 1]} : vector<512x256xf32> to vector<256x32xf32>
    %mul3A_251 = arith.constant 0.176776692 : f32
    %mul3A_252 = vector.broadcast %mul3A_251 : f32 to vector<256x32xf32>
    %mul3A_253 = arith.mulf %slice3A_250, %mul3A_252 : vector<256x32xf32>
    %convert_element_type3A_254 = arith.truncf %mul3A_253 : vector<256x32xf32> to vector<256x32xbf16>
    %slice3A_255 = vector.extract_strided_slice %concatenate3A_20 {offsets = [256, 96], sizes = [256, 32], strides = [1, 1]} : vector<512x256xf32> to vector<256x32xf32>
    %convert_element_type3A_256 = arith.truncf %slice3A_255 : vector<256x32xf32> to vector<256x32xbf16>
    %slice3A_257 = vector.extract_strided_slice %concatenate3A_33 {offsets = [256, 96], sizes = [256, 32], strides = [1, 1]} : vector<512x256xf32> to vector<256x32xf32>
    %convert_element_type3A_258 = arith.truncf %slice3A_257 : vector<256x32xf32> to vector<256x32xbf16>
    %dot_general3A_259 = arith.constant dense<0.000000e+00> : vector<256x256xf32>
    %dot_general3A_260 = tpu.matmul %convert_element_type3A_254, %convert_element_type3A_256, %dot_general3A_259 {dimension_numbers = #tpu.dot_dimension_numbers<[1], [1], [0], [0], [0, 0, 1, 0], [], []>, transpose_lhs_hint = false} : vector<256x32xbf16>, vector<256x32xbf16>, vector<256x256xf32> -> vector<256x256xf32>
    %exp3A_261 = math.exp %dot_general3A_260 : vector<256x256xf32>
    %reduce_sum3A_262 = arith.constant dense<0.000000e+00> : vector<256xf32>
    %reduce_sum3A_263 = vector.multi_reduction <add>, %exp3A_261, %reduce_sum3A_262 [1] : vector<256x256xf32> to vector<256xf32>
    %broadcast_in_dim3A_264 = vector.shape_cast %reduce_sum3A_263 : vector<256xf32> to vector<256x1xf32>
    %div3A_265 = arith.constant 1.000000e+00 : f32
    %div3A_266 = vector.broadcast %div3A_265 : f32 to vector<256x1xf32>
    %div3A_267 = arith.divf %div3A_266, %broadcast_in_dim3A_264 : vector<256x1xf32>
    %convert_element_type3A_268 = arith.truncf %exp3A_261 : vector<256x256xf32> to vector<256x256xbf16>
    %dot_general3A_269 = arith.constant dense<0.000000e+00> : vector<256x32xf32>
    %dot_general3A_270 = tpu.matmul %convert_element_type3A_268, %convert_element_type3A_258, %dot_general3A_269 {dimension_numbers = #tpu.dot_dimension_numbers<[1], [0], [0], [1], [0, 0, 1, 1], [], []>, transpose_lhs_hint = false} : vector<256x256xbf16>, vector<256x32xbf16>, vector<256x32xf32> -> vector<256x32xf32>
    %mul3A_271 = vector.broadcast %div3A_267 : vector<256x1xf32> to vector<256x32xf32>
    %mul3A_272 = arith.mulf %dot_general3A_270, %mul3A_271 : vector<256x32xf32>
    %slice3A_273 = vector.extract_strided_slice %concatenate3A {offsets = [256, 128], sizes = [256, 32], strides = [1, 1]} : vector<512x256xf32> to vector<256x32xf32>
    %mul3A_274 = arith.constant 0.176776692 : f32
    %mul3A_275 = vector.broadcast %mul3A_274 : f32 to vector<256x32xf32>
    %mul3A_276 = arith.mulf %slice3A_273, %mul3A_275 : vector<256x32xf32>
    %convert_element_type3A_277 = arith.truncf %mul3A_276 : vector<256x32xf32> to vector<256x32xbf16>
    %slice3A_278 = vector.extract_strided_slice %concatenate3A_20 {offsets = [256, 128], sizes = [256, 32], strides = [1, 1]} : vector<512x256xf32> to vector<256x32xf32>
    %convert_element_type3A_279 = arith.truncf %slice3A_278 : vector<256x32xf32> to vector<256x32xbf16>
    %slice3A_280 = vector.extract_strided_slice %concatenate3A_33 {offsets = [256, 128], sizes = [256, 32], strides = [1, 1]} : vector<512x256xf32> to vector<256x32xf32>
    %convert_element_type3A_281 = arith.truncf %slice3A_280 : vector<256x32xf32> to vector<256x32xbf16>
    %dot_general3A_282 = arith.constant dense<0.000000e+00> : vector<256x256xf32>
    %dot_general3A_283 = tpu.matmul %convert_element_type3A_277, %convert_element_type3A_279, %dot_general3A_282 {dimension_numbers = #tpu.dot_dimension_numbers<[1], [1], [0], [0], [0, 0, 1, 0], [], []>, transpose_lhs_hint = false} : vector<256x32xbf16>, vector<256x32xbf16>, vector<256x256xf32> -> vector<256x256xf32>
    %exp3A_284 = math.exp %dot_general3A_283 : vector<256x256xf32>
    %reduce_sum3A_285 = arith.constant dense<0.000000e+00> : vector<256xf32>
    %reduce_sum3A_286 = vector.multi_reduction <add>, %exp3A_284, %reduce_sum3A_285 [1] : vector<256x256xf32> to vector<256xf32>
    %broadcast_in_dim3A_287 = vector.shape_cast %reduce_sum3A_286 : vector<256xf32> to vector<256x1xf32>
    %div3A_288 = arith.constant 1.000000e+00 : f32
    %div3A_289 = vector.broadcast %div3A_288 : f32 to vector<256x1xf32>
    %div3A_290 = arith.divf %div3A_289, %broadcast_in_dim3A_287 : vector<256x1xf32>
    %convert_element_type3A_291 = arith.truncf %exp3A_284 : vector<256x256xf32> to vector<256x256xbf16>
    %dot_general3A_292 = arith.constant dense<0.000000e+00> : vector<256x32xf32>
    %dot_general3A_293 = tpu.matmul %convert_element_type3A_291, %convert_element_type3A_281, %dot_general3A_292 {dimension_numbers = #tpu.dot_dimension_numbers<[1], [0], [0], [1], [0, 0, 1, 1], [], []>, transpose_lhs_hint = false} : vector<256x256xbf16>, vector<256x32xbf16>, vector<256x32xf32> -> vector<256x32xf32>
    %mul3A_294 = vector.broadcast %div3A_290 : vector<256x1xf32> to vector<256x32xf32>
    %mul3A_295 = arith.mulf %dot_general3A_293, %mul3A_294 : vector<256x32xf32>
    %slice3A_296 = vector.extract_strided_slice %concatenate3A {offsets = [256, 160], sizes = [256, 32], strides = [1, 1]} : vector<512x256xf32> to vector<256x32xf32>
    %mul3A_297 = arith.constant 0.176776692 : f32
    %mul3A_298 = vector.broadcast %mul3A_297 : f32 to vector<256x32xf32>
    %mul3A_299 = arith.mulf %slice3A_296, %mul3A_298 : vector<256x32xf32>
    %convert_element_type3A_300 = arith.truncf %mul3A_299 : vector<256x32xf32> to vector<256x32xbf16>
    %slice3A_301 = vector.extract_strided_slice %concatenate3A_20 {offsets = [256, 160], sizes = [256, 32], strides = [1, 1]} : vector<512x256xf32> to vector<256x32xf32>
    %convert_element_type3A_302 = arith.truncf %slice3A_301 : vector<256x32xf32> to vector<256x32xbf16>
    %slice3A_303 = vector.extract_strided_slice %concatenate3A_33 {offsets = [256, 160], sizes = [256, 32], strides = [1, 1]} : vector<512x256xf32> to vector<256x32xf32>
    %convert_element_type3A_304 = arith.truncf %slice3A_303 : vector<256x32xf32> to vector<256x32xbf16>
    %dot_general3A_305 = arith.constant dense<0.000000e+00> : vector<256x256xf32>
    %dot_general3A_306 = tpu.matmul %convert_element_type3A_300, %convert_element_type3A_302, %dot_general3A_305 {dimension_numbers = #tpu.dot_dimension_numbers<[1], [1], [0], [0], [0, 0, 1, 0], [], []>, transpose_lhs_hint = false} : vector<256x32xbf16>, vector<256x32xbf16>, vector<256x256xf32> -> vector<256x256xf32>
    %exp3A_307 = math.exp %dot_general3A_306 : vector<256x256xf32>
    %reduce_sum3A_308 = arith.constant dense<0.000000e+00> : vector<256xf32>
    %reduce_sum3A_309 = vector.multi_reduction <add>, %exp3A_307, %reduce_sum3A_308 [1] : vector<256x256xf32> to vector<256xf32>
    %broadcast_in_dim3A_310 = vector.shape_cast %reduce_sum3A_309 : vector<256xf32> to vector<256x1xf32>
    %div3A_311 = arith.constant 1.000000e+00 : f32
    %div3A_312 = vector.broadcast %div3A_311 : f32 to vector<256x1xf32>
    %div3A_313 = arith.divf %div3A_312, %broadcast_in_dim3A_310 : vector<256x1xf32>
    %convert_element_type3A_314 = arith.truncf %exp3A_307 : vector<256x256xf32> to vector<256x256xbf16>
    %dot_general3A_315 = arith.constant dense<0.000000e+00> : vector<256x32xf32>
    %dot_general3A_316 = tpu.matmul %convert_element_type3A_314, %convert_element_type3A_304, %dot_general3A_315 {dimension_numbers = #tpu.dot_dimension_numbers<[1], [0], [0], [1], [0, 0, 1, 1], [], []>, transpose_lhs_hint = false} : vector<256x256xbf16>, vector<256x32xbf16>, vector<256x32xf32> -> vector<256x32xf32>
    %mul3A_317 = vector.broadcast %div3A_313 : vector<256x1xf32> to vector<256x32xf32>
    %mul3A_318 = arith.mulf %dot_general3A_316, %mul3A_317 : vector<256x32xf32>
    %broadcast_in_dim3A_319 = arith.constant 0.000000e+00 : f32
    %broadcast_in_dim3A_320 = vector.broadcast %broadcast_in_dim3A_319 : f32 to vector<256x64xf32>
    %concatenate3A_321 = tpu.concatenate %mul3A_203, %mul3A_226, %mul3A_249, %mul3A_272, %mul3A_295, %mul3A_318, %broadcast_in_dim3A_320 in 1 : vector<256x32xf32>, vector<256x32xf32>, vector<256x32xf32>, vector<256x32xf32>, vector<256x32xf32>, vector<256x32xf32>, vector<256x64xf32> -> vector<256x256xf32>
    %slice3A_322 = vector.extract_strided_slice %concatenate3A_321 {offsets = [0, 0], sizes = [256, 128], strides = [1, 1]} : vector<256x256xf32> to vector<256x128xf32>
    %convert_element_type3A_323 = arith.truncf %slice3A_322 : vector<256x128xf32> to vector<256x128xbf16>
    %convert_element_type3A_324 = arith.extf %convert_element_type3A_323 : vector<256x128xbf16> to vector<256x128xf32>
    %slice3A_325 = vector.extract_strided_slice %concatenate3A_321 {offsets = [0, 128], sizes = [256, 128], strides = [1, 1]} : vector<256x256xf32> to vector<256x128xf32>
    %convert_element_type3A_326 = arith.truncf %slice3A_325 : vector<256x128xf32> to vector<256x128xbf16>
    %convert_element_type3A_327 = arith.extf %convert_element_type3A_326 : vector<256x128xbf16> to vector<256x128xf32>
    %bitcast_convert_type3A_328 = tpu.bitcast %convert_element_type3A_324 : vector<256x128xf32> -> vector<256x128xi32>
    %bitcast_convert_type3A_329 = tpu.bitcast %convert_element_type3A_327 : vector<256x128xf32> -> vector<256x128xi32>
    %and3A_330 = arith.constant -65536 : i32
    %and3A_331 = vector.broadcast %and3A_330 : i32 to vector<256x128xi32>
    %and3A_332 = arith.andi %bitcast_convert_type3A_329, %and3A_331 : vector<256x128xi32>
    %shift_right_logical3A_333 = arith.constant 16 : i32
    %shift_right_logical3A_334 = vector.broadcast %shift_right_logical3A_333 : i32 to vector<256x128xi32>
    %shift_right_logical3A_335 = arith.shrui %bitcast_convert_type3A_328, %shift_right_logical3A_334 : vector<256x128xi32>
    %or3A_336 = arith.ori %and3A_332, %shift_right_logical3A_335 : vector<256x128xi32>
    %bitcast_convert_type3A_337 = tpu.bitcast %or3A_336 : vector<256x128xi32> -> vector<256x128xf32>
    %concatenate3A_338 = tpu.concatenate %bitcast_convert_type3A_180, %bitcast_convert_type3A_337 in 0 : vector<256x128xf32>, vector<256x128xf32> -> vector<512x128xf32>
    %swap3A = arith.constant 0 : index
    %swap3A_339 = arith.constant 0 : index
    %swap3A_340 = vector.load %arg4[%swap3A, %swap3A_339] : memref<512x128xf32, #tpu.memory_space<vmem>>, vector<512x128xf32>
    tpu.vector_store %arg4[%swap3A, %swap3A_339], %concatenate3A_338 {strides = array<i32>} : memref<512x128xf32, #tpu.memory_space<vmem>>, vector<512x128xf32>,
    return
  }
  func.func @transform_0(%arg0: i32) -> (i32, i32) {
    %c0_i32 = arith.constant 0 : i32
    %c0_i32_0 = arith.constant 0 : i32
    return %arg0, %c0_i32 : i32, i32
  }
  func.func @transform_1(%arg0: i32) -> (i32, i32) {
    %c0_i32 = arith.constant 0 : i32
    %c0_i32_0 = arith.constant 0 : i32
    return %arg0, %c0_i32 : i32, i32
  }
  func.func @transform_2(%arg0: i32) -> (i32, i32) {
    %c0_i32 = arith.constant 0 : i32
    %c0_i32_0 = arith.constant 0 : i32
    return %arg0, %c0_i32 : i32, i32
  }
  func.func @transform_3(%arg0: i32) -> (i32, i32) {
    %c0_i32 = arith.constant 0 : i32
    %c0_i32_0 = arith.constant 0 : i32
    return %arg0, %c0_i32 : i32, i32
  }
}

module attributes {stable_mosaic.version = 14 : i64} {
  func.func @_outproj_body(%arg0: i32, %arg1: memref<4096x128xf32, #tpu.memory_space<vmem>>, %arg2: memref<192x192xf32, #tpu.memory_space<vmem>>, %arg3: memref<1x192xf32, #tpu.memory_space<vmem>>, %arg4: memref<4096x192xf32, #tpu.memory_space<vmem>>) attributes {dimension_semantics = [#tpu.dimension_semantics<arbitrary>], iteration_bounds = array<i64: 16>, scalar_prefetch = 0 : i64, scratch_operands = 0 : i64, tpu.core_type = #tpu.core_type<tc>, window_params = [{transform_indices = @transform_0, window_bounds = array<i64: 4096, 128>}, {pipeline_mode = #tpu.pipeline_mode<synchronous>, transform_indices = @transform_1, window_bounds = array<i64: 192, 192>}, {pipeline_mode = #tpu.pipeline_mode<synchronous>, transform_indices = @transform_2, window_bounds = array<i64: 1, 192>}, {transform_indices = @transform_3, window_bounds = array<i64: 4096, 192>}]} {
    %get3A = arith.constant 0 : index
    %get3A_0 = arith.constant 0 : index
    %get3A_1 = vector.load %arg1[%get3A, %get3A_0] : memref<4096x128xf32, #tpu.memory_space<vmem>>, vector<4096x128xf32>
    %bitcast_convert_type3A = tpu.bitcast %get3A_1 : vector<4096x128xf32> -> vector<4096x128xi32>
    %and3A = arith.constant -65536 : i32
    %and3A_2 = vector.broadcast %and3A : i32 to vector<4096x128xi32>
    %and3A_3 = arith.andi %bitcast_convert_type3A, %and3A_2 : vector<4096x128xi32>
    %bitcast_convert_type3A_4 = tpu.bitcast %and3A_3 : vector<4096x128xi32> -> vector<4096x128xf32>
    %shift_left3A = arith.constant 16 : i32
    %shift_left3A_5 = vector.broadcast %shift_left3A : i32 to vector<4096x128xi32>
    %shift_left3A_6 = arith.shli %bitcast_convert_type3A, %shift_left3A_5 : vector<4096x128xi32>
    %bitcast_convert_type3A_7 = tpu.bitcast %shift_left3A_6 : vector<4096x128xi32> -> vector<4096x128xf32>
    %concatenate3A = tpu.concatenate %bitcast_convert_type3A_7, %bitcast_convert_type3A_4 in 1 : vector<4096x128xf32>, vector<4096x128xf32> -> vector<4096x256xf32>
    %slice3A = vector.extract_strided_slice %concatenate3A {offsets = [0, 0], sizes = [4096, 192], strides = [1, 1]} : vector<4096x256xf32> to vector<4096x192xf32>
    %convert_element_type3A = arith.truncf %slice3A : vector<4096x192xf32> to vector<4096x192xbf16>
    %get3A_8 = arith.constant 0 : index
    %get3A_9 = arith.constant 0 : index
    %get3A_10 = vector.load %arg2[%get3A_8, %get3A_9] : memref<192x192xf32, #tpu.memory_space<vmem>>, vector<192x192xf32>
    %convert_element_type3A_11 = arith.truncf %get3A_10 : vector<192x192xf32> to vector<192x192xbf16>
    %dot_general3A = arith.constant dense<0.000000e+00> : vector<4096x192xf32>
    %dot_general3A_12 = tpu.matmul %convert_element_type3A, %convert_element_type3A_11, %dot_general3A {dimension_numbers = #tpu.dot_dimension_numbers<[1], [0], [0], [1], [0, 0, 1, 1], [], []>, transpose_lhs_hint = false} : vector<4096x192xbf16>, vector<192x192xbf16>, vector<4096x192xf32> -> vector<4096x192xf32>
    %get3A_13 = arith.constant 0 : index
    %get3A_14 = arith.constant 0 : index
    %get3A_15 = vector.load %arg3[%get3A_13, %get3A_14] : memref<1x192xf32, #tpu.memory_space<vmem>>, vector<1x192xf32>
    %add3A = vector.broadcast %get3A_15 : vector<1x192xf32> to vector<4096x192xf32>
    %add3A_16 = arith.addf %dot_general3A_12, %add3A : vector<4096x192xf32>
    %swap3A = arith.constant 0 : index
    %swap3A_17 = arith.constant 0 : index
    %swap3A_18 = vector.load %arg4[%swap3A, %swap3A_17] : memref<4096x192xf32, #tpu.memory_space<vmem>>, vector<4096x192xf32>
    tpu.vector_store %arg4[%swap3A, %swap3A_17], %add3A_16 {strides = array<i32>} : memref<4096x192xf32, #tpu.memory_space<vmem>>, vector<4096x192xf32>,
    return
  }
  func.func @transform_0(%arg0: i32) -> (i32, i32) {
    %c0_i32 = arith.constant 0 : i32
    %c0_i32_0 = arith.constant 0 : i32
    return %arg0, %c0_i32 : i32, i32
  }
  func.func @transform_1(%arg0: i32) -> (i32, i32) {
    %c0_i32 = arith.constant 0 : i32
    %c0_i32_0 = arith.constant 0 : i32
    %c0_i32_1 = arith.constant 0 : i32
    return %c0_i32, %c0_i32_0 : i32, i32
  }
  func.func @transform_2(%arg0: i32) -> (i32, i32) {
    %c0_i32 = arith.constant 0 : i32
    %c0_i32_0 = arith.constant 0 : i32
    %c0_i32_1 = arith.constant 0 : i32
    return %c0_i32, %c0_i32_0 : i32, i32
  }
  func.func @transform_3(%arg0: i32) -> (i32, i32) {
    %c0_i32 = arith.constant 0 : i32
    %c0_i32_0 = arith.constant 0 : i32
    return %arg0, %c0_i32 : i32, i32
  }
}

</mosaic_0001>

<sc_bundles>
// kernel: kernel.11.cloned.1.call-start
scs
__scs_entry_jumppad:
0x0: {  	(pc) =	sbr.rel $0x88, $3  }
0x1: {  	(tag) =	ssettag $0x0;
	lr =	simm.s32 $0x1  }
0x2: {  	[smem:$0x3F99] =	sst lr;
	_ =	strace $0xD0000000  }
0x3: {  	_ = 	snop  }
0x4: {  	_ = 	snop  }
0x5: {  	_ = 	snop  }
0x6: {  	_ = 	snop  }
0x7: {  	_ = 	snop  }
__scs_overlays_trampoline_lowered:
0x8: {  	[smem:$0x3FA8] =	sst s0  }
0x9: {  	[smem:$0x3FA9] =	sst s1  }
0xa: {  	[smem:$0x3FAA] =	sst s2  }
0xb: {  	[smem:$0x3FAB] =	sst s3  }
0xc: {  	[smem:$0x3FAC] =	sst s4  }
0xd: {  	[smem:$0x3FAD] =	sst s5  }
0xe: {  	[smem:$0x3FAE] =	sst s6  }
0xf: {  	[smem:$0x3FAF] =	sst s7  }
0x10: {  	[smem:$0x3FB0] =	sst s8  }
0x11: {  	[smem:$0x3FB1] =	sst s9;
	s0 =	simm.s32 @!p0 $0x0  }
0x12: {  	s1 =	sld [smem:$0x3F97];
	s0 =	simm.s32 @p0 $0x1  }
0x13: {  	[smem:$0x3FB2] =	sst s0;
	s0 =	simm.s32 @!p1 $0x0  }
0x14: {  	s2 =	sld [smem:$0x3F96];
	s0 =	simm.s32 @p1 $0x1  }
0x15: {  	[smem:$0x3FB3] =	sst s0;
	s0 =	simm.s32 @!p2 $0x0  }
0x16: {  	s3 =	sld [smem:$0x3FDB];
	s0 =	simm.s32 @p2 $0x1  }
0x17: {  	s4 =	simm.s32 $0x1BF5;
	[smem:$0x3FB5] =	sst s0  }
0x18: {  	s0 =	sld [smem:$0x3F98];
	_ =	swait.ge [sflag:s4], $0x0  }
0x19: {  	s7 =	sld [smem:$0x3F99]  }
0x1a: {  	s8 =	sadd.s32 $0xFFFFE003, lr  }
0x1b: {  	s9 =	sadd.s32 $0xFFFFFEF7, lr;
	s5 =	simm.s32 $0xFFFFFFFF;
	p2 =	slt.u32 s8, $0xFFFFF086  }
0x1c: {  	p1 =	slt.u32 s9, $0xF7A;
	s5 =	simm.s32 @!p2 $0x0  }
0x1d: {  	s5 =	simm.s32 @p1 $0x1;
	p0 =	seq.s32 s7, s2  }
0x1e: {  	s7 =	smul.u32 @!p0 $0xF7A, s2;
	p2 =	seq.s32 @!p0 s5, $0x0  }
0x1f: {  	s9 =	smul.u32 $0xF7A, s1;
	s8 =	simm.s32 @!p0 $0x1BF5;
	p2 =	por !p2, p0  }
0x20: {  	[sflag:s8] =	ssyncset.s32 @!p0 $0xFFFFF086;
	s6 =	sadd.s32 @!p0 s3, s7;
	s7 =	simm.s32 @!p0 $0x108  }
0x21: {  	s3 =	sadd.s32 s3, s9;
	s6 =	sadd.s32 @!p0 $0x88, s6;
	s7 =	simm.s32 @p2 $0x1082  }
0x22: {  	[simem:s7], [sflag:s8] =	dma.local @!p0 [hbm:s6], $0xF7A  }
0x23: {  	s9 =	sor.u32 $0xD0000000, s2;
	s6 =	simm.s32 $0x108;
	_ =	swait.ge @!p0 [sflag:s8], $0x0  }
0x24: {  	s3 =	sadd.s32 $0x88, s3;
	s6 =	simm.s32 @!p1 $0x1082;
	[sflag:s4] =	ssyncset.s32 $0xFFFFF086  }
0x25: {  	[simem:s6], [sflag:s4] =	dma.local [hbm:s3], $0xF7A  }
0x26: {  	[smem:$0x3F99] =	sst s1;
	(tag) =	ssettag s2;
	_ =	strace s9  }
0x27: {  	s1 =	sld [smem:$0x3FA9]  }
0x28: {  	s2 =	sld [smem:$0x3FAA]  }
0x29: {  	s4 =	sld [smem:$0x3FAC]  }
0x2a: {  	p0 =	seq.s32 s5, $0x0;
	s5 =	sld [smem:$0x3FAD]  }
0x2b: {  	s6 =	sld [smem:$0x3FAE]  }
0x2c: {  	s7 =	sld [smem:$0x3FAF]  }
0x2d: {  	s3 =	simm.s32 $0x108;
	s8 =	sld [smem:$0x3FB0]  }
0x2e: {  	s3 =	simm.s32 @!p0 $0x1082;
	s9 =	sld [smem:$0x3FB1]  }
0x2f: {  	lr =	sadd.s32 s0, s3;
	s0 =	sld [smem:$0x3FA8]  }
0x30: {  	s3 =	sld [smem:$0x3FAB]  }
0x31: {  	[smem:$0x3FB4] =	sst s10  }
0x32: {  	s10 =	sld [smem:$0x3FB2];
	_ =	sdelay $0x3  }
0x33: {  	p0 =	seq.s32 s10, $0x1;
	s10 =	sld [smem:$0x3FB4];
	_ =	sdelay $0x3  }
0x34: {  	[smem:$0x3FB4] =	sst s10  }
0x35: {  	s10 =	sld [smem:$0x3FB3];
	_ =	sdelay $0x3  }
0x36: {  	p1 =	seq.s32 s10, $0x1;
	s10 =	sld [smem:$0x3FB4];
	_ =	sdelay $0x3  }
0x37: {  	[smem:$0x3FB4] =	sst s10  }
0x38: {  	s10 =	sld [smem:$0x3FB5]  }
0x39: {  	_ = 	snop;
	(pc) =	sbr.ind lr, $3  }
0x3a: {  	_ = 	snop  }
0x3b: {  	_ = 	snop  }
0x3c: {  	p2 =	seq.s32 s10, $0x1;
	s10 =	sld [smem:$0x3FB4]  }
0x3d: {  	_ =	shalt  }
0x3e: {  	_ =	shalt  }
0x3f: {  	_ =	shalt  }
0x40: {  	_ =	shalt  }
0x41: {  	_ =	shalt  }
0x42: {  	_ =	shalt  }
0x43: {  	_ =	shalt  }
0x44: {  	_ =	shalt  }
0x45: {  	_ =	shalt  }
0x46: {  	_ =	shalt  }
0x47: {  	_ =	shalt  }
0x48: {  	_ =	shalt  }
0x49: {  	_ =	shalt  }
0x4a: {  	_ =	shalt  }
0x4b: {  	_ =	shalt  }
0x4c: {  	_ =	shalt  }
0x4d: {  	_ =	shalt  }
0x4e: {  	_ =	shalt  }
0x4f: {  	_ =	shalt  }
0x50: {  	_ =	shalt  }
0x51: {  	_ =	shalt  }
0x52: {  	_ =	shalt  }
0x53: {  	_ =	shalt  }
0x54: {  	_ =	shalt  }
0x55: {  	_ =	shalt  }
0x56: {  	_ =	shalt  }
0x57: {  	_ =	shalt  }
0x58: {  	_ =	shalt  }
0x59: {  	_ =	shalt  }
0x5a: {  	_ =	shalt  }
0x5b: {  	_ =	shalt  }
0x5c: {  	_ =	shalt  }
0x5d: {  	_ =	shalt  }
0x5e: {  	_ =	shalt  }
0x5f: {  	_ =	shalt  }
0x60: {  	_ =	shalt  }
0x61: {  	_ =	shalt  }
0x62: {  	_ =	shalt  }
0x63: {  	_ =	shalt  }
0x64: {  	_ =	shalt  }
0x65: {  	_ =	shalt  }
0x66: {  	_ =	shalt  }
0x67: {  	_ =	shalt  }
0x68: {  	_ =	shalt  }
0x69: {  	_ =	shalt  }
0x6a: {  	_ =	shalt  }
0x6b: {  	_ =	shalt  }
0x6c: {  	_ =	shalt  }
0x6d: {  	_ =	shalt  }
0x6e: {  	_ =	shalt  }
0x6f: {  	_ =	shalt  }
0x70: {  	_ =	shalt  }
0x71: {  	_ =	shalt  }
0x72: {  	_ =	shalt  }
0x73: {  	_ =	shalt  }
0x74: {  	_ =	shalt  }
0x75: {  	_ =	shalt  }
0x76: {  	_ =	shalt  }
0x77: {  	_ =	shalt  }
0x78: {  	_ =	shalt  }
0x79: {  	_ =	shalt  }
0x7a: {  	_ =	shalt  }
0x7b: {  	_ =	shalt  }
0x7c: {  	_ =	shalt  }
0x7d: {  	_ =	shalt  }
0x7e: {  	_ =	shalt  }
0x7f: {  	_ =	shalt  }
0x80: {  	_ =	shalt  }
0x81: {  	_ =	shalt  }
0x82: {  	_ =	shalt  }
0x83: {  	_ =	shalt  }
0x84: {  	_ =	shalt  }
0x85: {  	_ =	shalt  }
0x86: {  	_ =	shalt  }
0x87: {  	_ =	shalt  }
.Lfunc_end0:
.L_simem_size_0:
called_computation.1_lowered:
.L_overlay_start_0:
0x88: {  	s2 =	sld [smem:$0x3FD9]  }
0x89: {  	s3 =	sld [smem:$0x3FFE];
	_ =	sdelay $0x1  }
0x8a: {  	s1 =	srdreg.scid  }
0x8b: {  	s0 =	sand.u32 $0x1, s1  }
0x8c: {  	s17 =	sshll.u32 s0, $0xA;
	s2 =	sadd.s32 s3, s2  }
0x8d: {  	s2 =	sadd.s32 s2, s17  }
0x8e: {  	[smem:$0x3FC0] =	sst s2  }
0x8f: {  	_ = 	snop  }
0x90: {  	s2 =	sld [smem:$0x3FD0];
	(tm) =	ssettm $0x1  }
0x91: {  	s18 =	sld [smem:$0x3FFB];
	_ =	sdelay $0x3  }
0x92: {  	_ =	strace s18  }
0x93: {  	s3 =	sld [smem:$0x3FFC];
	_ =	sdelay $0x3  }
0x94: {  	_ =	strace s3  }
0x95: {  	s3 =	sld [smem:$0x3FFD];
	_ =	sdelay $0x3  }
0x96: {  	_ =	strace s3  }
0x97: {  	_ =	strace $0x8FFFFFFF  }
0x98: {  	s19 =	sld [smem:$0x3FDB];
	_ =	sdelay $0x1  }
0x99: {  	s4 =	simm.s32 $_scs_section_size  }
0x9a: {  	s5 =	simm.s32 $_size__tile_overlayer_lowered;
	s6 =	simm.s32 $_tile_overlayer_lowered  }
0x9b: {  	s22 =	simm.s32 $0x1BFF;
	s21 =	sshll.u32 s6, $0x1;
	s3 =	sadd.s32 s4, s19  }
0x9c: {  	s7 =	simm.s32 $0x0;
	s20 =	sshll.u32 s5, $0x1;
	s5 =	sadd.s32 s21, s3  }
0x9d: {  	[timem:s7], [sflag:s22] =	dma.local [hbm:s5], s20  }
0x9e: {  	_ =	swait.ge [sflag:s22], s20  }
0x9f: {  	s4 =	ssub.s32 $0x0, s20;
	[sflag:s22] =	ssyncset.done $0x0  }
0xa0: {  	[sflag:s22] =	ssyncadd.s32 s4;
	_ =	sdelay $0x1  }
0xa1: {  	s23 =	simm.s32 $0x1B8B  }
0xa2: {  	_ =	swait.ge [sflag:s23], $0x1  }
0xa3: {  	[sflag:s23] =	ssyncset.done $0x0  }
0xa4: {  	s25 =	simm.s32 $0x1B8E;
	s24 =	sld [smem:$0x3FFE];
	[sflag:s23] =	ssyncadd.s32 $0xFFFFFFFF  }
0xa5: {  	s26 =	simm.s32 $execute0_lowered;
	[smem:$0x3FD2] =	sst s25  }
0xa6: {  	s5 =	sshll.u32 s26, $0x1;
	_ =	strace $0x80000046;
	[dreg:$0x1] =	wrdreg $0xFFFFFFFF  }
0xa7: {  	s28 =	simm.s32 $_size_execute0_lowered;
	s3 =	sadd.s32 s3, s5;
	[dreg:$0x0] =	wrdreg $0x0  }
0xa8: {  	s5 =	sshll.u32 s28, $0x1;
	[dreg:$0x2] =	wrdreg s3  }
0xa9: {  	[dreg:$0x3] =	wrdreg s5  }
0xaa: {  	[dreg:$0x4] =	wrdreg $0xC0  }
0xab: {  	_ =	task [dreg:s7], $0x5FFFF  }
0xac: {  	[dreg:$0x1] =	wrdreg $0xFFFFFFFF  }
0xad: {  	[dreg:$0x0] =	wrdreg $0x60  }
0xae: {  	[dreg:$0x2] =	wrdreg s2  }
0xaf: {  	[dreg:$0x3] =	wrdreg s24  }
0xb0: {  	[dreg:$0x4] =	wrdreg $0x9  }
0xb1: {  	_ =	task.clear_ibuf [dreg:s7], $0x5FFFF;
	_ =	strace $0x90000046  }
0xb2: {  	s29 =	simm.s32 $0x9;
	_ =	strace $0x80000048  }
0xb3: {  	_ =	swait.ge [sflag:s29], $0x1  }
0xb4: {  	[sflag:s29] =	ssyncadd.s32 $0xFFFFFFFF  }
0xb5: {  	_ =	strace $0x90000048  }
0xb6: {  	_ =	sfence  }
0xb7: {  	s30 =	sld [smem:$0x0];
	_ =	sdelay $0x2  }
0xb8: {  	s31 =	sshll.u32 s1, $0xD;
	s1 =	sshrl.u32 s1, $0x2  }
0xb9: {  	s3 =	sand.u32 $0x4000, s31;
	s1 =	sadd.s32 s1, s30  }
0xba: {  	s0 =	sor.u32 s3, s0;
	s1 =	sshll.u32 s1, $0x11  }
0xbb: {  	s0 =	sor.u32 s1, s0  }
0xbc: {  	s0 =	sadd.s32 $0x8F2B, s0  }
0xbd: {  	[sflag:s0] =	ssyncadd.remote.s32 $0x1  }
0xbe: {  	_ =	sfence.sel $0xFFFF  }
0xbf: {  	[dreg:$0x0] =	wrdreg $0xFFFFFFFF;
	(pc) =	sbr.abs _section_cstart, $3  }
0xc0: {  	[dreg:$0x1] =	wrdreg $0xFFFFFFFF  }
0xc1: {  	_ =	task.clear_ibuf [dreg:s7], $0x2FFFF;
	_ =	strace $0x9FFFFFFF  }
0xc2: {  	(tm) =	ssettm $0x7FFFFFFF  }
0xc3: {  	_ =	shalt  }
tec
execute0_lowered:
.L_overlay_start_1:
0x0: {  	(tag) =	ssettag $0x1  }
0x1: {  	s2 =	rddreg [dreg:$0x0]  }
0x2: {  	s4 =	rddreg [dreg:$0x1];
	s0 =	srdreg.scid  }
0x3: {  	s3 =	simm.s32 $0x0;
	s1 =	stileid.u32;
	s0 =	sand.u32 $0x1, s0  }
0x4: {  	[smem:$0x7FF] =	sst s3;
	s5 =	sshll.u32 s1, $0xC;
	s6 =	sshll.u32 s0, $0xB  }
0x5: {  	s29 =	sadd.s32 $0x200E00, s4;
	[dreg:$0x10] =	wrdreg s0;
	s30 =	sor.u32 s6, s5  }
0x6: {  	s31 =	sadd.s32 $0xE00, s4;
	_ =	strace $0x80000047;
	s5 =	sshrl.u32 s30, $0x3  }
0x7: {  	s6 =	sor.u32 $0x80, s30;
	s17 =	sshll.u32 s30, $0x4;
	s19 =	sor.u32 $0x100, s30  }
0x8: {  	s7 =	sor.u32 $0x180, s30;
	s1 =	sor.u32 $0x280, s30;
	s14 =	sadd.s32 s29, s5  }
0x9: {  	s15 =	sshrl.u32 s6, $0x3;
	s18 =	sadd.s32 s31, s17;
	[dreg:$0x3] =	wrdreg s14  }
0xa: {  	s20 =	sshrl.u32 s19, $0x3;
	s16 =	sadd.s32 s29, s15;
	[dreg:$0x5] =	wrdreg s18  }
0xb: {  	s6 =	sshll.u32 s6, $0x4;
	s4 =	sadd.s32 s29, s20;
	[dreg:$0x4] =	wrdreg s16  }
0xc: {  	s22 =	sshrl.u32 s7, $0x3;
	s21 =	sadd.s32 s31, s6;
	[dreg:$0x6] =	wrdreg s4  }
0xd: {  	s5 =	sshll.u32 s19, $0x4;
	s23 =	sadd.s32 s29, s22;
	[dreg:$0x7] =	wrdreg s21  }
0xe: {  	s0 =	sshll.u32 s7, $0x4;
	s24 =	sadd.s32 s31, s5;
	[dreg:$0x8] =	wrdreg s23  }
0xf: {  	s9 =	sshrl.u32 s1, $0x3;
	s8 =	sadd.s32 s31, s0;
	[dreg:$0x9] =	wrdreg s24  }
0x10: {  	s25 =	sor.u32 $0x200, s30;
	s10 =	sadd.s32 s29, s9;
	[dreg:$0xb] =	wrdreg s8  }
0x11: {  	s13 =	sor.u32 $0x300, s30;
	s26 =	sshrl.u32 s25, $0x3;
	[dreg:$0xc] =	wrdreg s10  }
0x12: {  	s5 =	sshll.u32 s25, $0x4;
	s4 =	sadd.s32 s29, s26;
	s15 =	rddreg [dreg:$0x3]  }
0x13: {  	s14 =	sshll.u32 s1, $0x4;
	s11 =	sadd.s32 s31, s5;
	[dreg:$0xa] =	wrdreg s4  }
0x14: {  	s12 =	sshrl.u32 s13, $0x3;
	s16 =	sadd.s32 s31, s14;
	[dreg:$0xd] =	wrdreg s11  }
0x15: {  	s4 =	sadd.s32 s29, s12;
	[dreg:$0xf] =	wrdreg s16  }
0x16: {  	[tilespmem:s3], [sflag:$0x5] =	stream.linear.gather [hbm4b:s15+s3], $0x80, $0x38;
	[tilespmem:$0x8100] =	vst v63  }
0x17: {  	[dreg:$0xe] =	wrdreg s4;
	s4 =	simm.s32 $0x5  }
0x18: {  	_ =	swait.ge [sflag:s4], $0x80  }
0x19: {  	[sflag:s4] =	ssyncset.done $0x0  }
0x1a: {  	s6 =	simm.s32 $0x100;
	s5 =	simm.s32 $0x80;
	[sflag:s4] =	ssyncadd.s32 $0xFFFFFF80  }
0x1b: {  	[tilespmem:s6], [sflag:$0x1] =	stream.indirect.gather [hbm4b:s2+s5], $0x80, s3, s5, $0xb8;
	[tilespmem:$0x8100] =	vst v63  }
0x1c: {  	s17 =	rddreg [dreg:$0x4]  }
0x1d: {  	[tilespmem:s5], [sflag:$0x5] =	stream.linear.gather [hbm4b:s17+s3], $0x80, $0x38;
	[tilespmem:$0x8100] =	vst v63  }
0x1e: {  	_ =	swait.ge [sflag:s4], $0x80  }
0x1f: {  	[sflag:s4] =	ssyncset.done $0x0  }
0x20: {  	s7 =	simm.s32 $0x4100;
	s8 =	simm.s32 $0x1;
	[sflag:s4] =	ssyncadd.s32 $0xFFFFFF80  }
0x21: {  	[tilespmem:s7], [sflag:$0x2] =	stream.indirect.gather [hbm4b:s2+s5], $0x80, s5, s5, $0xb8;
	[tilespmem:$0x8100] =	vst v63  }
0x22: {  	_ =	swait.ge [sflag:s8], $0x4000  }
0x23: {  	[sflag:s8] =	ssyncset.done $0x0  }
0x24: {  	s9 =	simm.s32 $0x3;
	s10 =	rddreg [dreg:$0x5];
	[sflag:s8] =	ssyncadd.s32 $0xFFFFC000  }
0x25: {  	[hbm4b:s10+s3] =	stream.linear.scatter [tilespmem:s6], [sflag:$0x3], $0x4000, $0x38;
	[tilespmem:$0x8100] =	vst v63  }
0x26: {  	_ =	swait.ge [sflag:s9], $0x4000  }
0x27: {  	[sflag:s9] =	ssyncset.done $0x0  }
0x28: {  	s18 =	rddreg [dreg:$0x6];
	[sflag:s9] =	ssyncadd.s32 $0xFFFFC000  }
0x29: {  	[tilespmem:s3], [sflag:$0x5] =	stream.linear.gather [hbm4b:s18+s3], $0x80, $0x38;
	[tilespmem:$0x8100] =	vst v63  }
0x2a: {  	_ =	swait.ge [sflag:s4], $0x80  }
0x2b: {  	[sflag:s4] =	ssyncset.done $0x0  }
0x2c: {  	s10 =	simm.s32 $0x2;
	[sflag:s4] =	ssyncadd.s32 $0xFFFFFF80  }
0x2d: {  	[tilespmem:s6], [sflag:$0x1] =	stream.indirect.gather [hbm4b:s2+s5], $0x80, s3, s5, $0xb8;
	[tilespmem:$0x8100] =	vst v63  }
0x2e: {  	_ =	swait.ge [sflag:s10], $0x4000  }
0x2f: {  	[sflag:s10] =	ssyncset.done $0x0  }
0x30: {  	s11 =	simm.s32 $0x4;
	s12 =	rddreg [dreg:$0x7];
	[sflag:s10] =	ssyncadd.s32 $0xFFFFC000  }
0x31: {  	[hbm4b:s12+s3] =	stream.linear.scatter [tilespmem:s7], [sflag:$0x4], $0x4000, $0x38;
	[tilespmem:$0x8100] =	vst v63  }
0x32: {  	_ =	swait.ge [sflag:s11], $0x4000  }
0x33: {  	[sflag:s11] =	ssyncset.done $0x0  }
0x34: {  	s19 =	rddreg [dreg:$0x8];
	[sflag:s11] =	ssyncadd.s32 $0xFFFFC000  }
0x35: {  	[tilespmem:s5], [sflag:$0x5] =	stream.linear.gather [hbm4b:s19+s3], $0x80, $0x38;
	[tilespmem:$0x8100] =	vst v63  }
0x36: {  	_ =	swait.ge [sflag:s4], $0x80  }
0x37: {  	[sflag:s4] =	ssyncset.done $0x0  }
0x38: {  	[sflag:s4] =	ssyncadd.s32 $0xFFFFFF80  }
0x39: {  	[tilespmem:s7], [sflag:$0x2] =	stream.indirect.gather [hbm4b:s2+s5], $0x80, s5, s5, $0xb8;
	[tilespmem:$0x8100] =	vst v63  }
0x3a: {  	_ =	swait.ge [sflag:s8], $0x4000  }
0x3b: {  	[sflag:s8] =	ssyncset.done $0x0  }
0x3c: {  	s20 =	rddreg [dreg:$0x9];
	[sflag:s8] =	ssyncadd.s32 $0xFFFFC000  }
0x3d: {  	[hbm4b:s20+s3] =	stream.linear.scatter [tilespmem:s6], [sflag:$0x3], $0x4000, $0x38;
	[tilespmem:$0x8100] =	vst v63  }
0x3e: {  	_ =	swait.ge [sflag:s9], $0x4000  }
0x3f: {  	[sflag:s9] =	ssyncset.done $0x0  }
0x40: {  	s21 =	rddreg [dreg:$0xa];
	[sflag:s9] =	ssyncadd.s32 $0xFFFFC000  }
0x41: {  	[tilespmem:s3], [sflag:$0x5] =	stream.linear.gather [hbm4b:s21+s3], $0x80, $0x38;
	[tilespmem:$0x8100] =	vst v63  }
0x42: {  	_ =	swait.ge [sflag:s4], $0x80  }
0x43: {  	[sflag:s4] =	ssyncset.done $0x0  }
0x44: {  	[sflag:s4] =	ssyncadd.s32 $0xFFFFFF80  }
0x45: {  	[tilespmem:s6], [sflag:$0x1] =	stream.indirect.gather [hbm4b:s2+s5], $0x80, s3, s5, $0xb8;
	[tilespmem:$0x8100] =	vst v63  }
0x46: {  	_ =	swait.ge [sflag:s10], $0x4000  }
0x47: {  	[sflag:s10] =	ssyncset.done $0x0  }
0x48: {  	s22 =	rddreg [dreg:$0xb];
	[sflag:s10] =	ssyncadd.s32 $0xFFFFC000  }
0x49: {  	[hbm4b:s22+s3] =	stream.linear.scatter [tilespmem:s7], [sflag:$0x4], $0x4000, $0x38;
	[tilespmem:$0x8100] =	vst v63  }
0x4a: {  	_ =	swait.ge [sflag:s11], $0x4000  }
0x4b: {  	[sflag:s11] =	ssyncset.done $0x0  }
0x4c: {  	s23 =	rddreg [dreg:$0xc];
	[sflag:s11] =	ssyncadd.s32 $0xFFFFC000  }
0x4d: {  	[tilespmem:s5], [sflag:$0x5] =	stream.linear.gather [hbm4b:s23+s3], $0x80, $0x38;
	[tilespmem:$0x8100] =	vst v63  }
0x4e: {  	_ =	swait.ge [sflag:s4], $0x80  }
0x4f: {  	[sflag:s4] =	ssyncset.done $0x0  }
0x50: {  	[sflag:s4] =	ssyncadd.s32 $0xFFFFFF80  }
0x51: {  	[tilespmem:s7], [sflag:$0x2] =	stream.indirect.gather [hbm4b:s2+s5], $0x80, s5, s5, $0xb8;
	[tilespmem:$0x8100] =	vst v63  }
0x52: {  	_ =	swait.ge [sflag:s8], $0x4000  }
0x53: {  	[sflag:s8] =	ssyncset.done $0x0  }
0x54: {  	s24 =	rddreg [dreg:$0xd];
	[sflag:s8] =	ssyncadd.s32 $0xFFFFC000  }
0x55: {  	[hbm4b:s24+s3] =	stream.linear.scatter [tilespmem:s6], [sflag:$0x3], $0x4000, $0x38;
	[tilespmem:$0x8100] =	vst v63  }
0x56: {  	_ =	swait.ge [sflag:s9], $0x4000  }
0x57: {  	[sflag:s9] =	ssyncset.done $0x0  }
0x58: {  	s25 =	rddreg [dreg:$0xe];
	[sflag:s9] =	ssyncadd.s32 $0xFFFFC000  }
0x59: {  	[tilespmem:s3], [sflag:$0x5] =	stream.linear.gather [hbm4b:s25+s3], $0x80, $0x38;
	[tilespmem:$0x8100] =	vst v63  }
0x5a: {  	_ =	swait.ge [sflag:s4], $0x80  }
0x5b: {  	[sflag:s4] =	ssyncset.done $0x0  }
0x5c: {  	[sflag:s4] =	ssyncadd.s32 $0xFFFFFF80  }
0x5d: {  	[tilespmem:s6], [sflag:$0x1] =	stream.indirect.gather [hbm4b:s2+s5], $0x80, s3, s5, $0xb8;
	[tilespmem:$0x8100] =	vst v63  }
0x5e: {  	_ =	swait.ge [sflag:s10], $0x4000  }
0x5f: {  	[sflag:s10] =	ssyncset.done $0x0  }
0x60: {  	s26 =	rddreg [dreg:$0xf];
	[sflag:s10] =	ssyncadd.s32 $0xFFFFC000  }
0x61: {  	[hbm4b:s26+s3] =	stream.linear.scatter [tilespmem:s7], [sflag:$0x4], $0x4000, $0x38;
	[tilespmem:$0x8100] =	vst v63  }
0x62: {  	s15 =	sor.u32 $0x380, s30;
	_ =	swait.ge [sflag:s11], $0x4000  }
0x63: {  	s0 =	sshrl.u32 s15, $0x3;
	[sflag:s11] =	ssyncset.done $0x0  }
0x64: {  	s12 =	sadd.s32 s29, s0;
	[sflag:s11] =	ssyncadd.s32 $0xFFFFC000  }
0x65: {  	[tilespmem:s5], [sflag:$0x5] =	stream.linear.gather [hbm4b:s12+s3], $0x80, $0x38;
	[tilespmem:$0x8100] =	vst v63  }
0x66: {  	_ =	swait.ge [sflag:s4], $0x80  }
0x67: {  	[sflag:s4] =	ssyncset.done $0x0  }
0x68: {  	[sflag:s4] =	ssyncadd.s32 $0xFFFFFF80  }
0x69: {  	[tilespmem:s7], [sflag:$0x2] =	stream.indirect.gather [hbm4b:s2+s5], $0x80, s5, s5, $0xb8;
	[tilespmem:$0x8100] =	vst v63  }
0x6a: {  	_ =	swait.ge [sflag:s8], $0x4000  }
0x6b: {  	s13 =	sshll.u32 s13, $0x4;
	[sflag:s8] =	ssyncset.done $0x0  }
0x6c: {  	s13 =	sadd.s32 s31, s13;
	[sflag:s8] =	ssyncadd.s32 $0xFFFFC000  }
0x6d: {  	[hbm4b:s13+s3] =	stream.linear.scatter [tilespmem:s6], [sflag:$0x3], $0x4000, $0x38;
	[tilespmem:$0x8100] =	vst v63  }
0x6e: {  	s17 =	sor.u32 $0x400, s30;
	_ =	swait.ge [sflag:s9], $0x4000  }
0x6f: {  	s14 =	sshrl.u32 s17, $0x3;
	[sflag:s9] =	ssyncset.done $0x0  }
0x70: {  	s14 =	sadd.s32 s29, s14;
	[sflag:s9] =	ssyncadd.s32 $0xFFFFC000  }
0x71: {  	[tilespmem:s3], [sflag:$0x5] =	stream.linear.gather [hbm4b:s14+s3], $0x80, $0x38;
	[tilespmem:$0x8100] =	vst v63  }
0x72: {  	_ =	swait.ge [sflag:s4], $0x80  }
0x73: {  	[sflag:s4] =	ssyncset.done $0x0  }
0x74: {  	[sflag:s4] =	ssyncadd.s32 $0xFFFFFF80  }
0x75: {  	[tilespmem:s6], [sflag:$0x1] =	stream.indirect.gather [hbm4b:s2+s5], $0x80, s3, s5, $0xb8;
	[tilespmem:$0x8100] =	vst v63  }
0x76: {  	_ =	swait.ge [sflag:s10], $0x4000  }
0x77: {  	s15 =	sshll.u32 s15, $0x4;
	[sflag:s10] =	ssyncset.done $0x0  }
0x78: {  	s15 =	sadd.s32 s31, s15;
	[sflag:s10] =	ssyncadd.s32 $0xFFFFC000  }
0x79: {  	[hbm4b:s15+s3] =	stream.linear.scatter [tilespmem:s7], [sflag:$0x4], $0x4000, $0x38;
	[tilespmem:$0x8100] =	vst v63  }
0x7a: {  	s19 =	sor.u32 $0x480, s30;
	_ =	swait.ge [sflag:s11], $0x4000  }
0x7b: {  	s16 =	sshrl.u32 s19, $0x3;
	[sflag:s11] =	ssyncset.done $0x0  }
0x7c: {  	s16 =	sadd.s32 s29, s16;
	[sflag:s11] =	ssyncadd.s32 $0xFFFFC000  }
0x7d: {  	[tilespmem:s5], [sflag:$0x5] =	stream.linear.gather [hbm4b:s16+s3], $0x80, $0x38;
	[tilespmem:$0x8100] =	vst v63  }
0x7e: {  	_ =	swait.ge [sflag:s4], $0x80  }
0x7f: {  	[sflag:s4] =	ssyncset.done $0x0  }
0x80: {  	[sflag:s4] =	ssyncadd.s32 $0xFFFFFF80  }
0x81: {  	[tilespmem:s7], [sflag:$0x2] =	stream.indirect.gather [hbm4b:s2+s5], $0x80, s5, s5, $0xb8;
	[tilespmem:$0x8100] =	vst v63  }
0x82: {  	_ =	swait.ge [sflag:s8], $0x4000  }
0x83: {  	s17 =	sshll.u32 s17, $0x4;
	[sflag:s8] =	ssyncset.done $0x0  }
0x84: {  	s17 =	sadd.s32 s31, s17;
	[sflag:s8] =	ssyncadd.s32 $0xFFFFC000  }
0x85: {  	[hbm4b:s17+s3] =	stream.linear.scatter [tilespmem:s6], [sflag:$0x3], $0x4000, $0x38;
	[tilespmem:$0x8100] =	vst v63  }
0x86: {  	s21 =	sor.u32 $0x500, s30;
	_ =	swait.ge [sflag:s9], $0x4000  }
0x87: {  	s18 =	sshrl.u32 s21, $0x3;
	[sflag:s9] =	ssyncset.done $0x0  }
0x88: {  	s18 =	sadd.s32 s29, s18;
	[sflag:s9] =	ssyncadd.s32 $0xFFFFC000  }
0x89: {  	[tilespmem:s3], [sflag:$0x5] =	stream.linear.gather [hbm4b:s18+s3], $0x80, $0x38;
	[tilespmem:$0x8100] =	vst v63  }
0x8a: {  	_ =	swait.ge [sflag:s4], $0x80  }
0x8b: {  	[sflag:s4] =	ssyncset.done $0x0  }
0x8c: {  	[sflag:s4] =	ssyncadd.s32 $0xFFFFFF80  }
0x8d: {  	[tilespmem:s6], [sflag:$0x1] =	stream.indirect.gather [hbm4b:s2+s5], $0x80, s3, s5, $0xb8;
	[tilespmem:$0x8100] =	vst v63  }
0x8e: {  	_ =	swait.ge [sflag:s10], $0x4000  }
0x8f: {  	s19 =	sshll.u32 s19, $0x4;
	[sflag:s10] =	ssyncset.done $0x0  }
0x90: {  	s19 =	sadd.s32 s31, s19;
	[sflag:s10] =	ssyncadd.s32 $0xFFFFC000  }
0x91: {  	[hbm4b:s19+s3] =	stream.linear.scatter [tilespmem:s7], [sflag:$0x4], $0x4000, $0x38;
	[tilespmem:$0x8100] =	vst v63  }
0x92: {  	s23 =	sor.u32 $0x580, s30;
	_ =	swait.ge [sflag:s11], $0x4000  }
0x93: {  	s20 =	sshrl.u32 s23, $0x3;
	[sflag:s11] =	ssyncset.done $0x0  }
0x94: {  	s20 =	sadd.s32 s29, s20;
	[sflag:s11] =	ssyncadd.s32 $0xFFFFC000  }
0x95: {  	[tilespmem:s5], [sflag:$0x5] =	stream.linear.gather [hbm4b:s20+s3], $0x80, $0x38;
	[tilespmem:$0x8100] =	vst v63  }
0x96: {  	_ =	swait.ge [sflag:s4], $0x80  }
0x97: {  	[sflag:s4] =	ssyncset.done $0x0  }
0x98: {  	[sflag:s4] =	ssyncadd.s32 $0xFFFFFF80  }
0x99: {  	[tilespmem:s7], [sflag:$0x2] =	stream.indirect.gather [hbm4b:s2+s5], $0x80, s5, s5, $0xb8;
	[tilespmem:$0x8100] =	vst v63  }
0x9a: {  	_ =	swait.ge [sflag:s8], $0x4000  }
0x9b: {  	s21 =	sshll.u32 s21, $0x4;
	[sflag:s8] =	ssyncset.done $0x0  }
0x9c: {  	s21 =	sadd.s32 s31, s21;
	[sflag:s8] =	ssyncadd.s32 $0xFFFFC000  }
0x9d: {  	[hbm4b:s21+s3] =	stream.linear.scatter [tilespmem:s6], [sflag:$0x3], $0x4000, $0x38;
	[tilespmem:$0x8100] =	vst v63  }
0x9e: {  	s25 =	sor.u32 $0x600, s30;
	_ =	swait.ge [sflag:s9], $0x4000  }
0x9f: {  	s22 =	sshrl.u32 s25, $0x3;
	[sflag:s9] =	ssyncset.done $0x0  }
0xa0: {  	s22 =	sadd.s32 s29, s22;
	[sflag:s9] =	ssyncadd.s32 $0xFFFFC000  }
0xa1: {  	[tilespmem:s3], [sflag:$0x5] =	stream.linear.gather [hbm4b:s22+s3], $0x80, $0x38;
	[tilespmem:$0x8100] =	vst v63  }
0xa2: {  	_ =	swait.ge [sflag:s4], $0x80  }
0xa3: {  	[sflag:s4] =	ssyncset.done $0x0  }
0xa4: {  	[sflag:s4] =	ssyncadd.s32 $0xFFFFFF80  }
0xa5: {  	[tilespmem:s6], [sflag:$0x1] =	stream.indirect.gather [hbm4b:s2+s5], $0x80, s3, s5, $0xb8;
	[tilespmem:$0x8100] =	vst v63  }
0xa6: {  	_ =	swait.ge [sflag:s10], $0x4000  }
0xa7: {  	s23 =	sshll.u32 s23, $0x4;
	[sflag:s10] =	ssyncset.done $0x0  }
0xa8: {  	s23 =	sadd.s32 s31, s23;
	[sflag:s10] =	ssyncadd.s32 $0xFFFFC000  }
0xa9: {  	[hbm4b:s23+s3] =	stream.linear.scatter [tilespmem:s7], [sflag:$0x4], $0x4000, $0x38;
	[tilespmem:$0x8100] =	vst v63  }
0xaa: {  	s28 =	sor.u32 $0x680, s30;
	_ =	swait.ge [sflag:s11], $0x4000  }
0xab: {  	s24 =	sshrl.u32 s28, $0x3;
	[sflag:s11] =	ssyncset.done $0x0  }
0xac: {  	s24 =	sadd.s32 s29, s24;
	[sflag:s11] =	ssyncadd.s32 $0xFFFFC000  }
0xad: {  	[tilespmem:s5], [sflag:$0x5] =	stream.linear.gather [hbm4b:s24+s3], $0x80, $0x38;
	[tilespmem:$0x8100] =	vst v63  }
0xae: {  	_ =	swait.ge [sflag:s4], $0x80  }
0xaf: {  	[sflag:s4] =	ssyncset.done $0x0  }
0xb0: {  	[sflag:s4] =	ssyncadd.s32 $0xFFFFFF80  }
0xb1: {  	[tilespmem:s7], [sflag:$0x2] =	stream.indirect.gather [hbm4b:s2+s5], $0x80, s5, s5, $0xb8;
	[tilespmem:$0x8100] =	vst v63  }
0xb2: {  	_ =	swait.ge [sflag:s8], $0x4000  }
0xb3: {  	s25 =	sshll.u32 s25, $0x4;
	[sflag:s8] =	ssyncset.done $0x0  }
0xb4: {  	s25 =	sadd.s32 s31, s25;
	[sflag:s8] =	ssyncadd.s32 $0xFFFFC000  }
0xb5: {  	[hbm4b:s25+s3] =	stream.linear.scatter [tilespmem:s6], [sflag:$0x3], $0x4000, $0x38;
	[tilespmem:$0x8100] =	vst v63  }
0xb6: {  	s1 =	sor.u32 $0x700, s30;
	_ =	swait.ge [sflag:s9], $0x4000  }
0xb7: {  	s26 =	sshrl.u32 s1, $0x3;
	[sflag:s9] =	ssyncset.done $0x0  }
0xb8: {  	s26 =	sadd.s32 s29, s26;
	[sflag:s9] =	ssyncadd.s32 $0xFFFFC000  }
0xb9: {  	[tilespmem:s3], [sflag:$0x5] =	stream.linear.gather [hbm4b:s26+s3], $0x80, $0x38;
	[tilespmem:$0x8100] =	vst v63  }
0xba: {  	_ =	swait.ge [sflag:s4], $0x80  }
0xbb: {  	[sflag:s4] =	ssyncset.done $0x0  }
0xbc: {  	[sflag:s4] =	ssyncadd.s32 $0xFFFFFF80  }
0xbd: {  	[tilespmem:s6], [sflag:$0x1] =	stream.indirect.gather [hbm4b:s2+s5], $0x80, s3, s5, $0xb8;
	[tilespmem:$0x8100] =	vst v63  }
0xbe: {  	_ =	swait.ge [sflag:s10], $0x4000  }
0xbf: {  	s28 =	sshll.u32 s28, $0x4;
	[sflag:s10] =	ssyncset.done $0x0  }
0xc0: {  	s28 =	sadd.s32 s31, s28;
	[sflag:s10] =	ssyncadd.s32 $0xFFFFC000  }
0xc1: {  	[hbm4b:s28+s3] =	stream.linear.scatter [tilespmem:s7], [sflag:$0x4], $0x4000, $0x38;
	[tilespmem:$0x8100] =	vst v63  }
0xc2: {  	s0 =	sor.u32 $0x780, s30;
	_ =	swait.ge [sflag:s11], $0x4000  }
0xc3: {  	s30 =	sshrl.u32 s0, $0x3;
	[sflag:s11] =	ssyncset.done $0x0  }
0xc4: {  	s29 =	sadd.s32 s29, s30;
	[sflag:s11] =	ssyncadd.s32 $0xFFFFC000  }
0xc5: {  	[tilespmem:s5], [sflag:$0x5] =	stream.linear.gather [hbm4b:s29+s3], $0x80, $0x38;
	[tilespmem:$0x8100] =	vst v63  }
0xc6: {  	_ =	swait.ge [sflag:s4], $0x80  }
0xc7: {  	[sflag:s4] =	ssyncset.done $0x0  }
0xc8: {  	[sflag:s4] =	ssyncadd.s32 $0xFFFFFF80  }
0xc9: {  	[tilespmem:s7], [sflag:$0x2] =	stream.indirect.gather [hbm4b:s2+s5], $0x80, s5, s5, $0xb8;
	[tilespmem:$0x8100] =	vst v63  }
0xca: {  	_ =	swait.ge [sflag:s8], $0x4000  }
0xcb: {  	s1 =	sshll.u32 s1, $0x4;
	[sflag:s8] =	ssyncset.done $0x0  }
0xcc: {  	s30 =	sadd.s32 s31, s1;
	[sflag:s8] =	ssyncadd.s32 $0xFFFFC000  }
0xcd: {  	[hbm4b:s30+s3] =	stream.linear.scatter [tilespmem:s6], [sflag:$0x3], $0x4000, $0x38;
	[tilespmem:$0x8100] =	vst v63  }
0xce: {  	_ =	swait.ge [sflag:s10], $0x4000  }
0xcf: {  	s0 =	sshll.u32 s0, $0x4;
	[sflag:s10] =	ssyncset.done $0x0;
	s1 =	rddreg [dreg:$0x10]  }
0xd0: {  	s31 =	sadd.s32 s31, s0;
	s0 =	ssub.s32 $0x2, s1;
	[sflag:s10] =	ssyncadd.s32 $0xFFFFC000  }
0xd1: {  	[hbm4b:s31+s3] =	stream.linear.scatter [tilespmem:s7], [sflag:$0x4], $0x4000, $0x38;
	[tilespmem:$0x8100] =	vst v63  }
0xd2: {  	s1 =	sshrl.u32 s0, $0x1  }
0xd3: {  	s0 =	ssub.s32 s0, s1  }
0xd4: {  	s0 =	smax.u32 s0, $0x1  }
0xd5: {  	p0 =	sne.s32 s0, $0x1  }
.Ltmp0:
0xd6: {  	_ =	swait.ge [sflag:s9], $0x4000;
	(pc) =	sbr.rel @!p0 .LBB2_2-.Ltmp0, $4  }
0xd7: {  	[sflag:s9] =	ssyncset.done $0x0  }
0xd8: {  	[sflag:s9] =	ssyncadd.s32 $0xFFFFC000  }
0xd9: {  	_ =	swait.ge [sflag:s11], $0x4000  }
0xda: {  	s0 =	sadd.s32 $0xFFFFFFFF, s0;
	[sflag:s11] =	ssyncset.done $0x0  }
.LBB2_1:
0xdb: {  	s1 =	rddreg [dreg:$0x3];
	[sflag:s11] =	ssyncadd.s32 $0xFFFFC000  }
0xdc: {  	[tilespmem:s3], [sflag:$0x5] =	stream.linear.gather [hbm4b:s1+s3], $0x80, $0x38;
	[tilespmem:$0x8100] =	vst v63  }
0xdd: {  	_ =	swait.ge [sflag:s4], $0x80  }
0xde: {  	[sflag:s4] =	ssyncset.done $0x0  }
0xdf: {  	[sflag:s4] =	ssyncadd.s32 $0xFFFFFF80  }
0xe0: {  	[tilespmem:s6], [sflag:$0x1] =	stream.indirect.gather [hbm4b:s2+s5], $0x80, s3, s5, $0xb8;
	[tilespmem:$0x8100] =	vst v63  }
0xe1: {  	s1 =	rddreg [dreg:$0x4]  }
0xe2: {  	[tilespmem:s5], [sflag:$0x5] =	stream.linear.gather [hbm4b:s1+s3], $0x80, $0x38;
	[tilespmem:$0x8100] =	vst v63  }
0xe3: {  	_ =	swait.ge [sflag:s4], $0x80  }
0xe4: {  	[sflag:s4] =	ssyncset.done $0x0  }
0xe5: {  	[sflag:s4] =	ssyncadd.s32 $0xFFFFFF80  }
0xe6: {  	[tilespmem:s7], [sflag:$0x2] =	stream.indirect.gather [hbm4b:s2+s5], $0x80, s5, s5, $0xb8;
	[tilespmem:$0x8100] =	vst v63  }
0xe7: {  	_ =	swait.ge [sflag:s8], $0x4000  }
0xe8: {  	[sflag:s8] =	ssyncset.done $0x0  }
0xe9: {  	s1 =	rddreg [dreg:$0x5];
	[sflag:s8] =	ssyncadd.s32 $0xFFFFC000  }
0xea: {  	[hbm4b:s1+s3] =	stream.linear.scatter [tilespmem:s6], [sflag:$0x3], $0x4000, $0x38;
	[tilespmem:$0x8100] =	vst v63  }
0xeb: {  	_ =	swait.ge [sflag:s9], $0x4000  }
0xec: {  	[sflag:s9] =	ssyncset.done $0x0  }
0xed: {  	s1 =	rddreg [dreg:$0x6];
	[sflag:s9] =	ssyncadd.s32 $0xFFFFC000  }
0xee: {  	[tilespmem:s3], [sflag:$0x5] =	stream.linear.gather [hbm4b:s1+s3], $0x80, $0x38;
	[tilespmem:$0x8100] =	vst v63  }
0xef: {  	_ =	swait.ge [sflag:s4], $0x80  }
0xf0: {  	[sflag:s4] =	ssyncset.done $0x0  }
0xf1: {  	[sflag:s4] =	ssyncadd.s32 $0xFFFFFF80  }
0xf2: {  	[tilespmem:s6], [sflag:$0x1] =	stream.indirect.gather [hbm4b:s2+s5], $0x80, s3, s5, $0xb8;
	[tilespmem:$0x8100] =	vst v63  }
0xf3: {  	_ =	swait.ge [sflag:s10], $0x4000  }
0xf4: {  	[sflag:s10] =	ssyncset.done $0x0  }
0xf5: {  	s1 =	rddreg [dreg:$0x7];
	[sflag:s10] =	ssyncadd.s32 $0xFFFFC000  }
0xf6: {  	[hbm4b:s1+s3] =	stream.linear.scatter [tilespmem:s7], [sflag:$0x4], $0x4000, $0x38;
	[tilespmem:$0x8100] =	vst v63  }
0xf7: {  	_ =	swait.ge [sflag:s11], $0x4000  }
0xf8: {  	[sflag:s11] =	ssyncset.done $0x0  }
0xf9: {  	s1 =	rddreg [dreg:$0x8];
	[sflag:s11] =	ssyncadd.s32 $0xFFFFC000  }
0xfa: {  	[tilespmem:s5], [sflag:$0x5] =	stream.linear.gather [hbm4b:s1+s3], $0x80, $0x38;
	[tilespmem:$0x8100] =	vst v63  }
0xfb: {  	_ =	swait.ge [sflag:s4], $0x80  }
0xfc: {  	[sflag:s4] =	ssyncset.done $0x0  }
0xfd: {  	[sflag:s4] =	ssyncadd.s32 $0xFFFFFF80  }
0xfe: {  	[tilespmem:s7], [sflag:$0x2] =	stream.indirect.gather [hbm4b:s2+s5], $0x80, s5, s5, $0xb8;
	[tilespmem:$0x8100] =	vst v63  }
0xff: {  	_ =	swait.ge [sflag:s8], $0x4000  }
0x100: {  	[sflag:s8] =	ssyncset.done $0x0  }
0x101: {  	s1 =	rddreg [dreg:$0x9];
	[sflag:s8] =	ssyncadd.s32 $0xFFFFC000  }
0x102: {  	[hbm4b:s1+s3] =	stream.linear.scatter [tilespmem:s6], [sflag:$0x3], $0x4000, $0x38;
	[tilespmem:$0x8100] =	vst v63  }
0x103: {  	_ =	swait.ge [sflag:s9], $0x4000  }
0x104: {  	[sflag:s9] =	ssyncset.done $0x0  }
0x105: {  	s1 =	rddreg [dreg:$0xa];
	[sflag:s9] =	ssyncadd.s32 $0xFFFFC000  }
0x106: {  	[tilespmem:s3], [sflag:$0x5] =	stream.linear.gather [hbm4b:s1+s3], $0x80, $0x38;
	[tilespmem:$0x8100] =	vst v63  }
0x107: {  	_ =	swait.ge [sflag:s4], $0x80  }
0x108: {  	[sflag:s4] =	ssyncset.done $0x0  }
0x109: {  	[sflag:s4] =	ssyncadd.s32 $0xFFFFFF80  }
0x10a: {  	[tilespmem:s6], [sflag:$0x1] =	stream.indirect.gather [hbm4b:s2+s5], $0x80, s3, s5, $0xb8;
	[tilespmem:$0x8100] =	vst v63  }
0x10b: {  	_ =	swait.ge [sflag:s10], $0x4000  }
0x10c: {  	[sflag:s10] =	ssyncset.done $0x0  }
0x10d: {  	s1 =	rddreg [dreg:$0xb];
	[sflag:s10] =	ssyncadd.s32 $0xFFFFC000  }
0x10e: {  	[hbm4b:s1+s3] =	stream.linear.scatter [tilespmem:s7], [sflag:$0x4], $0x4000, $0x38;
	[tilespmem:$0x8100] =	vst v63  }
0x10f: {  	_ =	swait.ge [sflag:s11], $0x4000  }
0x110: {  	[sflag:s11] =	ssyncset.done $0x0  }
0x111: {  	s1 =	rddreg [dreg:$0xc];
	[sflag:s11] =	ssyncadd.s32 $0xFFFFC000  }
0x112: {  	[tilespmem:s5], [sflag:$0x5] =	stream.linear.gather [hbm4b:s1+s3], $0x80, $0x38;
	[tilespmem:$0x8100] =	vst v63  }
0x113: {  	_ =	swait.ge [sflag:s4], $0x80  }
0x114: {  	[sflag:s4] =	ssyncset.done $0x0  }
0x115: {  	[sflag:s4] =	ssyncadd.s32 $0xFFFFFF80  }
0x116: {  	[tilespmem:s7], [sflag:$0x2] =	stream.indirect.gather [hbm4b:s2+s5], $0x80, s5, s5, $0xb8;
	[tilespmem:$0x8100] =	vst v63  }
0x117: {  	_ =	swait.ge [sflag:s8], $0x4000  }
0x118: {  	[sflag:s8] =	ssyncset.done $0x0  }
0x119: {  	s1 =	rddreg [dreg:$0xd];
	[sflag:s8] =	ssyncadd.s32 $0xFFFFC000  }
0x11a: {  	[hbm4b:s1+s3] =	stream.linear.scatter [tilespmem:s6], [sflag:$0x3], $0x4000, $0x38;
	[tilespmem:$0x8100] =	vst v63  }
0x11b: {  	_ =	swait.ge [sflag:s9], $0x4000  }
0x11c: {  	[sflag:s9] =	ssyncset.done $0x0  }
0x11d: {  	s1 =	rddreg [dreg:$0xe];
	[sflag:s9] =	ssyncadd.s32 $0xFFFFC000  }
0x11e: {  	[tilespmem:s3], [sflag:$0x5] =	stream.linear.gather [hbm4b:s1+s3], $0x80, $0x38;
	[tilespmem:$0x8100] =	vst v63  }
0x11f: {  	_ =	swait.ge [sflag:s4], $0x80  }
0x120: {  	[sflag:s4] =	ssyncset.done $0x0  }
0x121: {  	[sflag:s4] =	ssyncadd.s32 $0xFFFFFF80  }
0x122: {  	[tilespmem:s6], [sflag:$0x1] =	stream.indirect.gather [hbm4b:s2+s5], $0x80, s3, s5, $0xb8;
	[tilespmem:$0x8100] =	vst v63  }
0x123: {  	_ =	swait.ge [sflag:s10], $0x4000  }
0x124: {  	[sflag:s10] =	ssyncset.done $0x0  }
0x125: {  	s1 =	rddreg [dreg:$0xf];
	[sflag:s10] =	ssyncadd.s32 $0xFFFFC000  }
0x126: {  	[hbm4b:s1+s3] =	stream.linear.scatter [tilespmem:s7], [sflag:$0x4], $0x4000, $0x38;
	[tilespmem:$0x8100] =	vst v63  }
0x127: {  	_ =	swait.ge [sflag:s11], $0x4000  }
0x128: {  	[sflag:s11] =	ssyncset.done $0x0  }
0x129: {  	[sflag:s11] =	ssyncadd.s32 $0xFFFFC000  }
0x12a: {  	[tilespmem:s5], [sflag:$0x5] =	stream.linear.gather [hbm4b:s12+s3], $0x80, $0x38;
	[tilespmem:$0x8100] =	vst v63  }
0x12b: {  	_ =	swait.ge [sflag:s4], $0x80  }
0x12c: {  	[sflag:s4] =	ssyncset.done $0x0  }
0x12d: {  	[sflag:s4] =	ssyncadd.s32 $0xFFFFFF80  }
0x12e: {  	[tilespmem:s7], [sflag:$0x2] =	stream.indirect.gather [hbm4b:s2+s5], $0x80, s5, s5, $0xb8;
	[tilespmem:$0x8100] =	vst v63  }
0x12f: {  	_ =	swait.ge [sflag:s8], $0x4000  }
0x130: {  	[sflag:s8] =	ssyncset.done $0x0  }
0x131: {  	[sflag:s8] =	ssyncadd.s32 $0xFFFFC000  }
0x132: {  	[hbm4b:s13+s3] =	stream.linear.scatter [tilespmem:s6], [sflag:$0x3], $0x4000, $0x38;
	[tilespmem:$0x8100] =	vst v63  }
0x133: {  	_ =	swait.ge [sflag:s9], $0x4000  }
0x134: {  	[sflag:s9] =	ssyncset.done $0x0  }
0x135: {  	[sflag:s9] =	ssyncadd.s32 $0xFFFFC000  }
0x136: {  	[tilespmem:s3], [sflag:$0x5] =	stream.linear.gather [hbm4b:s14+s3], $0x80, $0x38;
	[tilespmem:$0x8100] =	vst v63  }
0x137: {  	_ =	swait.ge [sflag:s4], $0x80  }
0x138: {  	[sflag:s4] =	ssyncset.done $0x0  }
0x139: {  	[sflag:s4] =	ssyncadd.s32 $0xFFFFFF80  }
0x13a: {  	[tilespmem:s6], [sflag:$0x1] =	stream.indirect.gather [hbm4b:s2+s5], $0x80, s3, s5, $0xb8;
	[tilespmem:$0x8100] =	vst v63  }
0x13b: {  	_ =	swait.ge [sflag:s10], $0x4000  }
0x13c: {  	[sflag:s10] =	ssyncset.done $0x0  }
0x13d: {  	[sflag:s10] =	ssyncadd.s32 $0xFFFFC000  }
0x13e: {  	[hbm4b:s15+s3] =	stream.linear.scatter [tilespmem:s7], [sflag:$0x4], $0x4000, $0x38;
	[tilespmem:$0x8100] =	vst v63  }
0x13f: {  	_ =	swait.ge [sflag:s11], $0x4000  }
0x140: {  	[sflag:s11] =	ssyncset.done $0x0  }
0x141: {  	[sflag:s11] =	ssyncadd.s32 $0xFFFFC000  }
0x142: {  	[tilespmem:s5], [sflag:$0x5] =	stream.linear.gather [hbm4b:s16+s3], $0x80, $0x38;
	[tilespmem:$0x8100] =	vst v63  }
0x143: {  	_ =	swait.ge [sflag:s4], $0x80  }
0x144: {  	[sflag:s4] =	ssyncset.done $0x0  }
0x145: {  	[sflag:s4] =	ssyncadd.s32 $0xFFFFFF80  }
0x146: {  	[tilespmem:s7], [sflag:$0x2] =	stream.indirect.gather [hbm4b:s2+s5], $0x80, s5, s5, $0xb8;
	[tilespmem:$0x8100] =	vst v63  }
0x147: {  	_ =	swait.ge [sflag:s8], $0x4000  }
0x148: {  	[sflag:s8] =	ssyncset.done $0x0  }
0x149: {  	[sflag:s8] =	ssyncadd.s32 $0xFFFFC000  }
0x14a: {  	[hbm4b:s17+s3] =	stream.linear.scatter [tilespmem:s6], [sflag:$0x3], $0x4000, $0x38;
	[tilespmem:$0x8100] =	vst v63  }
0x14b: {  	_ =	swait.ge [sflag:s9], $0x4000  }
0x14c: {  	[sflag:s9] =	ssyncset.done $0x0  }
0x14d: {  	[sflag:s9] =	ssyncadd.s32 $0xFFFFC000  }
0x14e: {  	[tilespmem:s3], [sflag:$0x5] =	stream.linear.gather [hbm4b:s18+s3], $0x80, $0x38;
	[tilespmem:$0x8100] =	vst v63  }
0x14f: {  	_ =	swait.ge [sflag:s4], $0x80  }
0x150: {  	[sflag:s4] =	ssyncset.done $0x0  }
0x151: {  	[sflag:s4] =	ssyncadd.s32 $0xFFFFFF80  }
0x152: {  	[tilespmem:s6], [sflag:$0x1] =	stream.indirect.gather [hbm4b:s2+s5], $0x80, s3, s5, $0xb8;
	[tilespmem:$0x8100] =	vst v63  }
0x153: {  	_ =	swait.ge [sflag:s10], $0x4000  }
0x154: {  	[sflag:s10] =	ssyncset.done $0x0  }
0x155: {  	[sflag:s10] =	ssyncadd.s32 $0xFFFFC000  }
0x156: {  	[hbm4b:s19+s3] =	stream.linear.scatter [tilespmem:s7], [sflag:$0x4], $0x4000, $0x38;
	[tilespmem:$0x8100] =	vst v63  }
0x157: {  	_ =	swait.ge [sflag:s11], $0x4000  }
0x158: {  	[sflag:s11] =	ssyncset.done $0x0  }
0x159: {  	[sflag:s11] =	ssyncadd.s32 $0xFFFFC000  }
0x15a: {  	[tilespmem:s5], [sflag:$0x5] =	stream.linear.gather [hbm4b:s20+s3], $0x80, $0x38;
	[tilespmem:$0x8100] =	vst v63  }
0x15b: {  	_ =	swait.ge [sflag:s4], $0x80  }
0x15c: {  	[sflag:s4] =	ssyncset.done $0x0  }
0x15d: {  	[sflag:s4] =	ssyncadd.s32 $0xFFFFFF80  }
0x15e: {  	[tilespmem:s7], [sflag:$0x2] =	stream.indirect.gather [hbm4b:s2+s5], $0x80, s5, s5, $0xb8;
	[tilespmem:$0x8100] =	vst v63  }
0x15f: {  	_ =	swait.ge [sflag:s8], $0x4000  }
0x160: {  	[sflag:s8] =	ssyncset.done $0x0  }
0x161: {  	[sflag:s8] =	ssyncadd.s32 $0xFFFFC000  }
0x162: {  	[hbm4b:s21+s3] =	stream.linear.scatter [tilespmem:s6], [sflag:$0x3], $0x4000, $0x38;
	[tilespmem:$0x8100] =	vst v63  }
0x163: {  	_ =	swait.ge [sflag:s9], $0x4000  }
0x164: {  	[sflag:s9] =	ssyncset.done $0x0  }
0x165: {  	[sflag:s9] =	ssyncadd.s32 $0xFFFFC000  }
0x166: {  	[tilespmem:s3], [sflag:$0x5] =	stream.linear.gather [hbm4b:s22+s3], $0x80, $0x38;
	[tilespmem:$0x8100] =	vst v63  }
0x167: {  	_ =	swait.ge [sflag:s4], $0x80  }
0x168: {  	[sflag:s4] =	ssyncset.done $0x0  }
0x169: {  	[sflag:s4] =	ssyncadd.s32 $0xFFFFFF80  }
0x16a: {  	[tilespmem:s6], [sflag:$0x1] =	stream.indirect.gather [hbm4b:s2+s5], $0x80, s3, s5, $0xb8;
	[tilespmem:$0x8100] =	vst v63  }
0x16b: {  	_ =	swait.ge [sflag:s10], $0x4000  }
0x16c: {  	[sflag:s10] =	ssyncset.done $0x0  }
0x16d: {  	[sflag:s10] =	ssyncadd.s32 $0xFFFFC000  }
0x16e: {  	[hbm4b:s23+s3] =	stream.linear.scatter [tilespmem:s7], [sflag:$0x4], $0x4000, $0x38;
	[tilespmem:$0x8100] =	vst v63  }
0x16f: {  	_ =	swait.ge [sflag:s11], $0x4000  }
0x170: {  	[sflag:s11] =	ssyncset.done $0x0  }
0x171: {  	[sflag:s11] =	ssyncadd.s32 $0xFFFFC000  }
0x172: {  	[tilespmem:s5], [sflag:$0x5] =	stream.linear.gather [hbm4b:s24+s3], $0x80, $0x38;
	[tilespmem:$0x8100] =	vst v63  }
0x173: {  	_ =	swait.ge [sflag:s4], $0x80  }
0x174: {  	[sflag:s4] =	ssyncset.done $0x0  }
0x175: {  	[sflag:s4] =	ssyncadd.s32 $0xFFFFFF80  }
0x176: {  	[tilespmem:s7], [sflag:$0x2] =	stream.indirect.gather [hbm4b:s2+s5], $0x80, s5, s5, $0xb8;
	[tilespmem:$0x8100] =	vst v63  }
0x177: {  	_ =	swait.ge [sflag:s8], $0x4000  }
0x178: {  	[sflag:s8] =	ssyncset.done $0x0  }
0x179: {  	[sflag:s8] =	ssyncadd.s32 $0xFFFFC000  }
0x17a: {  	[hbm4b:s25+s3] =	stream.linear.scatter [tilespmem:s6], [sflag:$0x3], $0x4000, $0x38;
	[tilespmem:$0x8100] =	vst v63  }
0x17b: {  	_ =	swait.ge [sflag:s9], $0x4000  }
0x17c: {  	[sflag:s9] =	ssyncset.done $0x0  }
0x17d: {  	[sflag:s9] =	ssyncadd.s32 $0xFFFFC000  }
0x17e: {  	[tilespmem:s3], [sflag:$0x5] =	stream.linear.gather [hbm4b:s26+s3], $0x80, $0x38;
	[tilespmem:$0x8100] =	vst v63  }
0x17f: {  	_ =	swait.ge [sflag:s4], $0x80  }
0x180: {  	[sflag:s4] =	ssyncset.done $0x0  }
0x181: {  	[sflag:s4] =	ssyncadd.s32 $0xFFFFFF80  }
0x182: {  	[tilespmem:s6], [sflag:$0x1] =	stream.indirect.gather [hbm4b:s2+s5], $0x80, s3, s5, $0xb8;
	[tilespmem:$0x8100] =	vst v63  }
0x183: {  	_ =	swait.ge [sflag:s10], $0x4000  }
0x184: {  	[sflag:s10] =	ssyncset.done $0x0  }
0x185: {  	[sflag:s10] =	ssyncadd.s32 $0xFFFFC000  }
0x186: {  	[hbm4b:s28+s3] =	stream.linear.scatter [tilespmem:s7], [sflag:$0x4], $0x4000, $0x38;
	[tilespmem:$0x8100] =	vst v63  }
0x187: {  	_ =	swait.ge [sflag:s11], $0x4000  }
0x188: {  	[sflag:s11] =	ssyncset.done $0x0  }
0x189: {  	[sflag:s11] =	ssyncadd.s32 $0xFFFFC000  }
0x18a: {  	[tilespmem:s5], [sflag:$0x5] =	stream.linear.gather [hbm4b:s29+s3], $0x80, $0x38;
	[tilespmem:$0x8100] =	vst v63  }
0x18b: {  	_ =	swait.ge [sflag:s4], $0x80  }
0x18c: {  	[sflag:s4] =	ssyncset.done $0x0  }
0x18d: {  	[sflag:s4] =	ssyncadd.s32 $0xFFFFFF80  }
0x18e: {  	[tilespmem:s7], [sflag:$0x2] =	stream.indirect.gather [hbm4b:s2+s5], $0x80, s5, s5, $0xb8;
	[tilespmem:$0x8100] =	vst v63  }
0x18f: {  	_ =	swait.ge [sflag:s8], $0x4000  }
0x190: {  	[sflag:s8] =	ssyncset.done $0x0  }
0x191: {  	[sflag:s8] =	ssyncadd.s32 $0xFFFFC000  }
0x192: {  	[hbm4b:s30+s3] =	stream.linear.scatter [tilespmem:s6], [sflag:$0x3], $0x4000, $0x38;
	[tilespmem:$0x8100] =	vst v63  }
0x193: {  	_ =	swait.ge [sflag:s10], $0x4000  }
0x194: {  	[sflag:s10] =	ssyncset.done $0x0  }
0x195: {  	p0 =	sne.s32 s0, $0x1;
	[sflag:s10] =	ssyncadd.s32 $0xFFFFC000  }
0x196: {  	[hbm4b:s31+s3] =	stream.linear.scatter [tilespmem:s7], [sflag:$0x4], $0x4000, $0x38;
	[tilespmem:$0x8100] =	vst v63  }
.Ltmp1:
0x197: {  	_ =	swait.ge [sflag:s9], $0x4000;
	(pc) =	sbr.rel @p0 .LBB2_1-.Ltmp1, $4  }
0x198: {  	[sflag:s9] =	ssyncset.done $0x0  }
0x199: {  	[sflag:s9] =	ssyncadd.s32 $0xFFFFC000  }
0x19a: {  	_ =	swait.ge [sflag:s11], $0x4000  }
0x19b: {  	s0 =	sadd.s32 $0xFFFFFFFF, s0;
	[sflag:s11] =	ssyncset.done $0x0  }
.LBB2_2:
0x19c: {  	[sflag:s11] =	ssyncadd.s32 $0xFFFFC000  }
0x19d: {  	_ =	sfence.sel $0x180000  }
0x19e: {  	[bflag:$0x0] =	sbarrier.arrive $0xFFFF  }
0x19f: {  	_ =	strace $0x90000047  }
0x1a0: {  	s0 =	stileid.u32;
	[bflag:$0x2] =	sbarrier.arrive $0xFFFF  }
0x1a1: {  	p0 =	sne.s32 s0, $0x0;
	s0 =	rddreg [dreg:$0x2]  }
0x1a2: {  	s0 =	sadd.s32 @!p0 $0x100000, s0  }
0x1a3: {  	[sflag:s0] =	ssyncadd.tile.s32 @!p0 $0x1;
	_ =	shalt  }
.Lfunc_end2:
_tile_overlayer_lowered:
.L_overlay_start_2:
0x1a4: {  	(tag) =	ssettag $0x2  }
0x1a5: {  	s0 =	rddreg [dreg:$0x0];
	s2 =	stileid.u32  }
0x1a6: {  	s1 =	rddreg [dreg:$0x1];
	p0 =	sne.s32 s2, $0x0  }
0x1a7: {  	s3 =	rddreg [dreg:$0x2];
	[bflag:$0x3] =	sbarrier.arrive $0xFFFF;
	s2 =	simm.s32 @!p0 $0x1C05  }
0x1a8: {  	[timem:s3], [sflag:s2] =	dma.local @!p0 [hbm:s0], s1  }
0x1a9: {  	s0 =	simm.s32 @!p0 $0x5  }
0x1aa: {  	_ =	swait.ge @!p0 [sflag:s0], s1  }
0x1ab: {  	s1 =	ssub.s32 @!p0 $0x0, s1;
	[sflag:s0] =	ssyncset.done @!p0 $0x0  }
0x1ac: {  	[sflag:s0] =	ssyncadd.s32 @!p0 s1  }
0x1ad: {  	[bflag:$0x3] =	sbarrier.arrive $0xFFFF  }
0x1ae: {  	_ =	shalt  }

// kernel: kernel.14.cloned.1.call-start
scs
__scs_entry_jumppad:
0x0: {  	(pc) =	sbr.rel $0x88, $3  }
0x1: {  	(tag) =	ssettag $0x0;
	lr =	simm.s32 $0x1  }
0x2: {  	[smem:$0x3F99] =	sst lr;
	_ =	strace $0xD0000000  }
0x3: {  	_ = 	snop  }
0x4: {  	_ = 	snop  }
0x5: {  	_ = 	snop  }
0x6: {  	_ = 	snop  }
0x7: {  	_ = 	snop  }
__scs_overlays_trampoline_lowered:
0x8: {  	[smem:$0x3FA8] =	sst s0  }
0x9: {  	[smem:$0x3FA9] =	sst s1  }
0xa: {  	[smem:$0x3FAA] =	sst s2  }
0xb: {  	[smem:$0x3FAB] =	sst s3  }
0xc: {  	[smem:$0x3FAC] =	sst s4  }
0xd: {  	[smem:$0x3FAD] =	sst s5  }
0xe: {  	[smem:$0x3FAE] =	sst s6  }
0xf: {  	[smem:$0x3FAF] =	sst s7  }
0x10: {  	[smem:$0x3FB0] =	sst s8  }
0x11: {  	[smem:$0x3FB1] =	sst s9;
	s0 =	simm.s32 @!p0 $0x0  }
0x12: {  	s1 =	sld [smem:$0x3F97];
	s0 =	simm.s32 @p0 $0x1  }
0x13: {  	[smem:$0x3FB2] =	sst s0;
	s0 =	simm.s32 @!p1 $0x0  }
0x14: {  	s2 =	sld [smem:$0x3F96];
	s0 =	simm.s32 @p1 $0x1  }
0x15: {  	[smem:$0x3FB3] =	sst s0;
	s0 =	simm.s32 @!p2 $0x0  }
0x16: {  	s3 =	sld [smem:$0x3FDB];
	s0 =	simm.s32 @p2 $0x1  }
0x17: {  	s4 =	simm.s32 $0x1BF5;
	[smem:$0x3FB5] =	sst s0  }
0x18: {  	s0 =	sld [smem:$0x3F98];
	_ =	swait.ge [sflag:s4], $0x0  }
0x19: {  	s7 =	sld [smem:$0x3F99]  }
0x1a: {  	s8 =	sadd.s32 $0xFFFFE003, lr  }
0x1b: {  	s9 =	sadd.s32 $0xFFFFFEF7, lr;
	s5 =	simm.s32 $0xFFFFFFFF;
	p2 =	slt.u32 s8, $0xFFFFF086  }
0x1c: {  	p1 =	slt.u32 s9, $0xF7A;
	s5 =	simm.s32 @!p2 $0x0  }
0x1d: {  	s5 =	simm.s32 @p1 $0x1;
	p0 =	seq.s32 s7, s2  }
0x1e: {  	s7 =	smul.u32 @!p0 $0xF7A, s2;
	p2 =	seq.s32 @!p0 s5, $0x0  }
0x1f: {  	s9 =	smul.u32 $0xF7A, s1;
	s8 =	simm.s32 @!p0 $0x1BF5;
	p2 =	por !p2, p0  }
0x20: {  	[sflag:s8] =	ssyncset.s32 @!p0 $0xFFFFF086;
	s6 =	sadd.s32 @!p0 s3, s7;
	s7 =	simm.s32 @!p0 $0x108  }
0x21: {  	s3 =	sadd.s32 s3, s9;
	s6 =	sadd.s32 @!p0 $0x88, s6;
	s7 =	simm.s32 @p2 $0x1082  }
0x22: {  	[simem:s7], [sflag:s8] =	dma.local @!p0 [hbm:s6], $0xF7A  }
0x23: {  	s9 =	sor.u32 $0xD0000000, s2;
	s6 =	simm.s32 $0x108;
	_ =	swait.ge @!p0 [sflag:s8], $0x0  }
0x24: {  	s3 =	sadd.s32 $0x88, s3;
	s6 =	simm.s32 @!p1 $0x1082;
	[sflag:s4] =	ssyncset.s32 $0xFFFFF086  }
0x25: {  	[simem:s6], [sflag:s4] =	dma.local [hbm:s3], $0xF7A  }
0x26: {  	[smem:$0x3F99] =	sst s1;
	(tag) =	ssettag s2;
	_ =	strace s9  }
0x27: {  	s1 =	sld [smem:$0x3FA9]  }
0x28: {  	s2 =	sld [smem:$0x3FAA]  }
0x29: {  	s4 =	sld [smem:$0x3FAC]  }
0x2a: {  	p0 =	seq.s32 s5, $0x0;
	s5 =	sld [smem:$0x3FAD]  }
0x2b: {  	s6 =	sld [smem:$0x3FAE]  }
0x2c: {  	s7 =	sld [smem:$0x3FAF]  }
0x2d: {  	s3 =	simm.s32 $0x108;
	s8 =	sld [smem:$0x3FB0]  }
0x2e: {  	s3 =	simm.s32 @!p0 $0x1082;
	s9 =	sld [smem:$0x3FB1]  }
0x2f: {  	lr =	sadd.s32 s0, s3;
	s0 =	sld [smem:$0x3FA8]  }
0x30: {  	s3 =	sld [smem:$0x3FAB]  }
0x31: {  	[smem:$0x3FB4] =	sst s10  }
0x32: {  	s10 =	sld [smem:$0x3FB2];
	_ =	sdelay $0x3  }
0x33: {  	p0 =	seq.s32 s10, $0x1;
	s10 =	sld [smem:$0x3FB4];
	_ =	sdelay $0x3  }
0x34: {  	[smem:$0x3FB4] =	sst s10  }
0x35: {  	s10 =	sld [smem:$0x3FB3];
	_ =	sdelay $0x3  }
0x36: {  	p1 =	seq.s32 s10, $0x1;
	s10 =	sld [smem:$0x3FB4];
	_ =	sdelay $0x3  }
0x37: {  	[smem:$0x3FB4] =	sst s10  }
0x38: {  	s10 =	sld [smem:$0x3FB5]  }
0x39: {  	_ = 	snop;
	(pc) =	sbr.ind lr, $3  }
0x3a: {  	_ = 	snop  }
0x3b: {  	_ = 	snop  }
0x3c: {  	p2 =	seq.s32 s10, $0x1;
	s10 =	sld [smem:$0x3FB4]  }
0x3d: {  	_ =	shalt  }
0x3e: {  	_ =	shalt  }
0x3f: {  	_ =	shalt  }
0x40: {  	_ =	shalt  }
0x41: {  	_ =	shalt  }
0x42: {  	_ =	shalt  }
0x43: {  	_ =	shalt  }
0x44: {  	_ =	shalt  }
0x45: {  	_ =	shalt  }
0x46: {  	_ =	shalt  }
0x47: {  	_ =	shalt  }
0x48: {  	_ =	shalt  }
0x49: {  	_ =	shalt  }
0x4a: {  	_ =	shalt  }
0x4b: {  	_ =	shalt  }
0x4c: {  	_ =	shalt  }
0x4d: {  	_ =	shalt  }
0x4e: {  	_ =	shalt  }
0x4f: {  	_ =	shalt  }
0x50: {  	_ =	shalt  }
0x51: {  	_ =	shalt  }
0x52: {  	_ =	shalt  }
0x53: {  	_ =	shalt  }
0x54: {  	_ =	shalt  }
0x55: {  	_ =	shalt  }
0x56: {  	_ =	shalt  }
0x57: {  	_ =	shalt  }
0x58: {  	_ =	shalt  }
0x59: {  	_ =	shalt  }
0x5a: {  	_ =	shalt  }
0x5b: {  	_ =	shalt  }
0x5c: {  	_ =	shalt  }
0x5d: {  	_ =	shalt  }
0x5e: {  	_ =	shalt  }
0x5f: {  	_ =	shalt  }
0x60: {  	_ =	shalt  }
0x61: {  	_ =	shalt  }
0x62: {  	_ =	shalt  }
0x63: {  	_ =	shalt  }
0x64: {  	_ =	shalt  }
0x65: {  	_ =	shalt  }
0x66: {  	_ =	shalt  }
0x67: {  	_ =	shalt  }
0x68: {  	_ =	shalt  }
0x69: {  	_ =	shalt  }
0x6a: {  	_ =	shalt  }
0x6b: {  	_ =	shalt  }
0x6c: {  	_ =	shalt  }
0x6d: {  	_ =	shalt  }
0x6e: {  	_ =	shalt  }
0x6f: {  	_ =	shalt  }
0x70: {  	_ =	shalt  }
0x71: {  	_ =	shalt  }
0x72: {  	_ =	shalt  }
0x73: {  	_ =	shalt  }
0x74: {  	_ =	shalt  }
0x75: {  	_ =	shalt  }
0x76: {  	_ =	shalt  }
0x77: {  	_ =	shalt  }
0x78: {  	_ =	shalt  }
0x79: {  	_ =	shalt  }
0x7a: {  	_ =	shalt  }
0x7b: {  	_ =	shalt  }
0x7c: {  	_ =	shalt  }
0x7d: {  	_ =	shalt  }
0x7e: {  	_ =	shalt  }
0x7f: {  	_ =	shalt  }
0x80: {  	_ =	shalt  }
0x81: {  	_ =	shalt  }
0x82: {  	_ =	shalt  }
0x83: {  	_ =	shalt  }
0x84: {  	_ =	shalt  }
0x85: {  	_ =	shalt  }
0x86: {  	_ =	shalt  }
0x87: {  	_ =	shalt  }
.Lfunc_end0:
.L_simem_size_0:
called_computation.2_lowered:
.L_overlay_start_0:
0x88: {  	s2 =	sld [smem:$0x3FD9]  }
0x89: {  	s3 =	sld [smem:$0x3FFE];
	_ =	sdelay $0x1  }
0x8a: {  	s1 =	srdreg.scid  }
0x8b: {  	s0 =	sand.u32 $0x1, s1  }
0x8c: {  	s17 =	sshll.u32 s0, $0xA;
	s2 =	sadd.s32 s3, s2  }
0x8d: {  	s2 =	sadd.s32 s2, s17  }
0x8e: {  	[smem:$0x3FC0] =	sst s2  }
0x8f: {  	_ = 	snop  }
0x90: {  	(tm) =	ssettm $0x1  }
0x91: {  	s18 =	sld [smem:$0x3FFB];
	_ =	sdelay $0x3  }
0x92: {  	_ =	strace s18  }
0x93: {  	s2 =	sld [smem:$0x3FFC];
	_ =	sdelay $0x3  }
0x94: {  	_ =	strace s2  }
0x95: {  	s2 =	sld [smem:$0x3FFD];
	_ =	sdelay $0x3  }
0x96: {  	_ =	strace s2  }
0x97: {  	_ =	strace $0x8FFFFFFF  }
0x98: {  	s19 =	sld [smem:$0x3FDB];
	_ =	sdelay $0x1  }
0x99: {  	s20 =	simm.s32 $_scs_section_size  }
0x9a: {  	s4 =	simm.s32 $_size__tile_overlayer_lowered;
	s5 =	simm.s32 $_tile_overlayer_lowered  }
0x9b: {  	s6 =	simm.s32 $0x1BFF;
	s21 =	sshll.u32 s5, $0x1;
	s3 =	sadd.s32 s20, s19  }
0x9c: {  	s22 =	simm.s32 $0x0;
	s4 =	sshll.u32 s4, $0x1;
	s5 =	sadd.s32 s21, s3  }
0x9d: {  	[timem:s22], [sflag:s6] =	dma.local [hbm:s5], s4  }
0x9e: {  	_ =	swait.ge [sflag:s6], s4  }
0x9f: {  	s4 =	ssub.s32 $0x0, s4;
	[sflag:s6] =	ssyncset.done $0x0  }
0xa0: {  	[sflag:s6] =	ssyncadd.s32 s4;
	_ =	sdelay $0x1  }
0xa1: {  	s23 =	simm.s32 $0x1B8B  }
0xa2: {  	_ =	swait.ge [sflag:s23], $0x1  }
0xa3: {  	[sflag:s23] =	ssyncset.done $0x0  }
0xa4: {  	[sflag:s23] =	ssyncadd.s32 $0xFFFFFFFF  }
0xa5: {  	s4 =	sld [smem:$0x0]  }
0xa6: {  	s5 =	sand.u32 $0xFFFFFFFE, s1  }
0xa7: {  	p0 =	sne.s32 s1, s5  }
0xa8: {  	s5 =	sshll.u32 @p0 s5, $0xE  }
0xa9: {  	s5 =	sadd.s32 @p0 $0x11B8D, s5;
	s6 =	sshll.u32 @p0 s4, $0x11  }
0xaa: {  	s5 =	sor.u32 @p0 s6, s5  }
0xab: {  	[sflag:s5] =	ssyncadd.remote.s32 @p0 $0x1;
	_ =	sdelay $0x1  }
0xac: {  	s5 =	simm.s32 @p0 $0x1B8D  }
0xad: {  	_ =	swait.eq @p0 [sflag:s5], $0x1  }
0xae: {  	[sflag:s5] =	ssyncadd.s32 @p0 $0xFFFFFFFF  }
0xaf: {  	s6 =	sshll.u32 @!p0 s1, $0xE  }
0xb0: {  	s6 =	sor.u32 @!p0 $0x4000, s6;
	s5 =	simm.s32 @!p0 $0x1B8D  }
0xb1: {  	s4 =	sshll.u32 @!p0 s4, $0x11;
	s6 =	sadd.s32 @!p0 $0x11B8D, s6;
	_ =	swait.eq @!p0 [sflag:s5], $0x1  }
0xb2: {  	s4 =	sor.u32 @!p0 s4, s6;
	[sflag:s5] =	ssyncadd.s32 @!p0 $0xFFFFFFFF  }
0xb3: {  	s25 =	simm.s32 $0x1B8E;
	s24 =	sld [smem:$0x3FFE];
	[sflag:s4] =	ssyncadd.remote.s32 @!p0 $0x1  }
0xb4: {  	s26 =	simm.s32 $execute0_lowered;
	[smem:$0x3FD2] =	sst s25  }
0xb5: {  	s5 =	sshll.u32 s26, $0x1;
	_ =	strace $0x80000049;
	[dreg:$0x1] =	wrdreg $0xFFFFFFFF  }
0xb6: {  	s28 =	simm.s32 $_size_execute0_lowered;
	s3 =	sadd.s32 s3, s5;
	[dreg:$0x0] =	wrdreg $0x0  }
0xb7: {  	s5 =	sshll.u32 s28, $0x1;
	[dreg:$0x2] =	wrdreg s3  }
0xb8: {  	[dreg:$0x3] =	wrdreg s5  }
0xb9: {  	[dreg:$0x4] =	wrdreg $0xC0  }
0xba: {  	_ =	task [dreg:s22], $0x5FFFF  }
0xbb: {  	[dreg:$0x1] =	wrdreg $0xFFFFFFFF  }
0xbc: {  	[dreg:$0x0] =	wrdreg $0x60  }
0xbd: {  	[dreg:$0x2] =	wrdreg s24  }
0xbe: {  	[dreg:$0x3] =	wrdreg $0xA  }
0xbf: {  	_ =	task.clear_ibuf [dreg:s22], $0x4FFFF;
	_ =	strace $0x90000049  }
0xc0: {  	s29 =	simm.s32 $0xA;
	_ =	strace $0x8000004B  }
0xc1: {  	_ =	swait.ge [sflag:s29], $0x1  }
0xc2: {  	[sflag:s29] =	ssyncadd.s32 $0xFFFFFFFF  }
0xc3: {  	_ =	strace $0x9000004B  }
0xc4: {  	_ =	sfence  }
0xc5: {  	s30 =	sld [smem:$0x0];
	_ =	sdelay $0x2  }
0xc6: {  	s31 =	sshll.u32 s1, $0xD;
	s1 =	sshrl.u32 s1, $0x2  }
0xc7: {  	s4 =	sand.u32 $0x4000, s31;
	s1 =	sadd.s32 s1, s30  }
0xc8: {  	s0 =	sor.u32 s4, s0;
	s1 =	sshll.u32 s1, $0x11  }
0xc9: {  	s0 =	sor.u32 s1, s0  }
0xca: {  	s0 =	sadd.s32 $0x8F2B, s0  }
0xcb: {  	[sflag:s0] =	ssyncadd.remote.s32 $0x1  }
0xcc: {  	_ =	sfence.sel $0xFFFF  }
0xcd: {  	[dreg:$0x0] =	wrdreg $0xFFFFFFFF;
	(pc) =	sbr.abs _section_cstart, $3  }
0xce: {  	[dreg:$0x1] =	wrdreg $0xFFFFFFFF  }
0xcf: {  	_ =	task.clear_ibuf [dreg:s22], $0x2FFFF;
	_ =	strace $0x9FFFFFFF  }
0xd0: {  	(tm) =	ssettm $0x7FFFFFFF  }
0xd1: {  	_ =	shalt  }
tec
execute0_lowered:
.L_overlay_start_1:
0x0: {  	(tag) =	ssettag $0x1  }
0x1: {  	s4 =	rddreg [dreg:$0x0];
	s0 =	srdreg.scid  }
0x2: {  	s2 =	simm.s32 $0x0;
	s1 =	stileid.u32;
	s0 =	sand.u32 $0x1, s0  }
0x3: {  	[smem:$0x7FF] =	sst s2;
	s3 =	sshll.u32 s1, $0xC;
	s5 =	sshll.u32 s0, $0xB  }
0x4: {  	s29 =	sadd.s32 $0x200E00, s4;
	[dreg:$0xf] =	wrdreg s0;
	s30 =	sor.u32 s5, s3  }
0x5: {  	s31 =	sadd.s32 $0x202E00, s4;
	_ =	strace $0x8000004A;
	s3 =	sshrl.u32 s30, $0x3  }
0x6: {  	s5 =	sor.u32 $0x80, s30;
	s16 =	sshll.u32 s30, $0x4;
	s18 =	sor.u32 $0x100, s30  }
0x7: {  	s7 =	sor.u32 $0x180, s30;
	s1 =	sor.u32 $0x280, s30;
	s3 =	sadd.s32 s29, s3  }
0x8: {  	s6 =	sshrl.u32 s5, $0x3;
	s17 =	sadd.s32 s31, s16;
	[dreg:$0x2] =	wrdreg s3  }
0x9: {  	s19 =	sshrl.u32 s18, $0x3;
	s15 =	sadd.s32 s29, s6;
	[dreg:$0x4] =	wrdreg s17  }
0xa: {  	s5 =	sshll.u32 s5, $0x4;
	s3 =	sadd.s32 s29, s19;
	[dreg:$0x3] =	wrdreg s15  }
0xb: {  	s21 =	sshrl.u32 s7, $0x3;
	s20 =	sadd.s32 s31, s5;
	[dreg:$0x5] =	wrdreg s3  }
0xc: {  	s23 =	sshll.u32 s18, $0x4;
	s22 =	sadd.s32 s29, s21;
	[dreg:$0x6] =	wrdreg s20  }
0xd: {  	s0 =	sshll.u32 s7, $0x4;
	s24 =	sadd.s32 s31, s23;
	[dreg:$0x7] =	wrdreg s22  }
0xe: {  	s9 =	sshrl.u32 s1, $0x3;
	s8 =	sadd.s32 s31, s0;
	[dreg:$0x8] =	wrdreg s24  }
0xf: {  	s25 =	sor.u32 $0x200, s30;
	s10 =	sadd.s32 s29, s9;
	[dreg:$0xa] =	wrdreg s8  }
0x10: {  	s13 =	sor.u32 $0x300, s30;
	s14 =	sshll.u32 s1, $0x4;
	[dreg:$0xb] =	wrdreg s10  }
0x11: {  	s26 =	sshrl.u32 s25, $0x3;
	s16 =	sadd.s32 s31, s14;
	s15 =	rddreg [dreg:$0x2]  }
0x12: {  	s5 =	sshll.u32 s25, $0x4;
	s3 =	sadd.s32 s29, s26;
	[dreg:$0xe] =	wrdreg s16  }
0x13: {  	s12 =	sshrl.u32 s13, $0x3;
	s11 =	sadd.s32 s31, s5;
	[dreg:$0x9] =	wrdreg s3  }
0x14: {  	[dreg:$0xc] =	wrdreg s11;
	s3 =	sadd.s32 s29, s12  }
0x15: {  	[tilespmem:s2], [sflag:$0x5] =	stream.linear.gather [hbm4b:s15+s2], $0x80, $0x38;
	[tilespmem:$0x8100] =	vst v63  }
0x16: {  	[dreg:$0xd] =	wrdreg s3;
	s3 =	simm.s32 $0x5  }
0x17: {  	_ =	swait.ge [sflag:s3], $0x80  }
0x18: {  	s4 =	sadd.s32 $0x100E00, s4;
	[sflag:s3] =	ssyncset.done $0x0  }
0x19: {  	s6 =	simm.s32 $0x100;
	s5 =	simm.s32 $0x80;
	[sflag:s3] =	ssyncadd.s32 $0xFFFFFF80  }
0x1a: {  	[tilespmem:s6], [sflag:$0x1] =	stream.indirect.gather [hbm4b:s4+s5], $0x80, s2, s5, $0xb8;
	[tilespmem:$0x8100] =	vst v63  }
0x1b: {  	s17 =	rddreg [dreg:$0x3]  }
0x1c: {  	[tilespmem:s5], [sflag:$0x5] =	stream.linear.gather [hbm4b:s17+s2], $0x80, $0x38;
	[tilespmem:$0x8100] =	vst v63  }
0x1d: {  	_ =	swait.ge [sflag:s3], $0x80  }
0x1e: {  	[sflag:s3] =	ssyncset.done $0x0  }
0x1f: {  	s7 =	simm.s32 $0x4100;
	s8 =	simm.s32 $0x1;
	[sflag:s3] =	ssyncadd.s32 $0xFFFFFF80  }
0x20: {  	[tilespmem:s7], [sflag:$0x2] =	stream.indirect.gather [hbm4b:s4+s5], $0x80, s5, s5, $0xb8;
	[tilespmem:$0x8100] =	vst v63  }
0x21: {  	_ =	swait.ge [sflag:s8], $0x4000  }
0x22: {  	[sflag:s8] =	ssyncset.done $0x0  }
0x23: {  	s9 =	simm.s32 $0x3;
	s10 =	rddreg [dreg:$0x4];
	[sflag:s8] =	ssyncadd.s32 $0xFFFFC000  }
0x24: {  	[hbm4b:s10+s2] =	stream.linear.scatter [tilespmem:s6], [sflag:$0x3], $0x4000, $0x38;
	[tilespmem:$0x8100] =	vst v63  }
0x25: {  	_ =	swait.ge [sflag:s9], $0x4000  }
0x26: {  	[sflag:s9] =	ssyncset.done $0x0  }
0x27: {  	s18 =	rddreg [dreg:$0x5];
	[sflag:s9] =	ssyncadd.s32 $0xFFFFC000  }
0x28: {  	[tilespmem:s2], [sflag:$0x5] =	stream.linear.gather [hbm4b:s18+s2], $0x80, $0x38;
	[tilespmem:$0x8100] =	vst v63  }
0x29: {  	_ =	swait.ge [sflag:s3], $0x80  }
0x2a: {  	[sflag:s3] =	ssyncset.done $0x0  }
0x2b: {  	s10 =	simm.s32 $0x2;
	[sflag:s3] =	ssyncadd.s32 $0xFFFFFF80  }
0x2c: {  	[tilespmem:s6], [sflag:$0x1] =	stream.indirect.gather [hbm4b:s4+s5], $0x80, s2, s5, $0xb8;
	[tilespmem:$0x8100] =	vst v63  }
0x2d: {  	_ =	swait.ge [sflag:s10], $0x4000  }
0x2e: {  	[sflag:s10] =	ssyncset.done $0x0  }
0x2f: {  	s11 =	simm.s32 $0x4;
	s12 =	rddreg [dreg:$0x6];
	[sflag:s10] =	ssyncadd.s32 $0xFFFFC000  }
0x30: {  	[hbm4b:s12+s2] =	stream.linear.scatter [tilespmem:s7], [sflag:$0x4], $0x4000, $0x38;
	[tilespmem:$0x8100] =	vst v63  }
0x31: {  	_ =	swait.ge [sflag:s11], $0x4000  }
0x32: {  	[sflag:s11] =	ssyncset.done $0x0  }
0x33: {  	s19 =	rddreg [dreg:$0x7];
	[sflag:s11] =	ssyncadd.s32 $0xFFFFC000  }
0x34: {  	[tilespmem:s5], [sflag:$0x5] =	stream.linear.gather [hbm4b:s19+s2], $0x80, $0x38;
	[tilespmem:$0x8100] =	vst v63  }
0x35: {  	_ =	swait.ge [sflag:s3], $0x80  }
0x36: {  	[sflag:s3] =	ssyncset.done $0x0  }
0x37: {  	[sflag:s3] =	ssyncadd.s32 $0xFFFFFF80  }
0x38: {  	[tilespmem:s7], [sflag:$0x2] =	stream.indirect.gather [hbm4b:s4+s5], $0x80, s5, s5, $0xb8;
	[tilespmem:$0x8100] =	vst v63  }
0x39: {  	_ =	swait.ge [sflag:s8], $0x4000  }
0x3a: {  	[sflag:s8] =	ssyncset.done $0x0  }
0x3b: {  	s20 =	rddreg [dreg:$0x8];
	[sflag:s8] =	ssyncadd.s32 $0xFFFFC000  }
0x3c: {  	[hbm4b:s20+s2] =	stream.linear.scatter [tilespmem:s6], [sflag:$0x3], $0x4000, $0x38;
	[tilespmem:$0x8100] =	vst v63  }
0x3d: {  	_ =	swait.ge [sflag:s9], $0x4000  }
0x3e: {  	[sflag:s9] =	ssyncset.done $0x0  }
0x3f: {  	s21 =	rddreg [dreg:$0x9];
	[sflag:s9] =	ssyncadd.s32 $0xFFFFC000  }
0x40: {  	[tilespmem:s2], [sflag:$0x5] =	stream.linear.gather [hbm4b:s21+s2], $0x80, $0x38;
	[tilespmem:$0x8100] =	vst v63  }
0x41: {  	_ =	swait.ge [sflag:s3], $0x80  }
0x42: {  	[sflag:s3] =	ssyncset.done $0x0  }
0x43: {  	[sflag:s3] =	ssyncadd.s32 $0xFFFFFF80  }
0x44: {  	[tilespmem:s6], [sflag:$0x1] =	stream.indirect.gather [hbm4b:s4+s5], $0x80, s2, s5, $0xb8;
	[tilespmem:$0x8100] =	vst v63  }
0x45: {  	_ =	swait.ge [sflag:s10], $0x4000  }
0x46: {  	[sflag:s10] =	ssyncset.done $0x0  }
0x47: {  	s22 =	rddreg [dreg:$0xa];
	[sflag:s10] =	ssyncadd.s32 $0xFFFFC000  }
0x48: {  	[hbm4b:s22+s2] =	stream.linear.scatter [tilespmem:s7], [sflag:$0x4], $0x4000, $0x38;
	[tilespmem:$0x8100] =	vst v63  }
0x49: {  	_ =	swait.ge [sflag:s11], $0x4000  }
0x4a: {  	[sflag:s11] =	ssyncset.done $0x0  }
0x4b: {  	s23 =	rddreg [dreg:$0xb];
	[sflag:s11] =	ssyncadd.s32 $0xFFFFC000  }
0x4c: {  	[tilespmem:s5], [sflag:$0x5] =	stream.linear.gather [hbm4b:s23+s2], $0x80, $0x38;
	[tilespmem:$0x8100] =	vst v63  }
0x4d: {  	_ =	swait.ge [sflag:s3], $0x80  }
0x4e: {  	[sflag:s3] =	ssyncset.done $0x0  }
0x4f: {  	[sflag:s3] =	ssyncadd.s32 $0xFFFFFF80  }
0x50: {  	[tilespmem:s7], [sflag:$0x2] =	stream.indirect.gather [hbm4b:s4+s5], $0x80, s5, s5, $0xb8;
	[tilespmem:$0x8100] =	vst v63  }
0x51: {  	_ =	swait.ge [sflag:s8], $0x4000  }
0x52: {  	[sflag:s8] =	ssyncset.done $0x0  }
0x53: {  	s24 =	rddreg [dreg:$0xc];
	[sflag:s8] =	ssyncadd.s32 $0xFFFFC000  }
0x54: {  	[hbm4b:s24+s2] =	stream.linear.scatter [tilespmem:s6], [sflag:$0x3], $0x4000, $0x38;
	[tilespmem:$0x8100] =	vst v63  }
0x55: {  	_ =	swait.ge [sflag:s9], $0x4000  }
0x56: {  	[sflag:s9] =	ssyncset.done $0x0  }
0x57: {  	s25 =	rddreg [dreg:$0xd];
	[sflag:s9] =	ssyncadd.s32 $0xFFFFC000  }
0x58: {  	[tilespmem:s2], [sflag:$0x5] =	stream.linear.gather [hbm4b:s25+s2], $0x80, $0x38;
	[tilespmem:$0x8100] =	vst v63  }
0x59: {  	_ =	swait.ge [sflag:s3], $0x80  }
0x5a: {  	[sflag:s3] =	ssyncset.done $0x0  }
0x5b: {  	[sflag:s3] =	ssyncadd.s32 $0xFFFFFF80  }
0x5c: {  	[tilespmem:s6], [sflag:$0x1] =	stream.indirect.gather [hbm4b:s4+s5], $0x80, s2, s5, $0xb8;
	[tilespmem:$0x8100] =	vst v63  }
0x5d: {  	_ =	swait.ge [sflag:s10], $0x4000  }
0x5e: {  	[sflag:s10] =	ssyncset.done $0x0  }
0x5f: {  	s26 =	rddreg [dreg:$0xe];
	[sflag:s10] =	ssyncadd.s32 $0xFFFFC000  }
0x60: {  	[hbm4b:s26+s2] =	stream.linear.scatter [tilespmem:s7], [sflag:$0x4], $0x4000, $0x38;
	[tilespmem:$0x8100] =	vst v63  }
0x61: {  	s15 =	sor.u32 $0x380, s30;
	_ =	swait.ge [sflag:s11], $0x4000  }
0x62: {  	s0 =	sshrl.u32 s15, $0x3;
	[sflag:s11] =	ssyncset.done $0x0  }
0x63: {  	s12 =	sadd.s32 s29, s0;
	[sflag:s11] =	ssyncadd.s32 $0xFFFFC000  }
0x64: {  	[tilespmem:s5], [sflag:$0x5] =	stream.linear.gather [hbm4b:s12+s2], $0x80, $0x38;
	[tilespmem:$0x8100] =	vst v63  }
0x65: {  	_ =	swait.ge [sflag:s3], $0x80  }
0x66: {  	[sflag:s3] =	ssyncset.done $0x0  }
0x67: {  	[sflag:s3] =	ssyncadd.s32 $0xFFFFFF80  }
0x68: {  	[tilespmem:s7], [sflag:$0x2] =	stream.indirect.gather [hbm4b:s4+s5], $0x80, s5, s5, $0xb8;
	[tilespmem:$0x8100] =	vst v63  }
0x69: {  	_ =	swait.ge [sflag:s8], $0x4000  }
0x6a: {  	s13 =	sshll.u32 s13, $0x4;
	[sflag:s8] =	ssyncset.done $0x0  }
0x6b: {  	s13 =	sadd.s32 s31, s13;
	[sflag:s8] =	ssyncadd.s32 $0xFFFFC000  }
0x6c: {  	[hbm4b:s13+s2] =	stream.linear.scatter [tilespmem:s6], [sflag:$0x3], $0x4000, $0x38;
	[tilespmem:$0x8100] =	vst v63  }
0x6d: {  	s17 =	sor.u32 $0x400, s30;
	_ =	swait.ge [sflag:s9], $0x4000  }
0x6e: {  	s14 =	sshrl.u32 s17, $0x3;
	[sflag:s9] =	ssyncset.done $0x0  }
0x6f: {  	s14 =	sadd.s32 s29, s14;
	[sflag:s9] =	ssyncadd.s32 $0xFFFFC000  }
0x70: {  	[tilespmem:s2], [sflag:$0x5] =	stream.linear.gather [hbm4b:s14+s2], $0x80, $0x38;
	[tilespmem:$0x8100] =	vst v63  }
0x71: {  	_ =	swait.ge [sflag:s3], $0x80  }
0x72: {  	[sflag:s3] =	ssyncset.done $0x0  }
0x73: {  	[sflag:s3] =	ssyncadd.s32 $0xFFFFFF80  }
0x74: {  	[tilespmem:s6], [sflag:$0x1] =	stream.indirect.gather [hbm4b:s4+s5], $0x80, s2, s5, $0xb8;
	[tilespmem:$0x8100] =	vst v63  }
0x75: {  	_ =	swait.ge [sflag:s10], $0x4000  }
0x76: {  	s15 =	sshll.u32 s15, $0x4;
	[sflag:s10] =	ssyncset.done $0x0  }
0x77: {  	s15 =	sadd.s32 s31, s15;
	[sflag:s10] =	ssyncadd.s32 $0xFFFFC000  }
0x78: {  	[hbm4b:s15+s2] =	stream.linear.scatter [tilespmem:s7], [sflag:$0x4], $0x4000, $0x38;
	[tilespmem:$0x8100] =	vst v63  }
0x79: {  	s19 =	sor.u32 $0x480, s30;
	_ =	swait.ge [sflag:s11], $0x4000  }
0x7a: {  	s16 =	sshrl.u32 s19, $0x3;
	[sflag:s11] =	ssyncset.done $0x0  }
0x7b: {  	s16 =	sadd.s32 s29, s16;
	[sflag:s11] =	ssyncadd.s32 $0xFFFFC000  }
0x7c: {  	[tilespmem:s5], [sflag:$0x5] =	stream.linear.gather [hbm4b:s16+s2], $0x80, $0x38;
	[tilespmem:$0x8100] =	vst v63  }
0x7d: {  	_ =	swait.ge [sflag:s3], $0x80  }
0x7e: {  	[sflag:s3] =	ssyncset.done $0x0  }
0x7f: {  	[sflag:s3] =	ssyncadd.s32 $0xFFFFFF80  }
0x80: {  	[tilespmem:s7], [sflag:$0x2] =	stream.indirect.gather [hbm4b:s4+s5], $0x80, s5, s5, $0xb8;
	[tilespmem:$0x8100] =	vst v63  }
0x81: {  	_ =	swait.ge [sflag:s8], $0x4000  }
0x82: {  	s17 =	sshll.u32 s17, $0x4;
	[sflag:s8] =	ssyncset.done $0x0  }
0x83: {  	s17 =	sadd.s32 s31, s17;
	[sflag:s8] =	ssyncadd.s32 $0xFFFFC000  }
0x84: {  	[hbm4b:s17+s2] =	stream.linear.scatter [tilespmem:s6], [sflag:$0x3], $0x4000, $0x38;
	[tilespmem:$0x8100] =	vst v63  }
0x85: {  	s21 =	sor.u32 $0x500, s30;
	_ =	swait.ge [sflag:s9], $0x4000  }
0x86: {  	s18 =	sshrl.u32 s21, $0x3;
	[sflag:s9] =	ssyncset.done $0x0  }
0x87: {  	s18 =	sadd.s32 s29, s18;
	[sflag:s9] =	ssyncadd.s32 $0xFFFFC000  }
0x88: {  	[tilespmem:s2], [sflag:$0x5] =	stream.linear.gather [hbm4b:s18+s2], $0x80, $0x38;
	[tilespmem:$0x8100] =	vst v63  }
0x89: {  	_ =	swait.ge [sflag:s3], $0x80  }
0x8a: {  	[sflag:s3] =	ssyncset.done $0x0  }
0x8b: {  	[sflag:s3] =	ssyncadd.s32 $0xFFFFFF80  }
0x8c: {  	[tilespmem:s6], [sflag:$0x1] =	stream.indirect.gather [hbm4b:s4+s5], $0x80, s2, s5, $0xb8;
	[tilespmem:$0x8100] =	vst v63  }
0x8d: {  	_ =	swait.ge [sflag:s10], $0x4000  }
0x8e: {  	s19 =	sshll.u32 s19, $0x4;
	[sflag:s10] =	ssyncset.done $0x0  }
0x8f: {  	s19 =	sadd.s32 s31, s19;
	[sflag:s10] =	ssyncadd.s32 $0xFFFFC000  }
0x90: {  	[hbm4b:s19+s2] =	stream.linear.scatter [tilespmem:s7], [sflag:$0x4], $0x4000, $0x38;
	[tilespmem:$0x8100] =	vst v63  }
0x91: {  	s23 =	sor.u32 $0x580, s30;
	_ =	swait.ge [sflag:s11], $0x4000  }
0x92: {  	s20 =	sshrl.u32 s23, $0x3;
	[sflag:s11] =	ssyncset.done $0x0  }
0x93: {  	s20 =	sadd.s32 s29, s20;
	[sflag:s11] =	ssyncadd.s32 $0xFFFFC000  }
0x94: {  	[tilespmem:s5], [sflag:$0x5] =	stream.linear.gather [hbm4b:s20+s2], $0x80, $0x38;
	[tilespmem:$0x8100] =	vst v63  }
0x95: {  	_ =	swait.ge [sflag:s3], $0x80  }
0x96: {  	[sflag:s3] =	ssyncset.done $0x0  }
0x97: {  	[sflag:s3] =	ssyncadd.s32 $0xFFFFFF80  }
0x98: {  	[tilespmem:s7], [sflag:$0x2] =	stream.indirect.gather [hbm4b:s4+s5], $0x80, s5, s5, $0xb8;
	[tilespmem:$0x8100] =	vst v63  }
0x99: {  	_ =	swait.ge [sflag:s8], $0x4000  }
0x9a: {  	s21 =	sshll.u32 s21, $0x4;
	[sflag:s8] =	ssyncset.done $0x0  }
0x9b: {  	s21 =	sadd.s32 s31, s21;
	[sflag:s8] =	ssyncadd.s32 $0xFFFFC000  }
0x9c: {  	[hbm4b:s21+s2] =	stream.linear.scatter [tilespmem:s6], [sflag:$0x3], $0x4000, $0x38;
	[tilespmem:$0x8100] =	vst v63  }
0x9d: {  	s25 =	sor.u32 $0x600, s30;
	_ =	swait.ge [sflag:s9], $0x4000  }
0x9e: {  	s22 =	sshrl.u32 s25, $0x3;
	[sflag:s9] =	ssyncset.done $0x0  }
0x9f: {  	s22 =	sadd.s32 s29, s22;
	[sflag:s9] =	ssyncadd.s32 $0xFFFFC000  }
0xa0: {  	[tilespmem:s2], [sflag:$0x5] =	stream.linear.gather [hbm4b:s22+s2], $0x80, $0x38;
	[tilespmem:$0x8100] =	vst v63  }
0xa1: {  	_ =	swait.ge [sflag:s3], $0x80  }
0xa2: {  	[sflag:s3] =	ssyncset.done $0x0  }
0xa3: {  	[sflag:s3] =	ssyncadd.s32 $0xFFFFFF80  }
0xa4: {  	[tilespmem:s6], [sflag:$0x1] =	stream.indirect.gather [hbm4b:s4+s5], $0x80, s2, s5, $0xb8;
	[tilespmem:$0x8100] =	vst v63  }
0xa5: {  	_ =	swait.ge [sflag:s10], $0x4000  }
0xa6: {  	s23 =	sshll.u32 s23, $0x4;
	[sflag:s10] =	ssyncset.done $0x0  }
0xa7: {  	s23 =	sadd.s32 s31, s23;
	[sflag:s10] =	ssyncadd.s32 $0xFFFFC000  }
0xa8: {  	[hbm4b:s23+s2] =	stream.linear.scatter [tilespmem:s7], [sflag:$0x4], $0x4000, $0x38;
	[tilespmem:$0x8100] =	vst v63  }
0xa9: {  	s28 =	sor.u32 $0x680, s30;
	_ =	swait.ge [sflag:s11], $0x4000  }
0xaa: {  	s24 =	sshrl.u32 s28, $0x3;
	[sflag:s11] =	ssyncset.done $0x0  }
0xab: {  	s24 =	sadd.s32 s29, s24;
	[sflag:s11] =	ssyncadd.s32 $0xFFFFC000  }
0xac: {  	[tilespmem:s5], [sflag:$0x5] =	stream.linear.gather [hbm4b:s24+s2], $0x80, $0x38;
	[tilespmem:$0x8100] =	vst v63  }
0xad: {  	_ =	swait.ge [sflag:s3], $0x80  }
0xae: {  	[sflag:s3] =	ssyncset.done $0x0  }
0xaf: {  	[sflag:s3] =	ssyncadd.s32 $0xFFFFFF80  }
0xb0: {  	[tilespmem:s7], [sflag:$0x2] =	stream.indirect.gather [hbm4b:s4+s5], $0x80, s5, s5, $0xb8;
	[tilespmem:$0x8100] =	vst v63  }
0xb1: {  	_ =	swait.ge [sflag:s8], $0x4000  }
0xb2: {  	s25 =	sshll.u32 s25, $0x4;
	[sflag:s8] =	ssyncset.done $0x0  }
0xb3: {  	s25 =	sadd.s32 s31, s25;
	[sflag:s8] =	ssyncadd.s32 $0xFFFFC000  }
0xb4: {  	[hbm4b:s25+s2] =	stream.linear.scatter [tilespmem:s6], [sflag:$0x3], $0x4000, $0x38;
	[tilespmem:$0x8100] =	vst v63  }
0xb5: {  	s1 =	sor.u32 $0x700, s30;
	_ =	swait.ge [sflag:s9], $0x4000  }
0xb6: {  	s26 =	sshrl.u32 s1, $0x3;
	[sflag:s9] =	ssyncset.done $0x0  }
0xb7: {  	s26 =	sadd.s32 s29, s26;
	[sflag:s9] =	ssyncadd.s32 $0xFFFFC000  }
0xb8: {  	[tilespmem:s2], [sflag:$0x5] =	stream.linear.gather [hbm4b:s26+s2], $0x80, $0x38;
	[tilespmem:$0x8100] =	vst v63  }
0xb9: {  	_ =	swait.ge [sflag:s3], $0x80  }
0xba: {  	[sflag:s3] =	ssyncset.done $0x0  }
0xbb: {  	[sflag:s3] =	ssyncadd.s32 $0xFFFFFF80  }
0xbc: {  	[tilespmem:s6], [sflag:$0x1] =	stream.indirect.gather [hbm4b:s4+s5], $0x80, s2, s5, $0xb8;
	[tilespmem:$0x8100] =	vst v63  }
0xbd: {  	_ =	swait.ge [sflag:s10], $0x4000  }
0xbe: {  	s28 =	sshll.u32 s28, $0x4;
	[sflag:s10] =	ssyncset.done $0x0  }
0xbf: {  	s28 =	sadd.s32 s31, s28;
	[sflag:s10] =	ssyncadd.s32 $0xFFFFC000  }
0xc0: {  	[hbm4b:s28+s2] =	stream.linear.scatter [tilespmem:s7], [sflag:$0x4], $0x4000, $0x38;
	[tilespmem:$0x8100] =	vst v63  }
0xc1: {  	s0 =	sor.u32 $0x780, s30;
	_ =	swait.ge [sflag:s11], $0x4000  }
0xc2: {  	s30 =	sshrl.u32 s0, $0x3;
	[sflag:s11] =	ssyncset.done $0x0  }
0xc3: {  	s29 =	sadd.s32 s29, s30;
	[sflag:s11] =	ssyncadd.s32 $0xFFFFC000  }
0xc4: {  	[tilespmem:s5], [sflag:$0x5] =	stream.linear.gather [hbm4b:s29+s2], $0x80, $0x38;
	[tilespmem:$0x8100] =	vst v63  }
0xc5: {  	_ =	swait.ge [sflag:s3], $0x80  }
0xc6: {  	[sflag:s3] =	ssyncset.done $0x0  }
0xc7: {  	[sflag:s3] =	ssyncadd.s32 $0xFFFFFF80  }
0xc8: {  	[tilespmem:s7], [sflag:$0x2] =	stream.indirect.gather [hbm4b:s4+s5], $0x80, s5, s5, $0xb8;
	[tilespmem:$0x8100] =	vst v63  }
0xc9: {  	_ =	swait.ge [sflag:s8], $0x4000  }
0xca: {  	s1 =	sshll.u32 s1, $0x4;
	[sflag:s8] =	ssyncset.done $0x0  }
0xcb: {  	s30 =	sadd.s32 s31, s1;
	[sflag:s8] =	ssyncadd.s32 $0xFFFFC000  }
0xcc: {  	[hbm4b:s30+s2] =	stream.linear.scatter [tilespmem:s6], [sflag:$0x3], $0x4000, $0x38;
	[tilespmem:$0x8100] =	vst v63  }
0xcd: {  	_ =	swait.ge [sflag:s10], $0x4000  }
0xce: {  	s0 =	sshll.u32 s0, $0x4;
	[sflag:s10] =	ssyncset.done $0x0;
	s1 =	rddreg [dreg:$0xf]  }
0xcf: {  	s31 =	sadd.s32 s31, s0;
	s0 =	ssub.s32 $0x2, s1;
	[sflag:s10] =	ssyncadd.s32 $0xFFFFC000  }
0xd0: {  	[hbm4b:s31+s2] =	stream.linear.scatter [tilespmem:s7], [sflag:$0x4], $0x4000, $0x38;
	[tilespmem:$0x8100] =	vst v63  }
0xd1: {  	s1 =	sshrl.u32 s0, $0x1  }
0xd2: {  	s0 =	ssub.s32 s0, s1  }
0xd3: {  	s0 =	smax.u32 s0, $0x1  }
0xd4: {  	p0 =	sne.s32 s0, $0x1  }
.Ltmp0:
0xd5: {  	_ =	swait.ge [sflag:s9], $0x4000;
	(pc) =	sbr.rel @!p0 .LBB2_2-.Ltmp0, $4  }
0xd6: {  	[sflag:s9] =	ssyncset.done $0x0  }
0xd7: {  	[sflag:s9] =	ssyncadd.s32 $0xFFFFC000  }
0xd8: {  	_ =	swait.ge [sflag:s11], $0x4000  }
0xd9: {  	s0 =	sadd.s32 $0xFFFFFFFF, s0;
	[sflag:s11] =	ssyncset.done $0x0  }
.LBB2_1:
0xda: {  	s1 =	rddreg [dreg:$0x2];
	[sflag:s11] =	ssyncadd.s32 $0xFFFFC000  }
0xdb: {  	[tilespmem:s2], [sflag:$0x5] =	stream.linear.gather [hbm4b:s1+s2], $0x80, $0x38;
	[tilespmem:$0x8100] =	vst v63  }
0xdc: {  	_ =	swait.ge [sflag:s3], $0x80  }
0xdd: {  	[sflag:s3] =	ssyncset.done $0x0  }
0xde: {  	[sflag:s3] =	ssyncadd.s32 $0xFFFFFF80  }
0xdf: {  	[tilespmem:s6], [sflag:$0x1] =	stream.indirect.gather [hbm4b:s4+s5], $0x80, s2, s5, $0xb8;
	[tilespmem:$0x8100] =	vst v63  }
0xe0: {  	s1 =	rddreg [dreg:$0x3]  }
0xe1: {  	[tilespmem:s5], [sflag:$0x5] =	stream.linear.gather [hbm4b:s1+s2], $0x80, $0x38;
	[tilespmem:$0x8100] =	vst v63  }
0xe2: {  	_ =	swait.ge [sflag:s3], $0x80  }
0xe3: {  	[sflag:s3] =	ssyncset.done $0x0  }
0xe4: {  	[sflag:s3] =	ssyncadd.s32 $0xFFFFFF80  }
0xe5: {  	[tilespmem:s7], [sflag:$0x2] =	stream.indirect.gather [hbm4b:s4+s5], $0x80, s5, s5, $0xb8;
	[tilespmem:$0x8100] =	vst v63  }
0xe6: {  	_ =	swait.ge [sflag:s8], $0x4000  }
0xe7: {  	[sflag:s8] =	ssyncset.done $0x0  }
0xe8: {  	s1 =	rddreg [dreg:$0x4];
	[sflag:s8] =	ssyncadd.s32 $0xFFFFC000  }
0xe9: {  	[hbm4b:s1+s2] =	stream.linear.scatter [tilespmem:s6], [sflag:$0x3], $0x4000, $0x38;
	[tilespmem:$0x8100] =	vst v63  }
0xea: {  	_ =	swait.ge [sflag:s9], $0x4000  }
0xeb: {  	[sflag:s9] =	ssyncset.done $0x0  }
0xec: {  	s1 =	rddreg [dreg:$0x5];
	[sflag:s9] =	ssyncadd.s32 $0xFFFFC000  }
0xed: {  	[tilespmem:s2], [sflag:$0x5] =	stream.linear.gather [hbm4b:s1+s2], $0x80, $0x38;
	[tilespmem:$0x8100] =	vst v63  }
0xee: {  	_ =	swait.ge [sflag:s3], $0x80  }
0xef: {  	[sflag:s3] =	ssyncset.done $0x0  }
0xf0: {  	[sflag:s3] =	ssyncadd.s32 $0xFFFFFF80  }
0xf1: {  	[tilespmem:s6], [sflag:$0x1] =	stream.indirect.gather [hbm4b:s4+s5], $0x80, s2, s5, $0xb8;
	[tilespmem:$0x8100] =	vst v63  }
0xf2: {  	_ =	swait.ge [sflag:s10], $0x4000  }
0xf3: {  	[sflag:s10] =	ssyncset.done $0x0  }
0xf4: {  	s1 =	rddreg [dreg:$0x6];
	[sflag:s10] =	ssyncadd.s32 $0xFFFFC000  }
0xf5: {  	[hbm4b:s1+s2] =	stream.linear.scatter [tilespmem:s7], [sflag:$0x4], $0x4000, $0x38;
	[tilespmem:$0x8100] =	vst v63  }
0xf6: {  	_ =	swait.ge [sflag:s11], $0x4000  }
0xf7: {  	[sflag:s11] =	ssyncset.done $0x0  }
0xf8: {  	s1 =	rddreg [dreg:$0x7];
	[sflag:s11] =	ssyncadd.s32 $0xFFFFC000  }
0xf9: {  	[tilespmem:s5], [sflag:$0x5] =	stream.linear.gather [hbm4b:s1+s2], $0x80, $0x38;
	[tilespmem:$0x8100] =	vst v63  }
0xfa: {  	_ =	swait.ge [sflag:s3], $0x80  }
0xfb: {  	[sflag:s3] =	ssyncset.done $0x0  }
0xfc: {  	[sflag:s3] =	ssyncadd.s32 $0xFFFFFF80  }
0xfd: {  	[tilespmem:s7], [sflag:$0x2] =	stream.indirect.gather [hbm4b:s4+s5], $0x80, s5, s5, $0xb8;
	[tilespmem:$0x8100] =	vst v63  }
0xfe: {  	_ =	swait.ge [sflag:s8], $0x4000  }
0xff: {  	[sflag:s8] =	ssyncset.done $0x0  }
0x100: {  	s1 =	rddreg [dreg:$0x8];
	[sflag:s8] =	ssyncadd.s32 $0xFFFFC000  }
0x101: {  	[hbm4b:s1+s2] =	stream.linear.scatter [tilespmem:s6], [sflag:$0x3], $0x4000, $0x38;
	[tilespmem:$0x8100] =	vst v63  }
0x102: {  	_ =	swait.ge [sflag:s9], $0x4000  }
0x103: {  	[sflag:s9] =	ssyncset.done $0x0  }
0x104: {  	s1 =	rddreg [dreg:$0x9];
	[sflag:s9] =	ssyncadd.s32 $0xFFFFC000  }
0x105: {  	[tilespmem:s2], [sflag:$0x5] =	stream.linear.gather [hbm4b:s1+s2], $0x80, $0x38;
	[tilespmem:$0x8100] =	vst v63  }
0x106: {  	_ =	swait.ge [sflag:s3], $0x80  }
0x107: {  	[sflag:s3] =	ssyncset.done $0x0  }
0x108: {  	[sflag:s3] =	ssyncadd.s32 $0xFFFFFF80  }
0x109: {  	[tilespmem:s6], [sflag:$0x1] =	stream.indirect.gather [hbm4b:s4+s5], $0x80, s2, s5, $0xb8;
	[tilespmem:$0x8100] =	vst v63  }
0x10a: {  	_ =	swait.ge [sflag:s10], $0x4000  }
0x10b: {  	[sflag:s10] =	ssyncset.done $0x0  }
0x10c: {  	s1 =	rddreg [dreg:$0xa];
	[sflag:s10] =	ssyncadd.s32 $0xFFFFC000  }
0x10d: {  	[hbm4b:s1+s2] =	stream.linear.scatter [tilespmem:s7], [sflag:$0x4], $0x4000, $0x38;
	[tilespmem:$0x8100] =	vst v63  }
0x10e: {  	_ =	swait.ge [sflag:s11], $0x4000  }
0x10f: {  	[sflag:s11] =	ssyncset.done $0x0  }
0x110: {  	s1 =	rddreg [dreg:$0xb];
	[sflag:s11] =	ssyncadd.s32 $0xFFFFC000  }
0x111: {  	[tilespmem:s5], [sflag:$0x5] =	stream.linear.gather [hbm4b:s1+s2], $0x80, $0x38;
	[tilespmem:$0x8100] =	vst v63  }
0x112: {  	_ =	swait.ge [sflag:s3], $0x80  }
0x113: {  	[sflag:s3] =	ssyncset.done $0x0  }
0x114: {  	[sflag:s3] =	ssyncadd.s32 $0xFFFFFF80  }
0x115: {  	[tilespmem:s7], [sflag:$0x2] =	stream.indirect.gather [hbm4b:s4+s5], $0x80, s5, s5, $0xb8;
	[tilespmem:$0x8100] =	vst v63  }
0x116: {  	_ =	swait.ge [sflag:s8], $0x4000  }
0x117: {  	[sflag:s8] =	ssyncset.done $0x0  }
0x118: {  	s1 =	rddreg [dreg:$0xc];
	[sflag:s8] =	ssyncadd.s32 $0xFFFFC000  }
0x119: {  	[hbm4b:s1+s2] =	stream.linear.scatter [tilespmem:s6], [sflag:$0x3], $0x4000, $0x38;
	[tilespmem:$0x8100] =	vst v63  }
0x11a: {  	_ =	swait.ge [sflag:s9], $0x4000  }
0x11b: {  	[sflag:s9] =	ssyncset.done $0x0  }
0x11c: {  	s1 =	rddreg [dreg:$0xd];
	[sflag:s9] =	ssyncadd.s32 $0xFFFFC000  }
0x11d: {  	[tilespmem:s2], [sflag:$0x5] =	stream.linear.gather [hbm4b:s1+s2], $0x80, $0x38;
	[tilespmem:$0x8100] =	vst v63  }
0x11e: {  	_ =	swait.ge [sflag:s3], $0x80  }
0x11f: {  	[sflag:s3] =	ssyncset.done $0x0  }
0x120: {  	[sflag:s3] =	ssyncadd.s32 $0xFFFFFF80  }
0x121: {  	[tilespmem:s6], [sflag:$0x1] =	stream.indirect.gather [hbm4b:s4+s5], $0x80, s2, s5, $0xb8;
	[tilespmem:$0x8100] =	vst v63  }
0x122: {  	_ =	swait.ge [sflag:s10], $0x4000  }
0x123: {  	[sflag:s10] =	ssyncset.done $0x0  }
0x124: {  	s1 =	rddreg [dreg:$0xe];
	[sflag:s10] =	ssyncadd.s32 $0xFFFFC000  }
0x125: {  	[hbm4b:s1+s2] =	stream.linear.scatter [tilespmem:s7], [sflag:$0x4], $0x4000, $0x38;
	[tilespmem:$0x8100] =	vst v63  }
0x126: {  	_ =	swait.ge [sflag:s11], $0x4000  }
0x127: {  	[sflag:s11] =	ssyncset.done $0x0  }
0x128: {  	[sflag:s11] =	ssyncadd.s32 $0xFFFFC000  }
0x129: {  	[tilespmem:s5], [sflag:$0x5] =	stream.linear.gather [hbm4b:s12+s2], $0x80, $0x38;
	[tilespmem:$0x8100] =	vst v63  }
0x12a: {  	_ =	swait.ge [sflag:s3], $0x80  }
0x12b: {  	[sflag:s3] =	ssyncset.done $0x0  }
0x12c: {  	[sflag:s3] =	ssyncadd.s32 $0xFFFFFF80  }
0x12d: {  	[tilespmem:s7], [sflag:$0x2] =	stream.indirect.gather [hbm4b:s4+s5], $0x80, s5, s5, $0xb8;
	[tilespmem:$0x8100] =	vst v63  }
0x12e: {  	_ =	swait.ge [sflag:s8], $0x4000  }
0x12f: {  	[sflag:s8] =	ssyncset.done $0x0  }
0x130: {  	[sflag:s8] =	ssyncadd.s32 $0xFFFFC000  }
0x131: {  	[hbm4b:s13+s2] =	stream.linear.scatter [tilespmem:s6], [sflag:$0x3], $0x4000, $0x38;
	[tilespmem:$0x8100] =	vst v63  }
0x132: {  	_ =	swait.ge [sflag:s9], $0x4000  }
0x133: {  	[sflag:s9] =	ssyncset.done $0x0  }
0x134: {  	[sflag:s9] =	ssyncadd.s32 $0xFFFFC000  }
0x135: {  	[tilespmem:s2], [sflag:$0x5] =	stream.linear.gather [hbm4b:s14+s2], $0x80, $0x38;
	[tilespmem:$0x8100] =	vst v63  }
0x136: {  	_ =	swait.ge [sflag:s3], $0x80  }
0x137: {  	[sflag:s3] =	ssyncset.done $0x0  }
0x138: {  	[sflag:s3] =	ssyncadd.s32 $0xFFFFFF80  }
0x139: {  	[tilespmem:s6], [sflag:$0x1] =	stream.indirect.gather [hbm4b:s4+s5], $0x80, s2, s5, $0xb8;
	[tilespmem:$0x8100] =	vst v63  }
0x13a: {  	_ =	swait.ge [sflag:s10], $0x4000  }
0x13b: {  	[sflag:s10] =	ssyncset.done $0x0  }
0x13c: {  	[sflag:s10] =	ssyncadd.s32 $0xFFFFC000  }
0x13d: {  	[hbm4b:s15+s2] =	stream.linear.scatter [tilespmem:s7], [sflag:$0x4], $0x4000, $0x38;
	[tilespmem:$0x8100] =	vst v63  }
0x13e: {  	_ =	swait.ge [sflag:s11], $0x4000  }
0x13f: {  	[sflag:s11] =	ssyncset.done $0x0  }
0x140: {  	[sflag:s11] =	ssyncadd.s32 $0xFFFFC000  }
0x141: {  	[tilespmem:s5], [sflag:$0x5] =	stream.linear.gather [hbm4b:s16+s2], $0x80, $0x38;
	[tilespmem:$0x8100] =	vst v63  }
0x142: {  	_ =	swait.ge [sflag:s3], $0x80  }
0x143: {  	[sflag:s3] =	ssyncset.done $0x0  }
0x144: {  	[sflag:s3] =	ssyncadd.s32 $0xFFFFFF80  }
0x145: {  	[tilespmem:s7], [sflag:$0x2] =	stream.indirect.gather [hbm4b:s4+s5], $0x80, s5, s5, $0xb8;
	[tilespmem:$0x8100] =	vst v63  }
0x146: {  	_ =	swait.ge [sflag:s8], $0x4000  }
0x147: {  	[sflag:s8] =	ssyncset.done $0x0  }
0x148: {  	[sflag:s8] =	ssyncadd.s32 $0xFFFFC000  }
0x149: {  	[hbm4b:s17+s2] =	stream.linear.scatter [tilespmem:s6], [sflag:$0x3], $0x4000, $0x38;
	[tilespmem:$0x8100] =	vst v63  }
0x14a: {  	_ =	swait.ge [sflag:s9], $0x4000  }
0x14b: {  	[sflag:s9] =	ssyncset.done $0x0  }
0x14c: {  	[sflag:s9] =	ssyncadd.s32 $0xFFFFC000  }
0x14d: {  	[tilespmem:s2], [sflag:$0x5] =	stream.linear.gather [hbm4b:s18+s2], $0x80, $0x38;
	[tilespmem:$0x8100] =	vst v63  }
0x14e: {  	_ =	swait.ge [sflag:s3], $0x80  }
0x14f: {  	[sflag:s3] =	ssyncset.done $0x0  }
0x150: {  	[sflag:s3] =	ssyncadd.s32 $0xFFFFFF80  }
0x151: {  	[tilespmem:s6], [sflag:$0x1] =	stream.indirect.gather [hbm4b:s4+s5], $0x80, s2, s5, $0xb8;
	[tilespmem:$0x8100] =	vst v63  }
0x152: {  	_ =	swait.ge [sflag:s10], $0x4000  }
0x153: {  	[sflag:s10] =	ssyncset.done $0x0  }
0x154: {  	[sflag:s10] =	ssyncadd.s32 $0xFFFFC000  }
0x155: {  	[hbm4b:s19+s2] =	stream.linear.scatter [tilespmem:s7], [sflag:$0x4], $0x4000, $0x38;
	[tilespmem:$0x8100] =	vst v63  }
0x156: {  	_ =	swait.ge [sflag:s11], $0x4000  }
0x157: {  	[sflag:s11] =	ssyncset.done $0x0  }
0x158: {  	[sflag:s11] =	ssyncadd.s32 $0xFFFFC000  }
0x159: {  	[tilespmem:s5], [sflag:$0x5] =	stream.linear.gather [hbm4b:s20+s2], $0x80, $0x38;
	[tilespmem:$0x8100] =	vst v63  }
0x15a: {  	_ =	swait.ge [sflag:s3], $0x80  }
0x15b: {  	[sflag:s3] =	ssyncset.done $0x0  }
0x15c: {  	[sflag:s3] =	ssyncadd.s32 $0xFFFFFF80  }
0x15d: {  	[tilespmem:s7], [sflag:$0x2] =	stream.indirect.gather [hbm4b:s4+s5], $0x80, s5, s5, $0xb8;
	[tilespmem:$0x8100] =	vst v63  }
0x15e: {  	_ =	swait.ge [sflag:s8], $0x4000  }
0x15f: {  	[sflag:s8] =	ssyncset.done $0x0  }
0x160: {  	[sflag:s8] =	ssyncadd.s32 $0xFFFFC000  }
0x161: {  	[hbm4b:s21+s2] =	stream.linear.scatter [tilespmem:s6], [sflag:$0x3], $0x4000, $0x38;
	[tilespmem:$0x8100] =	vst v63  }
0x162: {  	_ =	swait.ge [sflag:s9], $0x4000  }
0x163: {  	[sflag:s9] =	ssyncset.done $0x0  }
0x164: {  	[sflag:s9] =	ssyncadd.s32 $0xFFFFC000  }
0x165: {  	[tilespmem:s2], [sflag:$0x5] =	stream.linear.gather [hbm4b:s22+s2], $0x80, $0x38;
	[tilespmem:$0x8100] =	vst v63  }
0x166: {  	_ =	swait.ge [sflag:s3], $0x80  }
0x167: {  	[sflag:s3] =	ssyncset.done $0x0  }
0x168: {  	[sflag:s3] =	ssyncadd.s32 $0xFFFFFF80  }
0x169: {  	[tilespmem:s6], [sflag:$0x1] =	stream.indirect.gather [hbm4b:s4+s5], $0x80, s2, s5, $0xb8;
	[tilespmem:$0x8100] =	vst v63  }
0x16a: {  	_ =	swait.ge [sflag:s10], $0x4000  }
0x16b: {  	[sflag:s10] =	ssyncset.done $0x0  }
0x16c: {  	[sflag:s10] =	ssyncadd.s32 $0xFFFFC000  }
0x16d: {  	[hbm4b:s23+s2] =	stream.linear.scatter [tilespmem:s7], [sflag:$0x4], $0x4000, $0x38;
	[tilespmem:$0x8100] =	vst v63  }
0x16e: {  	_ =	swait.ge [sflag:s11], $0x4000  }
0x16f: {  	[sflag:s11] =	ssyncset.done $0x0  }
0x170: {  	[sflag:s11] =	ssyncadd.s32 $0xFFFFC000  }
0x171: {  	[tilespmem:s5], [sflag:$0x5] =	stream.linear.gather [hbm4b:s24+s2], $0x80, $0x38;
	[tilespmem:$0x8100] =	vst v63  }
0x172: {  	_ =	swait.ge [sflag:s3], $0x80  }
0x173: {  	[sflag:s3] =	ssyncset.done $0x0  }
0x174: {  	[sflag:s3] =	ssyncadd.s32 $0xFFFFFF80  }
0x175: {  	[tilespmem:s7], [sflag:$0x2] =	stream.indirect.gather [hbm4b:s4+s5], $0x80, s5, s5, $0xb8;
	[tilespmem:$0x8100] =	vst v63  }
0x176: {  	_ =	swait.ge [sflag:s8], $0x4000  }
0x177: {  	[sflag:s8] =	ssyncset.done $0x0  }
0x178: {  	[sflag:s8] =	ssyncadd.s32 $0xFFFFC000  }
0x179: {  	[hbm4b:s25+s2] =	stream.linear.scatter [tilespmem:s6], [sflag:$0x3], $0x4000, $0x38;
	[tilespmem:$0x8100] =	vst v63  }
0x17a: {  	_ =	swait.ge [sflag:s9], $0x4000  }
0x17b: {  	[sflag:s9] =	ssyncset.done $0x0  }
0x17c: {  	[sflag:s9] =	ssyncadd.s32 $0xFFFFC000  }
0x17d: {  	[tilespmem:s2], [sflag:$0x5] =	stream.linear.gather [hbm4b:s26+s2], $0x80, $0x38;
	[tilespmem:$0x8100] =	vst v63  }
0x17e: {  	_ =	swait.ge [sflag:s3], $0x80  }
0x17f: {  	[sflag:s3] =	ssyncset.done $0x0  }
0x180: {  	[sflag:s3] =	ssyncadd.s32 $0xFFFFFF80  }
0x181: {  	[tilespmem:s6], [sflag:$0x1] =	stream.indirect.gather [hbm4b:s4+s5], $0x80, s2, s5, $0xb8;
	[tilespmem:$0x8100] =	vst v63  }
0x182: {  	_ =	swait.ge [sflag:s10], $0x4000  }
0x183: {  	[sflag:s10] =	ssyncset.done $0x0  }
0x184: {  	[sflag:s10] =	ssyncadd.s32 $0xFFFFC000  }
0x185: {  	[hbm4b:s28+s2] =	stream.linear.scatter [tilespmem:s7], [sflag:$0x4], $0x4000, $0x38;
	[tilespmem:$0x8100] =	vst v63  }
0x186: {  	_ =	swait.ge [sflag:s11], $0x4000  }
0x187: {  	[sflag:s11] =	ssyncset.done $0x0  }
0x188: {  	[sflag:s11] =	ssyncadd.s32 $0xFFFFC000  }
0x189: {  	[tilespmem:s5], [sflag:$0x5] =	stream.linear.gather [hbm4b:s29+s2], $0x80, $0x38;
	[tilespmem:$0x8100] =	vst v63  }
0x18a: {  	_ =	swait.ge [sflag:s3], $0x80  }
0x18b: {  	[sflag:s3] =	ssyncset.done $0x0  }
0x18c: {  	[sflag:s3] =	ssyncadd.s32 $0xFFFFFF80  }
0x18d: {  	[tilespmem:s7], [sflag:$0x2] =	stream.indirect.gather [hbm4b:s4+s5], $0x80, s5, s5, $0xb8;
	[tilespmem:$0x8100] =	vst v63  }
0x18e: {  	_ =	swait.ge [sflag:s8], $0x4000  }
0x18f: {  	[sflag:s8] =	ssyncset.done $0x0  }
0x190: {  	[sflag:s8] =	ssyncadd.s32 $0xFFFFC000  }
0x191: {  	[hbm4b:s30+s2] =	stream.linear.scatter [tilespmem:s6], [sflag:$0x3], $0x4000, $0x38;
	[tilespmem:$0x8100] =	vst v63  }
0x192: {  	_ =	swait.ge [sflag:s10], $0x4000  }
0x193: {  	[sflag:s10] =	ssyncset.done $0x0  }
0x194: {  	p0 =	sne.s32 s0, $0x1;
	[sflag:s10] =	ssyncadd.s32 $0xFFFFC000  }
0x195: {  	[hbm4b:s31+s2] =	stream.linear.scatter [tilespmem:s7], [sflag:$0x4], $0x4000, $0x38;
	[tilespmem:$0x8100] =	vst v63  }
.Ltmp1:
0x196: {  	_ =	swait.ge [sflag:s9], $0x4000;
	(pc) =	sbr.rel @p0 .LBB2_1-.Ltmp1, $4  }
0x197: {  	[sflag:s9] =	ssyncset.done $0x0  }
0x198: {  	[sflag:s9] =	ssyncadd.s32 $0xFFFFC000  }
0x199: {  	_ =	swait.ge [sflag:s11], $0x4000  }
0x19a: {  	s0 =	sadd.s32 $0xFFFFFFFF, s0;
	[sflag:s11] =	ssyncset.done $0x0  }
.LBB2_2:
0x19b: {  	[sflag:s11] =	ssyncadd.s32 $0xFFFFC000  }
0x19c: {  	_ =	sfence.sel $0x180000  }
0x19d: {  	[bflag:$0x0] =	sbarrier.arrive $0xFFFF  }
0x19e: {  	_ =	strace $0x9000004A  }
0x19f: {  	s0 =	stileid.u32;
	[bflag:$0x2] =	sbarrier.arrive $0xFFFF  }
0x1a0: {  	p0 =	sne.s32 s0, $0x0;
	s0 =	rddreg [dreg:$0x1]  }
0x1a1: {  	s0 =	sadd.s32 @!p0 $0x100000, s0  }
0x1a2: {  	[sflag:s0] =	ssyncadd.tile.s32 @!p0 $0x1;
	_ =	shalt  }
.Lfunc_end2:
_tile_overlayer_lowered:
.L_overlay_start_2:
0x1a3: {  	(tag) =	ssettag $0x2  }
0x1a4: {  	s0 =	rddreg [dreg:$0x0];
	s2 =	stileid.u32  }
0x1a5: {  	s1 =	rddreg [dreg:$0x1];
	p0 =	sne.s32 s2, $0x0  }
0x1a6: {  	s3 =	rddreg [dreg:$0x2];
	[bflag:$0x3] =	sbarrier.arrive $0xFFFF;
	s2 =	simm.s32 @!p0 $0x1C05  }
0x1a7: {  	[timem:s3], [sflag:s2] =	dma.local @!p0 [hbm:s0], s1  }
0x1a8: {  	s0 =	simm.s32 @!p0 $0x5  }
0x1a9: {  	_ =	swait.ge @!p0 [sflag:s0], s1  }
0x1aa: {  	s1 =	ssub.s32 @!p0 $0x0, s1;
	[sflag:s0] =	ssyncset.done @!p0 $0x0  }
0x1ab: {  	[sflag:s0] =	ssyncadd.s32 @!p0 s1  }
0x1ac: {  	[bflag:$0x3] =	sbarrier.arrive $0xFFFF  }
0x1ad: {  	_ =	shalt  }

// kernel: kernel.17.cloned.1.call-start
scs
__scs_entry_jumppad:
0x0: {  	(pc) =	sbr.rel $0x88, $3  }
0x1: {  	(tag) =	ssettag $0x0;
	lr =	simm.s32 $0x1  }
0x2: {  	[smem:$0x3F99] =	sst lr;
	_ =	strace $0xD0000000  }
0x3: {  	_ = 	snop  }
0x4: {  	_ = 	snop  }
0x5: {  	_ = 	snop  }
0x6: {  	_ = 	snop  }
0x7: {  	_ = 	snop  }
__scs_overlays_trampoline_lowered:
0x8: {  	[smem:$0x3FA8] =	sst s0  }
0x9: {  	[smem:$0x3FA9] =	sst s1  }
0xa: {  	[smem:$0x3FAA] =	sst s2  }
0xb: {  	[smem:$0x3FAB] =	sst s3  }
0xc: {  	[smem:$0x3FAC] =	sst s4  }
0xd: {  	[smem:$0x3FAD] =	sst s5  }
0xe: {  	[smem:$0x3FAE] =	sst s6  }
0xf: {  	[smem:$0x3FAF] =	sst s7  }
0x10: {  	[smem:$0x3FB0] =	sst s8  }
0x11: {  	[smem:$0x3FB1] =	sst s9;
	s0 =	simm.s32 @!p0 $0x0  }
0x12: {  	s1 =	sld [smem:$0x3F97];
	s0 =	simm.s32 @p0 $0x1  }
0x13: {  	[smem:$0x3FB2] =	sst s0;
	s0 =	simm.s32 @!p1 $0x0  }
0x14: {  	s2 =	sld [smem:$0x3F96];
	s0 =	simm.s32 @p1 $0x1  }
0x15: {  	[smem:$0x3FB3] =	sst s0;
	s0 =	simm.s32 @!p2 $0x0  }
0x16: {  	s3 =	sld [smem:$0x3FDB];
	s0 =	simm.s32 @p2 $0x1  }
0x17: {  	s4 =	simm.s32 $0x1BF5;
	[smem:$0x3FB5] =	sst s0  }
0x18: {  	s0 =	sld [smem:$0x3F98];
	_ =	swait.ge [sflag:s4], $0x0  }
0x19: {  	s7 =	sld [smem:$0x3F99]  }
0x1a: {  	s8 =	sadd.s32 $0xFFFFE003, lr  }
0x1b: {  	s9 =	sadd.s32 $0xFFFFFEF7, lr;
	s5 =	simm.s32 $0xFFFFFFFF;
	p2 =	slt.u32 s8, $0xFFFFF086  }
0x1c: {  	p1 =	slt.u32 s9, $0xF7A;
	s5 =	simm.s32 @!p2 $0x0  }
0x1d: {  	s5 =	simm.s32 @p1 $0x1;
	p0 =	seq.s32 s7, s2  }
0x1e: {  	s7 =	smul.u32 @!p0 $0xF7A, s2;
	p2 =	seq.s32 @!p0 s5, $0x0  }
0x1f: {  	s9 =	smul.u32 $0xF7A, s1;
	s8 =	simm.s32 @!p0 $0x1BF5;
	p2 =	por !p2, p0  }
0x20: {  	[sflag:s8] =	ssyncset.s32 @!p0 $0xFFFFF086;
	s6 =	sadd.s32 @!p0 s3, s7;
	s7 =	simm.s32 @!p0 $0x108  }
0x21: {  	s3 =	sadd.s32 s3, s9;
	s6 =	sadd.s32 @!p0 $0x88, s6;
	s7 =	simm.s32 @p2 $0x1082  }
0x22: {  	[simem:s7], [sflag:s8] =	dma.local @!p0 [hbm:s6], $0xF7A  }
0x23: {  	s9 =	sor.u32 $0xD0000000, s2;
	s6 =	simm.s32 $0x108;
	_ =	swait.ge @!p0 [sflag:s8], $0x0  }
0x24: {  	s3 =	sadd.s32 $0x88, s3;
	s6 =	simm.s32 @!p1 $0x1082;
	[sflag:s4] =	ssyncset.s32 $0xFFFFF086  }
0x25: {  	[simem:s6], [sflag:s4] =	dma.local [hbm:s3], $0xF7A  }
0x26: {  	[smem:$0x3F99] =	sst s1;
	(tag) =	ssettag s2;
	_ =	strace s9  }
0x27: {  	s1 =	sld [smem:$0x3FA9]  }
0x28: {  	s2 =	sld [smem:$0x3FAA]  }
0x29: {  	s4 =	sld [smem:$0x3FAC]  }
0x2a: {  	p0 =	seq.s32 s5, $0x0;
	s5 =	sld [smem:$0x3FAD]  }
0x2b: {  	s6 =	sld [smem:$0x3FAE]  }
0x2c: {  	s7 =	sld [smem:$0x3FAF]  }
0x2d: {  	s3 =	simm.s32 $0x108;
	s8 =	sld [smem:$0x3FB0]  }
0x2e: {  	s3 =	simm.s32 @!p0 $0x1082;
	s9 =	sld [smem:$0x3FB1]  }
0x2f: {  	lr =	sadd.s32 s0, s3;
	s0 =	sld [smem:$0x3FA8]  }
0x30: {  	s3 =	sld [smem:$0x3FAB]  }
0x31: {  	[smem:$0x3FB4] =	sst s10  }
0x32: {  	s10 =	sld [smem:$0x3FB2];
	_ =	sdelay $0x3  }
0x33: {  	p0 =	seq.s32 s10, $0x1;
	s10 =	sld [smem:$0x3FB4];
	_ =	sdelay $0x3  }
0x34: {  	[smem:$0x3FB4] =	sst s10  }
0x35: {  	s10 =	sld [smem:$0x3FB3];
	_ =	sdelay $0x3  }
0x36: {  	p1 =	seq.s32 s10, $0x1;
	s10 =	sld [smem:$0x3FB4];
	_ =	sdelay $0x3  }
0x37: {  	[smem:$0x3FB4] =	sst s10  }
0x38: {  	s10 =	sld [smem:$0x3FB5]  }
0x39: {  	_ = 	snop;
	(pc) =	sbr.ind lr, $3  }
0x3a: {  	_ = 	snop  }
0x3b: {  	_ = 	snop  }
0x3c: {  	p2 =	seq.s32 s10, $0x1;
	s10 =	sld [smem:$0x3FB4]  }
0x3d: {  	_ =	shalt  }
0x3e: {  	_ =	shalt  }
0x3f: {  	_ =	shalt  }
0x40: {  	_ =	shalt  }
0x41: {  	_ =	shalt  }
0x42: {  	_ =	shalt  }
0x43: {  	_ =	shalt  }
0x44: {  	_ =	shalt  }
0x45: {  	_ =	shalt  }
0x46: {  	_ =	shalt  }
0x47: {  	_ =	shalt  }
0x48: {  	_ =	shalt  }
0x49: {  	_ =	shalt  }
0x4a: {  	_ =	shalt  }
0x4b: {  	_ =	shalt  }
0x4c: {  	_ =	shalt  }
0x4d: {  	_ =	shalt  }
0x4e: {  	_ =	shalt  }
0x4f: {  	_ =	shalt  }
0x50: {  	_ =	shalt  }
0x51: {  	_ =	shalt  }
0x52: {  	_ =	shalt  }
0x53: {  	_ =	shalt  }
0x54: {  	_ =	shalt  }
0x55: {  	_ =	shalt  }
0x56: {  	_ =	shalt  }
0x57: {  	_ =	shalt  }
0x58: {  	_ =	shalt  }
0x59: {  	_ =	shalt  }
0x5a: {  	_ =	shalt  }
0x5b: {  	_ =	shalt  }
0x5c: {  	_ =	shalt  }
0x5d: {  	_ =	shalt  }
0x5e: {  	_ =	shalt  }
0x5f: {  	_ =	shalt  }
0x60: {  	_ =	shalt  }
0x61: {  	_ =	shalt  }
0x62: {  	_ =	shalt  }
0x63: {  	_ =	shalt  }
0x64: {  	_ =	shalt  }
0x65: {  	_ =	shalt  }
0x66: {  	_ =	shalt  }
0x67: {  	_ =	shalt  }
0x68: {  	_ =	shalt  }
0x69: {  	_ =	shalt  }
0x6a: {  	_ =	shalt  }
0x6b: {  	_ =	shalt  }
0x6c: {  	_ =	shalt  }
0x6d: {  	_ =	shalt  }
0x6e: {  	_ =	shalt  }
0x6f: {  	_ =	shalt  }
0x70: {  	_ =	shalt  }
0x71: {  	_ =	shalt  }
0x72: {  	_ =	shalt  }
0x73: {  	_ =	shalt  }
0x74: {  	_ =	shalt  }
0x75: {  	_ =	shalt  }
0x76: {  	_ =	shalt  }
0x77: {  	_ =	shalt  }
0x78: {  	_ =	shalt  }
0x79: {  	_ =	shalt  }
0x7a: {  	_ =	shalt  }
0x7b: {  	_ =	shalt  }
0x7c: {  	_ =	shalt  }
0x7d: {  	_ =	shalt  }
0x7e: {  	_ =	shalt  }
0x7f: {  	_ =	shalt  }
0x80: {  	_ =	shalt  }
0x81: {  	_ =	shalt  }
0x82: {  	_ =	shalt  }
0x83: {  	_ =	shalt  }
0x84: {  	_ =	shalt  }
0x85: {  	_ =	shalt  }
0x86: {  	_ =	shalt  }
0x87: {  	_ =	shalt  }
.Lfunc_end0:
.L_simem_size_0:
called_computation.3_lowered:
.L_overlay_start_0:
0x88: {  	s2 =	sld [smem:$0x3FD9]  }
0x89: {  	s3 =	sld [smem:$0x3FFE];
	_ =	sdelay $0x1  }
0x8a: {  	s1 =	srdreg.scid  }
0x8b: {  	s0 =	sand.u32 $0x1, s1  }
0x8c: {  	s17 =	sshll.u32 s0, $0xA;
	s2 =	sadd.s32 s3, s2  }
0x8d: {  	s2 =	sadd.s32 s2, s17  }
0x8e: {  	[smem:$0x3FC0] =	sst s2  }
0x8f: {  	_ = 	snop  }
0x90: {  	(tm) =	ssettm $0x1  }
0x91: {  	s18 =	sld [smem:$0x3FFB];
	_ =	sdelay $0x3  }
0x92: {  	_ =	strace s18  }
0x93: {  	s2 =	sld [smem:$0x3FFC];
	_ =	sdelay $0x3  }
0x94: {  	_ =	strace s2  }
0x95: {  	s2 =	sld [smem:$0x3FFD];
	_ =	sdelay $0x3  }
0x96: {  	_ =	strace s2  }
0x97: {  	_ =	strace $0x8FFFFFFF  }
0x98: {  	s19 =	sld [smem:$0x3FDB];
	_ =	sdelay $0x1  }
0x99: {  	s20 =	simm.s32 $_scs_section_size  }
0x9a: {  	s4 =	simm.s32 $_size__tile_overlayer_lowered;
	s5 =	simm.s32 $_tile_overlayer_lowered  }
0x9b: {  	s6 =	simm.s32 $0x1BFF;
	s21 =	sshll.u32 s5, $0x1;
	s3 =	sadd.s32 s20, s19  }
0x9c: {  	s22 =	simm.s32 $0x0;
	s4 =	sshll.u32 s4, $0x1;
	s5 =	sadd.s32 s21, s3  }
0x9d: {  	[timem:s22], [sflag:s6] =	dma.local [hbm:s5], s4  }
0x9e: {  	_ =	swait.ge [sflag:s6], s4  }
0x9f: {  	s4 =	ssub.s32 $0x0, s4;
	[sflag:s6] =	ssyncset.done $0x0  }
0xa0: {  	[sflag:s6] =	ssyncadd.s32 s4;
	_ =	sdelay $0x1  }
0xa1: {  	s23 =	simm.s32 $0x1B8B  }
0xa2: {  	_ =	swait.ge [sflag:s23], $0x1  }
0xa3: {  	[sflag:s23] =	ssyncset.done $0x0  }
0xa4: {  	[sflag:s23] =	ssyncadd.s32 $0xFFFFFFFF  }
0xa5: {  	s4 =	sld [smem:$0x0]  }
0xa6: {  	s5 =	sand.u32 $0xFFFFFFFE, s1  }
0xa7: {  	p0 =	sne.s32 s1, s5  }
0xa8: {  	s5 =	sshll.u32 @p0 s5, $0xE  }
0xa9: {  	s5 =	sadd.s32 @p0 $0x11B8D, s5;
	s6 =	sshll.u32 @p0 s4, $0x11  }
0xaa: {  	s5 =	sor.u32 @p0 s6, s5  }
0xab: {  	[sflag:s5] =	ssyncadd.remote.s32 @p0 $0x1;
	_ =	sdelay $0x1  }
0xac: {  	s5 =	simm.s32 @p0 $0x1B8D  }
0xad: {  	_ =	swait.eq @p0 [sflag:s5], $0x1  }
0xae: {  	[sflag:s5] =	ssyncadd.s32 @p0 $0xFFFFFFFF  }
0xaf: {  	s6 =	sshll.u32 @!p0 s1, $0xE  }
0xb0: {  	s6 =	sor.u32 @!p0 $0x4000, s6;
	s5 =	simm.s32 @!p0 $0x1B8D  }
0xb1: {  	s4 =	sshll.u32 @!p0 s4, $0x11;
	s6 =	sadd.s32 @!p0 $0x11B8D, s6;
	_ =	swait.eq @!p0 [sflag:s5], $0x1  }
0xb2: {  	s4 =	sor.u32 @!p0 s4, s6;
	[sflag:s5] =	ssyncadd.s32 @!p0 $0xFFFFFFFF  }
0xb3: {  	s25 =	simm.s32 $0x1B8E;
	s24 =	sld [smem:$0x3FFE];
	[sflag:s4] =	ssyncadd.remote.s32 @!p0 $0x1  }
0xb4: {  	s26 =	simm.s32 $execute0_lowered;
	[smem:$0x3FD2] =	sst s25  }
0xb5: {  	s5 =	sshll.u32 s26, $0x1;
	_ =	strace $0x8000004C;
	[dreg:$0x1] =	wrdreg $0xFFFFFFFF  }
0xb6: {  	s28 =	simm.s32 $_size_execute0_lowered;
	s3 =	sadd.s32 s3, s5;
	[dreg:$0x0] =	wrdreg $0x0  }
0xb7: {  	s5 =	sshll.u32 s28, $0x1;
	[dreg:$0x2] =	wrdreg s3  }
0xb8: {  	[dreg:$0x3] =	wrdreg s5  }
0xb9: {  	[dreg:$0x4] =	wrdreg $0xC0  }
0xba: {  	_ =	task [dreg:s22], $0x5FFFF  }
0xbb: {  	[dreg:$0x1] =	wrdreg $0xFFFFFFFF  }
0xbc: {  	[dreg:$0x0] =	wrdreg $0x60  }
0xbd: {  	[dreg:$0x2] =	wrdreg s24  }
0xbe: {  	[dreg:$0x3] =	wrdreg $0xB  }
0xbf: {  	_ =	task.clear_ibuf [dreg:s22], $0x4FFFF;
	_ =	strace $0x9000004C  }
0xc0: {  	s29 =	simm.s32 $0xB;
	_ =	strace $0x8000004E  }
0xc1: {  	_ =	swait.ge [sflag:s29], $0x1  }
0xc2: {  	[sflag:s29] =	ssyncadd.s32 $0xFFFFFFFF  }
0xc3: {  	_ =	strace $0x9000004E  }
0xc4: {  	_ =	sfence  }
0xc5: {  	s30 =	sld [smem:$0x0];
	_ =	sdelay $0x2  }
0xc6: {  	s31 =	sshll.u32 s1, $0xD;
	s1 =	sshrl.u32 s1, $0x2  }
0xc7: {  	s4 =	sand.u32 $0x4000, s31;
	s1 =	sadd.s32 s1, s30  }
0xc8: {  	s0 =	sor.u32 s4, s0;
	s1 =	sshll.u32 s1, $0x11  }
0xc9: {  	s0 =	sor.u32 s1, s0  }
0xca: {  	s0 =	sadd.s32 $0x8F2B, s0  }
0xcb: {  	[sflag:s0] =	ssyncadd.remote.s32 $0x1  }
0xcc: {  	_ =	sfence.sel $0xFFFF  }
0xcd: {  	[dreg:$0x0] =	wrdreg $0xFFFFFFFF;
	(pc) =	sbr.abs _section_cstart, $3  }
0xce: {  	[dreg:$0x1] =	wrdreg $0xFFFFFFFF  }
0xcf: {  	_ =	task.clear_ibuf [dreg:s22], $0x2FFFF;
	_ =	strace $0x9FFFFFFF  }
0xd0: {  	(tm) =	ssettm $0x7FFFFFFF  }
0xd1: {  	_ =	shalt  }
tec
execute0_lowered:
.L_overlay_start_1:
0x0: {  	(tag) =	ssettag $0x1  }
0x1: {  	s4 =	rddreg [dreg:$0x0];
	s0 =	srdreg.scid  }
0x2: {  	s2 =	simm.s32 $0x0;
	s1 =	stileid.u32;
	s0 =	sand.u32 $0x1, s0  }
0x3: {  	[smem:$0x7FF] =	sst s2;
	s3 =	sshll.u32 s1, $0xC;
	s5 =	sshll.u32 s0, $0xB  }
0x4: {  	s29 =	sadd.s32 $0x200E00, s4;
	[dreg:$0xf] =	wrdreg s0;
	s30 =	sor.u32 s5, s3  }
0x5: {  	s31 =	sadd.s32 $0x302E00, s4;
	_ =	strace $0x8000004D;
	s3 =	sshrl.u32 s30, $0x3  }
0x6: {  	s5 =	sor.u32 $0x80, s30;
	s16 =	sshll.u32 s30, $0x4;
	s18 =	sor.u32 $0x100, s30  }
0x7: {  	s7 =	sor.u32 $0x180, s30;
	s1 =	sor.u32 $0x280, s30;
	s3 =	sadd.s32 s29, s3  }
0x8: {  	s6 =	sshrl.u32 s5, $0x3;
	s17 =	sadd.s32 s31, s16;
	[dreg:$0x2] =	wrdreg s3  }
0x9: {  	s19 =	sshrl.u32 s18, $0x3;
	s15 =	sadd.s32 s29, s6;
	[dreg:$0x4] =	wrdreg s17  }
0xa: {  	s5 =	sshll.u32 s5, $0x4;
	s3 =	sadd.s32 s29, s19;
	[dreg:$0x3] =	wrdreg s15  }
0xb: {  	s21 =	sshrl.u32 s7, $0x3;
	s20 =	sadd.s32 s31, s5;
	[dreg:$0x5] =	wrdreg s3  }
0xc: {  	s23 =	sshll.u32 s18, $0x4;
	s22 =	sadd.s32 s29, s21;
	[dreg:$0x6] =	wrdreg s20  }
0xd: {  	s0 =	sshll.u32 s7, $0x4;
	s24 =	sadd.s32 s31, s23;
	[dreg:$0x7] =	wrdreg s22  }
0xe: {  	s9 =	sshrl.u32 s1, $0x3;
	s8 =	sadd.s32 s31, s0;
	[dreg:$0x8] =	wrdreg s24  }
0xf: {  	s25 =	sor.u32 $0x200, s30;
	s10 =	sadd.s32 s29, s9;
	[dreg:$0xa] =	wrdreg s8  }
0x10: {  	s13 =	sor.u32 $0x300, s30;
	s14 =	sshll.u32 s1, $0x4;
	[dreg:$0xb] =	wrdreg s10  }
0x11: {  	s26 =	sshrl.u32 s25, $0x3;
	s16 =	sadd.s32 s31, s14;
	s15 =	rddreg [dreg:$0x2]  }
0x12: {  	s5 =	sshll.u32 s25, $0x4;
	s3 =	sadd.s32 s29, s26;
	[dreg:$0xe] =	wrdreg s16  }
0x13: {  	s12 =	sshrl.u32 s13, $0x3;
	s11 =	sadd.s32 s31, s5;
	[dreg:$0x9] =	wrdreg s3  }
0x14: {  	[dreg:$0xc] =	wrdreg s11;
	s3 =	sadd.s32 s29, s12  }
0x15: {  	[tilespmem:s2], [sflag:$0x5] =	stream.linear.gather [hbm4b:s15+s2], $0x80, $0x38;
	[tilespmem:$0x8100] =	vst v63  }
0x16: {  	[dreg:$0xd] =	wrdreg s3;
	s3 =	simm.s32 $0x5  }
0x17: {  	_ =	swait.ge [sflag:s3], $0x80  }
0x18: {  	s4 =	sadd.s32 $0x502E00, s4;
	[sflag:s3] =	ssyncset.done $0x0  }
0x19: {  	s6 =	simm.s32 $0x100;
	s5 =	simm.s32 $0x80;
	[sflag:s3] =	ssyncadd.s32 $0xFFFFFF80  }
0x1a: {  	[tilespmem:s6], [sflag:$0x1] =	stream.indirect.gather [hbm4b:s4+s5], $0x80, s2, s5, $0xb8;
	[tilespmem:$0x8100] =	vst v63  }
0x1b: {  	s17 =	rddreg [dreg:$0x3]  }
0x1c: {  	[tilespmem:s5], [sflag:$0x5] =	stream.linear.gather [hbm4b:s17+s2], $0x80, $0x38;
	[tilespmem:$0x8100] =	vst v63  }
0x1d: {  	_ =	swait.ge [sflag:s3], $0x80  }
0x1e: {  	[sflag:s3] =	ssyncset.done $0x0  }
0x1f: {  	s7 =	simm.s32 $0x4100;
	s8 =	simm.s32 $0x1;
	[sflag:s3] =	ssyncadd.s32 $0xFFFFFF80  }
0x20: {  	[tilespmem:s7], [sflag:$0x2] =	stream.indirect.gather [hbm4b:s4+s5], $0x80, s5, s5, $0xb8;
	[tilespmem:$0x8100] =	vst v63  }
0x21: {  	_ =	swait.ge [sflag:s8], $0x4000  }
0x22: {  	[sflag:s8] =	ssyncset.done $0x0  }
0x23: {  	s9 =	simm.s32 $0x3;
	s10 =	rddreg [dreg:$0x4];
	[sflag:s8] =	ssyncadd.s32 $0xFFFFC000  }
0x24: {  	[hbm4b:s10+s2] =	stream.linear.scatter [tilespmem:s6], [sflag:$0x3], $0x4000, $0x38;
	[tilespmem:$0x8100] =	vst v63  }
0x25: {  	_ =	swait.ge [sflag:s9], $0x4000  }
0x26: {  	[sflag:s9] =	ssyncset.done $0x0  }
0x27: {  	s18 =	rddreg [dreg:$0x5];
	[sflag:s9] =	ssyncadd.s32 $0xFFFFC000  }
0x28: {  	[tilespmem:s2], [sflag:$0x5] =	stream.linear.gather [hbm4b:s18+s2], $0x80, $0x38;
	[tilespmem:$0x8100] =	vst v63  }
0x29: {  	_ =	swait.ge [sflag:s3], $0x80  }
0x2a: {  	[sflag:s3] =	ssyncset.done $0x0  }
0x2b: {  	s10 =	simm.s32 $0x2;
	[sflag:s3] =	ssyncadd.s32 $0xFFFFFF80  }
0x2c: {  	[tilespmem:s6], [sflag:$0x1] =	stream.indirect.gather [hbm4b:s4+s5], $0x80, s2, s5, $0xb8;
	[tilespmem:$0x8100] =	vst v63  }
0x2d: {  	_ =	swait.ge [sflag:s10], $0x4000  }
0x2e: {  	[sflag:s10] =	ssyncset.done $0x0  }
0x2f: {  	s11 =	simm.s32 $0x4;
	s12 =	rddreg [dreg:$0x6];
	[sflag:s10] =	ssyncadd.s32 $0xFFFFC000  }
0x30: {  	[hbm4b:s12+s2] =	stream.linear.scatter [tilespmem:s7], [sflag:$0x4], $0x4000, $0x38;
	[tilespmem:$0x8100] =	vst v63  }
0x31: {  	_ =	swait.ge [sflag:s11], $0x4000  }
0x32: {  	[sflag:s11] =	ssyncset.done $0x0  }
0x33: {  	s19 =	rddreg [dreg:$0x7];
	[sflag:s11] =	ssyncadd.s32 $0xFFFFC000  }
0x34: {  	[tilespmem:s5], [sflag:$0x5] =	stream.linear.gather [hbm4b:s19+s2], $0x80, $0x38;
	[tilespmem:$0x8100] =	vst v63  }
0x35: {  	_ =	swait.ge [sflag:s3], $0x80  }
0x36: {  	[sflag:s3] =	ssyncset.done $0x0  }
0x37: {  	[sflag:s3] =	ssyncadd.s32 $0xFFFFFF80  }
0x38: {  	[tilespmem:s7], [sflag:$0x2] =	stream.indirect.gather [hbm4b:s4+s5], $0x80, s5, s5, $0xb8;
	[tilespmem:$0x8100] =	vst v63  }
0x39: {  	_ =	swait.ge [sflag:s8], $0x4000  }
0x3a: {  	[sflag:s8] =	ssyncset.done $0x0  }
0x3b: {  	s20 =	rddreg [dreg:$0x8];
	[sflag:s8] =	ssyncadd.s32 $0xFFFFC000  }
0x3c: {  	[hbm4b:s20+s2] =	stream.linear.scatter [tilespmem:s6], [sflag:$0x3], $0x4000, $0x38;
	[tilespmem:$0x8100] =	vst v63  }
0x3d: {  	_ =	swait.ge [sflag:s9], $0x4000  }
0x3e: {  	[sflag:s9] =	ssyncset.done $0x0  }
0x3f: {  	s21 =	rddreg [dreg:$0x9];
	[sflag:s9] =	ssyncadd.s32 $0xFFFFC000  }
0x40: {  	[tilespmem:s2], [sflag:$0x5] =	stream.linear.gather [hbm4b:s21+s2], $0x80, $0x38;
	[tilespmem:$0x8100] =	vst v63  }
0x41: {  	_ =	swait.ge [sflag:s3], $0x80  }
0x42: {  	[sflag:s3] =	ssyncset.done $0x0  }
0x43: {  	[sflag:s3] =	ssyncadd.s32 $0xFFFFFF80  }
0x44: {  	[tilespmem:s6], [sflag:$0x1] =	stream.indirect.gather [hbm4b:s4+s5], $0x80, s2, s5, $0xb8;
	[tilespmem:$0x8100] =	vst v63  }
0x45: {  	_ =	swait.ge [sflag:s10], $0x4000  }
0x46: {  	[sflag:s10] =	ssyncset.done $0x0  }
0x47: {  	s22 =	rddreg [dreg:$0xa];
	[sflag:s10] =	ssyncadd.s32 $0xFFFFC000  }
0x48: {  	[hbm4b:s22+s2] =	stream.linear.scatter [tilespmem:s7], [sflag:$0x4], $0x4000, $0x38;
	[tilespmem:$0x8100] =	vst v63  }
0x49: {  	_ =	swait.ge [sflag:s11], $0x4000  }
0x4a: {  	[sflag:s11] =	ssyncset.done $0x0  }
0x4b: {  	s23 =	rddreg [dreg:$0xb];
	[sflag:s11] =	ssyncadd.s32 $0xFFFFC000  }
0x4c: {  	[tilespmem:s5], [sflag:$0x5] =	stream.linear.gather [hbm4b:s23+s2], $0x80, $0x38;
	[tilespmem:$0x8100] =	vst v63  }
0x4d: {  	_ =	swait.ge [sflag:s3], $0x80  }
0x4e: {  	[sflag:s3] =	ssyncset.done $0x0  }
0x4f: {  	[sflag:s3] =	ssyncadd.s32 $0xFFFFFF80  }
0x50: {  	[tilespmem:s7], [sflag:$0x2] =	stream.indirect.gather [hbm4b:s4+s5], $0x80, s5, s5, $0xb8;
	[tilespmem:$0x8100] =	vst v63  }
0x51: {  	_ =	swait.ge [sflag:s8], $0x4000  }
0x52: {  	[sflag:s8] =	ssyncset.done $0x0  }
0x53: {  	s24 =	rddreg [dreg:$0xc];
	[sflag:s8] =	ssyncadd.s32 $0xFFFFC000  }
0x54: {  	[hbm4b:s24+s2] =	stream.linear.scatter [tilespmem:s6], [sflag:$0x3], $0x4000, $0x38;
	[tilespmem:$0x8100] =	vst v63  }
0x55: {  	_ =	swait.ge [sflag:s9], $0x4000  }
0x56: {  	[sflag:s9] =	ssyncset.done $0x0  }
0x57: {  	s25 =	rddreg [dreg:$0xd];
	[sflag:s9] =	ssyncadd.s32 $0xFFFFC000  }
0x58: {  	[tilespmem:s2], [sflag:$0x5] =	stream.linear.gather [hbm4b:s25+s2], $0x80, $0x38;
	[tilespmem:$0x8100] =	vst v63  }
0x59: {  	_ =	swait.ge [sflag:s3], $0x80  }
0x5a: {  	[sflag:s3] =	ssyncset.done $0x0  }
0x5b: {  	[sflag:s3] =	ssyncadd.s32 $0xFFFFFF80  }
0x5c: {  	[tilespmem:s6], [sflag:$0x1] =	stream.indirect.gather [hbm4b:s4+s5], $0x80, s2, s5, $0xb8;
	[tilespmem:$0x8100] =	vst v63  }
0x5d: {  	_ =	swait.ge [sflag:s10], $0x4000  }
0x5e: {  	[sflag:s10] =	ssyncset.done $0x0  }
0x5f: {  	s26 =	rddreg [dreg:$0xe];
	[sflag:s10] =	ssyncadd.s32 $0xFFFFC000  }
0x60: {  	[hbm4b:s26+s2] =	stream.linear.scatter [tilespmem:s7], [sflag:$0x4], $0x4000, $0x38;
	[tilespmem:$0x8100] =	vst v63  }
0x61: {  	s15 =	sor.u32 $0x380, s30;
	_ =	swait.ge [sflag:s11], $0x4000  }
0x62: {  	s0 =	sshrl.u32 s15, $0x3;
	[sflag:s11] =	ssyncset.done $0x0  }
0x63: {  	s12 =	sadd.s32 s29, s0;
	[sflag:s11] =	ssyncadd.s32 $0xFFFFC000  }
0x64: {  	[tilespmem:s5], [sflag:$0x5] =	stream.linear.gather [hbm4b:s12+s2], $0x80, $0x38;
	[tilespmem:$0x8100] =	vst v63  }
0x65: {  	_ =	swait.ge [sflag:s3], $0x80  }
0x66: {  	[sflag:s3] =	ssyncset.done $0x0  }
0x67: {  	[sflag:s3] =	ssyncadd.s32 $0xFFFFFF80  }
0x68: {  	[tilespmem:s7], [sflag:$0x2] =	stream.indirect.gather [hbm4b:s4+s5], $0x80, s5, s5, $0xb8;
	[tilespmem:$0x8100] =	vst v63  }
0x69: {  	_ =	swait.ge [sflag:s8], $0x4000  }
0x6a: {  	s13 =	sshll.u32 s13, $0x4;
	[sflag:s8] =	ssyncset.done $0x0  }
0x6b: {  	s13 =	sadd.s32 s31, s13;
	[sflag:s8] =	ssyncadd.s32 $0xFFFFC000  }
0x6c: {  	[hbm4b:s13+s2] =	stream.linear.scatter [tilespmem:s6], [sflag:$0x3], $0x4000, $0x38;
	[tilespmem:$0x8100] =	vst v63  }
0x6d: {  	s17 =	sor.u32 $0x400, s30;
	_ =	swait.ge [sflag:s9], $0x4000  }
0x6e: {  	s14 =	sshrl.u32 s17, $0x3;
	[sflag:s9] =	ssyncset.done $0x0  }
0x6f: {  	s14 =	sadd.s32 s29, s14;
	[sflag:s9] =	ssyncadd.s32 $0xFFFFC000  }
0x70: {  	[tilespmem:s2], [sflag:$0x5] =	stream.linear.gather [hbm4b:s14+s2], $0x80, $0x38;
	[tilespmem:$0x8100] =	vst v63  }
0x71: {  	_ =	swait.ge [sflag:s3], $0x80  }
0x72: {  	[sflag:s3] =	ssyncset.done $0x0  }
0x73: {  	[sflag:s3] =	ssyncadd.s32 $0xFFFFFF80  }
0x74: {  	[tilespmem:s6], [sflag:$0x1] =	stream.indirect.gather [hbm4b:s4+s5], $0x80, s2, s5, $0xb8;
	[tilespmem:$0x8100] =	vst v63  }
0x75: {  	_ =	swait.ge [sflag:s10], $0x4000  }
0x76: {  	s15 =	sshll.u32 s15, $0x4;
	[sflag:s10] =	ssyncset.done $0x0  }
0x77: {  	s15 =	sadd.s32 s31, s15;
	[sflag:s10] =	ssyncadd.s32 $0xFFFFC000  }
0x78: {  	[hbm4b:s15+s2] =	stream.linear.scatter [tilespmem:s7], [sflag:$0x4], $0x4000, $0x38;
	[tilespmem:$0x8100] =	vst v63  }
0x79: {  	s19 =	sor.u32 $0x480, s30;
	_ =	swait.ge [sflag:s11], $0x4000  }
0x7a: {  	s16 =	sshrl.u32 s19, $0x3;
	[sflag:s11] =	ssyncset.done $0x0  }
0x7b: {  	s16 =	sadd.s32 s29, s16;
	[sflag:s11] =	ssyncadd.s32 $0xFFFFC000  }
0x7c: {  	[tilespmem:s5], [sflag:$0x5] =	stream.linear.gather [hbm4b:s16+s2], $0x80, $0x38;
	[tilespmem:$0x8100] =	vst v63  }
0x7d: {  	_ =	swait.ge [sflag:s3], $0x80  }
0x7e: {  	[sflag:s3] =	ssyncset.done $0x0  }
0x7f: {  	[sflag:s3] =	ssyncadd.s32 $0xFFFFFF80  }
0x80: {  	[tilespmem:s7], [sflag:$0x2] =	stream.indirect.gather [hbm4b:s4+s5], $0x80, s5, s5, $0xb8;
	[tilespmem:$0x8100] =	vst v63  }
0x81: {  	_ =	swait.ge [sflag:s8], $0x4000  }
0x82: {  	s17 =	sshll.u32 s17, $0x4;
	[sflag:s8] =	ssyncset.done $0x0  }
0x83: {  	s17 =	sadd.s32 s31, s17;
	[sflag:s8] =	ssyncadd.s32 $0xFFFFC000  }
0x84: {  	[hbm4b:s17+s2] =	stream.linear.scatter [tilespmem:s6], [sflag:$0x3], $0x4000, $0x38;
	[tilespmem:$0x8100] =	vst v63  }
0x85: {  	s21 =	sor.u32 $0x500, s30;
	_ =	swait.ge [sflag:s9], $0x4000  }
0x86: {  	s18 =	sshrl.u32 s21, $0x3;
	[sflag:s9] =	ssyncset.done $0x0  }
0x87: {  	s18 =	sadd.s32 s29, s18;
	[sflag:s9] =	ssyncadd.s32 $0xFFFFC000  }
0x88: {  	[tilespmem:s2], [sflag:$0x5] =	stream.linear.gather [hbm4b:s18+s2], $0x80, $0x38;
	[tilespmem:$0x8100] =	vst v63  }
0x89: {  	_ =	swait.ge [sflag:s3], $0x80  }
0x8a: {  	[sflag:s3] =	ssyncset.done $0x0  }
0x8b: {  	[sflag:s3] =	ssyncadd.s32 $0xFFFFFF80  }
0x8c: {  	[tilespmem:s6], [sflag:$0x1] =	stream.indirect.gather [hbm4b:s4+s5], $0x80, s2, s5, $0xb8;
	[tilespmem:$0x8100] =	vst v63  }
0x8d: {  	_ =	swait.ge [sflag:s10], $0x4000  }
0x8e: {  	s19 =	sshll.u32 s19, $0x4;
	[sflag:s10] =	ssyncset.done $0x0  }
0x8f: {  	s19 =	sadd.s32 s31, s19;
	[sflag:s10] =	ssyncadd.s32 $0xFFFFC000  }
0x90: {  	[hbm4b:s19+s2] =	stream.linear.scatter [tilespmem:s7], [sflag:$0x4], $0x4000, $0x38;
	[tilespmem:$0x8100] =	vst v63  }
0x91: {  	s23 =	sor.u32 $0x580, s30;
	_ =	swait.ge [sflag:s11], $0x4000  }
0x92: {  	s20 =	sshrl.u32 s23, $0x3;
	[sflag:s11] =	ssyncset.done $0x0  }
0x93: {  	s20 =	sadd.s32 s29, s20;
	[sflag:s11] =	ssyncadd.s32 $0xFFFFC000  }
0x94: {  	[tilespmem:s5], [sflag:$0x5] =	stream.linear.gather [hbm4b:s20+s2], $0x80, $0x38;
	[tilespmem:$0x8100] =	vst v63  }
0x95: {  	_ =	swait.ge [sflag:s3], $0x80  }
0x96: {  	[sflag:s3] =	ssyncset.done $0x0  }
0x97: {  	[sflag:s3] =	ssyncadd.s32 $0xFFFFFF80  }
0x98: {  	[tilespmem:s7], [sflag:$0x2] =	stream.indirect.gather [hbm4b:s4+s5], $0x80, s5, s5, $0xb8;
	[tilespmem:$0x8100] =	vst v63  }
0x99: {  	_ =	swait.ge [sflag:s8], $0x4000  }
0x9a: {  	s21 =	sshll.u32 s21, $0x4;
	[sflag:s8] =	ssyncset.done $0x0  }
0x9b: {  	s21 =	sadd.s32 s31, s21;
	[sflag:s8] =	ssyncadd.s32 $0xFFFFC000  }
0x9c: {  	[hbm4b:s21+s2] =	stream.linear.scatter [tilespmem:s6], [sflag:$0x3], $0x4000, $0x38;
	[tilespmem:$0x8100] =	vst v63  }
0x9d: {  	s25 =	sor.u32 $0x600, s30;
	_ =	swait.ge [sflag:s9], $0x4000  }
0x9e: {  	s22 =	sshrl.u32 s25, $0x3;
	[sflag:s9] =	ssyncset.done $0x0  }
0x9f: {  	s22 =	sadd.s32 s29, s22;
	[sflag:s9] =	ssyncadd.s32 $0xFFFFC000  }
0xa0: {  	[tilespmem:s2], [sflag:$0x5] =	stream.linear.gather [hbm4b:s22+s2], $0x80, $0x38;
	[tilespmem:$0x8100] =	vst v63  }
0xa1: {  	_ =	swait.ge [sflag:s3], $0x80  }
0xa2: {  	[sflag:s3] =	ssyncset.done $0x0  }
0xa3: {  	[sflag:s3] =	ssyncadd.s32 $0xFFFFFF80  }
0xa4: {  	[tilespmem:s6], [sflag:$0x1] =	stream.indirect.gather [hbm4b:s4+s5], $0x80, s2, s5, $0xb8;
	[tilespmem:$0x8100] =	vst v63  }
0xa5: {  	_ =	swait.ge [sflag:s10], $0x4000  }
0xa6: {  	s23 =	sshll.u32 s23, $0x4;
	[sflag:s10] =	ssyncset.done $0x0  }
0xa7: {  	s23 =	sadd.s32 s31, s23;
	[sflag:s10] =	ssyncadd.s32 $0xFFFFC000  }
0xa8: {  	[hbm4b:s23+s2] =	stream.linear.scatter [tilespmem:s7], [sflag:$0x4], $0x4000, $0x38;
	[tilespmem:$0x8100] =	vst v63  }
0xa9: {  	s28 =	sor.u32 $0x680, s30;
	_ =	swait.ge [sflag:s11], $0x4000  }
0xaa: {  	s24 =	sshrl.u32 s28, $0x3;
	[sflag:s11] =	ssyncset.done $0x0  }
0xab: {  	s24 =	sadd.s32 s29, s24;
	[sflag:s11] =	ssyncadd.s32 $0xFFFFC000  }
0xac: {  	[tilespmem:s5], [sflag:$0x5] =	stream.linear.gather [hbm4b:s24+s2], $0x80, $0x38;
	[tilespmem:$0x8100] =	vst v63  }
0xad: {  	_ =	swait.ge [sflag:s3], $0x80  }
0xae: {  	[sflag:s3] =	ssyncset.done $0x0  }
0xaf: {  	[sflag:s3] =	ssyncadd.s32 $0xFFFFFF80  }
0xb0: {  	[tilespmem:s7], [sflag:$0x2] =	stream.indirect.gather [hbm4b:s4+s5], $0x80, s5, s5, $0xb8;
	[tilespmem:$0x8100] =	vst v63  }
0xb1: {  	_ =	swait.ge [sflag:s8], $0x4000  }
0xb2: {  	s25 =	sshll.u32 s25, $0x4;
	[sflag:s8] =	ssyncset.done $0x0  }
0xb3: {  	s25 =	sadd.s32 s31, s25;
	[sflag:s8] =	ssyncadd.s32 $0xFFFFC000  }
0xb4: {  	[hbm4b:s25+s2] =	stream.linear.scatter [tilespmem:s6], [sflag:$0x3], $0x4000, $0x38;
	[tilespmem:$0x8100] =	vst v63  }
0xb5: {  	s1 =	sor.u32 $0x700, s30;
	_ =	swait.ge [sflag:s9], $0x4000  }
0xb6: {  	s26 =	sshrl.u32 s1, $0x3;
	[sflag:s9] =	ssyncset.done $0x0  }
0xb7: {  	s26 =	sadd.s32 s29, s26;
	[sflag:s9] =	ssyncadd.s32 $0xFFFFC000  }
0xb8: {  	[tilespmem:s2], [sflag:$0x5] =	stream.linear.gather [hbm4b:s26+s2], $0x80, $0x38;
	[tilespmem:$0x8100] =	vst v63  }
0xb9: {  	_ =	swait.ge [sflag:s3], $0x80  }
0xba: {  	[sflag:s3] =	ssyncset.done $0x0  }
0xbb: {  	[sflag:s3] =	ssyncadd.s32 $0xFFFFFF80  }
0xbc: {  	[tilespmem:s6], [sflag:$0x1] =	stream.indirect.gather [hbm4b:s4+s5], $0x80, s2, s5, $0xb8;
	[tilespmem:$0x8100] =	vst v63  }
0xbd: {  	_ =	swait.ge [sflag:s10], $0x4000  }
0xbe: {  	s28 =	sshll.u32 s28, $0x4;
	[sflag:s10] =	ssyncset.done $0x0  }
0xbf: {  	s28 =	sadd.s32 s31, s28;
	[sflag:s10] =	ssyncadd.s32 $0xFFFFC000  }
0xc0: {  	[hbm4b:s28+s2] =	stream.linear.scatter [tilespmem:s7], [sflag:$0x4], $0x4000, $0x38;
	[tilespmem:$0x8100] =	vst v63  }
0xc1: {  	s0 =	sor.u32 $0x780, s30;
	_ =	swait.ge [sflag:s11], $0x4000  }
0xc2: {  	s30 =	sshrl.u32 s0, $0x3;
	[sflag:s11] =	ssyncset.done $0x0  }
0xc3: {  	s29 =	sadd.s32 s29, s30;
	[sflag:s11] =	ssyncadd.s32 $0xFFFFC000  }
0xc4: {  	[tilespmem:s5], [sflag:$0x5] =	stream.linear.gather [hbm4b:s29+s2], $0x80, $0x38;
	[tilespmem:$0x8100] =	vst v63  }
0xc5: {  	_ =	swait.ge [sflag:s3], $0x80  }
0xc6: {  	[sflag:s3] =	ssyncset.done $0x0  }
0xc7: {  	[sflag:s3] =	ssyncadd.s32 $0xFFFFFF80  }
0xc8: {  	[tilespmem:s7], [sflag:$0x2] =	stream.indirect.gather [hbm4b:s4+s5], $0x80, s5, s5, $0xb8;
	[tilespmem:$0x8100] =	vst v63  }
0xc9: {  	_ =	swait.ge [sflag:s8], $0x4000  }
0xca: {  	s1 =	sshll.u32 s1, $0x4;
	[sflag:s8] =	ssyncset.done $0x0  }
0xcb: {  	s30 =	sadd.s32 s31, s1;
	[sflag:s8] =	ssyncadd.s32 $0xFFFFC000  }
0xcc: {  	[hbm4b:s30+s2] =	stream.linear.scatter [tilespmem:s6], [sflag:$0x3], $0x4000, $0x38;
	[tilespmem:$0x8100] =	vst v63  }
0xcd: {  	_ =	swait.ge [sflag:s10], $0x4000  }
0xce: {  	s0 =	sshll.u32 s0, $0x4;
	[sflag:s10] =	ssyncset.done $0x0;
	s1 =	rddreg [dreg:$0xf]  }
0xcf: {  	s31 =	sadd.s32 s31, s0;
	s0 =	ssub.s32 $0x2, s1;
	[sflag:s10] =	ssyncadd.s32 $0xFFFFC000  }
0xd0: {  	[hbm4b:s31+s2] =	stream.linear.scatter [tilespmem:s7], [sflag:$0x4], $0x4000, $0x38;
	[tilespmem:$0x8100] =	vst v63  }
0xd1: {  	s1 =	sshrl.u32 s0, $0x1  }
0xd2: {  	s0 =	ssub.s32 s0, s1  }
0xd3: {  	s0 =	smax.u32 s0, $0x1  }
0xd4: {  	p0 =	sne.s32 s0, $0x1  }
.Ltmp0:
0xd5: {  	_ =	swait.ge [sflag:s9], $0x4000;
	(pc) =	sbr.rel @!p0 .LBB2_2-.Ltmp0, $4  }
0xd6: {  	[sflag:s9] =	ssyncset.done $0x0  }
0xd7: {  	[sflag:s9] =	ssyncadd.s32 $0xFFFFC000  }
0xd8: {  	_ =	swait.ge [sflag:s11], $0x4000  }
0xd9: {  	s0 =	sadd.s32 $0xFFFFFFFF, s0;
	[sflag:s11] =	ssyncset.done $0x0  }
.LBB2_1:
0xda: {  	s1 =	rddreg [dreg:$0x2];
	[sflag:s11] =	ssyncadd.s32 $0xFFFFC000  }
0xdb: {  	[tilespmem:s2], [sflag:$0x5] =	stream.linear.gather [hbm4b:s1+s2], $0x80, $0x38;
	[tilespmem:$0x8100] =	vst v63  }
0xdc: {  	_ =	swait.ge [sflag:s3], $0x80  }
0xdd: {  	[sflag:s3] =	ssyncset.done $0x0  }
0xde: {  	[sflag:s3] =	ssyncadd.s32 $0xFFFFFF80  }
0xdf: {  	[tilespmem:s6], [sflag:$0x1] =	stream.indirect.gather [hbm4b:s4+s5], $0x80, s2, s5, $0xb8;
	[tilespmem:$0x8100] =	vst v63  }
0xe0: {  	s1 =	rddreg [dreg:$0x3]  }
0xe1: {  	[tilespmem:s5], [sflag:$0x5] =	stream.linear.gather [hbm4b:s1+s2], $0x80, $0x38;
	[tilespmem:$0x8100] =	vst v63  }
0xe2: {  	_ =	swait.ge [sflag:s3], $0x80  }
0xe3: {  	[sflag:s3] =	ssyncset.done $0x0  }
0xe4: {  	[sflag:s3] =	ssyncadd.s32 $0xFFFFFF80  }
0xe5: {  	[tilespmem:s7], [sflag:$0x2] =	stream.indirect.gather [hbm4b:s4+s5], $0x80, s5, s5, $0xb8;
	[tilespmem:$0x8100] =	vst v63  }
0xe6: {  	_ =	swait.ge [sflag:s8], $0x4000  }
0xe7: {  	[sflag:s8] =	ssyncset.done $0x0  }
0xe8: {  	s1 =	rddreg [dreg:$0x4];
	[sflag:s8] =	ssyncadd.s32 $0xFFFFC000  }
0xe9: {  	[hbm4b:s1+s2] =	stream.linear.scatter [tilespmem:s6], [sflag:$0x3], $0x4000, $0x38;
	[tilespmem:$0x8100] =	vst v63  }
0xea: {  	_ =	swait.ge [sflag:s9], $0x4000  }
0xeb: {  	[sflag:s9] =	ssyncset.done $0x0  }
0xec: {  	s1 =	rddreg [dreg:$0x5];
	[sflag:s9] =	ssyncadd.s32 $0xFFFFC000  }
0xed: {  	[tilespmem:s2], [sflag:$0x5] =	stream.linear.gather [hbm4b:s1+s2], $0x80, $0x38;
	[tilespmem:$0x8100] =	vst v63  }
0xee: {  	_ =	swait.ge [sflag:s3], $0x80  }
0xef: {  	[sflag:s3] =	ssyncset.done $0x0  }
0xf0: {  	[sflag:s3] =	ssyncadd.s32 $0xFFFFFF80  }
0xf1: {  	[tilespmem:s6], [sflag:$0x1] =	stream.indirect.gather [hbm4b:s4+s5], $0x80, s2, s5, $0xb8;
	[tilespmem:$0x8100] =	vst v63  }
0xf2: {  	_ =	swait.ge [sflag:s10], $0x4000  }
0xf3: {  	[sflag:s10] =	ssyncset.done $0x0  }
0xf4: {  	s1 =	rddreg [dreg:$0x6];
	[sflag:s10] =	ssyncadd.s32 $0xFFFFC000  }
0xf5: {  	[hbm4b:s1+s2] =	stream.linear.scatter [tilespmem:s7], [sflag:$0x4], $0x4000, $0x38;
	[tilespmem:$0x8100] =	vst v63  }
0xf6: {  	_ =	swait.ge [sflag:s11], $0x4000  }
0xf7: {  	[sflag:s11] =	ssyncset.done $0x0  }
0xf8: {  	s1 =	rddreg [dreg:$0x7];
	[sflag:s11] =	ssyncadd.s32 $0xFFFFC000  }
0xf9: {  	[tilespmem:s5], [sflag:$0x5] =	stream.linear.gather [hbm4b:s1+s2], $0x80, $0x38;
	[tilespmem:$0x8100] =	vst v63  }
0xfa: {  	_ =	swait.ge [sflag:s3], $0x80  }
0xfb: {  	[sflag:s3] =	ssyncset.done $0x0  }
0xfc: {  	[sflag:s3] =	ssyncadd.s32 $0xFFFFFF80  }
0xfd: {  	[tilespmem:s7], [sflag:$0x2] =	stream.indirect.gather [hbm4b:s4+s5], $0x80, s5, s5, $0xb8;
	[tilespmem:$0x8100] =	vst v63  }
0xfe: {  	_ =	swait.ge [sflag:s8], $0x4000  }
0xff: {  	[sflag:s8] =	ssyncset.done $0x0  }
0x100: {  	s1 =	rddreg [dreg:$0x8];
	[sflag:s8] =	ssyncadd.s32 $0xFFFFC000  }
0x101: {  	[hbm4b:s1+s2] =	stream.linear.scatter [tilespmem:s6], [sflag:$0x3], $0x4000, $0x38;
	[tilespmem:$0x8100] =	vst v63  }
0x102: {  	_ =	swait.ge [sflag:s9], $0x4000  }
0x103: {  	[sflag:s9] =	ssyncset.done $0x0  }
0x104: {  	s1 =	rddreg [dreg:$0x9];
	[sflag:s9] =	ssyncadd.s32 $0xFFFFC000  }
0x105: {  	[tilespmem:s2], [sflag:$0x5] =	stream.linear.gather [hbm4b:s1+s2], $0x80, $0x38;
	[tilespmem:$0x8100] =	vst v63  }
0x106: {  	_ =	swait.ge [sflag:s3], $0x80  }
0x107: {  	[sflag:s3] =	ssyncset.done $0x0  }
0x108: {  	[sflag:s3] =	ssyncadd.s32 $0xFFFFFF80  }
0x109: {  	[tilespmem:s6], [sflag:$0x1] =	stream.indirect.gather [hbm4b:s4+s5], $0x80, s2, s5, $0xb8;
	[tilespmem:$0x8100] =	vst v63  }
0x10a: {  	_ =	swait.ge [sflag:s10], $0x4000  }
0x10b: {  	[sflag:s10] =	ssyncset.done $0x0  }
0x10c: {  	s1 =	rddreg [dreg:$0xa];
	[sflag:s10] =	ssyncadd.s32 $0xFFFFC000  }
0x10d: {  	[hbm4b:s1+s2] =	stream.linear.scatter [tilespmem:s7], [sflag:$0x4], $0x4000, $0x38;
	[tilespmem:$0x8100] =	vst v63  }
0x10e: {  	_ =	swait.ge [sflag:s11], $0x4000  }
0x10f: {  	[sflag:s11] =	ssyncset.done $0x0  }
0x110: {  	s1 =	rddreg [dreg:$0xb];
	[sflag:s11] =	ssyncadd.s32 $0xFFFFC000  }
0x111: {  	[tilespmem:s5], [sflag:$0x5] =	stream.linear.gather [hbm4b:s1+s2], $0x80, $0x38;
	[tilespmem:$0x8100] =	vst v63  }
0x112: {  	_ =	swait.ge [sflag:s3], $0x80  }
0x113: {  	[sflag:s3] =	ssyncset.done $0x0  }
0x114: {  	[sflag:s3] =	ssyncadd.s32 $0xFFFFFF80  }
0x115: {  	[tilespmem:s7], [sflag:$0x2] =	stream.indirect.gather [hbm4b:s4+s5], $0x80, s5, s5, $0xb8;
	[tilespmem:$0x8100] =	vst v63  }
0x116: {  	_ =	swait.ge [sflag:s8], $0x4000  }
0x117: {  	[sflag:s8] =	ssyncset.done $0x0  }
0x118: {  	s1 =	rddreg [dreg:$0xc];
	[sflag:s8] =	ssyncadd.s32 $0xFFFFC000  }
0x119: {  	[hbm4b:s1+s2] =	stream.linear.scatter [tilespmem:s6], [sflag:$0x3], $0x4000, $0x38;
	[tilespmem:$0x8100] =	vst v63  }
0x11a: {  	_ =	swait.ge [sflag:s9], $0x4000  }
0x11b: {  	[sflag:s9] =	ssyncset.done $0x0  }
0x11c: {  	s1 =	rddreg [dreg:$0xd];
	[sflag:s9] =	ssyncadd.s32 $0xFFFFC000  }
0x11d: {  	[tilespmem:s2], [sflag:$0x5] =	stream.linear.gather [hbm4b:s1+s2], $0x80, $0x38;
	[tilespmem:$0x8100] =	vst v63  }
0x11e: {  	_ =	swait.ge [sflag:s3], $0x80  }
0x11f: {  	[sflag:s3] =	ssyncset.done $0x0  }
0x120: {  	[sflag:s3] =	ssyncadd.s32 $0xFFFFFF80  }
0x121: {  	[tilespmem:s6], [sflag:$0x1] =	stream.indirect.gather [hbm4b:s4+s5], $0x80, s2, s5, $0xb8;
	[tilespmem:$0x8100] =	vst v63  }
0x122: {  	_ =	swait.ge [sflag:s10], $0x4000  }
0x123: {  	[sflag:s10] =	ssyncset.done $0x0  }
0x124: {  	s1 =	rddreg [dreg:$0xe];
	[sflag:s10] =	ssyncadd.s32 $0xFFFFC000  }
0x125: {  	[hbm4b:s1+s2] =	stream.linear.scatter [tilespmem:s7], [sflag:$0x4], $0x4000, $0x38;
	[tilespmem:$0x8100] =	vst v63  }
0x126: {  	_ =	swait.ge [sflag:s11], $0x4000  }
0x127: {  	[sflag:s11] =	ssyncset.done $0x0  }
0x128: {  	[sflag:s11] =	ssyncadd.s32 $0xFFFFC000  }
0x129: {  	[tilespmem:s5], [sflag:$0x5] =	stream.linear.gather [hbm4b:s12+s2], $0x80, $0x38;
	[tilespmem:$0x8100] =	vst v63  }
0x12a: {  	_ =	swait.ge [sflag:s3], $0x80  }
0x12b: {  	[sflag:s3] =	ssyncset.done $0x0  }
0x12c: {  	[sflag:s3] =	ssyncadd.s32 $0xFFFFFF80  }
0x12d: {  	[tilespmem:s7], [sflag:$0x2] =	stream.indirect.gather [hbm4b:s4+s5], $0x80, s5, s5, $0xb8;
	[tilespmem:$0x8100] =	vst v63  }
0x12e: {  	_ =	swait.ge [sflag:s8], $0x4000  }
0x12f: {  	[sflag:s8] =	ssyncset.done $0x0  }
0x130: {  	[sflag:s8] =	ssyncadd.s32 $0xFFFFC000  }
0x131: {  	[hbm4b:s13+s2] =	stream.linear.scatter [tilespmem:s6], [sflag:$0x3], $0x4000, $0x38;
	[tilespmem:$0x8100] =	vst v63  }
0x132: {  	_ =	swait.ge [sflag:s9], $0x4000  }
0x133: {  	[sflag:s9] =	ssyncset.done $0x0  }
0x134: {  	[sflag:s9] =	ssyncadd.s32 $0xFFFFC000  }
0x135: {  	[tilespmem:s2], [sflag:$0x5] =	stream.linear.gather [hbm4b:s14+s2], $0x80, $0x38;
	[tilespmem:$0x8100] =	vst v63  }
0x136: {  	_ =	swait.ge [sflag:s3], $0x80  }
0x137: {  	[sflag:s3] =	ssyncset.done $0x0  }
0x138: {  	[sflag:s3] =	ssyncadd.s32 $0xFFFFFF80  }
0x139: {  	[tilespmem:s6], [sflag:$0x1] =	stream.indirect.gather [hbm4b:s4+s5], $0x80, s2, s5, $0xb8;
	[tilespmem:$0x8100] =	vst v63  }
0x13a: {  	_ =	swait.ge [sflag:s10], $0x4000  }
0x13b: {  	[sflag:s10] =	ssyncset.done $0x0  }
0x13c: {  	[sflag:s10] =	ssyncadd.s32 $0xFFFFC000  }
0x13d: {  	[hbm4b:s15+s2] =	stream.linear.scatter [tilespmem:s7], [sflag:$0x4], $0x4000, $0x38;
	[tilespmem:$0x8100] =	vst v63  }
0x13e: {  	_ =	swait.ge [sflag:s11], $0x4000  }
0x13f: {  	[sflag:s11] =	ssyncset.done $0x0  }
0x140: {  	[sflag:s11] =	ssyncadd.s32 $0xFFFFC000  }
0x141: {  	[tilespmem:s5], [sflag:$0x5] =	stream.linear.gather [hbm4b:s16+s2], $0x80, $0x38;
	[tilespmem:$0x8100] =	vst v63  }
0x142: {  	_ =	swait.ge [sflag:s3], $0x80  }
0x143: {  	[sflag:s3] =	ssyncset.done $0x0  }
0x144: {  	[sflag:s3] =	ssyncadd.s32 $0xFFFFFF80  }
0x145: {  	[tilespmem:s7], [sflag:$0x2] =	stream.indirect.gather [hbm4b:s4+s5], $0x80, s5, s5, $0xb8;
	[tilespmem:$0x8100] =	vst v63  }
0x146: {  	_ =	swait.ge [sflag:s8], $0x4000  }
0x147: {  	[sflag:s8] =	ssyncset.done $0x0  }
0x148: {  	[sflag:s8] =	ssyncadd.s32 $0xFFFFC000  }
0x149: {  	[hbm4b:s17+s2] =	stream.linear.scatter [tilespmem:s6], [sflag:$0x3], $0x4000, $0x38;
	[tilespmem:$0x8100] =	vst v63  }
0x14a: {  	_ =	swait.ge [sflag:s9], $0x4000  }
0x14b: {  	[sflag:s9] =	ssyncset.done $0x0  }
0x14c: {  	[sflag:s9] =	ssyncadd.s32 $0xFFFFC000  }
0x14d: {  	[tilespmem:s2], [sflag:$0x5] =	stream.linear.gather [hbm4b:s18+s2], $0x80, $0x38;
	[tilespmem:$0x8100] =	vst v63  }
0x14e: {  	_ =	swait.ge [sflag:s3], $0x80  }
0x14f: {  	[sflag:s3] =	ssyncset.done $0x0  }
0x150: {  	[sflag:s3] =	ssyncadd.s32 $0xFFFFFF80  }
0x151: {  	[tilespmem:s6], [sflag:$0x1] =	stream.indirect.gather [hbm4b:s4+s5], $0x80, s2, s5, $0xb8;
	[tilespmem:$0x8100] =	vst v63  }
0x152: {  	_ =	swait.ge [sflag:s10], $0x4000  }
0x153: {  	[sflag:s10] =	ssyncset.done $0x0  }
0x154: {  	[sflag:s10] =	ssyncadd.s32 $0xFFFFC000  }
0x155: {  	[hbm4b:s19+s2] =	stream.linear.scatter [tilespmem:s7], [sflag:$0x4], $0x4000, $0x38;
	[tilespmem:$0x8100] =	vst v63  }
0x156: {  	_ =	swait.ge [sflag:s11], $0x4000  }
0x157: {  	[sflag:s11] =	ssyncset.done $0x0  }
0x158: {  	[sflag:s11] =	ssyncadd.s32 $0xFFFFC000  }
0x159: {  	[tilespmem:s5], [sflag:$0x5] =	stream.linear.gather [hbm4b:s20+s2], $0x80, $0x38;
	[tilespmem:$0x8100] =	vst v63  }
0x15a: {  	_ =	swait.ge [sflag:s3], $0x80  }
0x15b: {  	[sflag:s3] =	ssyncset.done $0x0  }
0x15c: {  	[sflag:s3] =	ssyncadd.s32 $0xFFFFFF80  }
0x15d: {  	[tilespmem:s7], [sflag:$0x2] =	stream.indirect.gather [hbm4b:s4+s5], $0x80, s5, s5, $0xb8;
	[tilespmem:$0x8100] =	vst v63  }
0x15e: {  	_ =	swait.ge [sflag:s8], $0x4000  }
0x15f: {  	[sflag:s8] =	ssyncset.done $0x0  }
0x160: {  	[sflag:s8] =	ssyncadd.s32 $0xFFFFC000  }
0x161: {  	[hbm4b:s21+s2] =	stream.linear.scatter [tilespmem:s6], [sflag:$0x3], $0x4000, $0x38;
	[tilespmem:$0x8100] =	vst v63  }
0x162: {  	_ =	swait.ge [sflag:s9], $0x4000  }
0x163: {  	[sflag:s9] =	ssyncset.done $0x0  }
0x164: {  	[sflag:s9] =	ssyncadd.s32 $0xFFFFC000  }
0x165: {  	[tilespmem:s2], [sflag:$0x5] =	stream.linear.gather [hbm4b:s22+s2], $0x80, $0x38;
	[tilespmem:$0x8100] =	vst v63  }
0x166: {  	_ =	swait.ge [sflag:s3], $0x80  }
0x167: {  	[sflag:s3] =	ssyncset.done $0x0  }
0x168: {  	[sflag:s3] =	ssyncadd.s32 $0xFFFFFF80  }
0x169: {  	[tilespmem:s6], [sflag:$0x1] =	stream.indirect.gather [hbm4b:s4+s5], $0x80, s2, s5, $0xb8;
	[tilespmem:$0x8100] =	vst v63  }
0x16a: {  	_ =	swait.ge [sflag:s10], $0x4000  }
0x16b: {  	[sflag:s10] =	ssyncset.done $0x0  }
0x16c: {  	[sflag:s10] =	ssyncadd.s32 $0xFFFFC000  }
0x16d: {  	[hbm4b:s23+s2] =	stream.linear.scatter [tilespmem:s7], [sflag:$0x4], $0x4000, $0x38;
	[tilespmem:$0x8100] =	vst v63  }
0x16e: {  	_ =	swait.ge [sflag:s11], $0x4000  }
0x16f: {  	[sflag:s11] =	ssyncset.done $0x0  }
0x170: {  	[sflag:s11] =	ssyncadd.s32 $0xFFFFC000  }
0x171: {  	[tilespmem:s5], [sflag:$0x5] =	stream.linear.gather [hbm4b:s24+s2], $0x80, $0x38;
	[tilespmem:$0x8100] =	vst v63  }
0x172: {  	_ =	swait.ge [sflag:s3], $0x80  }
0x173: {  	[sflag:s3] =	ssyncset.done $0x0  }
0x174: {  	[sflag:s3] =	ssyncadd.s32 $0xFFFFFF80  }
0x175: {  	[tilespmem:s7], [sflag:$0x2] =	stream.indirect.gather [hbm4b:s4+s5], $0x80, s5, s5, $0xb8;
	[tilespmem:$0x8100] =	vst v63  }
0x176: {  	_ =	swait.ge [sflag:s8], $0x4000  }
0x177: {  	[sflag:s8] =	ssyncset.done $0x0  }
0x178: {  	[sflag:s8] =	ssyncadd.s32 $0xFFFFC000  }
0x179: {  	[hbm4b:s25+s2] =	stream.linear.scatter [tilespmem:s6], [sflag:$0x3], $0x4000, $0x38;
	[tilespmem:$0x8100] =	vst v63  }
0x17a: {  	_ =	swait.ge [sflag:s9], $0x4000  }
0x17b: {  	[sflag:s9] =	ssyncset.done $0x0  }
0x17c: {  	[sflag:s9] =	ssyncadd.s32 $0xFFFFC000  }
0x17d: {  	[tilespmem:s2], [sflag:$0x5] =	stream.linear.gather [hbm4b:s26+s2], $0x80, $0x38;
	[tilespmem:$0x8100] =	vst v63  }
0x17e: {  	_ =	swait.ge [sflag:s3], $0x80  }
0x17f: {  	[sflag:s3] =	ssyncset.done $0x0  }
0x180: {  	[sflag:s3] =	ssyncadd.s32 $0xFFFFFF80  }
0x181: {  	[tilespmem:s6], [sflag:$0x1] =	stream.indirect.gather [hbm4b:s4+s5], $0x80, s2, s5, $0xb8;
	[tilespmem:$0x8100] =	vst v63  }
0x182: {  	_ =	swait.ge [sflag:s10], $0x4000  }
0x183: {  	[sflag:s10] =	ssyncset.done $0x0  }
0x184: {  	[sflag:s10] =	ssyncadd.s32 $0xFFFFC000  }
0x185: {  	[hbm4b:s28+s2] =	stream.linear.scatter [tilespmem:s7], [sflag:$0x4], $0x4000, $0x38;
	[tilespmem:$0x8100] =	vst v63  }
0x186: {  	_ =	swait.ge [sflag:s11], $0x4000  }
0x187: {  	[sflag:s11] =	ssyncset.done $0x0  }
0x188: {  	[sflag:s11] =	ssyncadd.s32 $0xFFFFC000  }
0x189: {  	[tilespmem:s5], [sflag:$0x5] =	stream.linear.gather [hbm4b:s29+s2], $0x80, $0x38;
	[tilespmem:$0x8100] =	vst v63  }
0x18a: {  	_ =	swait.ge [sflag:s3], $0x80  }
0x18b: {  	[sflag:s3] =	ssyncset.done $0x0  }
0x18c: {  	[sflag:s3] =	ssyncadd.s32 $0xFFFFFF80  }
0x18d: {  	[tilespmem:s7], [sflag:$0x2] =	stream.indirect.gather [hbm4b:s4+s5], $0x80, s5, s5, $0xb8;
	[tilespmem:$0x8100] =	vst v63  }
0x18e: {  	_ =	swait.ge [sflag:s8], $0x4000  }
0x18f: {  	[sflag:s8] =	ssyncset.done $0x0  }
0x190: {  	[sflag:s8] =	ssyncadd.s32 $0xFFFFC000  }
0x191: {  	[hbm4b:s30+s2] =	stream.linear.scatter [tilespmem:s6], [sflag:$0x3], $0x4000, $0x38;
	[tilespmem:$0x8100] =	vst v63  }
0x192: {  	_ =	swait.ge [sflag:s10], $0x4000  }
0x193: {  	[sflag:s10] =	ssyncset.done $0x0  }
0x194: {  	p0 =	sne.s32 s0, $0x1;
	[sflag:s10] =	ssyncadd.s32 $0xFFFFC000  }
0x195: {  	[hbm4b:s31+s2] =	stream.linear.scatter [tilespmem:s7], [sflag:$0x4], $0x4000, $0x38;
	[tilespmem:$0x8100] =	vst v63  }
.Ltmp1:
0x196: {  	_ =	swait.ge [sflag:s9], $0x4000;
	(pc) =	sbr.rel @p0 .LBB2_1-.Ltmp1, $4  }
0x197: {  	[sflag:s9] =	ssyncset.done $0x0  }
0x198: {  	[sflag:s9] =	ssyncadd.s32 $0xFFFFC000  }
0x199: {  	_ =	swait.ge [sflag:s11], $0x4000  }
0x19a: {  	s0 =	sadd.s32 $0xFFFFFFFF, s0;
	[sflag:s11] =	ssyncset.done $0x0  }
.LBB2_2:
0x19b: {  	[sflag:s11] =	ssyncadd.s32 $0xFFFFC000  }
0x19c: {  	_ =	sfence.sel $0x180000  }
0x19d: {  	[bflag:$0x0] =	sbarrier.arrive $0xFFFF  }
0x19e: {  	_ =	strace $0x9000004D  }
0x19f: {  	s0 =	stileid.u32;
	[bflag:$0x2] =	sbarrier.arrive $0xFFFF  }
0x1a0: {  	p0 =	sne.s32 s0, $0x0;
	s0 =	rddreg [dreg:$0x1]  }
0x1a1: {  	s0 =	sadd.s32 @!p0 $0x100000, s0  }
0x1a2: {  	[sflag:s0] =	ssyncadd.tile.s32 @!p0 $0x1;
	_ =	shalt  }
.Lfunc_end2:
_tile_overlayer_lowered:
.L_overlay_start_2:
0x1a3: {  	(tag) =	ssettag $0x2  }
0x1a4: {  	s0 =	rddreg [dreg:$0x0];
	s2 =	stileid.u32  }
0x1a5: {  	s1 =	rddreg [dreg:$0x1];
	p0 =	sne.s32 s2, $0x0  }
0x1a6: {  	s3 =	rddreg [dreg:$0x2];
	[bflag:$0x3] =	sbarrier.arrive $0xFFFF;
	s2 =	simm.s32 @!p0 $0x1C05  }
0x1a7: {  	[timem:s3], [sflag:s2] =	dma.local @!p0 [hbm:s0], s1  }
0x1a8: {  	s0 =	simm.s32 @!p0 $0x5  }
0x1a9: {  	_ =	swait.ge @!p0 [sflag:s0], s1  }
0x1aa: {  	s1 =	ssub.s32 @!p0 $0x0, s1;
	[sflag:s0] =	ssyncset.done @!p0 $0x0  }
0x1ab: {  	[sflag:s0] =	ssyncadd.s32 @!p0 s1  }
0x1ac: {  	[bflag:$0x3] =	sbarrier.arrive $0xFFFF  }
0x1ad: {  	_ =	shalt  }

// kernel: kernel.20.cloned.1.call-start
scs
__scs_entry_jumppad:
0x0: {  	(pc) =	sbr.rel $0x88, $3  }
0x1: {  	(tag) =	ssettag $0x0;
	lr =	simm.s32 $0x1  }
0x2: {  	[smem:$0x3F99] =	sst lr;
	_ =	strace $0xD0000000  }
0x3: {  	_ = 	snop  }
0x4: {  	_ = 	snop  }
0x5: {  	_ = 	snop  }
0x6: {  	_ = 	snop  }
0x7: {  	_ = 	snop  }
__scs_overlays_trampoline_lowered:
0x8: {  	[smem:$0x3FA8] =	sst s0  }
0x9: {  	[smem:$0x3FA9] =	sst s1  }
0xa: {  	[smem:$0x3FAA] =	sst s2  }
0xb: {  	[smem:$0x3FAB] =	sst s3  }
0xc: {  	[smem:$0x3FAC] =	sst s4  }
0xd: {  	[smem:$0x3FAD] =	sst s5  }
0xe: {  	[smem:$0x3FAE] =	sst s6  }
0xf: {  	[smem:$0x3FAF] =	sst s7  }
0x10: {  	[smem:$0x3FB0] =	sst s8  }
0x11: {  	[smem:$0x3FB1] =	sst s9;
	s0 =	simm.s32 @!p0 $0x0  }
0x12: {  	s1 =	sld [smem:$0x3F97];
	s0 =	simm.s32 @p0 $0x1  }
0x13: {  	[smem:$0x3FB2] =	sst s0;
	s0 =	simm.s32 @!p1 $0x0  }
0x14: {  	s2 =	sld [smem:$0x3F96];
	s0 =	simm.s32 @p1 $0x1  }
0x15: {  	[smem:$0x3FB3] =	sst s0;
	s0 =	simm.s32 @!p2 $0x0  }
0x16: {  	s3 =	sld [smem:$0x3FDB];
	s0 =	simm.s32 @p2 $0x1  }
0x17: {  	s4 =	simm.s32 $0x1BF5;
	[smem:$0x3FB5] =	sst s0  }
0x18: {  	s0 =	sld [smem:$0x3F98];
	_ =	swait.ge [sflag:s4], $0x0  }
0x19: {  	s7 =	sld [smem:$0x3F99]  }
0x1a: {  	s8 =	sadd.s32 $0xFFFFE003, lr  }
0x1b: {  	s9 =	sadd.s32 $0xFFFFFEF7, lr;
	s5 =	simm.s32 $0xFFFFFFFF;
	p2 =	slt.u32 s8, $0xFFFFF086  }
0x1c: {  	p1 =	slt.u32 s9, $0xF7A;
	s5 =	simm.s32 @!p2 $0x0  }
0x1d: {  	s5 =	simm.s32 @p1 $0x1;
	p0 =	seq.s32 s7, s2  }
0x1e: {  	s7 =	smul.u32 @!p0 $0xF7A, s2;
	p2 =	seq.s32 @!p0 s5, $0x0  }
0x1f: {  	s9 =	smul.u32 $0xF7A, s1;
	s8 =	simm.s32 @!p0 $0x1BF5;
	p2 =	por !p2, p0  }
0x20: {  	[sflag:s8] =	ssyncset.s32 @!p0 $0xFFFFF086;
	s6 =	sadd.s32 @!p0 s3, s7;
	s7 =	simm.s32 @!p0 $0x108  }
0x21: {  	s3 =	sadd.s32 s3, s9;
	s6 =	sadd.s32 @!p0 $0x88, s6;
	s7 =	simm.s32 @p2 $0x1082  }
0x22: {  	[simem:s7], [sflag:s8] =	dma.local @!p0 [hbm:s6], $0xF7A  }
0x23: {  	s9 =	sor.u32 $0xD0000000, s2;
	s6 =	simm.s32 $0x108;
	_ =	swait.ge @!p0 [sflag:s8], $0x0  }
0x24: {  	s3 =	sadd.s32 $0x88, s3;
	s6 =	simm.s32 @!p1 $0x1082;
	[sflag:s4] =	ssyncset.s32 $0xFFFFF086  }
0x25: {  	[simem:s6], [sflag:s4] =	dma.local [hbm:s3], $0xF7A  }
0x26: {  	[smem:$0x3F99] =	sst s1;
	(tag) =	ssettag s2;
	_ =	strace s9  }
0x27: {  	s1 =	sld [smem:$0x3FA9]  }
0x28: {  	s2 =	sld [smem:$0x3FAA]  }
0x29: {  	s4 =	sld [smem:$0x3FAC]  }
0x2a: {  	p0 =	seq.s32 s5, $0x0;
	s5 =	sld [smem:$0x3FAD]  }
0x2b: {  	s6 =	sld [smem:$0x3FAE]  }
0x2c: {  	s7 =	sld [smem:$0x3FAF]  }
0x2d: {  	s3 =	simm.s32 $0x108;
	s8 =	sld [smem:$0x3FB0]  }
0x2e: {  	s3 =	simm.s32 @!p0 $0x1082;
	s9 =	sld [smem:$0x3FB1]  }
0x2f: {  	lr =	sadd.s32 s0, s3;
	s0 =	sld [smem:$0x3FA8]  }
0x30: {  	s3 =	sld [smem:$0x3FAB]  }
0x31: {  	[smem:$0x3FB4] =	sst s10  }
0x32: {  	s10 =	sld [smem:$0x3FB2];
	_ =	sdelay $0x3  }
0x33: {  	p0 =	seq.s32 s10, $0x1;
	s10 =	sld [smem:$0x3FB4];
	_ =	sdelay $0x3  }
0x34: {  	[smem:$0x3FB4] =	sst s10  }
0x35: {  	s10 =	sld [smem:$0x3FB3];
	_ =	sdelay $0x3  }
0x36: {  	p1 =	seq.s32 s10, $0x1;
	s10 =	sld [smem:$0x3FB4];
	_ =	sdelay $0x3  }
0x37: {  	[smem:$0x3FB4] =	sst s10  }
0x38: {  	s10 =	sld [smem:$0x3FB5]  }
0x39: {  	_ = 	snop;
	(pc) =	sbr.ind lr, $3  }
0x3a: {  	_ = 	snop  }
0x3b: {  	_ = 	snop  }
0x3c: {  	p2 =	seq.s32 s10, $0x1;
	s10 =	sld [smem:$0x3FB4]  }
0x3d: {  	_ =	shalt  }
0x3e: {  	_ =	shalt  }
0x3f: {  	_ =	shalt  }
0x40: {  	_ =	shalt  }
0x41: {  	_ =	shalt  }
0x42: {  	_ =	shalt  }
0x43: {  	_ =	shalt  }
0x44: {  	_ =	shalt  }
0x45: {  	_ =	shalt  }
0x46: {  	_ =	shalt  }
0x47: {  	_ =	shalt  }
0x48: {  	_ =	shalt  }
0x49: {  	_ =	shalt  }
0x4a: {  	_ =	shalt  }
0x4b: {  	_ =	shalt  }
0x4c: {  	_ =	shalt  }
0x4d: {  	_ =	shalt  }
0x4e: {  	_ =	shalt  }
0x4f: {  	_ =	shalt  }
0x50: {  	_ =	shalt  }
0x51: {  	_ =	shalt  }
0x52: {  	_ =	shalt  }
0x53: {  	_ =	shalt  }
0x54: {  	_ =	shalt  }
0x55: {  	_ =	shalt  }
0x56: {  	_ =	shalt  }
0x57: {  	_ =	shalt  }
0x58: {  	_ =	shalt  }
0x59: {  	_ =	shalt  }
0x5a: {  	_ =	shalt  }
0x5b: {  	_ =	shalt  }
0x5c: {  	_ =	shalt  }
0x5d: {  	_ =	shalt  }
0x5e: {  	_ =	shalt  }
0x5f: {  	_ =	shalt  }
0x60: {  	_ =	shalt  }
0x61: {  	_ =	shalt  }
0x62: {  	_ =	shalt  }
0x63: {  	_ =	shalt  }
0x64: {  	_ =	shalt  }
0x65: {  	_ =	shalt  }
0x66: {  	_ =	shalt  }
0x67: {  	_ =	shalt  }
0x68: {  	_ =	shalt  }
0x69: {  	_ =	shalt  }
0x6a: {  	_ =	shalt  }
0x6b: {  	_ =	shalt  }
0x6c: {  	_ =	shalt  }
0x6d: {  	_ =	shalt  }
0x6e: {  	_ =	shalt  }
0x6f: {  	_ =	shalt  }
0x70: {  	_ =	shalt  }
0x71: {  	_ =	shalt  }
0x72: {  	_ =	shalt  }
0x73: {  	_ =	shalt  }
0x74: {  	_ =	shalt  }
0x75: {  	_ =	shalt  }
0x76: {  	_ =	shalt  }
0x77: {  	_ =	shalt  }
0x78: {  	_ =	shalt  }
0x79: {  	_ =	shalt  }
0x7a: {  	_ =	shalt  }
0x7b: {  	_ =	shalt  }
0x7c: {  	_ =	shalt  }
0x7d: {  	_ =	shalt  }
0x7e: {  	_ =	shalt  }
0x7f: {  	_ =	shalt  }
0x80: {  	_ =	shalt  }
0x81: {  	_ =	shalt  }
0x82: {  	_ =	shalt  }
0x83: {  	_ =	shalt  }
0x84: {  	_ =	shalt  }
0x85: {  	_ =	shalt  }
0x86: {  	_ =	shalt  }
0x87: {  	_ =	shalt  }
.Lfunc_end0:
.L_simem_size_0:
called_computation.4_lowered:
.L_overlay_start_0:
0x88: {  	s2 =	sld [smem:$0x3FD9]  }
0x89: {  	s3 =	sld [smem:$0x3FFE];
	_ =	sdelay $0x1  }
0x8a: {  	s1 =	srdreg.scid  }
0x8b: {  	s0 =	sand.u32 $0x1, s1  }
0x8c: {  	s17 =	sshll.u32 s0, $0xA;
	s2 =	sadd.s32 s3, s2  }
0x8d: {  	s2 =	sadd.s32 s2, s17  }
0x8e: {  	[smem:$0x3FC0] =	sst s2  }
0x8f: {  	_ = 	snop  }
0x90: {  	s2 =	sld [smem:$0x3FD0];
	(tm) =	ssettm $0x1  }
0x91: {  	s18 =	sld [smem:$0x3FFB];
	_ =	sdelay $0x3  }
0x92: {  	_ =	strace s18  }
0x93: {  	s3 =	sld [smem:$0x3FFC];
	_ =	sdelay $0x3  }
0x94: {  	_ =	strace s3  }
0x95: {  	s3 =	sld [smem:$0x3FFD];
	_ =	sdelay $0x3  }
0x96: {  	_ =	strace s3  }
0x97: {  	_ =	strace $0x8FFFFFFF  }
0x98: {  	s19 =	sld [smem:$0x3FDB];
	_ =	sdelay $0x1  }
0x99: {  	s4 =	simm.s32 $_scs_section_size  }
0x9a: {  	s5 =	simm.s32 $_size__tile_overlayer_lowered;
	s6 =	simm.s32 $_tile_overlayer_lowered  }
0x9b: {  	s22 =	simm.s32 $0x1BFF;
	s21 =	sshll.u32 s6, $0x1;
	s3 =	sadd.s32 s4, s19  }
0x9c: {  	s7 =	simm.s32 $0x0;
	s20 =	sshll.u32 s5, $0x1;
	s5 =	sadd.s32 s21, s3  }
0x9d: {  	[timem:s7], [sflag:s22] =	dma.local [hbm:s5], s20  }
0x9e: {  	_ =	swait.ge [sflag:s22], s20  }
0x9f: {  	s4 =	ssub.s32 $0x0, s20;
	[sflag:s22] =	ssyncset.done $0x0  }
0xa0: {  	[sflag:s22] =	ssyncadd.s32 s4;
	_ =	sdelay $0x1  }
0xa1: {  	s23 =	simm.s32 $0x1B8B  }
0xa2: {  	_ =	swait.ge [sflag:s23], $0x1  }
0xa3: {  	[sflag:s23] =	ssyncset.done $0x0  }
0xa4: {  	s25 =	simm.s32 $0x1B8E;
	s24 =	sld [smem:$0x3FFE];
	[sflag:s23] =	ssyncadd.s32 $0xFFFFFFFF  }
0xa5: {  	s26 =	simm.s32 $execute0_lowered;
	[smem:$0x3FD2] =	sst s25  }
0xa6: {  	s5 =	sshll.u32 s26, $0x1;
	_ =	strace $0x8000004F;
	[dreg:$0x1] =	wrdreg $0xFFFFFFFF  }
0xa7: {  	s28 =	simm.s32 $_size_execute0_lowered;
	s3 =	sadd.s32 s3, s5;
	[dreg:$0x0] =	wrdreg $0x0  }
0xa8: {  	s5 =	sshll.u32 s28, $0x1;
	[dreg:$0x2] =	wrdreg s3  }
0xa9: {  	[dreg:$0x3] =	wrdreg s5  }
0xaa: {  	[dreg:$0x4] =	wrdreg $0xC0  }
0xab: {  	_ =	task [dreg:s7], $0x5FFFF  }
0xac: {  	[dreg:$0x1] =	wrdreg $0xFFFFFFFF  }
0xad: {  	[dreg:$0x0] =	wrdreg $0x60  }
0xae: {  	[dreg:$0x2] =	wrdreg s2  }
0xaf: {  	[dreg:$0x3] =	wrdreg s24  }
0xb0: {  	[dreg:$0x4] =	wrdreg $0x9  }
0xb1: {  	_ =	task.clear_ibuf [dreg:s7], $0x5FFFF;
	_ =	strace $0x9000004F  }
0xb2: {  	s29 =	simm.s32 $0x9;
	_ =	strace $0x80000051  }
0xb3: {  	_ =	swait.ge [sflag:s29], $0x1  }
0xb4: {  	[sflag:s29] =	ssyncadd.s32 $0xFFFFFFFF  }
0xb5: {  	_ =	strace $0x90000051  }
0xb6: {  	_ =	sfence  }
0xb7: {  	s30 =	sld [smem:$0x0];
	_ =	sdelay $0x2  }
0xb8: {  	s31 =	sshll.u32 s1, $0xD;
	s1 =	sshrl.u32 s1, $0x2  }
0xb9: {  	s3 =	sand.u32 $0x4000, s31;
	s1 =	sadd.s32 s1, s30  }
0xba: {  	s0 =	sor.u32 s3, s0;
	s1 =	sshll.u32 s1, $0x11  }
0xbb: {  	s0 =	sor.u32 s1, s0  }
0xbc: {  	s0 =	sadd.s32 $0x8F2B, s0  }
0xbd: {  	[sflag:s0] =	ssyncadd.remote.s32 $0x1  }
0xbe: {  	_ =	sfence.sel $0xFFFF  }
0xbf: {  	[dreg:$0x0] =	wrdreg $0xFFFFFFFF;
	(pc) =	sbr.abs _section_cstart, $3  }
0xc0: {  	[dreg:$0x1] =	wrdreg $0xFFFFFFFF  }
0xc1: {  	_ =	task.clear_ibuf [dreg:s7], $0x2FFFF;
	_ =	strace $0x9FFFFFFF  }
0xc2: {  	(tm) =	ssettm $0x7FFFFFFF  }
0xc3: {  	_ =	shalt  }
tec
execute0_lowered:
.L_overlay_start_1:
0x0: {  	(tag) =	ssettag $0x1  }
0x1: {  	s31 =	rddreg [dreg:$0x0]  }
0x2: {  	s8 =	rddreg [dreg:$0x1];
	s0 =	srdreg.scid  }
0x3: {  	s1 =	stileid.u32;
	s2 =	simm.s32 $0x0;
	s0 =	sand.u32 $0x1, s0  }
0x4: {  	s1 =	sshll.u32 s1, $0xC;
	[smem:$0x7FF] =	sst s2;
	s3 =	sshll.u32 s0, $0xB  }
0x5: {  	[dreg:$0x11] =	wrdreg s0;
	s1 =	sor.u32 s3, s1  }
0x6: {  	s30 =	sadd.s32 $0x200E00, s8;
	_ =	strace $0x80000050;
	s3 =	sshrl.u32 s1, $0x3  }
0x7: {  	s4 =	sshll.u32 s1, $0x4;
	s5 =	sor.u32 $0x80, s1;
	s23 =	sor.u32 $0x100, s1  }
0x8: {  	s25 =	sor.u32 $0x180, s1;
	s11 =	sor.u32 $0x280, s1;
	s3 =	sadd.s32 s30, s3  }
0x9: {  	s18 =	sadd.s32 s31, s4;
	s19 =	sshrl.u32 s5, $0x3;
	[dreg:$0x3] =	wrdreg s3  }
0xa: {  	s21 =	sshll.u32 s5, $0x4;
	[dreg:$0x4] =	wrdreg s18;
	s20 =	sadd.s32 s30, s19  }
0xb: {  	s24 =	sshrl.u32 s23, $0x3;
	s22 =	sadd.s32 s31, s21;
	[dreg:$0x5] =	wrdreg s20  }
0xc: {  	s4 =	sshll.u32 s23, $0x4;
	s3 =	sadd.s32 s30, s24;
	[dreg:$0x6] =	wrdreg s22  }
0xd: {  	s0 =	sshrl.u32 s25, $0x3;
	s26 =	sadd.s32 s31, s4;
	[dreg:$0x7] =	wrdreg s3  }
0xe: {  	s6 =	sshll.u32 s25, $0x4;
	s4 =	sadd.s32 s30, s0;
	[dreg:$0x8] =	wrdreg s26  }
0xf: {  	s13 =	sshrl.u32 s11, $0x3;
	s7 =	sadd.s32 s31, s6;
	[dreg:$0x9] =	wrdreg s4  }
0x10: {  	s9 =	sor.u32 $0x200, s1;
	s14 =	sadd.s32 s30, s13;
	[dreg:$0xa] =	wrdreg s7  }
0x11: {  	s10 =	sshrl.u32 s9, $0x3;
	s4 =	sshll.u32 s9, $0x4;
	[dreg:$0xd] =	wrdreg s14  }
0x12: {  	s15 =	sshll.u32 s11, $0x4;
	s17 =	rddreg [dreg:$0x3];
	s12 =	sadd.s32 s31, s4  }
0x13: {  	[tilespmem:s2], [sflag:$0x5] =	stream.linear.gather [hbm4b:s17+s2], $0x80, $0x38;
	[tilespmem:$0x8100] =	vst v63  }
0x14: {  	s3 =	sadd.s32 s30, s10;
	[dreg:$0xc] =	wrdreg s12;
	s12 =	sor.u32 $0x300, s1  }
0x15: {  	[dreg:$0xb] =	wrdreg s3;
	s3 =	sadd.s32 s31, s15;
	s16 =	sshrl.u32 s12, $0x3  }
0x16: {  	[dreg:$0xe] =	wrdreg s3;
	s18 =	sadd.s32 s30, s16  }
0x17: {  	s3 =	simm.s32 $0x5;
	[dreg:$0xf] =	wrdreg s18  }
0x18: {  	_ =	swait.ge [sflag:s3], $0x80  }
0x19: {  	[sflag:s3] =	ssyncset.done $0x0  }
0x1a: {  	s4 =	simm.s32 $0x100;
	s19 =	rddreg [dreg:$0x4];
	[sflag:s3] =	ssyncadd.s32 $0xFFFFFF80  }
0x1b: {  	[tilespmem:s4], [sflag:$0x1] =	stream.linear.gather [hbm4b:s19+s2], $0x4000, $0x38;
	[tilespmem:$0x8100] =	vst v63  }
0x1c: {  	s5 =	simm.s32 $0x80;
	s6 =	rddreg [dreg:$0x5]  }
0x1d: {  	[tilespmem:s5], [sflag:$0x5] =	stream.linear.gather [hbm4b:s6+s2], $0x80, $0x38;
	[tilespmem:$0x8100] =	vst v63  }
0x1e: {  	_ =	swait.ge [sflag:s3], $0x80  }
0x1f: {  	s7 =	simm.s32 $0x1;
	[sflag:s3] =	ssyncset.done $0x0  }
0x20: {  	s6 =	simm.s32 $0x4100;
	s9 =	rddreg [dreg:$0x6];
	[sflag:s3] =	ssyncadd.s32 $0xFFFFFF80  }
0x21: {  	[tilespmem:s6], [sflag:$0x2] =	stream.linear.gather [hbm4b:s9+s2], $0x4000, $0x38;
	[tilespmem:$0x8100] =	vst v63  }
0x22: {  	_ =	swait.ge [sflag:s7], $0x4000  }
0x23: {  	[sflag:s7] =	ssyncset.done $0x0  }
0x24: {  	s8 =	sadd.s32 $0xE00, s8;
	s9 =	simm.s32 $0x3;
	[sflag:s7] =	ssyncadd.s32 $0xFFFFC000  }
0x25: {  	[hbm4b:s8+s5] =	stream.indirect.scatter [tilespmem:s4], [sflag:$0x3], $0x80, s2, s5, $0xb8;
	[tilespmem:$0x8100] =	vst v63  }
0x26: {  	_ =	swait.ge [sflag:s9], $0x4000  }
0x27: {  	[sflag:s9] =	ssyncset.done $0x0  }
0x28: {  	s10 =	rddreg [dreg:$0x7];
	[sflag:s9] =	ssyncadd.s32 $0xFFFFC000  }
0x29: {  	[tilespmem:s2], [sflag:$0x5] =	stream.linear.gather [hbm4b:s10+s2], $0x80, $0x38;
	[tilespmem:$0x8100] =	vst v63  }
0x2a: {  	_ =	swait.ge [sflag:s3], $0x80  }
0x2b: {  	[sflag:s3] =	ssyncset.done $0x0  }
0x2c: {  	s10 =	simm.s32 $0x2;
	s11 =	rddreg [dreg:$0x8];
	[sflag:s3] =	ssyncadd.s32 $0xFFFFFF80  }
0x2d: {  	[tilespmem:s4], [sflag:$0x1] =	stream.linear.gather [hbm4b:s11+s2], $0x4000, $0x38;
	[tilespmem:$0x8100] =	vst v63  }
0x2e: {  	_ =	swait.ge [sflag:s10], $0x4000  }
0x2f: {  	[sflag:s10] =	ssyncset.done $0x0  }
0x30: {  	s11 =	simm.s32 $0x4;
	[sflag:s10] =	ssyncadd.s32 $0xFFFFC000  }
0x31: {  	[hbm4b:s8+s5] =	stream.indirect.scatter [tilespmem:s6], [sflag:$0x4], $0x80, s5, s5, $0xb8;
	[tilespmem:$0x8100] =	vst v63  }
0x32: {  	_ =	swait.ge [sflag:s11], $0x4000  }
0x33: {  	[sflag:s11] =	ssyncset.done $0x0  }
0x34: {  	s13 =	rddreg [dreg:$0x9];
	[sflag:s11] =	ssyncadd.s32 $0xFFFFC000  }
0x35: {  	[tilespmem:s5], [sflag:$0x5] =	stream.linear.gather [hbm4b:s13+s2], $0x80, $0x38;
	[tilespmem:$0x8100] =	vst v63  }
0x36: {  	_ =	swait.ge [sflag:s3], $0x80  }
0x37: {  	[sflag:s3] =	ssyncset.done $0x0  }
0x38: {  	s20 =	rddreg [dreg:$0xa];
	[sflag:s3] =	ssyncadd.s32 $0xFFFFFF80  }
0x39: {  	[tilespmem:s6], [sflag:$0x2] =	stream.linear.gather [hbm4b:s20+s2], $0x4000, $0x38;
	[tilespmem:$0x8100] =	vst v63  }
0x3a: {  	_ =	swait.ge [sflag:s7], $0x4000  }
0x3b: {  	[sflag:s7] =	ssyncset.done $0x0  }
0x3c: {  	[sflag:s7] =	ssyncadd.s32 $0xFFFFC000  }
0x3d: {  	[hbm4b:s8+s5] =	stream.indirect.scatter [tilespmem:s4], [sflag:$0x3], $0x80, s2, s5, $0xb8;
	[tilespmem:$0x8100] =	vst v63  }
0x3e: {  	_ =	swait.ge [sflag:s9], $0x4000  }
0x3f: {  	[sflag:s9] =	ssyncset.done $0x0  }
0x40: {  	s21 =	rddreg [dreg:$0xb];
	[sflag:s9] =	ssyncadd.s32 $0xFFFFC000  }
0x41: {  	[tilespmem:s2], [sflag:$0x5] =	stream.linear.gather [hbm4b:s21+s2], $0x80, $0x38;
	[tilespmem:$0x8100] =	vst v63  }
0x42: {  	_ =	swait.ge [sflag:s3], $0x80  }
0x43: {  	[sflag:s3] =	ssyncset.done $0x0  }
0x44: {  	s22 =	rddreg [dreg:$0xc];
	[sflag:s3] =	ssyncadd.s32 $0xFFFFFF80  }
0x45: {  	[tilespmem:s4], [sflag:$0x1] =	stream.linear.gather [hbm4b:s22+s2], $0x4000, $0x38;
	[tilespmem:$0x8100] =	vst v63  }
0x46: {  	_ =	swait.ge [sflag:s10], $0x4000  }
0x47: {  	[sflag:s10] =	ssyncset.done $0x0  }
0x48: {  	[sflag:s10] =	ssyncadd.s32 $0xFFFFC000  }
0x49: {  	[hbm4b:s8+s5] =	stream.indirect.scatter [tilespmem:s6], [sflag:$0x4], $0x80, s5, s5, $0xb8;
	[tilespmem:$0x8100] =	vst v63  }
0x4a: {  	_ =	swait.ge [sflag:s11], $0x4000  }
0x4b: {  	[sflag:s11] =	ssyncset.done $0x0  }
0x4c: {  	s23 =	rddreg [dreg:$0xd];
	[sflag:s11] =	ssyncadd.s32 $0xFFFFC000  }
0x4d: {  	[tilespmem:s5], [sflag:$0x5] =	stream.linear.gather [hbm4b:s23+s2], $0x80, $0x38;
	[tilespmem:$0x8100] =	vst v63  }
0x4e: {  	_ =	swait.ge [sflag:s3], $0x80  }
0x4f: {  	[sflag:s3] =	ssyncset.done $0x0  }
0x50: {  	s24 =	rddreg [dreg:$0xe];
	[sflag:s3] =	ssyncadd.s32 $0xFFFFFF80  }
0x51: {  	[tilespmem:s6], [sflag:$0x2] =	stream.linear.gather [hbm4b:s24+s2], $0x4000, $0x38;
	[tilespmem:$0x8100] =	vst v63  }
0x52: {  	_ =	swait.ge [sflag:s7], $0x4000  }
0x53: {  	[sflag:s7] =	ssyncset.done $0x0  }
0x54: {  	[sflag:s7] =	ssyncadd.s32 $0xFFFFC000  }
0x55: {  	[hbm4b:s8+s5] =	stream.indirect.scatter [tilespmem:s4], [sflag:$0x3], $0x80, s2, s5, $0xb8;
	[tilespmem:$0x8100] =	vst v63  }
0x56: {  	_ =	swait.ge [sflag:s9], $0x4000  }
0x57: {  	[sflag:s9] =	ssyncset.done $0x0  }
0x58: {  	s25 =	rddreg [dreg:$0xf];
	[sflag:s9] =	ssyncadd.s32 $0xFFFFC000  }
0x59: {  	[tilespmem:s2], [sflag:$0x5] =	stream.linear.gather [hbm4b:s25+s2], $0x80, $0x38;
	[tilespmem:$0x8100] =	vst v63  }
0x5a: {  	s12 =	sshll.u32 s12, $0x4;
	_ =	swait.ge [sflag:s3], $0x80  }
0x5b: {  	s26 =	sadd.s32 s31, s12;
	[sflag:s3] =	ssyncset.done $0x0  }
0x5c: {  	[dreg:$0x10] =	wrdreg s26;
	[sflag:s3] =	ssyncadd.s32 $0xFFFFFF80  }
0x5d: {  	[tilespmem:s4], [sflag:$0x1] =	stream.linear.gather [hbm4b:s26+s2], $0x4000, $0x38;
	[tilespmem:$0x8100] =	vst v63  }
0x5e: {  	_ =	swait.ge [sflag:s10], $0x4000  }
0x5f: {  	[sflag:s10] =	ssyncset.done $0x0  }
0x60: {  	[sflag:s10] =	ssyncadd.s32 $0xFFFFC000  }
0x61: {  	[hbm4b:s8+s5] =	stream.indirect.scatter [tilespmem:s6], [sflag:$0x4], $0x80, s5, s5, $0xb8;
	[tilespmem:$0x8100] =	vst v63  }
0x62: {  	s14 =	sor.u32 $0x380, s1;
	_ =	swait.ge [sflag:s11], $0x4000  }
0x63: {  	s0 =	sshrl.u32 s14, $0x3;
	[sflag:s11] =	ssyncset.done $0x0  }
0x64: {  	s13 =	sadd.s32 s30, s0;
	[sflag:s11] =	ssyncadd.s32 $0xFFFFC000  }
0x65: {  	[tilespmem:s5], [sflag:$0x5] =	stream.linear.gather [hbm4b:s13+s2], $0x80, $0x38;
	[tilespmem:$0x8100] =	vst v63  }
0x66: {  	_ =	swait.ge [sflag:s3], $0x80  }
0x67: {  	s14 =	sshll.u32 s14, $0x4;
	[sflag:s3] =	ssyncset.done $0x0  }
0x68: {  	s14 =	sadd.s32 s31, s14;
	[sflag:s3] =	ssyncadd.s32 $0xFFFFFF80  }
0x69: {  	[tilespmem:s6], [sflag:$0x2] =	stream.linear.gather [hbm4b:s14+s2], $0x4000, $0x38;
	[tilespmem:$0x8100] =	vst v63  }
0x6a: {  	_ =	swait.ge [sflag:s7], $0x4000  }
0x6b: {  	[sflag:s7] =	ssyncset.done $0x0  }
0x6c: {  	[sflag:s7] =	ssyncadd.s32 $0xFFFFC000  }
0x6d: {  	[hbm4b:s8+s5] =	stream.indirect.scatter [tilespmem:s4], [sflag:$0x3], $0x80, s2, s5, $0xb8;
	[tilespmem:$0x8100] =	vst v63  }
0x6e: {  	s16 =	sor.u32 $0x400, s1;
	_ =	swait.ge [sflag:s9], $0x4000  }
0x6f: {  	s15 =	sshrl.u32 s16, $0x3;
	[sflag:s9] =	ssyncset.done $0x0  }
0x70: {  	s15 =	sadd.s32 s30, s15;
	[sflag:s9] =	ssyncadd.s32 $0xFFFFC000  }
0x71: {  	[tilespmem:s2], [sflag:$0x5] =	stream.linear.gather [hbm4b:s15+s2], $0x80, $0x38;
	[tilespmem:$0x8100] =	vst v63  }
0x72: {  	_ =	swait.ge [sflag:s3], $0x80  }
0x73: {  	s16 =	sshll.u32 s16, $0x4;
	[sflag:s3] =	ssyncset.done $0x0  }
0x74: {  	s16 =	sadd.s32 s31, s16;
	[sflag:s3] =	ssyncadd.s32 $0xFFFFFF80  }
0x75: {  	[tilespmem:s4], [sflag:$0x1] =	stream.linear.gather [hbm4b:s16+s2], $0x4000, $0x38;
	[tilespmem:$0x8100] =	vst v63  }
0x76: {  	_ =	swait.ge [sflag:s10], $0x4000  }
0x77: {  	[sflag:s10] =	ssyncset.done $0x0  }
0x78: {  	[sflag:s10] =	ssyncadd.s32 $0xFFFFC000  }
0x79: {  	[hbm4b:s8+s5] =	stream.indirect.scatter [tilespmem:s6], [sflag:$0x4], $0x80, s5, s5, $0xb8;
	[tilespmem:$0x8100] =	vst v63  }
0x7a: {  	s18 =	sor.u32 $0x480, s1;
	_ =	swait.ge [sflag:s11], $0x4000  }
0x7b: {  	s17 =	sshrl.u32 s18, $0x3;
	[sflag:s11] =	ssyncset.done $0x0  }
0x7c: {  	s17 =	sadd.s32 s30, s17;
	[sflag:s11] =	ssyncadd.s32 $0xFFFFC000  }
0x7d: {  	[tilespmem:s5], [sflag:$0x5] =	stream.linear.gather [hbm4b:s17+s2], $0x80, $0x38;
	[tilespmem:$0x8100] =	vst v63  }
0x7e: {  	_ =	swait.ge [sflag:s3], $0x80  }
0x7f: {  	s18 =	sshll.u32 s18, $0x4;
	[sflag:s3] =	ssyncset.done $0x0  }
0x80: {  	s18 =	sadd.s32 s31, s18;
	[sflag:s3] =	ssyncadd.s32 $0xFFFFFF80  }
0x81: {  	[tilespmem:s6], [sflag:$0x2] =	stream.linear.gather [hbm4b:s18+s2], $0x4000, $0x38;
	[tilespmem:$0x8100] =	vst v63  }
0x82: {  	_ =	swait.ge [sflag:s7], $0x4000  }
0x83: {  	[sflag:s7] =	ssyncset.done $0x0  }
0x84: {  	[sflag:s7] =	ssyncadd.s32 $0xFFFFC000  }
0x85: {  	[hbm4b:s8+s5] =	stream.indirect.scatter [tilespmem:s4], [sflag:$0x3], $0x80, s2, s5, $0xb8;
	[tilespmem:$0x8100] =	vst v63  }
0x86: {  	s20 =	sor.u32 $0x500, s1;
	_ =	swait.ge [sflag:s9], $0x4000  }
0x87: {  	s19 =	sshrl.u32 s20, $0x3;
	[sflag:s9] =	ssyncset.done $0x0  }
0x88: {  	s19 =	sadd.s32 s30, s19;
	[sflag:s9] =	ssyncadd.s32 $0xFFFFC000  }
0x89: {  	[tilespmem:s2], [sflag:$0x5] =	stream.linear.gather [hbm4b:s19+s2], $0x80, $0x38;
	[tilespmem:$0x8100] =	vst v63  }
0x8a: {  	_ =	swait.ge [sflag:s3], $0x80  }
0x8b: {  	s20 =	sshll.u32 s20, $0x4;
	[sflag:s3] =	ssyncset.done $0x0  }
0x8c: {  	s20 =	sadd.s32 s31, s20;
	[sflag:s3] =	ssyncadd.s32 $0xFFFFFF80  }
0x8d: {  	[tilespmem:s4], [sflag:$0x1] =	stream.linear.gather [hbm4b:s20+s2], $0x4000, $0x38;
	[tilespmem:$0x8100] =	vst v63  }
0x8e: {  	_ =	swait.ge [sflag:s10], $0x4000  }
0x8f: {  	[sflag:s10] =	ssyncset.done $0x0  }
0x90: {  	[sflag:s10] =	ssyncadd.s32 $0xFFFFC000  }
0x91: {  	[hbm4b:s8+s5] =	stream.indirect.scatter [tilespmem:s6], [sflag:$0x4], $0x80, s5, s5, $0xb8;
	[tilespmem:$0x8100] =	vst v63  }
0x92: {  	s22 =	sor.u32 $0x580, s1;
	_ =	swait.ge [sflag:s11], $0x4000  }
0x93: {  	s21 =	sshrl.u32 s22, $0x3;
	[sflag:s11] =	ssyncset.done $0x0  }
0x94: {  	s21 =	sadd.s32 s30, s21;
	[sflag:s11] =	ssyncadd.s32 $0xFFFFC000  }
0x95: {  	[tilespmem:s5], [sflag:$0x5] =	stream.linear.gather [hbm4b:s21+s2], $0x80, $0x38;
	[tilespmem:$0x8100] =	vst v63  }
0x96: {  	_ =	swait.ge [sflag:s3], $0x80  }
0x97: {  	s22 =	sshll.u32 s22, $0x4;
	[sflag:s3] =	ssyncset.done $0x0  }
0x98: {  	s22 =	sadd.s32 s31, s22;
	[sflag:s3] =	ssyncadd.s32 $0xFFFFFF80  }
0x99: {  	[tilespmem:s6], [sflag:$0x2] =	stream.linear.gather [hbm4b:s22+s2], $0x4000, $0x38;
	[tilespmem:$0x8100] =	vst v63  }
0x9a: {  	_ =	swait.ge [sflag:s7], $0x4000  }
0x9b: {  	[sflag:s7] =	ssyncset.done $0x0  }
0x9c: {  	[sflag:s7] =	ssyncadd.s32 $0xFFFFC000  }
0x9d: {  	[hbm4b:s8+s5] =	stream.indirect.scatter [tilespmem:s4], [sflag:$0x3], $0x80, s2, s5, $0xb8;
	[tilespmem:$0x8100] =	vst v63  }
0x9e: {  	s24 =	sor.u32 $0x600, s1;
	_ =	swait.ge [sflag:s9], $0x4000  }
0x9f: {  	s23 =	sshrl.u32 s24, $0x3;
	[sflag:s9] =	ssyncset.done $0x0  }
0xa0: {  	s23 =	sadd.s32 s30, s23;
	[sflag:s9] =	ssyncadd.s32 $0xFFFFC000  }
0xa1: {  	[tilespmem:s2], [sflag:$0x5] =	stream.linear.gather [hbm4b:s23+s2], $0x80, $0x38;
	[tilespmem:$0x8100] =	vst v63  }
0xa2: {  	_ =	swait.ge [sflag:s3], $0x80  }
0xa3: {  	s24 =	sshll.u32 s24, $0x4;
	[sflag:s3] =	ssyncset.done $0x0  }
0xa4: {  	s24 =	sadd.s32 s31, s24;
	[sflag:s3] =	ssyncadd.s32 $0xFFFFFF80  }
0xa5: {  	[tilespmem:s4], [sflag:$0x1] =	stream.linear.gather [hbm4b:s24+s2], $0x4000, $0x38;
	[tilespmem:$0x8100] =	vst v63  }
0xa6: {  	_ =	swait.ge [sflag:s10], $0x4000  }
0xa7: {  	[sflag:s10] =	ssyncset.done $0x0  }
0xa8: {  	[sflag:s10] =	ssyncadd.s32 $0xFFFFC000  }
0xa9: {  	[hbm4b:s8+s5] =	stream.indirect.scatter [tilespmem:s6], [sflag:$0x4], $0x80, s5, s5, $0xb8;
	[tilespmem:$0x8100] =	vst v63  }
0xaa: {  	s26 =	sor.u32 $0x680, s1;
	_ =	swait.ge [sflag:s11], $0x4000  }
0xab: {  	s25 =	sshrl.u32 s26, $0x3;
	[sflag:s11] =	ssyncset.done $0x0  }
0xac: {  	s25 =	sadd.s32 s30, s25;
	[sflag:s11] =	ssyncadd.s32 $0xFFFFC000  }
0xad: {  	[tilespmem:s5], [sflag:$0x5] =	stream.linear.gather [hbm4b:s25+s2], $0x80, $0x38;
	[tilespmem:$0x8100] =	vst v63  }
0xae: {  	_ =	swait.ge [sflag:s3], $0x80  }
0xaf: {  	s26 =	sshll.u32 s26, $0x4;
	[sflag:s3] =	ssyncset.done $0x0  }
0xb0: {  	s26 =	sadd.s32 s31, s26;
	[sflag:s3] =	ssyncadd.s32 $0xFFFFFF80  }
0xb1: {  	[tilespmem:s6], [sflag:$0x2] =	stream.linear.gather [hbm4b:s26+s2], $0x4000, $0x38;
	[tilespmem:$0x8100] =	vst v63  }
0xb2: {  	_ =	swait.ge [sflag:s7], $0x4000  }
0xb3: {  	[sflag:s7] =	ssyncset.done $0x0  }
0xb4: {  	[sflag:s7] =	ssyncadd.s32 $0xFFFFC000  }
0xb5: {  	[hbm4b:s8+s5] =	stream.indirect.scatter [tilespmem:s4], [sflag:$0x3], $0x80, s2, s5, $0xb8;
	[tilespmem:$0x8100] =	vst v63  }
0xb6: {  	s29 =	sor.u32 $0x700, s1;
	_ =	swait.ge [sflag:s9], $0x4000  }
0xb7: {  	s28 =	sshrl.u32 s29, $0x3;
	[sflag:s9] =	ssyncset.done $0x0  }
0xb8: {  	s28 =	sadd.s32 s30, s28;
	[sflag:s9] =	ssyncadd.s32 $0xFFFFC000  }
0xb9: {  	[tilespmem:s2], [sflag:$0x5] =	stream.linear.gather [hbm4b:s28+s2], $0x80, $0x38;
	[tilespmem:$0x8100] =	vst v63  }
0xba: {  	_ =	swait.ge [sflag:s3], $0x80  }
0xbb: {  	s29 =	sshll.u32 s29, $0x4;
	[sflag:s3] =	ssyncset.done $0x0  }
0xbc: {  	s29 =	sadd.s32 s31, s29;
	[sflag:s3] =	ssyncadd.s32 $0xFFFFFF80  }
0xbd: {  	[tilespmem:s4], [sflag:$0x1] =	stream.linear.gather [hbm4b:s29+s2], $0x4000, $0x38;
	[tilespmem:$0x8100] =	vst v63  }
0xbe: {  	_ =	swait.ge [sflag:s10], $0x4000  }
0xbf: {  	[sflag:s10] =	ssyncset.done $0x0  }
0xc0: {  	[sflag:s10] =	ssyncadd.s32 $0xFFFFC000  }
0xc1: {  	[hbm4b:s8+s5] =	stream.indirect.scatter [tilespmem:s6], [sflag:$0x4], $0x80, s5, s5, $0xb8;
	[tilespmem:$0x8100] =	vst v63  }
0xc2: {  	s1 =	sor.u32 $0x780, s1;
	_ =	swait.ge [sflag:s11], $0x4000  }
0xc3: {  	s12 =	sshrl.u32 s1, $0x3;
	[sflag:s11] =	ssyncset.done $0x0  }
0xc4: {  	s30 =	sadd.s32 s30, s12;
	[sflag:s11] =	ssyncadd.s32 $0xFFFFC000  }
0xc5: {  	[tilespmem:s5], [sflag:$0x5] =	stream.linear.gather [hbm4b:s30+s2], $0x80, $0x38;
	[tilespmem:$0x8100] =	vst v63  }
0xc6: {  	_ =	swait.ge [sflag:s3], $0x80  }
0xc7: {  	s12 =	sshll.u32 s1, $0x4;
	[sflag:s3] =	ssyncset.done $0x0  }
0xc8: {  	s31 =	sadd.s32 s31, s12;
	[sflag:s3] =	ssyncadd.s32 $0xFFFFFF80  }
0xc9: {  	[tilespmem:s6], [sflag:$0x2] =	stream.linear.gather [hbm4b:s31+s2], $0x4000, $0x38;
	[tilespmem:$0x8100] =	vst v63  }
0xca: {  	_ =	swait.ge [sflag:s7], $0x4000  }
0xcb: {  	[sflag:s7] =	ssyncset.done $0x0  }
0xcc: {  	[sflag:s7] =	ssyncadd.s32 $0xFFFFC000  }
0xcd: {  	[hbm4b:s8+s5] =	stream.indirect.scatter [tilespmem:s4], [sflag:$0x3], $0x80, s2, s5, $0xb8;
	[tilespmem:$0x8100] =	vst v63  }
0xce: {  	_ =	swait.ge [sflag:s10], $0x4000  }
0xcf: {  	[sflag:s10] =	ssyncset.done $0x0;
	s1 =	rddreg [dreg:$0x11]  }
0xd0: {  	s0 =	ssub.s32 $0x2, s1;
	[sflag:s10] =	ssyncadd.s32 $0xFFFFC000  }
0xd1: {  	[hbm4b:s8+s5] =	stream.indirect.scatter [tilespmem:s6], [sflag:$0x4], $0x80, s5, s5, $0xb8;
	[tilespmem:$0x8100] =	vst v63  }
0xd2: {  	s12 =	sshrl.u32 s0, $0x1  }
0xd3: {  	s0 =	ssub.s32 s0, s12  }
0xd4: {  	s0 =	smax.u32 s0, $0x1  }
0xd5: {  	p0 =	sne.s32 s0, $0x1  }
.Ltmp0:
0xd6: {  	_ =	swait.ge [sflag:s9], $0x4000;
	(pc) =	sbr.rel @!p0 .LBB2_2-.Ltmp0, $4  }
0xd7: {  	[sflag:s9] =	ssyncset.done $0x0  }
0xd8: {  	[sflag:s9] =	ssyncadd.s32 $0xFFFFC000  }
0xd9: {  	_ =	swait.ge [sflag:s11], $0x4000  }
0xda: {  	s0 =	sadd.s32 $0xFFFFFFFF, s0;
	[sflag:s11] =	ssyncset.done $0x0  }
.LBB2_1:
0xdb: {  	s1 =	rddreg [dreg:$0x3];
	[sflag:s11] =	ssyncadd.s32 $0xFFFFC000  }
0xdc: {  	[tilespmem:s2], [sflag:$0x5] =	stream.linear.gather [hbm4b:s1+s2], $0x80, $0x38;
	[tilespmem:$0x8100] =	vst v63  }
0xdd: {  	_ =	swait.ge [sflag:s3], $0x80  }
0xde: {  	[sflag:s3] =	ssyncset.done $0x0  }
0xdf: {  	s1 =	rddreg [dreg:$0x4];
	[sflag:s3] =	ssyncadd.s32 $0xFFFFFF80  }
0xe0: {  	[tilespmem:s4], [sflag:$0x1] =	stream.linear.gather [hbm4b:s1+s2], $0x4000, $0x38;
	[tilespmem:$0x8100] =	vst v63  }
0xe1: {  	s12 =	rddreg [dreg:$0x5]  }
0xe2: {  	[tilespmem:s5], [sflag:$0x5] =	stream.linear.gather [hbm4b:s12+s2], $0x80, $0x38;
	[tilespmem:$0x8100] =	vst v63  }
0xe3: {  	_ =	swait.ge [sflag:s3], $0x80  }
0xe4: {  	[sflag:s3] =	ssyncset.done $0x0  }
0xe5: {  	s12 =	rddreg [dreg:$0x6];
	[sflag:s3] =	ssyncadd.s32 $0xFFFFFF80  }
0xe6: {  	[tilespmem:s6], [sflag:$0x2] =	stream.linear.gather [hbm4b:s12+s2], $0x4000, $0x38;
	[tilespmem:$0x8100] =	vst v63  }
0xe7: {  	_ =	swait.ge [sflag:s7], $0x4000  }
0xe8: {  	[sflag:s7] =	ssyncset.done $0x0  }
0xe9: {  	[sflag:s7] =	ssyncadd.s32 $0xFFFFC000  }
0xea: {  	[hbm4b:s8+s5] =	stream.indirect.scatter [tilespmem:s4], [sflag:$0x3], $0x80, s2, s5, $0xb8;
	[tilespmem:$0x8100] =	vst v63  }
0xeb: {  	_ =	swait.ge [sflag:s9], $0x4000  }
0xec: {  	[sflag:s9] =	ssyncset.done $0x0  }
0xed: {  	s12 =	rddreg [dreg:$0x7];
	[sflag:s9] =	ssyncadd.s32 $0xFFFFC000  }
0xee: {  	[tilespmem:s2], [sflag:$0x5] =	stream.linear.gather [hbm4b:s12+s2], $0x80, $0x38;
	[tilespmem:$0x8100] =	vst v63  }
0xef: {  	_ =	swait.ge [sflag:s3], $0x80  }
0xf0: {  	[sflag:s3] =	ssyncset.done $0x0  }
0xf1: {  	s12 =	rddreg [dreg:$0x8];
	[sflag:s3] =	ssyncadd.s32 $0xFFFFFF80  }
0xf2: {  	[tilespmem:s4], [sflag:$0x1] =	stream.linear.gather [hbm4b:s12+s2], $0x4000, $0x38;
	[tilespmem:$0x8100] =	vst v63  }
0xf3: {  	_ =	swait.ge [sflag:s10], $0x4000  }
0xf4: {  	[sflag:s10] =	ssyncset.done $0x0  }
0xf5: {  	[sflag:s10] =	ssyncadd.s32 $0xFFFFC000  }
0xf6: {  	[hbm4b:s8+s5] =	stream.indirect.scatter [tilespmem:s6], [sflag:$0x4], $0x80, s5, s5, $0xb8;
	[tilespmem:$0x8100] =	vst v63  }
0xf7: {  	_ =	swait.ge [sflag:s11], $0x4000  }
0xf8: {  	[sflag:s11] =	ssyncset.done $0x0  }
0xf9: {  	s12 =	rddreg [dreg:$0x9];
	[sflag:s11] =	ssyncadd.s32 $0xFFFFC000  }
0xfa: {  	[tilespmem:s5], [sflag:$0x5] =	stream.linear.gather [hbm4b:s12+s2], $0x80, $0x38;
	[tilespmem:$0x8100] =	vst v63  }
0xfb: {  	_ =	swait.ge [sflag:s3], $0x80  }
0xfc: {  	[sflag:s3] =	ssyncset.done $0x0  }
0xfd: {  	s12 =	rddreg [dreg:$0xa];
	[sflag:s3] =	ssyncadd.s32 $0xFFFFFF80  }
0xfe: {  	[tilespmem:s6], [sflag:$0x2] =	stream.linear.gather [hbm4b:s12+s2], $0x4000, $0x38;
	[tilespmem:$0x8100] =	vst v63  }
0xff: {  	_ =	swait.ge [sflag:s7], $0x4000  }
0x100: {  	[sflag:s7] =	ssyncset.done $0x0  }
0x101: {  	[sflag:s7] =	ssyncadd.s32 $0xFFFFC000  }
0x102: {  	[hbm4b:s8+s5] =	stream.indirect.scatter [tilespmem:s4], [sflag:$0x3], $0x80, s2, s5, $0xb8;
	[tilespmem:$0x8100] =	vst v63  }
0x103: {  	_ =	swait.ge [sflag:s9], $0x4000  }
0x104: {  	[sflag:s9] =	ssyncset.done $0x0  }
0x105: {  	s12 =	rddreg [dreg:$0xb];
	[sflag:s9] =	ssyncadd.s32 $0xFFFFC000  }
0x106: {  	[tilespmem:s2], [sflag:$0x5] =	stream.linear.gather [hbm4b:s12+s2], $0x80, $0x38;
	[tilespmem:$0x8100] =	vst v63  }
0x107: {  	_ =	swait.ge [sflag:s3], $0x80  }
0x108: {  	[sflag:s3] =	ssyncset.done $0x0  }
0x109: {  	s12 =	rddreg [dreg:$0xc];
	[sflag:s3] =	ssyncadd.s32 $0xFFFFFF80  }
0x10a: {  	[tilespmem:s4], [sflag:$0x1] =	stream.linear.gather [hbm4b:s12+s2], $0x4000, $0x38;
	[tilespmem:$0x8100] =	vst v63  }
0x10b: {  	_ =	swait.ge [sflag:s10], $0x4000  }
0x10c: {  	[sflag:s10] =	ssyncset.done $0x0  }
0x10d: {  	[sflag:s10] =	ssyncadd.s32 $0xFFFFC000  }
0x10e: {  	[hbm4b:s8+s5] =	stream.indirect.scatter [tilespmem:s6], [sflag:$0x4], $0x80, s5, s5, $0xb8;
	[tilespmem:$0x8100] =	vst v63  }
0x10f: {  	_ =	swait.ge [sflag:s11], $0x4000  }
0x110: {  	[sflag:s11] =	ssyncset.done $0x0  }
0x111: {  	s12 =	rddreg [dreg:$0xd];
	[sflag:s11] =	ssyncadd.s32 $0xFFFFC000  }
0x112: {  	[tilespmem:s5], [sflag:$0x5] =	stream.linear.gather [hbm4b:s12+s2], $0x80, $0x38;
	[tilespmem:$0x8100] =	vst v63  }
0x113: {  	_ =	swait.ge [sflag:s3], $0x80  }
0x114: {  	[sflag:s3] =	ssyncset.done $0x0  }
0x115: {  	s12 =	rddreg [dreg:$0xe];
	[sflag:s3] =	ssyncadd.s32 $0xFFFFFF80  }
0x116: {  	[tilespmem:s6], [sflag:$0x2] =	stream.linear.gather [hbm4b:s12+s2], $0x4000, $0x38;
	[tilespmem:$0x8100] =	vst v63  }
0x117: {  	_ =	swait.ge [sflag:s7], $0x4000  }
0x118: {  	[sflag:s7] =	ssyncset.done $0x0  }
0x119: {  	[sflag:s7] =	ssyncadd.s32 $0xFFFFC000  }
0x11a: {  	[hbm4b:s8+s5] =	stream.indirect.scatter [tilespmem:s4], [sflag:$0x3], $0x80, s2, s5, $0xb8;
	[tilespmem:$0x8100] =	vst v63  }
0x11b: {  	_ =	swait.ge [sflag:s9], $0x4000  }
0x11c: {  	[sflag:s9] =	ssyncset.done $0x0  }
0x11d: {  	s12 =	rddreg [dreg:$0xf];
	[sflag:s9] =	ssyncadd.s32 $0xFFFFC000  }
0x11e: {  	[tilespmem:s2], [sflag:$0x5] =	stream.linear.gather [hbm4b:s12+s2], $0x80, $0x38;
	[tilespmem:$0x8100] =	vst v63  }
0x11f: {  	_ =	swait.ge [sflag:s3], $0x80  }
0x120: {  	[sflag:s3] =	ssyncset.done $0x0  }
0x121: {  	s12 =	rddreg [dreg:$0x10];
	[sflag:s3] =	ssyncadd.s32 $0xFFFFFF80  }
0x122: {  	[tilespmem:s4], [sflag:$0x1] =	stream.linear.gather [hbm4b:s12+s2], $0x4000, $0x38;
	[tilespmem:$0x8100] =	vst v63  }
0x123: {  	_ =	swait.ge [sflag:s10], $0x4000  }
0x124: {  	[sflag:s10] =	ssyncset.done $0x0  }
0x125: {  	[sflag:s10] =	ssyncadd.s32 $0xFFFFC000  }
0x126: {  	[hbm4b:s8+s5] =	stream.indirect.scatter [tilespmem:s6], [sflag:$0x4], $0x80, s5, s5, $0xb8;
	[tilespmem:$0x8100] =	vst v63  }
0x127: {  	_ =	swait.ge [sflag:s11], $0x4000  }
0x128: {  	[sflag:s11] =	ssyncset.done $0x0  }
0x129: {  	[sflag:s11] =	ssyncadd.s32 $0xFFFFC000  }
0x12a: {  	[tilespmem:s5], [sflag:$0x5] =	stream.linear.gather [hbm4b:s13+s2], $0x80, $0x38;
	[tilespmem:$0x8100] =	vst v63  }
0x12b: {  	_ =	swait.ge [sflag:s3], $0x80  }
0x12c: {  	[sflag:s3] =	ssyncset.done $0x0  }
0x12d: {  	[sflag:s3] =	ssyncadd.s32 $0xFFFFFF80  }
0x12e: {  	[tilespmem:s6], [sflag:$0x2] =	stream.linear.gather [hbm4b:s14+s2], $0x4000, $0x38;
	[tilespmem:$0x8100] =	vst v63  }
0x12f: {  	_ =	swait.ge [sflag:s7], $0x4000  }
0x130: {  	[sflag:s7] =	ssyncset.done $0x0  }
0x131: {  	[sflag:s7] =	ssyncadd.s32 $0xFFFFC000  }
0x132: {  	[hbm4b:s8+s5] =	stream.indirect.scatter [tilespmem:s4], [sflag:$0x3], $0x80, s2, s5, $0xb8;
	[tilespmem:$0x8100] =	vst v63  }
0x133: {  	_ =	swait.ge [sflag:s9], $0x4000  }
0x134: {  	[sflag:s9] =	ssyncset.done $0x0  }
0x135: {  	[sflag:s9] =	ssyncadd.s32 $0xFFFFC000  }
0x136: {  	[tilespmem:s2], [sflag:$0x5] =	stream.linear.gather [hbm4b:s15+s2], $0x80, $0x38;
	[tilespmem:$0x8100] =	vst v63  }
0x137: {  	_ =	swait.ge [sflag:s3], $0x80  }
0x138: {  	[sflag:s3] =	ssyncset.done $0x0  }
0x139: {  	[sflag:s3] =	ssyncadd.s32 $0xFFFFFF80  }
0x13a: {  	[tilespmem:s4], [sflag:$0x1] =	stream.linear.gather [hbm4b:s16+s2], $0x4000, $0x38;
	[tilespmem:$0x8100] =	vst v63  }
0x13b: {  	_ =	swait.ge [sflag:s10], $0x4000  }
0x13c: {  	[sflag:s10] =	ssyncset.done $0x0  }
0x13d: {  	[sflag:s10] =	ssyncadd.s32 $0xFFFFC000  }
0x13e: {  	[hbm4b:s8+s5] =	stream.indirect.scatter [tilespmem:s6], [sflag:$0x4], $0x80, s5, s5, $0xb8;
	[tilespmem:$0x8100] =	vst v63  }
0x13f: {  	_ =	swait.ge [sflag:s11], $0x4000  }
0x140: {  	[sflag:s11] =	ssyncset.done $0x0  }
0x141: {  	[sflag:s11] =	ssyncadd.s32 $0xFFFFC000  }
0x142: {  	[tilespmem:s5], [sflag:$0x5] =	stream.linear.gather [hbm4b:s17+s2], $0x80, $0x38;
	[tilespmem:$0x8100] =	vst v63  }
0x143: {  	_ =	swait.ge [sflag:s3], $0x80  }
0x144: {  	[sflag:s3] =	ssyncset.done $0x0  }
0x145: {  	[sflag:s3] =	ssyncadd.s32 $0xFFFFFF80  }
0x146: {  	[tilespmem:s6], [sflag:$0x2] =	stream.linear.gather [hbm4b:s18+s2], $0x4000, $0x38;
	[tilespmem:$0x8100] =	vst v63  }
0x147: {  	_ =	swait.ge [sflag:s7], $0x4000  }
0x148: {  	[sflag:s7] =	ssyncset.done $0x0  }
0x149: {  	[sflag:s7] =	ssyncadd.s32 $0xFFFFC000  }
0x14a: {  	[hbm4b:s8+s5] =	stream.indirect.scatter [tilespmem:s4], [sflag:$0x3], $0x80, s2, s5, $0xb8;
	[tilespmem:$0x8100] =	vst v63  }
0x14b: {  	_ =	swait.ge [sflag:s9], $0x4000  }
0x14c: {  	[sflag:s9] =	ssyncset.done $0x0  }
0x14d: {  	[sflag:s9] =	ssyncadd.s32 $0xFFFFC000  }
0x14e: {  	[tilespmem:s2], [sflag:$0x5] =	stream.linear.gather [hbm4b:s19+s2], $0x80, $0x38;
	[tilespmem:$0x8100] =	vst v63  }
0x14f: {  	_ =	swait.ge [sflag:s3], $0x80  }
0x150: {  	[sflag:s3] =	ssyncset.done $0x0  }
0x151: {  	[sflag:s3] =	ssyncadd.s32 $0xFFFFFF80  }
0x152: {  	[tilespmem:s4], [sflag:$0x1] =	stream.linear.gather [hbm4b:s20+s2], $0x4000, $0x38;
	[tilespmem:$0x8100] =	vst v63  }
0x153: {  	_ =	swait.ge [sflag:s10], $0x4000  }
0x154: {  	[sflag:s10] =	ssyncset.done $0x0  }
0x155: {  	[sflag:s10] =	ssyncadd.s32 $0xFFFFC000  }
0x156: {  	[hbm4b:s8+s5] =	stream.indirect.scatter [tilespmem:s6], [sflag:$0x4], $0x80, s5, s5, $0xb8;
	[tilespmem:$0x8100] =	vst v63  }
0x157: {  	_ =	swait.ge [sflag:s11], $0x4000  }
0x158: {  	[sflag:s11] =	ssyncset.done $0x0  }
0x159: {  	[sflag:s11] =	ssyncadd.s32 $0xFFFFC000  }
0x15a: {  	[tilespmem:s5], [sflag:$0x5] =	stream.linear.gather [hbm4b:s21+s2], $0x80, $0x38;
	[tilespmem:$0x8100] =	vst v63  }
0x15b: {  	_ =	swait.ge [sflag:s3], $0x80  }
0x15c: {  	[sflag:s3] =	ssyncset.done $0x0  }
0x15d: {  	[sflag:s3] =	ssyncadd.s32 $0xFFFFFF80  }
0x15e: {  	[tilespmem:s6], [sflag:$0x2] =	stream.linear.gather [hbm4b:s22+s2], $0x4000, $0x38;
	[tilespmem:$0x8100] =	vst v63  }
0x15f: {  	_ =	swait.ge [sflag:s7], $0x4000  }
0x160: {  	[sflag:s7] =	ssyncset.done $0x0  }
0x161: {  	[sflag:s7] =	ssyncadd.s32 $0xFFFFC000  }
0x162: {  	[hbm4b:s8+s5] =	stream.indirect.scatter [tilespmem:s4], [sflag:$0x3], $0x80, s2, s5, $0xb8;
	[tilespmem:$0x8100] =	vst v63  }
0x163: {  	_ =	swait.ge [sflag:s9], $0x4000  }
0x164: {  	[sflag:s9] =	ssyncset.done $0x0  }
0x165: {  	[sflag:s9] =	ssyncadd.s32 $0xFFFFC000  }
0x166: {  	[tilespmem:s2], [sflag:$0x5] =	stream.linear.gather [hbm4b:s23+s2], $0x80, $0x38;
	[tilespmem:$0x8100] =	vst v63  }
0x167: {  	_ =	swait.ge [sflag:s3], $0x80  }
0x168: {  	[sflag:s3] =	ssyncset.done $0x0  }
0x169: {  	[sflag:s3] =	ssyncadd.s32 $0xFFFFFF80  }
0x16a: {  	[tilespmem:s4], [sflag:$0x1] =	stream.linear.gather [hbm4b:s24+s2], $0x4000, $0x38;
	[tilespmem:$0x8100] =	vst v63  }
0x16b: {  	_ =	swait.ge [sflag:s10], $0x4000  }
0x16c: {  	[sflag:s10] =	ssyncset.done $0x0  }
0x16d: {  	[sflag:s10] =	ssyncadd.s32 $0xFFFFC000  }
0x16e: {  	[hbm4b:s8+s5] =	stream.indirect.scatter [tilespmem:s6], [sflag:$0x4], $0x80, s5, s5, $0xb8;
	[tilespmem:$0x8100] =	vst v63  }
0x16f: {  	_ =	swait.ge [sflag:s11], $0x4000  }
0x170: {  	[sflag:s11] =	ssyncset.done $0x0  }
0x171: {  	[sflag:s11] =	ssyncadd.s32 $0xFFFFC000  }
0x172: {  	[tilespmem:s5], [sflag:$0x5] =	stream.linear.gather [hbm4b:s25+s2], $0x80, $0x38;
	[tilespmem:$0x8100] =	vst v63  }
0x173: {  	_ =	swait.ge [sflag:s3], $0x80  }
0x174: {  	[sflag:s3] =	ssyncset.done $0x0  }
0x175: {  	[sflag:s3] =	ssyncadd.s32 $0xFFFFFF80  }
0x176: {  	[tilespmem:s6], [sflag:$0x2] =	stream.linear.gather [hbm4b:s26+s2], $0x4000, $0x38;
	[tilespmem:$0x8100] =	vst v63  }
0x177: {  	_ =	swait.ge [sflag:s7], $0x4000  }
0x178: {  	[sflag:s7] =	ssyncset.done $0x0  }
0x179: {  	[sflag:s7] =	ssyncadd.s32 $0xFFFFC000  }
0x17a: {  	[hbm4b:s8+s5] =	stream.indirect.scatter [tilespmem:s4], [sflag:$0x3], $0x80, s2, s5, $0xb8;
	[tilespmem:$0x8100] =	vst v63  }
0x17b: {  	_ =	swait.ge [sflag:s9], $0x4000  }
0x17c: {  	[sflag:s9] =	ssyncset.done $0x0  }
0x17d: {  	[sflag:s9] =	ssyncadd.s32 $0xFFFFC000  }
0x17e: {  	[tilespmem:s2], [sflag:$0x5] =	stream.linear.gather [hbm4b:s28+s2], $0x80, $0x38;
	[tilespmem:$0x8100] =	vst v63  }
0x17f: {  	_ =	swait.ge [sflag:s3], $0x80  }
0x180: {  	[sflag:s3] =	ssyncset.done $0x0  }
0x181: {  	[sflag:s3] =	ssyncadd.s32 $0xFFFFFF80  }
0x182: {  	[tilespmem:s4], [sflag:$0x1] =	stream.linear.gather [hbm4b:s29+s2], $0x4000, $0x38;
	[tilespmem:$0x8100] =	vst v63  }
0x183: {  	_ =	swait.ge [sflag:s10], $0x4000  }
0x184: {  	[sflag:s10] =	ssyncset.done $0x0  }
0x185: {  	[sflag:s10] =	ssyncadd.s32 $0xFFFFC000  }
0x186: {  	[hbm4b:s8+s5] =	stream.indirect.scatter [tilespmem:s6], [sflag:$0x4], $0x80, s5, s5, $0xb8;
	[tilespmem:$0x8100] =	vst v63  }
0x187: {  	_ =	swait.ge [sflag:s11], $0x4000  }
0x188: {  	[sflag:s11] =	ssyncset.done $0x0  }
0x189: {  	[sflag:s11] =	ssyncadd.s32 $0xFFFFC000  }
0x18a: {  	[tilespmem:s5], [sflag:$0x5] =	stream.linear.gather [hbm4b:s30+s2], $0x80, $0x38;
	[tilespmem:$0x8100] =	vst v63  }
0x18b: {  	_ =	swait.ge [sflag:s3], $0x80  }
0x18c: {  	[sflag:s3] =	ssyncset.done $0x0  }
0x18d: {  	[sflag:s3] =	ssyncadd.s32 $0xFFFFFF80  }
0x18e: {  	[tilespmem:s6], [sflag:$0x2] =	stream.linear.gather [hbm4b:s31+s2], $0x4000, $0x38;
	[tilespmem:$0x8100] =	vst v63  }
0x18f: {  	_ =	swait.ge [sflag:s7], $0x4000  }
0x190: {  	[sflag:s7] =	ssyncset.done $0x0  }
0x191: {  	[sflag:s7] =	ssyncadd.s32 $0xFFFFC000  }
0x192: {  	[hbm4b:s8+s5] =	stream.indirect.scatter [tilespmem:s4], [sflag:$0x3], $0x80, s2, s5, $0xb8;
	[tilespmem:$0x8100] =	vst v63  }
0x193: {  	_ =	swait.ge [sflag:s10], $0x4000  }
0x194: {  	[sflag:s10] =	ssyncset.done $0x0  }
0x195: {  	p0 =	sne.s32 s0, $0x1;
	[sflag:s10] =	ssyncadd.s32 $0xFFFFC000  }
0x196: {  	[hbm4b:s8+s5] =	stream.indirect.scatter [tilespmem:s6], [sflag:$0x4], $0x80, s5, s5, $0xb8;
	[tilespmem:$0x8100] =	vst v63  }
.Ltmp1:
0x197: {  	_ =	swait.ge [sflag:s9], $0x4000;
	(pc) =	sbr.rel @p0 .LBB2_1-.Ltmp1, $4  }
0x198: {  	[sflag:s9] =	ssyncset.done $0x0  }
0x199: {  	[sflag:s9] =	ssyncadd.s32 $0xFFFFC000  }
0x19a: {  	_ =	swait.ge [sflag:s11], $0x4000  }
0x19b: {  	s0 =	sadd.s32 $0xFFFFFFFF, s0;
	[sflag:s11] =	ssyncset.done $0x0  }
.LBB2_2:
0x19c: {  	[sflag:s11] =	ssyncadd.s32 $0xFFFFC000  }
0x19d: {  	_ =	sfence.sel $0x180000  }
0x19e: {  	[bflag:$0x0] =	sbarrier.arrive $0xFFFF  }
0x19f: {  	_ =	strace $0x90000050  }
0x1a0: {  	s0 =	stileid.u32;
	[bflag:$0x2] =	sbarrier.arrive $0xFFFF  }
0x1a1: {  	p0 =	sne.s32 s0, $0x0;
	s0 =	rddreg [dreg:$0x2]  }
0x1a2: {  	s0 =	sadd.s32 @!p0 $0x100000, s0  }
0x1a3: {  	[sflag:s0] =	ssyncadd.tile.s32 @!p0 $0x1;
	_ =	shalt  }
.Lfunc_end2:
_tile_overlayer_lowered:
.L_overlay_start_2:
0x1a4: {  	(tag) =	ssettag $0x2  }
0x1a5: {  	s0 =	rddreg [dreg:$0x0];
	s2 =	stileid.u32  }
0x1a6: {  	s1 =	rddreg [dreg:$0x1];
	p0 =	sne.s32 s2, $0x0  }
0x1a7: {  	s3 =	rddreg [dreg:$0x2];
	[bflag:$0x3] =	sbarrier.arrive $0xFFFF;
	s2 =	simm.s32 @!p0 $0x1C05  }
0x1a8: {  	[timem:s3], [sflag:s2] =	dma.local @!p0 [hbm:s0], s1  }
0x1a9: {  	s0 =	simm.s32 @!p0 $0x5  }
0x1aa: {  	_ =	swait.ge @!p0 [sflag:s0], s1  }
0x1ab: {  	s1 =	ssub.s32 @!p0 $0x0, s1;
	[sflag:s0] =	ssyncset.done @!p0 $0x0  }
0x1ac: {  	[sflag:s0] =	ssyncadd.s32 @!p0 s1  }
0x1ad: {  	[bflag:$0x3] =	sbarrier.arrive $0xFFFF  }
0x1ae: {  	_ =	shalt  }

// kernel: sparse-core-data-format-call.cloned.1.call-start
scs
called_computation_lowered:
.L_overlay_start_0:
0x0: {  	s2 =	sld [smem:$0x3FD9]  }
0x1: {  	s3 =	sld [smem:$0x3FFE];
	_ =	sdelay $0x1  }
0x2: {  	s1 =	srdreg.scid  }
0x3: {  	s0 =	sand.u32 $0x1, s1  }
0x4: {  	s18 =	sshll.u32 s0, $0xA;
	s2 =	sadd.s32 s3, s2  }
0x5: {  	s2 =	sadd.s32 s2, s18  }
0x6: {  	[smem:$0x3FC0] =	sst s2  }
0x7: {  	_ = 	snop  }
0x8: {  	s2 =	sld [smem:$0x3FD0];
	(tm) =	ssettm $0x1  }
0x9: {  	s19 =	sld [smem:$0x3FFB];
	_ =	sdelay $0x3  }
0xa: {  	_ =	strace s19  }
0xb: {  	s3 =	sld [smem:$0x3FFC];
	_ =	sdelay $0x3  }
0xc: {  	_ =	strace s3  }
0xd: {  	s3 =	sld [smem:$0x3FFD];
	_ =	sdelay $0x3  }
0xe: {  	_ =	strace s3  }
0xf: {  	_ =	strace $0x8FFFFFFF  }
0x10: {  	s20 =	sld [smem:$0x3FDB];
	_ =	sdelay $0x1  }
0x11: {  	s4 =	simm.s32 $_scs_section_size  }
0x12: {  	s5 =	simm.s32 $_size__tile_overlayer_lowered;
	s6 =	simm.s32 $_tile_overlayer_lowered  }
0x13: {  	s23 =	simm.s32 $0x1BFF;
	s22 =	sshll.u32 s6, $0x1;
	s3 =	sadd.s32 s4, s20  }
0x14: {  	s7 =	simm.s32 $0x0;
	s21 =	sshll.u32 s5, $0x1;
	s5 =	sadd.s32 s22, s3  }
0x15: {  	[timem:s7], [sflag:s23] =	dma.local [hbm:s5], s21  }
0x16: {  	_ =	swait.ge [sflag:s23], s21  }
0x17: {  	s4 =	ssub.s32 $0x0, s21;
	[sflag:s23] =	ssyncset.done $0x0  }
0x18: {  	[sflag:s23] =	ssyncadd.s32 s4;
	_ =	sdelay $0x1  }
0x19: {  	s24 =	simm.s32 $0x1B8B  }
0x1a: {  	_ =	swait.ge [sflag:s24], $0x1  }
0x1b: {  	[sflag:s24] =	ssyncset.done $0x0  }
0x1c: {  	s26 =	simm.s32 $0x1B8E;
	s25 =	sld [smem:$0x3FFE];
	[sflag:s24] =	ssyncadd.s32 $0xFFFFFFFF  }
0x1d: {  	s27 =	simm.s32 $execute0_lowered;
	[smem:$0x3FD2] =	sst s26  }
0x1e: {  	s5 =	sshll.u32 s27, $0x1;
	_ =	strace $0x80000052;
	[dreg:$0x1] =	wrdreg $0xFFFFFFFF  }
0x1f: {  	s28 =	simm.s32 $_size_execute0_lowered;
	s3 =	sadd.s32 s3, s5;
	[dreg:$0x0] =	wrdreg $0x0  }
0x20: {  	s5 =	sshll.u32 s28, $0x1;
	[dreg:$0x2] =	wrdreg s3  }
0x21: {  	[dreg:$0x3] =	wrdreg s5  }
0x22: {  	[dreg:$0x4] =	wrdreg $0xC0  }
0x23: {  	_ =	task [dreg:s7], $0x5FFFF  }
0x24: {  	[dreg:$0x1] =	wrdreg $0xFFFFFFFF  }
0x25: {  	[dreg:$0x0] =	wrdreg $0x60  }
0x26: {  	[dreg:$0x2] =	wrdreg s25  }
0x27: {  	[dreg:$0x3] =	wrdreg s2  }
0x28: {  	[dreg:$0x4] =	wrdreg $0x9  }
0x29: {  	_ =	task.clear_ibuf [dreg:s7], $0x5FFFF;
	_ =	strace $0x90000052  }
0x2a: {  	s29 =	simm.s32 $0x9;
	_ =	strace $0x80000054  }
0x2b: {  	_ =	swait.ge [sflag:s29], $0x1  }
0x2c: {  	[sflag:s29] =	ssyncadd.s32 $0xFFFFFFFF  }
0x2d: {  	_ =	strace $0x90000054  }
0x2e: {  	_ =	sfence  }
0x2f: {  	s30 =	sld [smem:$0x0];
	_ =	sdelay $0x2  }
0x30: {  	s31 =	sshll.u32 s1, $0xD;
	s1 =	sshrl.u32 s1, $0x2  }
0x31: {  	s3 =	sand.u32 $0x4000, s31;
	s1 =	sadd.s32 s1, s30  }
0x32: {  	s0 =	sor.u32 s3, s0;
	s1 =	sshll.u32 s1, $0x11  }
0x33: {  	s0 =	sor.u32 s1, s0  }
0x34: {  	s0 =	sadd.s32 $0x8F2B, s0  }
0x35: {  	[sflag:s0] =	ssyncadd.remote.s32 $0x1  }
0x36: {  	_ =	sfence.sel $0xFFFF  }
0x37: {  	[dreg:$0x0] =	wrdreg $0xFFFFFFFF;
	(pc) =	sbr.abs _section_cstart, $3  }
0x38: {  	[dreg:$0x1] =	wrdreg $0xFFFFFFFF  }
0x39: {  	_ =	task.clear_ibuf [dreg:s7], $0x2FFFF;
	_ =	strace $0x9FFFFFFF  }
0x3a: {  	(tm) =	ssettm $0x7FFFFFFF  }
0x3b: {  	_ =	shalt  }
tec
execute0_lowered:
.L_overlay_start_1:
0x0: {  	(tag) =	ssettag $0x1  }
0x1: {  	s5 =	rddreg [dreg:$0x0]  }
0x2: {  	s0 =	srdreg.scid;
	s3 =	rddreg [dreg:$0x1];
	s7 =	simm.s32 $0x1  }
0x3: {  	s8 =	simm.s32 $0x2;
	s15 =	simm.s32 $0x0;
	s1 =	sshll.u32 s0, $0x4  }
0x4: {  	s14 =	simm.s32 $0x0;
	s0 =	stileid.u32;
	s1 =	sand.u32 $0x10, s1  }
0x5: {  	s9 =	simm.s32 $0x0;
	s10 =	simm.s32 $0x0;
	s1 =	sor.u32 s0, s1  }
0x6: {  	s11 =	simm.s32 $0x0;
	s13 =	simm.s32 $0x0;
	s2 =	sshll.u32 s1, $0x7  }
0x7: {  	s5 =	sadd.s32 $0x100E00, s5;
	s1 =	rddreg [dreg:$0x2];
	s6 =	ssub.s32 $0x10000, s2  }
.Ltmp0:
0x8: {  	_ =	strace $0x80000053;
	s4 =	sand.u32 $0xF80, s6;
	(pc) =	sbr.rel .LBB1_1-.Ltmp0, $4  }
0x9: {  	s12 =	smov.u32 s2;
	p0 =	sne.s32 s4, $0x0;
	s4 =	simm.s32 $0x1  }
0xa: {  	s6 =	sshrl.u32 s6, $0xC;
	s7 =	simm.s32 @!p0 $0x0;
	[sflag:s4] =	ssyncpa.u1 $0x0  }
0xb: {  	p0 =	por $0x0, $0x0;
	s7 =	sadd.s32 s7, s6;
	[sflag:s8] =	ssyncpa.u1 $0x0  }
0xc: {  	s8 =	simm.s32 $0x80000;
	s6 =	sshll.u32 s7, $0x1;
	s7 =	sshllo.u32 s7, $0x1  }
.LBB1_4:
0xd: {  	s21 =	sshll.u32 s9, $0x10;
	s22 =	sshll.u32 s10, $0x3;
	s20 =	sshra.s32 s20, $0x2  }
0xe: {  	s28 =	sand.u32 $0x78, s10;
	s29 =	sshll.u32 s9, $0x7;
	p1 =	sgt.s32 s9, $0x40  }
0xf: {  	s25 =	sshra.s32 s9, $0x1F;
	s31 =	sshra.s32 s10, $0x1F;
	s21 =	sand.u32 $0xFFF80000, s21  }
0x10: {  	s23 =	sand.u32 $0xFFFFFC00, s22;
	s19 =	sadd.s32 s20, s19;
	s22 =	sand.u32 $0xFC00, s22  }
0x11: {  	v5 =	vld [tilespmem:s17+$0xFFFFFFD0];
	[tilespmem:s18+$0x2040 ss:$0x81] =	vst.msk $0xffff, v4;
	s25 =	sand.u32 s25, s9;
	s27 =	sadd.s32 s23, s21;
	s23 =	sand.u32 $0x380, s29  }
0x12: {  	v58 =	vld [tilespmem:s17+$0xFFFFFFE0];
	[tilespmem:s18+$0x2850 ss:$0x81] =	vst.msk $0xffff, v3;
	s21 =	sor.u32 s28, s22;
	s22 =	smov.u32 s9;
	s20 =	sshrl.u32 s27, $0x10  }
0x13: {  	v59 =	vld [tilespmem:s17+$0xFFFFFFF0];
	[tilespmem:s18+$0x3060 ss:$0x81] =	vst.msk $0xffff, v2;
	s22 =	simm.s32 @!p1 $0x40;
	p1 =	sgt.s32 s10, $0xFF80;
	s24 =	smul.u32 $0xAAAB, s20  }
0x14: {  	v60 =	vld [tilespmem:s17+$0x0];
	[tilespmem:s18+$0x0 ss:$0x81] =	vst.msk $0xffff, v1;
	s21 =	sor.u32 s23, s21;
	s30 =	ssub.s32 s22, s25;
	s22 =	smov.u32 s10  }
0x15: {  	v61 =	vld [tilespmem:s17+$0x10];
	[tilespmem:s19+$0x3870 ss:$0x81] =	vst.msk $0xffff, v0;
	s25 =	sand.u32 s31, s10;
	s22 =	simm.s32 @!p1 $0xFF80;
	s24 =	sshrl.u32 s24, $0x17  }
0x16: {  	v62 =	vld [tilespmem:s17+$0x20];
	[tilespmem:s19+$0x810 ss:$0x81] =	vst.msk $0xffff, v5;
	s26 =	sadd.s32 $0xFFFFFFC0, s30;
	s22 =	ssub.s32 s22, s25;
	s24 =	smul.u32 $0xC0, s24  }
0x17: {  	v63 =	vld [tilespmem:s17+$0xFFFFFFC0];
	[tilespmem:s19+$0x1020 ss:$0x81] =	vst.msk $0xffff, v58;
	s18 =	ssub.s32 $0xC0, s30;
	p1 =	sgt.s32 s26, $0x7F;
	s28 =	sadd.s32 $0xFFFF0080, s22  }
0x18: {  	[tilespmem:s19+$0x1830 ss:$0x81] =	vst.msk $0xffff, v59;
	p2 =	sgt.s32 s28, $0x7F;
	s27 =	ssub.s32 s20, s24;
	s20 =	ssub.s32 $0x10000, s22  }
0x19: {  	s29 =	sshrl.u32 s21, $0x3;
	[tilespmem:s19+$0x2040 ss:$0x81] =	vst.msk $0xffff, v60;
	s18 =	simm.s32 @p1 $0x0;
	s20 =	simm.s32 @p2 $0x0  }
0x1a: {  	[tilespmem:s19+$0x2850 ss:$0x81] =	vst.msk $0xffff, v61;
	s30 =	sand.u32 $0x7, s10;
	s17 =	sand.u32 $0xFFFF, s27;
	s18 =	smul.u32 s20, s18  }
0x1b: {  	[tilespmem:s19+$0x3060 ss:$0x81] =	vst.msk $0xffff, v62;
	s21 =	sshll.u32 s30, $0x12;
	s17 =	sshll.u32 s17, $0xD;
	s20 =	sadd.s32 s3, s29  }
0x1c: {  	[tilespmem:s19+$0x0 ss:$0x81] =	vst.msk $0xffff, v63;
	s31 =	sor.u32 $0x400, s21;
	s17 =	sadd.s32 s17, s20;
	s18 =	sand.u32 $0x3FFFFFFF, s18  }
0x1d: {  	[hbm4b:s17+s31] =	stream.strided.scatter [tilespmem:s16], [sflag:$0x2], s18, s8, s31, $0x20;
	[tilespmem:$0x10100] =	vst v63  }
.LBB1_5:
0x1e: {  	p1 =	slt.u32 s13, $0x2  }
0x1f: {  	s17 =	smov.u32 s15;
	p2 =	sgt.s32 @!p1 s15, $0x40;
	s16 =	sshra.s32 @!p1 s15, $0x1F  }
0x20: {  	p3 =	sgt.s32 @!p1 s14, $0xFF80;
	s18 =	sshra.s32 @!p1 s14, $0x1F;
	p2 =	por !p2, p1  }
0x21: {  	s15 =	sand.u32 @!p1 s16, s15;
	p3 =	por !p3, p1;
	s16 =	smov.u32 s14  }
0x22: {  	s14 =	sand.u32 @!p1 s18, s14;
	s17 =	simm.s32 @p2 $0x40;
	s16 =	simm.s32 @p3 $0xFF80  }
0x23: {  	s15 =	ssub.s32 @!p1 s17, s15;
	s14 =	ssub.s32 @!p1 s16, s14  }
0x24: {  	s18 =	smov.u32 s12;
	s16 =	sadd.s32 @!p1 $0xFFFFFFC0, s15;
	s17 =	sadd.s32 @!p1 $0xFFFF0080, s14  }
0x25: {  	s15 =	ssub.s32 @!p1 $0xC0, s15;
	p2 =	sgt.s32 @!p1 s16, $0x7F;
	p3 =	sgt.s32 @!p1 s17, $0x7F  }
0x26: {  	s14 =	ssub.s32 @!p1 $0x10000, s14;
	p2 =	por !p2, p1;
	p3 =	por !p3, p1  }
0x27: {  	s16 =	sadd.s32 $0x80, s11;
	s15 =	simm.s32 @!p2 $0x0;
	s14 =	simm.s32 @!p3 $0x0  }
0x28: {  	p2 =	sgt.s32 s16, $0xBF;
	s14 =	smul.u32 @!p1 s14, s15;
	s15 =	sadd.s32 $0x1000, s12  }
0x29: {  	s18 =	smov.u32 @p2 s15  }
0x2a: {  	s16 =	simm.s32 @p2 $0x0;
	p2 =	sgt.s32 s18, $0xFFFF  }
0x2b: {  	s18 =	smov.u32 @p2 s2;
	p2 =	sne.s32 s13, s7  }
.Ltmp1:
0x2c: {  	p0 =	por !p0, !p0;
	s17 =	simm.s32 @!p1 $0x2;
	(pc) =	sbr.rel @!p2 .LBB1_6-.Ltmp1, $4  }
0x2d: {  	s15 =	smov.u32 s9;
	s9 =	smov.u32 s11;
	s14 =	sand.u32 @!p1 $0x3FFFFFFF, s14  }
0x2e: {  	s11 =	smov.u32 s16;
	_ =	swait.ge @!p1 [sflag:s17], s14;
	s19 =	ssub.s32 @!p1 $0x0, s14  }
0x2f: {  	s14 =	smov.u32 s10;
	s13 =	sadd.s32 $0x1, s13;
	[sflag:s17] =	ssyncset.done @!p1 $0x0  }
0x30: {  	s10 =	smov.u32 s12;
	s12 =	smov.u32 s18;
	[sflag:s17] =	ssyncadd.s32 @!p1 s19  }
.LBB1_1:
0x31: {  	p1 =	sge.u32 s13, s6  }
0x32: {  	s31 =	sadd.s32 $0xFFFFFFFF, s13;
	s16 =	sshll.u32 @!p1 s12, $0x8  }
0x33: {  	s17 =	sshll.u32 @!p1 s11, $0x3;
	s18 =	sshll.u32 @!p1 s12, $0x7;
	s16 =	sand.u32 @!p1 $0xFFF800, s16  }
0x34: {  	s19 =	sand.u32 @!p1 $0x78, s11;
	s16 =	sadd.s32 @!p1 s16, s17;
	s17 =	sand.u32 @!p1 $0x380, s18  }
0x35: {  	s18 =	sxor.u32 @!p1 $0xFFFFFFFF, s13;
	s16 =	sand.u32 @!p1 $0xFFFC00, s16;
	s17 =	sor.u32 @!p1 s19, s17  }
0x36: {  	s18 =	sshll.u32 @!p1 s18, $0xE;
	s16 =	sor.u32 @!p1 s16, s17;
	s17 =	sand.u32 @!p1 $0x7, s11  }
0x37: {  	s19 =	simm.s32 @!p1 $0x800;
	s16 =	sshrl.u32 @!p1 s16, $0x3;
	s17 =	sshll.u32 @!p1 s17, $0x12  }
0x38: {  	s18 =	sand.u32 @!p1 $0x4000, s18;
	s16 =	sadd.s32 @!p1 s5, s16;
	s17 =	sor.u32 @!p1 $0x400, s17  }
0x39: {  	[tilespmem:s18], [sflag:$0x1] =	stream.strided.gather @!p1 [hbm4b:s16+s17], $0x4000, s19, s17, $0x38;
	[tilespmem:$0x10100] =	vst v63  }
0x3a: {  	p1 =	sge.u32 s31, s6  }
.Ltmp2:
0x3b: {  	_ = 	snop;
	(pc) =	sbr.rel @p1 .LBB1_5-.Ltmp2, $1  }
0x3c: {  	_ =	sdelay $0x3  }
0x3d: {  	s16 =	simm.s32 $0x1  }
0x3e: {  	_ =	swait.ge [sflag:s4], $0x4000;
	s16 =	simm.s32 @!p0 $0x0  }
0x3f: {  	[sflag:s4] =	ssyncset.done $0x0;
	s17 =	sshll.u32 s16, $0xE  }
0x40: {  	[sflag:s4] =	ssyncadd.s32 $0xFFFFC000;
	s17 =	sor.u32 $0x40, s17  }
0x41: {  	s16 =	smul.u32 $0x10200, s16;
	v0 =	vld [tilespmem:s17+$0x30]  }
0x42: {  	v1 =	vld [tilespmem:s17+$0xFFFFFFD0]  }
0x43: {  	s16 =	sshrl.u32 s16, $0x2;
	v5 =	vld [tilespmem:s17+$0xFFFFFFE0]  }
0x44: {  	v6 =	vld [tilespmem:s17+$0xFFFFFFF0];
	s19 =	sor.u32 $0x8000, s16  }
0x45: {  	s31 =	sand.u32 $0x1, s13;
	v4 =	vld [tilespmem:s17+$0x0];
	s18 =	sadd.s32 $0x0, s19  }
0x46: {  	v3 =	vld [tilespmem:s17+$0x10];
	s16 =	smul.u32 $0x10200, s31;
	[tilespmem:s18+$0x3870 ss:$0x81] =	vst.msk $0xffff, v0  }
0x47: {  	v2 =	vld [tilespmem:s17+$0x20];
	[tilespmem:s18+$0x810 ss:$0x81] =	vst.msk $0xffff, v1  }
0x48: {  	s16 =	sshrl.u32 s16, $0x2;
	v1 =	vld [tilespmem:s17+$0xFFFFFFC0];
	[tilespmem:s18+$0x1020 ss:$0x81] =	vst.msk $0xffff, v5;
	s17 =	sadd.s32 $0x80, s17  }
0x49: {  	s20 =	simm.s32 $0x4;
	s21 =	simm.s32 $0x8;
	s16 =	sor.u32 $0x8000, s16;
	[tilespmem:s18+$0x1830 ss:$0x81] =	vst.msk $0xffff, v6;
	v0 =	vld [tilespmem:s17+$0x30]  }
.LBB1_3:
0x4a: {  	p1 =	sne.s32 s21, $0x1FC;
	v5 =	vld [tilespmem:s17+$0xFFFFFFD0];
	[tilespmem:s18+$0x2040 ss:$0x81] =	vst.msk $0xffff, v4  }
0x4b: {  	v6 =	vld [tilespmem:s17+$0xFFFFFFE0];
	[tilespmem:s18+$0x2850 ss:$0x81] =	vst.msk $0xffff, v3  }
0x4c: {  	s22 =	sshra.s32 s20, $0x2;
	s20 =	smov.u32 s21;
	v7 =	vld [tilespmem:s17+$0xFFFFFFF0];
	[tilespmem:s18+$0x3060 ss:$0x81] =	vst.msk $0xffff, v2  }
.Ltmp3:
0x4d: {  	v4 =	vld [tilespmem:s17+$0x0];
	[tilespmem:s18+$0x0 ss:$0x81] =	vst.msk $0xffff, v1;
	s18 =	sadd.s32 s22, s19;
	(pc) =	sbr.rel @p1 .LBB1_3-.Ltmp3, $4  }
0x4e: {  	v3 =	vld [tilespmem:s17+$0x10];
	[tilespmem:s18+$0x3870 ss:$0x81] =	vst.msk $0xffff, v0  }
0x4f: {  	[tilespmem:s18+$0x810 ss:$0x81] =	vst.msk $0xffff, v5;
	v2 =	vld [tilespmem:s17+$0x20]  }
0x50: {  	v1 =	vld [tilespmem:s17+$0xFFFFFFC0];
	[tilespmem:s18+$0x1020 ss:$0x81] =	vst.msk $0xffff, v6;
	s17 =	sadd.s32 $0x80, s17  }
0x51: {  	s21 =	sadd.s32 $0x4, s21;
	v0 =	vld [tilespmem:s17+$0x30];
	[tilespmem:s18+$0x1830 ss:$0x81] =	vst.msk $0xffff, v7  }
.Ltmp4:
0x52: {  	_ = 	snop;
	(pc) =	sbr.rel .LBB1_4-.Ltmp4, $1  }
0x53: {  	_ =	sdelay $0x3  }
.LBB1_6:
0x54: {  	_ =	sfence.sel $0x180000  }
0x55: {  	s2 =	simm.s32 $0x1;
	[bflag:$0x0] =	sbarrier.arrive $0xFFFF  }
0x56: {  	s31 =	simm.s32 $0x2;
	[sflag:s2] =	ssyncpa.u1 $0x1  }
0x57: {  	[sflag:s31] =	ssyncpa.u1 $0x1  }
0x58: {  	p0 =	sne.s32 s0, $0x0;
	_ =	strace $0x90000053  }
0x59: {  	s0 =	sadd.s32 @!p0 $0x100000, s1;
	[bflag:$0x2] =	sbarrier.arrive $0xFFFF  }
0x5a: {  	[sflag:s0] =	ssyncadd.tile.s32 @!p0 $0x1;
	_ =	shalt  }
.Lfunc_end1:
_tile_overlayer_lowered:
.L_overlay_start_2:
0x5b: {  	(tag) =	ssettag $0x2  }
0x5c: {  	s0 =	rddreg [dreg:$0x0];
	s2 =	stileid.u32  }
0x5d: {  	s1 =	rddreg [dreg:$0x1];
	p0 =	sne.s32 s2, $0x0  }
0x5e: {  	s3 =	rddreg [dreg:$0x2];
	[bflag:$0x3] =	sbarrier.arrive $0xFFFF;
	s2 =	simm.s32 @!p0 $0x1C01  }
0x5f: {  	[timem:s3], [sflag:s2] =	dma.local @!p0 [hbm:s0], s1  }
0x60: {  	s0 =	simm.s32 @!p0 $0x1  }
0x61: {  	_ =	swait.ge @!p0 [sflag:s0], s1  }
0x62: {  	s1 =	ssub.s32 @!p0 $0x0, s1;
	[sflag:s0] =	ssyncset.done @!p0 $0x0  }
0x63: {  	[sflag:s0] =	ssyncadd.s32 @!p0 s1  }
0x64: {  	[bflag:$0x3] =	sbarrier.arrive $0xFFFF  }
0x65: {  	_ =	shalt  }

</sc_bundles>
